<compile_context>
chip_gen: v7x
topology: tpu7x:2x2x1
jax: 0.10.2.dev20260603
libtpu: 0.0.44.dev20260713+nightly
codegen_flags: <defaults>
</compile_context>

<pallas_src>
import functools
import jax
import jax.numpy as jnp
from jax import lax
from jax.experimental import pallas as pl
from jax.experimental.pallas import tpu as pltpu, tpu_sc as plsc

B = 1024
N = 100000
D = 16
NP = 100352
NT = 2048
BM = 256
NW = 32
CPW = NP // NW
GCH = 112
UPW = B // NW
RPW = B // NW
L1N = NP // 16
L1P = 6400
L2P = 512
NSEL = 112
NEG = float("-inf")

_mesh = plsc.VectorSubcoreMesh(core_axis_name="c", subcore_axis_name="s")


def _wid():
    return lax.axis_index("s") * 2 + lax.axis_index("c")



@functools.partial(
    pl.kernel, mesh=_mesh,
    compiler_params=pltpu.CompilerParams(use_tc_tiling_on_sc=False),
    out_type=[jax.ShapeDtypeStruct((B, D), jnp.float32),
              jax.ShapeDtypeStruct((NP, D), jnp.float32)],
    scratch_types=[pltpu.VMEM((GCH,), jnp.int32),
                   pltpu.VMEM((GCH, D), jnp.float32),
                   pltpu.VMEM((UPW,), jnp.int32),
                   pltpu.VMEM((UPW, D), jnp.float32),
                   pltpu.SemaphoreType.DMA],
)
def _sc_gather(users_hbm, cand_hbm, utab_hbm, itab_hbm, u_out, v_out,
               idx_v, rows_v, uidx_v, urows_v, sem):
    w = _wid()
    ub = w * UPW
    pltpu.sync_copy(users_hbm.at[pl.ds(ub, UPW)], uidx_v)
    pltpu.async_copy(utab_hbm.at[uidx_v], urows_v, sem).wait()
    pltpu.sync_copy(urows_v, u_out.at[pl.ds(ub, UPW)])

    def chunk(i, _):
        base = w * CPW + i * GCH
        pltpu.sync_copy(cand_hbm.at[pl.ds(base, GCH)], idx_v)
        pltpu.async_copy(itab_hbm.at[idx_v], rows_v, sem).wait()
        pltpu.sync_copy(rows_v, v_out.at[pl.ds(base, GCH)])
        return _
    lax.fori_loop(0, CPW // GCH, chunk, None)



def _score_body(u_ref, v_ref, m_ref, o_ref):
    nt = pl.program_id(1)
    s = lax.dot_general(u_ref[...], v_ref[...], (((1,), (1,)), ((), ())),
                        preferred_element_type=jnp.float32)

    @pl.when(nt != NP // NT - 1)
    def _():
        o_ref[...] = jnp.where(m_ref[...] == 1, s, NEG)

    @pl.when(nt == NP // NT - 1)
    def _():
        col = nt * NT + lax.broadcasted_iota(jnp.int32, (BM, NT), 1)
        o_ref[...] = jnp.where((m_ref[...] == 1) & (col < N), s, NEG)


def _tc_scores(u, v, mask):
    return pl.pallas_call(
        _score_body,
        grid=(B // BM, NP // NT),
        in_specs=[
            pl.BlockSpec((BM, D), lambda rb, nt: (rb, 0)),
            pl.BlockSpec((NT, D), lambda rb, nt: (nt, 0)),
            pl.BlockSpec((BM, NT), lambda rb, nt: (rb, nt)),
        ],
        out_specs=pl.BlockSpec((BM, NT), lambda rb, nt: (rb, nt)),
        out_shape=jax.ShapeDtypeStruct((B, NP), jnp.float32),
    )(u, v, mask)



_IOTA = None


def _rmax(v):
    return lax.reduce_max(v, (0,))


def _argl(v, m, iota):
    return lax.reduce_min(jnp.where(v == m, iota, jnp.int32(99)), (0,))


@functools.partial(
    pl.kernel, mesh=_mesh,
    compiler_params=pltpu.CompilerParams(needs_layout_passes=False),
    out_type=[jax.ShapeDtypeStruct((B, NSEL), jnp.int32),
              jax.ShapeDtypeStruct((B, NSEL), jnp.float32)],
    scratch_types=[pltpu.VMEM((NP,), jnp.float32),
                   pltpu.VMEM((L1P,), jnp.float32),
                   pltpu.VMEM((L2P,), jnp.float32),
                   pltpu.VMEM((32,), jnp.float32),
                   pltpu.VMEM((NSEL,), jnp.int32),
                   pltpu.VMEM((NSEL,), jnp.float32),
                   pltpu.VMEM((NSEL,), jnp.int32),
                   pltpu.SemaphoreType.DMA],
)
def _sc_topk(s_hbm, cand_hbm, ids_out, val_out,
             s_v, l1, l2, l3, sel_i, sel_v, ids_v, sem):
    w = _wid()
    iota = lax.iota(jnp.int32, 16)
    fiota = iota.astype(jnp.float32)
    neg16 = jnp.full((16,), NEG, jnp.float32)

    def row_body(r, _):
        row = w * RPW + r
        pltpu.sync_copy(s_hbm.at[row], s_v)

        def l1_body(j, _):
            acc = neg16
            for kk in range(16):
                acc = jnp.maximum(
                    acc, plsc.load_gather(s_v, [j * 256 + iota * 16 + kk]))
            plsc.store_scatter(l1, [j * 16 + iota], acc)
            return _
        lax.fori_loop(0, L1N // 16, l1_body, None)
        for p in range((L1P - L1N) // 16):
            plsc.store_scatter(l1, [L1N + p * 16 + iota], neg16)

        def l2_body(j, _):
            acc = neg16
            for kk in range(16):
                acc = jnp.maximum(
                    acc, plsc.load_gather(l1, [j * 256 + iota * 16 + kk]))
            plsc.store_scatter(l2, [j * 16 + iota], acc)
            return _
        lax.fori_loop(0, L1P // 256, l2_body, None)
        for p in range((L2P - 400) // 16):
            plsc.store_scatter(l2, [400 + p * 16 + iota], neg16)

        for j in range(2):
            acc = neg16
            for kk in range(16):
                acc = jnp.maximum(
                    acc, plsc.load_gather(l2, [j * 256 + iota * 16 + kk]))
            plsc.store_scatter(l3, [j * 16 + iota], acc)

        def blk_body(b, _):
            siv = jnp.zeros((16,), jnp.int32)
            svv = neg16
            for st in range(16):
                va = plsc.load_gather(l3, [iota])
                vb = plsc.load_gather(l3, [16 + iota])
                ma = _rmax(va)
                mb = _rmax(vb)
                use_b = mb > ma
                m3 = jnp.where(use_b, mb, ma)
                vsel = jnp.where(use_b, vb, va)
                l3l = _argl(vsel, m3, iota)
                base3 = jnp.where(use_b, jnp.int32(16), jnp.int32(0))
                g = base3 + l3l
                v2 = plsc.load_gather(l2, [g * 16 + iota])
                l2l = _argl(v2, m3, iota)
                c = g * 16 + l2l
                v1 = plsc.load_gather(l1, [c * 16 + iota])
                l1l = _argl(v1, m3, iota)
                ch = c * 16 + l1l
                vd = plsc.load_gather(s_v, [ch * 16 + iota])
                l0 = _argl(vd, m3, iota)
                jidx = ch * 16 + l0
                siv = jnp.where(iota == st, jidx, siv)
                svv = jnp.where(iota == st, m3, svv)
                vd2 = jnp.where(iota == l0, NEG, vd)
                plsc.store_scatter(s_v, [ch * 16 + iota], vd2)
                m1n = _rmax(vd2)
                v1n = jnp.where(iota == l1l, m1n, v1)
                plsc.store_scatter(l1, [c * 16 + iota], v1n)
                m2n = _rmax(v1n)
                v2n = jnp.where(iota == l2l, m2n, v2)
                plsc.store_scatter(l2, [g * 16 + iota], v2n)
                m3n = _rmax(v2n)
                v3n = jnp.where(iota == l3l, m3n, vsel)
                plsc.store_scatter(l3, [base3 + iota], v3n)
            plsc.store_scatter(sel_i, [b * 16 + iota], siv)
            plsc.store_scatter(sel_v, [b * 16 + iota], svv)
            return _
        lax.fori_loop(0, NSEL // 16, blk_body, None)

        pltpu.async_copy(cand_hbm.at[sel_i], ids_v, sem).wait()
        pltpu.sync_copy(ids_v, ids_out.at[row])
        pltpu.sync_copy(sel_v, val_out.at[row])
        return _
    lax.fori_loop(0, RPW, row_body, None)



def kernel(users, candidates, mask, k, user_table, item_table):
    cand_pad = jnp.concatenate(
        [candidates, jnp.zeros((NP - N,), jnp.int32)])
    u, v = _sc_gather(users, cand_pad, user_table, item_table)
    s = _tc_scores(u, v, mask)
    ids, vals = _sc_topk(s, cand_pad)
    start = k - 100
    return (lax.dynamic_slice_in_dim(ids, start, 100, axis=1),
            lax.dynamic_slice_in_dim(vals, start, 100, axis=1))

# --- scband reference (transcript-rebuilt; emitter-appended) ---
"""Pipeline reference for scband-base-model-21337397526982 (READ-ONLY COPY).

The authoritative reference and input builder live on the scoring server;
editing this copy changes nothing except your own understanding.
"""

import jax, jax.numpy as jnp
from jax import lax
import numpy as np

B = 1024
N = 100000
U = 1000000
V = 1000000
D = 16
K = 100


def setup_inputs(seed: int = 0) -> dict:
    key = jax.random.key(seed)
    k0, k1, k2, k3, k4 = jax.random.split(key, 5)
    users = jax.random.randint(k0, (B,), 0, U, dtype=jnp.int32)
    candidates = jax.random.randint(k1, (N,), 0, V, dtype=jnp.int32)
    mask = jax.random.randint(k2, (B, N), 0, 2, dtype=jnp.int32)
    user_table = jax.random.normal(k3, (U, D), dtype=jnp.float32) * 0.02
    item_table = jax.random.normal(k4, (V, D), dtype=jnp.float32) * 0.02
    return {
        "users": users,
        "candidates": candidates,
        "mask": mask,
        "k": K,
        "user_table": user_table,
        "item_table": item_table,
    }


def reference(users, candidates, mask, k, user_table, item_table):
    # predict(): score all user x candidate pairs (meshgrid) via the concrete
    # forward (embedding dot-product), materialized as the prediction matrix
    u = jnp.take(user_table, users, axis=0)          # [B, D] gather
    v = jnp.take(item_table, candidates, axis=0)     # [N, D] gather
    prediction_matrix = u @ v.T                      # [B, N]
    # recommend(): apply mask -> -inf, full descending sort, slice top-k
    output = jnp.where(mask == 1, prediction_matrix, -jnp.inf)
    order = jnp.argsort(-output, axis=1)             # descending sort indices
    scored_matrix = jnp.take_along_axis(output, order, axis=1)
    start = k - K
    order_topk = lax.dynamic_slice_in_dim(order, start, K, axis=1)
    candidate_ids = candidates[order_topk]           # [B, k]
    topk_scores = lax.dynamic_slice_in_dim(scored_matrix, start, K, axis=1)  # [B, k]
    return candidate_ids, topk_scores

if __name__ == "__main__":
    import jax
    _d = setup_inputs()
    print(jax.jit(kernel)(*tuple(_d.values())))

</pallas_src>

<mosaic_0001>
#map = affine_map<(d0, d1) -> (0)>
#map1 = affine_map<(d0, d1) -> (0, 0)>
module attributes {stable_mosaic.version = 14 : i64} {
  func.func @_sc_gather(%arg0: i32, %arg1: i32, %arg2: memref<1024xi32, #tpu.memory_space<hbm>>, %arg3: memref<100352xi32, #tpu.memory_space<hbm>>, %arg4: memref<1000000x16xf32, #tpu.memory_space<hbm>>, %arg5: memref<1000000x16xf32, #tpu.memory_space<hbm>>, %arg6: memref<1024x16xf32, #tpu.memory_space<hbm>>, %arg7: memref<100352x16xf32, #tpu.memory_space<hbm>>, %arg8: memref<112xi32, #tpu.memory_space<vmem>>, %arg9: memref<112x16xf32, #tpu.memory_space<vmem>>, %arg10: memref<32xi32, #tpu.memory_space<vmem>>, %arg11: memref<32x16xf32, #tpu.memory_space<vmem>>, %arg12: memref<!tpu.dma_semaphore, #tpu.memory_space<semaphore_mem>>) attributes {dimension_semantics = [#tpu.dimension_semantics<core_parallel>, #tpu.dimension_semantics<subcore_parallel>], iteration_bounds = array<i64: 2, 16>, scalar_prefetch = 0 : i64, scratch_operands = 5 : i64, tpu.core_type = #tpu.core_type<sc_vector_subcore>, window_params = [{transform_indices = #map}, {transform_indices = #map}, {transform_indices = #map1}, {transform_indices = #map1}, {transform_indices = #map1}, {transform_indices = #map1}]} {
    %mul3A = arith.constant 2 : i32
    %mul3A_0 = arith.muli %arg1, %mul3A : i32
    %add3A = arith.addi %mul3A_0, %arg0 : i32
    %mul3A_1 = arith.constant 32 : i32
    %mul3A_2 = arith.muli %add3A, %mul3A_1 : i32
    "tpu.region"() ({
      %run_scoped3A = tpu.sem_alloc : memref<!tpu.dma_semaphore, #tpu.memory_space<semaphore_mem>>
      %dma_start3A_11 = tpu.memref_slice %arg2[%mul3A_2] : memref<1024xi32, #tpu.memory_space<hbm>> -> memref<32xi32, #tpu.memory_space<hbm>>
      %dma_start3A_12 = tpu.memref_slice %arg2[%mul3A_2] : memref<1024xi32, #tpu.memory_space<hbm>> -> memref<32xi32, #tpu.memory_space<hbm>>
      tpu.enqueue_dma source(%dma_start3A_12 : memref<32xi32, #tpu.memory_space<hbm>>) target(%arg10 : memref<32xi32, #tpu.memory_space<vmem>>) target_semaphore(%run_scoped3A : memref<!tpu.dma_semaphore, #tpu.memory_space<semaphore_mem>>)
      %dma_wait3A_13 = tpu.memref_slice %arg2[%mul3A_2] : memref<1024xi32, #tpu.memory_space<hbm>> -> memref<32xi32, #tpu.memory_space<hbm>>
      %dma_wait3A_14 = tpu.memref_slice %arg2[%mul3A_2] : memref<1024xi32, #tpu.memory_space<hbm>> -> memref<32xi32, #tpu.memory_space<hbm>>
      tpu.wait_dma2 semaphore(%run_scoped3A : memref<!tpu.dma_semaphore, #tpu.memory_space<semaphore_mem>>) src(%dma_wait3A_14 : memref<32xi32, #tpu.memory_space<hbm>>) dst(%arg10 : memref<32xi32, #tpu.memory_space<vmem>>)
      tpu.yield
    }) : () -> ()
    %dma_start3A = arith.constant 0 : i32
    %dma_start3A_3 = arith.constant 0 : i32
    %dma_start3A_4 = tpu.memref_slice %arg4[%dma_start3A, %dma_start3A_3] : memref<1000000x16xf32, #tpu.memory_space<hbm>> -> memref<1000000x16xf32, #tpu.memory_space<hbm>>
    tpu.enqueue_indirect_dma source(%dma_start3A_4 : memref<1000000x16xf32, #tpu.memory_space<hbm>>) target(%arg11 : memref<32x16xf32, #tpu.memory_space<vmem>>) offsets(%arg10 : memref<32xi32, #tpu.memory_space<vmem>>) semaphore(%arg12 : memref<!tpu.dma_semaphore, #tpu.memory_space<semaphore_mem>>)
    %dma_wait3A = arith.constant 0 : i32
    %dma_wait3A_5 = arith.constant 0 : i32
    %dma_wait3A_6 = tpu.memref_slice %arg4[%dma_wait3A, %dma_wait3A_5] : memref<1000000x16xf32, #tpu.memory_space<hbm>> -> memref<1000000x16xf32, #tpu.memory_space<hbm>>
    tpu.wait_indirect_dma semaphore(%arg12 : memref<!tpu.dma_semaphore, #tpu.memory_space<semaphore_mem>>) src(%dma_wait3A_6 : memref<1000000x16xf32, #tpu.memory_space<hbm>>) dst(%arg11 : memref<32x16xf32, #tpu.memory_space<vmem>>)
    "tpu.region"() ({
      %run_scoped3A = tpu.sem_alloc : memref<!tpu.dma_semaphore, #tpu.memory_space<semaphore_mem>>
      %dma_start3A_11 = arith.constant 0 : i32
      %dma_start3A_12 = tpu.memref_slice %arg6[%mul3A_2, %dma_start3A_11] : memref<1024x16xf32, #tpu.memory_space<hbm>> -> memref<32x16xf32, #tpu.memory_space<hbm>>
      %dma_start3A_13 = arith.constant 0 : i32
      %dma_start3A_14 = tpu.memref_slice %arg6[%mul3A_2, %dma_start3A_13] : memref<1024x16xf32, #tpu.memory_space<hbm>> -> memref<32x16xf32, #tpu.memory_space<hbm>>
      tpu.enqueue_dma source(%arg11 : memref<32x16xf32, #tpu.memory_space<vmem>>) target(%dma_start3A_14 : memref<32x16xf32, #tpu.memory_space<hbm>>) target_semaphore(%run_scoped3A : memref<!tpu.dma_semaphore, #tpu.memory_space<semaphore_mem>>)
      %dma_wait3A_15 = arith.constant 0 : i32
      %dma_wait3A_16 = tpu.memref_slice %arg6[%mul3A_2, %dma_wait3A_15] : memref<1024x16xf32, #tpu.memory_space<hbm>> -> memref<32x16xf32, #tpu.memory_space<hbm>>
      %dma_wait3A_17 = arith.constant 0 : i32
      %dma_wait3A_18 = tpu.memref_slice %arg6[%mul3A_2, %dma_wait3A_17] : memref<1024x16xf32, #tpu.memory_space<hbm>> -> memref<32x16xf32, #tpu.memory_space<hbm>>
      tpu.wait_dma2 semaphore(%run_scoped3A : memref<!tpu.dma_semaphore, #tpu.memory_space<semaphore_mem>>) src(%arg11 : memref<32x16xf32, #tpu.memory_space<vmem>>) dst(%dma_wait3A_18 : memref<32x16xf32, #tpu.memory_space<hbm>>)
      tpu.yield
    }) : () -> ()
    %scan3A = arith.constant 0 : i32
    %scan3A_7 = arith.constant 28 : i32
    %scan3A_8 = arith.addi %scan3A, %scan3A_7 : i32
    %scan3A_9 = arith.constant 1 : i32
    scf.for %scan3A_11 = %scan3A to %scan3A_8 step %scan3A_9  : i32 {
      %mul3A_12 = arith.constant 3136 : i32
      %mul3A_13 = arith.muli %add3A, %mul3A_12 : i32
      %mul3A_14 = arith.constant 112 : i32
      %mul3A_15 = arith.muli %scan3A_11, %mul3A_14 : i32
      %add3A_16 = arith.addi %mul3A_13, %mul3A_15 : i32
      "tpu.region"() ({
        %run_scoped3A = tpu.sem_alloc : memref<!tpu.dma_semaphore, #tpu.memory_space<semaphore_mem>>
        %dma_start3A_23 = tpu.memref_slice %arg3[%add3A_16] : memref<100352xi32, #tpu.memory_space<hbm>> -> memref<112xi32, #tpu.memory_space<hbm>>
        %dma_start3A_24 = tpu.memref_slice %arg3[%add3A_16] : memref<100352xi32, #tpu.memory_space<hbm>> -> memref<112xi32, #tpu.memory_space<hbm>>
        tpu.enqueue_dma source(%dma_start3A_24 : memref<112xi32, #tpu.memory_space<hbm>>) target(%arg8 : memref<112xi32, #tpu.memory_space<vmem>>) target_semaphore(%run_scoped3A : memref<!tpu.dma_semaphore, #tpu.memory_space<semaphore_mem>>)
        %dma_wait3A_25 = tpu.memref_slice %arg3[%add3A_16] : memref<100352xi32, #tpu.memory_space<hbm>> -> memref<112xi32, #tpu.memory_space<hbm>>
        %dma_wait3A_26 = tpu.memref_slice %arg3[%add3A_16] : memref<100352xi32, #tpu.memory_space<hbm>> -> memref<112xi32, #tpu.memory_space<hbm>>
        tpu.wait_dma2 semaphore(%run_scoped3A : memref<!tpu.dma_semaphore, #tpu.memory_space<semaphore_mem>>) src(%dma_wait3A_26 : memref<112xi32, #tpu.memory_space<hbm>>) dst(%arg8 : memref<112xi32, #tpu.memory_space<vmem>>)
        tpu.yield
      }) : () -> ()
      %dma_start3A_17 = arith.constant 0 : i32
      %dma_start3A_18 = arith.constant 0 : i32
      %dma_start3A_19 = tpu.memref_slice %arg5[%dma_start3A_17, %dma_start3A_18] : memref<1000000x16xf32, #tpu.memory_space<hbm>> -> memref<1000000x16xf32, #tpu.memory_space<hbm>>
      tpu.enqueue_indirect_dma source(%dma_start3A_19 : memref<1000000x16xf32, #tpu.memory_space<hbm>>) target(%arg9 : memref<112x16xf32, #tpu.memory_space<vmem>>) offsets(%arg8 : memref<112xi32, #tpu.memory_space<vmem>>) semaphore(%arg12 : memref<!tpu.dma_semaphore, #tpu.memory_space<semaphore_mem>>)
      %dma_wait3A_20 = arith.constant 0 : i32
      %dma_wait3A_21 = arith.constant 0 : i32
      %dma_wait3A_22 = tpu.memref_slice %arg5[%dma_wait3A_20, %dma_wait3A_21] : memref<1000000x16xf32, #tpu.memory_space<hbm>> -> memref<1000000x16xf32, #tpu.memory_space<hbm>>
      tpu.wait_indirect_dma semaphore(%arg12 : memref<!tpu.dma_semaphore, #tpu.memory_space<semaphore_mem>>) src(%dma_wait3A_22 : memref<1000000x16xf32, #tpu.memory_space<hbm>>) dst(%arg9 : memref<112x16xf32, #tpu.memory_space<vmem>>)
      "tpu.region"() ({
        %run_scoped3A = tpu.sem_alloc : memref<!tpu.dma_semaphore, #tpu.memory_space<semaphore_mem>>
        %dma_start3A_23 = arith.constant 0 : i32
        %dma_start3A_24 = tpu.memref_slice %arg7[%add3A_16, %dma_start3A_23] : memref<100352x16xf32, #tpu.memory_space<hbm>> -> memref<112x16xf32, #tpu.memory_space<hbm>>
        %dma_start3A_25 = arith.constant 0 : i32
        %dma_start3A_26 = tpu.memref_slice %arg7[%add3A_16, %dma_start3A_25] : memref<100352x16xf32, #tpu.memory_space<hbm>> -> memref<112x16xf32, #tpu.memory_space<hbm>>
        tpu.enqueue_dma source(%arg9 : memref<112x16xf32, #tpu.memory_space<vmem>>) target(%dma_start3A_26 : memref<112x16xf32, #tpu.memory_space<hbm>>) target_semaphore(%run_scoped3A : memref<!tpu.dma_semaphore, #tpu.memory_space<semaphore_mem>>)
        %dma_wait3A_27 = arith.constant 0 : i32
        %dma_wait3A_28 = tpu.memref_slice %arg7[%add3A_16, %dma_wait3A_27] : memref<100352x16xf32, #tpu.memory_space<hbm>> -> memref<112x16xf32, #tpu.memory_space<hbm>>
        %dma_wait3A_29 = arith.constant 0 : i32
        %dma_wait3A_30 = tpu.memref_slice %arg7[%add3A_16, %dma_wait3A_29] : memref<100352x16xf32, #tpu.memory_space<hbm>> -> memref<112x16xf32, #tpu.memory_space<hbm>>
        tpu.wait_dma2 semaphore(%run_scoped3A : memref<!tpu.dma_semaphore, #tpu.memory_space<semaphore_mem>>) src(%arg9 : memref<112x16xf32, #tpu.memory_space<vmem>>) dst(%dma_wait3A_30 : memref<112x16xf32, #tpu.memory_space<hbm>>)
        tpu.yield
      }) : () -> ()
    }
    %scan3A_10 = arith.constant 28 : i32
    return
  }
}

#map = affine_map<(d0, d1) -> (0, 0)>
#map1 = affine_map<(d0, d1) -> (0)>
module attributes {stable_mosaic.version = 14 : i64} {
  func.func @_sc_topk(%arg0: i32, %arg1: i32, %arg2: memref<1024x100352xf32, #tpu.memory_space<hbm>>, %arg3: memref<100352xi32, #tpu.memory_space<hbm>>, %arg4: memref<1024x112xi32, #tpu.memory_space<hbm>>, %arg5: memref<1024x112xf32, #tpu.memory_space<hbm>>, %arg6: memref<100352xf32, #tpu.memory_space<vmem>>, %arg7: memref<6400xf32, #tpu.memory_space<vmem>>, %arg8: memref<512xf32, #tpu.memory_space<vmem>>, %arg9: memref<32xf32, #tpu.memory_space<vmem>>, %arg10: memref<112xi32, #tpu.memory_space<vmem>>, %arg11: memref<112xf32, #tpu.memory_space<vmem>>, %arg12: memref<112xi32, #tpu.memory_space<vmem>>, %arg13: memref<!tpu.dma_semaphore, #tpu.memory_space<semaphore_mem>>) attributes {dimension_semantics = [#tpu.dimension_semantics<core_parallel>, #tpu.dimension_semantics<subcore_parallel>], iteration_bounds = array<i64: 2, 16>, scalar_prefetch = 0 : i64, scratch_operands = 8 : i64, tpu.core_type = #tpu.core_type<sc_vector_subcore>, window_params = [{transform_indices = #map}, {transform_indices = #map1}, {transform_indices = #map}, {transform_indices = #map}]} {
    %mul3A = arith.constant 2 : i32
    %mul3A_0 = arith.muli %arg1, %mul3A : i32
    %add3A = arith.addi %mul3A_0, %arg0 : i32
    %iota3A = tpu.iota {dimensions = array<i32: 0>} : vector<16xi32>
    %convert_element_type3A = arith.sitofp %iota3A : vector<16xi32> to vector<16xf32>
    %broadcast_in_dim3A = arith.constant 0xFF800000 : f32
    %broadcast_in_dim3A_1 = vector.broadcast %broadcast_in_dim3A : f32 to vector<16xf32>
    %scan3A = arith.constant 0 : i32
    %scan3A_2 = arith.constant 32 : i32
    %scan3A_3 = arith.addi %scan3A, %scan3A_2 : i32
    %scan3A_4 = arith.constant 1 : i32
    scf.for %scan3A_6 = %scan3A to %scan3A_3 step %scan3A_4  : i32 {
      %mul3A_7 = arith.constant 32 : i32
      %mul3A_8 = arith.muli %add3A, %mul3A_7 : i32
      %add3A_9 = arith.addi %mul3A_8, %scan3A_6 : i32
      "tpu.region"() ({
        %run_scoped3A = tpu.sem_alloc : memref<!tpu.dma_semaphore, #tpu.memory_space<semaphore_mem>>
        %dma_start3A_428 = arith.constant 0 : i32
        %dma_start3A_429 = tpu.memref_slice %arg2[%add3A_9, %dma_start3A_428] : memref<1024x100352xf32, #tpu.memory_space<hbm>> -> memref<1x100352xf32, #tpu.memory_space<hbm>>
        %dma_start3A_430 = tpu.memref_squeeze %dma_start3A_429 : memref<1x100352xf32, #tpu.memory_space<hbm>> -> memref<100352xf32, #tpu.memory_space<hbm>>
        %dma_start3A_431 = arith.constant 0 : i32
        %dma_start3A_432 = tpu.memref_slice %arg2[%add3A_9, %dma_start3A_431] : memref<1024x100352xf32, #tpu.memory_space<hbm>> -> memref<1x100352xf32, #tpu.memory_space<hbm>>
        %dma_start3A_433 = tpu.memref_squeeze %dma_start3A_432 : memref<1x100352xf32, #tpu.memory_space<hbm>> -> memref<100352xf32, #tpu.memory_space<hbm>>
        tpu.enqueue_dma source(%dma_start3A_433 : memref<100352xf32, #tpu.memory_space<hbm>>) target(%arg6 : memref<100352xf32, #tpu.memory_space<vmem>>) target_semaphore(%run_scoped3A : memref<!tpu.dma_semaphore, #tpu.memory_space<semaphore_mem>>)
        %dma_wait3A_434 = arith.constant 0 : i32
        %dma_wait3A_435 = tpu.memref_slice %arg2[%add3A_9, %dma_wait3A_434] : memref<1024x100352xf32, #tpu.memory_space<hbm>> -> memref<1x100352xf32, #tpu.memory_space<hbm>>
        %dma_wait3A_436 = tpu.memref_squeeze %dma_wait3A_435 : memref<1x100352xf32, #tpu.memory_space<hbm>> -> memref<100352xf32, #tpu.memory_space<hbm>>
        %dma_wait3A_437 = arith.constant 0 : i32
        %dma_wait3A_438 = tpu.memref_slice %arg2[%add3A_9, %dma_wait3A_437] : memref<1024x100352xf32, #tpu.memory_space<hbm>> -> memref<1x100352xf32, #tpu.memory_space<hbm>>
        %dma_wait3A_439 = tpu.memref_squeeze %dma_wait3A_438 : memref<1x100352xf32, #tpu.memory_space<hbm>> -> memref<100352xf32, #tpu.memory_space<hbm>>
        tpu.wait_dma2 semaphore(%run_scoped3A : memref<!tpu.dma_semaphore, #tpu.memory_space<semaphore_mem>>) src(%dma_wait3A_439 : memref<100352xf32, #tpu.memory_space<hbm>>) dst(%arg6 : memref<100352xf32, #tpu.memory_space<vmem>>)
        tpu.yield
      }) : () -> ()
      %scan3A_10 = arith.constant 0 : i32
      %scan3A_11 = arith.constant 392 : i32
      %scan3A_12 = arith.addi %scan3A_10, %scan3A_11 : i32
      %scan3A_13 = arith.constant 1 : i32
      scf.for %scan3A_428 = %scan3A_10 to %scan3A_12 step %scan3A_13  : i32 {
        %mul3A_429 = arith.constant 256 : i32
        %mul3A_430 = arith.muli %scan3A_428, %mul3A_429 : i32
        %mul3A_431 = arith.constant 16 : i32
        %mul3A_432 = vector.broadcast %mul3A_431 : i32 to vector<16xi32>
        %mul3A_433 = arith.muli %iota3A, %mul3A_432 : vector<16xi32>
        %add3A_434 = vector.broadcast %mul3A_430 : i32 to vector<16xi32>
        %add3A_435 = arith.addi %add3A_434, %mul3A_433 : vector<16xi32>
        %add3A_436 = arith.constant 0 : i32
        %add3A_437 = vector.broadcast %add3A_436 : i32 to vector<16xi32>
        %add3A_438 = arith.addi %add3A_435, %add3A_437 : vector<16xi32>
        %gather3A_439 = tpu.vector_load_idx %arg6[%add3A_438] : memref<100352xf32, #tpu.memory_space<vmem>>[vector<16xi32>], vector<16xf32>,
        %max3A_440 = arith.maximumf %broadcast_in_dim3A_1, %gather3A_439 : vector<16xf32>
        %mul3A_441 = arith.constant 256 : i32
        %mul3A_442 = arith.muli %scan3A_428, %mul3A_441 : i32
        %mul3A_443 = arith.constant 16 : i32
        %mul3A_444 = vector.broadcast %mul3A_443 : i32 to vector<16xi32>
        %mul3A_445 = arith.muli %iota3A, %mul3A_444 : vector<16xi32>
        %add3A_446 = vector.broadcast %mul3A_442 : i32 to vector<16xi32>
        %add3A_447 = arith.addi %add3A_446, %mul3A_445 : vector<16xi32>
        %add3A_448 = arith.constant 1 : i32
        %add3A_449 = vector.broadcast %add3A_448 : i32 to vector<16xi32>
        %add3A_450 = arith.addi %add3A_447, %add3A_449 : vector<16xi32>
        %gather3A_451 = tpu.vector_load_idx %arg6[%add3A_450] : memref<100352xf32, #tpu.memory_space<vmem>>[vector<16xi32>], vector<16xf32>,
        %max3A_452 = arith.maximumf %max3A_440, %gather3A_451 : vector<16xf32>
        %mul3A_453 = arith.constant 256 : i32
        %mul3A_454 = arith.muli %scan3A_428, %mul3A_453 : i32
        %mul3A_455 = arith.constant 16 : i32
        %mul3A_456 = vector.broadcast %mul3A_455 : i32 to vector<16xi32>
        %mul3A_457 = arith.muli %iota3A, %mul3A_456 : vector<16xi32>
        %add3A_458 = vector.broadcast %mul3A_454 : i32 to vector<16xi32>
        %add3A_459 = arith.addi %add3A_458, %mul3A_457 : vector<16xi32>
        %add3A_460 = arith.constant 2 : i32
        %add3A_461 = vector.broadcast %add3A_460 : i32 to vector<16xi32>
        %add3A_462 = arith.addi %add3A_459, %add3A_461 : vector<16xi32>
        %gather3A_463 = tpu.vector_load_idx %arg6[%add3A_462] : memref<100352xf32, #tpu.memory_space<vmem>>[vector<16xi32>], vector<16xf32>,
        %max3A_464 = arith.maximumf %max3A_452, %gather3A_463 : vector<16xf32>
        %mul3A_465 = arith.constant 256 : i32
        %mul3A_466 = arith.muli %scan3A_428, %mul3A_465 : i32
        %mul3A_467 = arith.constant 16 : i32
        %mul3A_468 = vector.broadcast %mul3A_467 : i32 to vector<16xi32>
        %mul3A_469 = arith.muli %iota3A, %mul3A_468 : vector<16xi32>
        %add3A_470 = vector.broadcast %mul3A_466 : i32 to vector<16xi32>
        %add3A_471 = arith.addi %add3A_470, %mul3A_469 : vector<16xi32>
        %add3A_472 = arith.constant 3 : i32
        %add3A_473 = vector.broadcast %add3A_472 : i32 to vector<16xi32>
        %add3A_474 = arith.addi %add3A_471, %add3A_473 : vector<16xi32>
        %gather3A_475 = tpu.vector_load_idx %arg6[%add3A_474] : memref<100352xf32, #tpu.memory_space<vmem>>[vector<16xi32>], vector<16xf32>,
        %max3A_476 = arith.maximumf %max3A_464, %gather3A_475 : vector<16xf32>
        %mul3A_477 = arith.constant 256 : i32
        %mul3A_478 = arith.muli %scan3A_428, %mul3A_477 : i32
        %mul3A_479 = arith.constant 16 : i32
        %mul3A_480 = vector.broadcast %mul3A_479 : i32 to vector<16xi32>
        %mul3A_481 = arith.muli %iota3A, %mul3A_480 : vector<16xi32>
        %add3A_482 = vector.broadcast %mul3A_478 : i32 to vector<16xi32>
        %add3A_483 = arith.addi %add3A_482, %mul3A_481 : vector<16xi32>
        %add3A_484 = arith.constant 4 : i32
        %add3A_485 = vector.broadcast %add3A_484 : i32 to vector<16xi32>
        %add3A_486 = arith.addi %add3A_483, %add3A_485 : vector<16xi32>
        %gather3A_487 = tpu.vector_load_idx %arg6[%add3A_486] : memref<100352xf32, #tpu.memory_space<vmem>>[vector<16xi32>], vector<16xf32>,
        %max3A_488 = arith.maximumf %max3A_476, %gather3A_487 : vector<16xf32>
        %mul3A_489 = arith.constant 256 : i32
        %mul3A_490 = arith.muli %scan3A_428, %mul3A_489 : i32
        %mul3A_491 = arith.constant 16 : i32
        %mul3A_492 = vector.broadcast %mul3A_491 : i32 to vector<16xi32>
        %mul3A_493 = arith.muli %iota3A, %mul3A_492 : vector<16xi32>
        %add3A_494 = vector.broadcast %mul3A_490 : i32 to vector<16xi32>
        %add3A_495 = arith.addi %add3A_494, %mul3A_493 : vector<16xi32>
        %add3A_496 = arith.constant 5 : i32
        %add3A_497 = vector.broadcast %add3A_496 : i32 to vector<16xi32>
        %add3A_498 = arith.addi %add3A_495, %add3A_497 : vector<16xi32>
        %gather3A_499 = tpu.vector_load_idx %arg6[%add3A_498] : memref<100352xf32, #tpu.memory_space<vmem>>[vector<16xi32>], vector<16xf32>,
        %max3A_500 = arith.maximumf %max3A_488, %gather3A_499 : vector<16xf32>
        %mul3A_501 = arith.constant 256 : i32
        %mul3A_502 = arith.muli %scan3A_428, %mul3A_501 : i32
        %mul3A_503 = arith.constant 16 : i32
        %mul3A_504 = vector.broadcast %mul3A_503 : i32 to vector<16xi32>
        %mul3A_505 = arith.muli %iota3A, %mul3A_504 : vector<16xi32>
        %add3A_506 = vector.broadcast %mul3A_502 : i32 to vector<16xi32>
        %add3A_507 = arith.addi %add3A_506, %mul3A_505 : vector<16xi32>
        %add3A_508 = arith.constant 6 : i32
        %add3A_509 = vector.broadcast %add3A_508 : i32 to vector<16xi32>
        %add3A_510 = arith.addi %add3A_507, %add3A_509 : vector<16xi32>
        %gather3A_511 = tpu.vector_load_idx %arg6[%add3A_510] : memref<100352xf32, #tpu.memory_space<vmem>>[vector<16xi32>], vector<16xf32>,
        %max3A_512 = arith.maximumf %max3A_500, %gather3A_511 : vector<16xf32>
        %mul3A_513 = arith.constant 256 : i32
        %mul3A_514 = arith.muli %scan3A_428, %mul3A_513 : i32
        %mul3A_515 = arith.constant 16 : i32
        %mul3A_516 = vector.broadcast %mul3A_515 : i32 to vector<16xi32>
        %mul3A_517 = arith.muli %iota3A, %mul3A_516 : vector<16xi32>
        %add3A_518 = vector.broadcast %mul3A_514 : i32 to vector<16xi32>
        %add3A_519 = arith.addi %add3A_518, %mul3A_517 : vector<16xi32>
        %add3A_520 = arith.constant 7 : i32
        %add3A_521 = vector.broadcast %add3A_520 : i32 to vector<16xi32>
        %add3A_522 = arith.addi %add3A_519, %add3A_521 : vector<16xi32>
        %gather3A_523 = tpu.vector_load_idx %arg6[%add3A_522] : memref<100352xf32, #tpu.memory_space<vmem>>[vector<16xi32>], vector<16xf32>,
        %max3A_524 = arith.maximumf %max3A_512, %gather3A_523 : vector<16xf32>
        %mul3A_525 = arith.constant 256 : i32
        %mul3A_526 = arith.muli %scan3A_428, %mul3A_525 : i32
        %mul3A_527 = arith.constant 16 : i32
        %mul3A_528 = vector.broadcast %mul3A_527 : i32 to vector<16xi32>
        %mul3A_529 = arith.muli %iota3A, %mul3A_528 : vector<16xi32>
        %add3A_530 = vector.broadcast %mul3A_526 : i32 to vector<16xi32>
        %add3A_531 = arith.addi %add3A_530, %mul3A_529 : vector<16xi32>
        %add3A_532 = arith.constant 8 : i32
        %add3A_533 = vector.broadcast %add3A_532 : i32 to vector<16xi32>
        %add3A_534 = arith.addi %add3A_531, %add3A_533 : vector<16xi32>
        %gather3A_535 = tpu.vector_load_idx %arg6[%add3A_534] : memref<100352xf32, #tpu.memory_space<vmem>>[vector<16xi32>], vector<16xf32>,
        %max3A_536 = arith.maximumf %max3A_524, %gather3A_535 : vector<16xf32>
        %mul3A_537 = arith.constant 256 : i32
        %mul3A_538 = arith.muli %scan3A_428, %mul3A_537 : i32
        %mul3A_539 = arith.constant 16 : i32
        %mul3A_540 = vector.broadcast %mul3A_539 : i32 to vector<16xi32>
        %mul3A_541 = arith.muli %iota3A, %mul3A_540 : vector<16xi32>
        %add3A_542 = vector.broadcast %mul3A_538 : i32 to vector<16xi32>
        %add3A_543 = arith.addi %add3A_542, %mul3A_541 : vector<16xi32>
        %add3A_544 = arith.constant 9 : i32
        %add3A_545 = vector.broadcast %add3A_544 : i32 to vector<16xi32>
        %add3A_546 = arith.addi %add3A_543, %add3A_545 : vector<16xi32>
        %gather3A_547 = tpu.vector_load_idx %arg6[%add3A_546] : memref<100352xf32, #tpu.memory_space<vmem>>[vector<16xi32>], vector<16xf32>,
        %max3A_548 = arith.maximumf %max3A_536, %gather3A_547 : vector<16xf32>
        %mul3A_549 = arith.constant 256 : i32
        %mul3A_550 = arith.muli %scan3A_428, %mul3A_549 : i32
        %mul3A_551 = arith.constant 16 : i32
        %mul3A_552 = vector.broadcast %mul3A_551 : i32 to vector<16xi32>
        %mul3A_553 = arith.muli %iota3A, %mul3A_552 : vector<16xi32>
        %add3A_554 = vector.broadcast %mul3A_550 : i32 to vector<16xi32>
        %add3A_555 = arith.addi %add3A_554, %mul3A_553 : vector<16xi32>
        %add3A_556 = arith.constant 10 : i32
        %add3A_557 = vector.broadcast %add3A_556 : i32 to vector<16xi32>
        %add3A_558 = arith.addi %add3A_555, %add3A_557 : vector<16xi32>
        %gather3A_559 = tpu.vector_load_idx %arg6[%add3A_558] : memref<100352xf32, #tpu.memory_space<vmem>>[vector<16xi32>], vector<16xf32>,
        %max3A_560 = arith.maximumf %max3A_548, %gather3A_559 : vector<16xf32>
        %mul3A_561 = arith.constant 256 : i32
        %mul3A_562 = arith.muli %scan3A_428, %mul3A_561 : i32
        %mul3A_563 = arith.constant 16 : i32
        %mul3A_564 = vector.broadcast %mul3A_563 : i32 to vector<16xi32>
        %mul3A_565 = arith.muli %iota3A, %mul3A_564 : vector<16xi32>
        %add3A_566 = vector.broadcast %mul3A_562 : i32 to vector<16xi32>
        %add3A_567 = arith.addi %add3A_566, %mul3A_565 : vector<16xi32>
        %add3A_568 = arith.constant 11 : i32
        %add3A_569 = vector.broadcast %add3A_568 : i32 to vector<16xi32>
        %add3A_570 = arith.addi %add3A_567, %add3A_569 : vector<16xi32>
        %gather3A_571 = tpu.vector_load_idx %arg6[%add3A_570] : memref<100352xf32, #tpu.memory_space<vmem>>[vector<16xi32>], vector<16xf32>,
        %max3A_572 = arith.maximumf %max3A_560, %gather3A_571 : vector<16xf32>
        %mul3A_573 = arith.constant 256 : i32
        %mul3A_574 = arith.muli %scan3A_428, %mul3A_573 : i32
        %mul3A_575 = arith.constant 16 : i32
        %mul3A_576 = vector.broadcast %mul3A_575 : i32 to vector<16xi32>
        %mul3A_577 = arith.muli %iota3A, %mul3A_576 : vector<16xi32>
        %add3A_578 = vector.broadcast %mul3A_574 : i32 to vector<16xi32>
        %add3A_579 = arith.addi %add3A_578, %mul3A_577 : vector<16xi32>
        %add3A_580 = arith.constant 12 : i32
        %add3A_581 = vector.broadcast %add3A_580 : i32 to vector<16xi32>
        %add3A_582 = arith.addi %add3A_579, %add3A_581 : vector<16xi32>
        %gather3A_583 = tpu.vector_load_idx %arg6[%add3A_582] : memref<100352xf32, #tpu.memory_space<vmem>>[vector<16xi32>], vector<16xf32>,
        %max3A_584 = arith.maximumf %max3A_572, %gather3A_583 : vector<16xf32>
        %mul3A_585 = arith.constant 256 : i32
        %mul3A_586 = arith.muli %scan3A_428, %mul3A_585 : i32
        %mul3A_587 = arith.constant 16 : i32
        %mul3A_588 = vector.broadcast %mul3A_587 : i32 to vector<16xi32>
        %mul3A_589 = arith.muli %iota3A, %mul3A_588 : vector<16xi32>
        %add3A_590 = vector.broadcast %mul3A_586 : i32 to vector<16xi32>
        %add3A_591 = arith.addi %add3A_590, %mul3A_589 : vector<16xi32>
        %add3A_592 = arith.constant 13 : i32
        %add3A_593 = vector.broadcast %add3A_592 : i32 to vector<16xi32>
        %add3A_594 = arith.addi %add3A_591, %add3A_593 : vector<16xi32>
        %gather3A_595 = tpu.vector_load_idx %arg6[%add3A_594] : memref<100352xf32, #tpu.memory_space<vmem>>[vector<16xi32>], vector<16xf32>,
        %max3A_596 = arith.maximumf %max3A_584, %gather3A_595 : vector<16xf32>
        %mul3A_597 = arith.constant 256 : i32
        %mul3A_598 = arith.muli %scan3A_428, %mul3A_597 : i32
        %mul3A_599 = arith.constant 16 : i32
        %mul3A_600 = vector.broadcast %mul3A_599 : i32 to vector<16xi32>
        %mul3A_601 = arith.muli %iota3A, %mul3A_600 : vector<16xi32>
        %add3A_602 = vector.broadcast %mul3A_598 : i32 to vector<16xi32>
        %add3A_603 = arith.addi %add3A_602, %mul3A_601 : vector<16xi32>
        %add3A_604 = arith.constant 14 : i32
        %add3A_605 = vector.broadcast %add3A_604 : i32 to vector<16xi32>
        %add3A_606 = arith.addi %add3A_603, %add3A_605 : vector<16xi32>
        %gather3A_607 = tpu.vector_load_idx %arg6[%add3A_606] : memref<100352xf32, #tpu.memory_space<vmem>>[vector<16xi32>], vector<16xf32>,
        %max3A_608 = arith.maximumf %max3A_596, %gather3A_607 : vector<16xf32>
        %mul3A_609 = arith.constant 256 : i32
        %mul3A_610 = arith.muli %scan3A_428, %mul3A_609 : i32
        %mul3A_611 = arith.constant 16 : i32
        %mul3A_612 = vector.broadcast %mul3A_611 : i32 to vector<16xi32>
        %mul3A_613 = arith.muli %iota3A, %mul3A_612 : vector<16xi32>
        %add3A_614 = vector.broadcast %mul3A_610 : i32 to vector<16xi32>
        %add3A_615 = arith.addi %add3A_614, %mul3A_613 : vector<16xi32>
        %add3A_616 = arith.constant 15 : i32
        %add3A_617 = vector.broadcast %add3A_616 : i32 to vector<16xi32>
        %add3A_618 = arith.addi %add3A_615, %add3A_617 : vector<16xi32>
        %gather3A_619 = tpu.vector_load_idx %arg6[%add3A_618] : memref<100352xf32, #tpu.memory_space<vmem>>[vector<16xi32>], vector<16xf32>,
        %max3A_620 = arith.maximumf %max3A_608, %gather3A_619 : vector<16xf32>
        %mul3A_621 = arith.constant 16 : i32
        %mul3A_622 = arith.muli %scan3A_428, %mul3A_621 : i32
        %add3A_623 = vector.broadcast %mul3A_622 : i32 to vector<16xi32>
        %add3A_624 = arith.addi %add3A_623, %iota3A : vector<16xi32>
        tpu.vector_store_idx %arg7[%add3A_624], %max3A_620 : memref<6400xf32, #tpu.memory_space<vmem>>[vector<16xi32>], vector<16xf32>,
      }
      %scan3A_14 = arith.constant 392 : i32
      %add3A_15 = arith.constant 6272 : i32
      %add3A_16 = vector.broadcast %add3A_15 : i32 to vector<16xi32>
      %add3A_17 = arith.addi %add3A_16, %iota3A : vector<16xi32>
      tpu.vector_store_idx %arg7[%add3A_17], %broadcast_in_dim3A_1 : memref<6400xf32, #tpu.memory_space<vmem>>[vector<16xi32>], vector<16xf32>,
      %add3A_18 = arith.constant 6288 : i32
      %add3A_19 = vector.broadcast %add3A_18 : i32 to vector<16xi32>
      %add3A_20 = arith.addi %add3A_19, %iota3A : vector<16xi32>
      tpu.vector_store_idx %arg7[%add3A_20], %broadcast_in_dim3A_1 : memref<6400xf32, #tpu.memory_space<vmem>>[vector<16xi32>], vector<16xf32>,
      %add3A_21 = arith.constant 6304 : i32
      %add3A_22 = vector.broadcast %add3A_21 : i32 to vector<16xi32>
      %add3A_23 = arith.addi %add3A_22, %iota3A : vector<16xi32>
      tpu.vector_store_idx %arg7[%add3A_23], %broadcast_in_dim3A_1 : memref<6400xf32, #tpu.memory_space<vmem>>[vector<16xi32>], vector<16xf32>,
      %add3A_24 = arith.constant 6320 : i32
      %add3A_25 = vector.broadcast %add3A_24 : i32 to vector<16xi32>
      %add3A_26 = arith.addi %add3A_25, %iota3A : vector<16xi32>
      tpu.vector_store_idx %arg7[%add3A_26], %broadcast_in_dim3A_1 : memref<6400xf32, #tpu.memory_space<vmem>>[vector<16xi32>], vector<16xf32>,
      %add3A_27 = arith.constant 6336 : i32
      %add3A_28 = vector.broadcast %add3A_27 : i32 to vector<16xi32>
      %add3A_29 = arith.addi %add3A_28, %iota3A : vector<16xi32>
      tpu.vector_store_idx %arg7[%add3A_29], %broadcast_in_dim3A_1 : memref<6400xf32, #tpu.memory_space<vmem>>[vector<16xi32>], vector<16xf32>,
      %add3A_30 = arith.constant 6352 : i32
      %add3A_31 = vector.broadcast %add3A_30 : i32 to vector<16xi32>
      %add3A_32 = arith.addi %add3A_31, %iota3A : vector<16xi32>
      tpu.vector_store_idx %arg7[%add3A_32], %broadcast_in_dim3A_1 : memref<6400xf32, #tpu.memory_space<vmem>>[vector<16xi32>], vector<16xf32>,
      %add3A_33 = arith.constant 6368 : i32
      %add3A_34 = vector.broadcast %add3A_33 : i32 to vector<16xi32>
      %add3A_35 = arith.addi %add3A_34, %iota3A : vector<16xi32>
      tpu.vector_store_idx %arg7[%add3A_35], %broadcast_in_dim3A_1 : memref<6400xf32, #tpu.memory_space<vmem>>[vector<16xi32>], vector<16xf32>,
      %add3A_36 = arith.constant 6384 : i32
      %add3A_37 = vector.broadcast %add3A_36 : i32 to vector<16xi32>
      %add3A_38 = arith.addi %add3A_37, %iota3A : vector<16xi32>
      tpu.vector_store_idx %arg7[%add3A_38], %broadcast_in_dim3A_1 : memref<6400xf32, #tpu.memory_space<vmem>>[vector<16xi32>], vector<16xf32>,
      %scan3A_39 = arith.constant 0 : i32
      %scan3A_40 = arith.constant 25 : i32
      %scan3A_41 = arith.addi %scan3A_39, %scan3A_40 : i32
      %scan3A_42 = arith.constant 1 : i32
      scf.for %scan3A_428 = %scan3A_39 to %scan3A_41 step %scan3A_42  : i32 {
        %mul3A_429 = arith.constant 256 : i32
        %mul3A_430 = arith.muli %scan3A_428, %mul3A_429 : i32
        %mul3A_431 = arith.constant 16 : i32
        %mul3A_432 = vector.broadcast %mul3A_431 : i32 to vector<16xi32>
        %mul3A_433 = arith.muli %iota3A, %mul3A_432 : vector<16xi32>
        %add3A_434 = vector.broadcast %mul3A_430 : i32 to vector<16xi32>
        %add3A_435 = arith.addi %add3A_434, %mul3A_433 : vector<16xi32>
        %add3A_436 = arith.constant 0 : i32
        %add3A_437 = vector.broadcast %add3A_436 : i32 to vector<16xi32>
        %add3A_438 = arith.addi %add3A_435, %add3A_437 : vector<16xi32>
        %gather3A_439 = tpu.vector_load_idx %arg7[%add3A_438] : memref<6400xf32, #tpu.memory_space<vmem>>[vector<16xi32>], vector<16xf32>,
        %max3A_440 = arith.maximumf %broadcast_in_dim3A_1, %gather3A_439 : vector<16xf32>
        %mul3A_441 = arith.constant 256 : i32
        %mul3A_442 = arith.muli %scan3A_428, %mul3A_441 : i32
        %mul3A_443 = arith.constant 16 : i32
        %mul3A_444 = vector.broadcast %mul3A_443 : i32 to vector<16xi32>
        %mul3A_445 = arith.muli %iota3A, %mul3A_444 : vector<16xi32>
        %add3A_446 = vector.broadcast %mul3A_442 : i32 to vector<16xi32>
        %add3A_447 = arith.addi %add3A_446, %mul3A_445 : vector<16xi32>
        %add3A_448 = arith.constant 1 : i32
        %add3A_449 = vector.broadcast %add3A_448 : i32 to vector<16xi32>
        %add3A_450 = arith.addi %add3A_447, %add3A_449 : vector<16xi32>
        %gather3A_451 = tpu.vector_load_idx %arg7[%add3A_450] : memref<6400xf32, #tpu.memory_space<vmem>>[vector<16xi32>], vector<16xf32>,
        %max3A_452 = arith.maximumf %max3A_440, %gather3A_451 : vector<16xf32>
        %mul3A_453 = arith.constant 256 : i32
        %mul3A_454 = arith.muli %scan3A_428, %mul3A_453 : i32
        %mul3A_455 = arith.constant 16 : i32
        %mul3A_456 = vector.broadcast %mul3A_455 : i32 to vector<16xi32>
        %mul3A_457 = arith.muli %iota3A, %mul3A_456 : vector<16xi32>
        %add3A_458 = vector.broadcast %mul3A_454 : i32 to vector<16xi32>
        %add3A_459 = arith.addi %add3A_458, %mul3A_457 : vector<16xi32>
        %add3A_460 = arith.constant 2 : i32
        %add3A_461 = vector.broadcast %add3A_460 : i32 to vector<16xi32>
        %add3A_462 = arith.addi %add3A_459, %add3A_461 : vector<16xi32>
        %gather3A_463 = tpu.vector_load_idx %arg7[%add3A_462] : memref<6400xf32, #tpu.memory_space<vmem>>[vector<16xi32>], vector<16xf32>,
        %max3A_464 = arith.maximumf %max3A_452, %gather3A_463 : vector<16xf32>
        %mul3A_465 = arith.constant 256 : i32
        %mul3A_466 = arith.muli %scan3A_428, %mul3A_465 : i32
        %mul3A_467 = arith.constant 16 : i32
        %mul3A_468 = vector.broadcast %mul3A_467 : i32 to vector<16xi32>
        %mul3A_469 = arith.muli %iota3A, %mul3A_468 : vector<16xi32>
        %add3A_470 = vector.broadcast %mul3A_466 : i32 to vector<16xi32>
        %add3A_471 = arith.addi %add3A_470, %mul3A_469 : vector<16xi32>
        %add3A_472 = arith.constant 3 : i32
        %add3A_473 = vector.broadcast %add3A_472 : i32 to vector<16xi32>
        %add3A_474 = arith.addi %add3A_471, %add3A_473 : vector<16xi32>
        %gather3A_475 = tpu.vector_load_idx %arg7[%add3A_474] : memref<6400xf32, #tpu.memory_space<vmem>>[vector<16xi32>], vector<16xf32>,
        %max3A_476 = arith.maximumf %max3A_464, %gather3A_475 : vector<16xf32>
        %mul3A_477 = arith.constant 256 : i32
        %mul3A_478 = arith.muli %scan3A_428, %mul3A_477 : i32
        %mul3A_479 = arith.constant 16 : i32
        %mul3A_480 = vector.broadcast %mul3A_479 : i32 to vector<16xi32>
        %mul3A_481 = arith.muli %iota3A, %mul3A_480 : vector<16xi32>
        %add3A_482 = vector.broadcast %mul3A_478 : i32 to vector<16xi32>
        %add3A_483 = arith.addi %add3A_482, %mul3A_481 : vector<16xi32>
        %add3A_484 = arith.constant 4 : i32
        %add3A_485 = vector.broadcast %add3A_484 : i32 to vector<16xi32>
        %add3A_486 = arith.addi %add3A_483, %add3A_485 : vector<16xi32>
        %gather3A_487 = tpu.vector_load_idx %arg7[%add3A_486] : memref<6400xf32, #tpu.memory_space<vmem>>[vector<16xi32>], vector<16xf32>,
        %max3A_488 = arith.maximumf %max3A_476, %gather3A_487 : vector<16xf32>
        %mul3A_489 = arith.constant 256 : i32
        %mul3A_490 = arith.muli %scan3A_428, %mul3A_489 : i32
        %mul3A_491 = arith.constant 16 : i32
        %mul3A_492 = vector.broadcast %mul3A_491 : i32 to vector<16xi32>
        %mul3A_493 = arith.muli %iota3A, %mul3A_492 : vector<16xi32>
        %add3A_494 = vector.broadcast %mul3A_490 : i32 to vector<16xi32>
        %add3A_495 = arith.addi %add3A_494, %mul3A_493 : vector<16xi32>
        %add3A_496 = arith.constant 5 : i32
        %add3A_497 = vector.broadcast %add3A_496 : i32 to vector<16xi32>
        %add3A_498 = arith.addi %add3A_495, %add3A_497 : vector<16xi32>
        %gather3A_499 = tpu.vector_load_idx %arg7[%add3A_498] : memref<6400xf32, #tpu.memory_space<vmem>>[vector<16xi32>], vector<16xf32>,
        %max3A_500 = arith.maximumf %max3A_488, %gather3A_499 : vector<16xf32>
        %mul3A_501 = arith.constant 256 : i32
        %mul3A_502 = arith.muli %scan3A_428, %mul3A_501 : i32
        %mul3A_503 = arith.constant 16 : i32
        %mul3A_504 = vector.broadcast %mul3A_503 : i32 to vector<16xi32>
        %mul3A_505 = arith.muli %iota3A, %mul3A_504 : vector<16xi32>
        %add3A_506 = vector.broadcast %mul3A_502 : i32 to vector<16xi32>
        %add3A_507 = arith.addi %add3A_506, %mul3A_505 : vector<16xi32>
        %add3A_508 = arith.constant 6 : i32
        %add3A_509 = vector.broadcast %add3A_508 : i32 to vector<16xi32>
        %add3A_510 = arith.addi %add3A_507, %add3A_509 : vector<16xi32>
        %gather3A_511 = tpu.vector_load_idx %arg7[%add3A_510] : memref<6400xf32, #tpu.memory_space<vmem>>[vector<16xi32>], vector<16xf32>,
        %max3A_512 = arith.maximumf %max3A_500, %gather3A_511 : vector<16xf32>
        %mul3A_513 = arith.constant 256 : i32
        %mul3A_514 = arith.muli %scan3A_428, %mul3A_513 : i32
        %mul3A_515 = arith.constant 16 : i32
        %mul3A_516 = vector.broadcast %mul3A_515 : i32 to vector<16xi32>
        %mul3A_517 = arith.muli %iota3A, %mul3A_516 : vector<16xi32>
        %add3A_518 = vector.broadcast %mul3A_514 : i32 to vector<16xi32>
        %add3A_519 = arith.addi %add3A_518, %mul3A_517 : vector<16xi32>
        %add3A_520 = arith.constant 7 : i32
        %add3A_521 = vector.broadcast %add3A_520 : i32 to vector<16xi32>
        %add3A_522 = arith.addi %add3A_519, %add3A_521 : vector<16xi32>
        %gather3A_523 = tpu.vector_load_idx %arg7[%add3A_522] : memref<6400xf32, #tpu.memory_space<vmem>>[vector<16xi32>], vector<16xf32>,
        %max3A_524 = arith.maximumf %max3A_512, %gather3A_523 : vector<16xf32>
        %mul3A_525 = arith.constant 256 : i32
        %mul3A_526 = arith.muli %scan3A_428, %mul3A_525 : i32
        %mul3A_527 = arith.constant 16 : i32
        %mul3A_528 = vector.broadcast %mul3A_527 : i32 to vector<16xi32>
        %mul3A_529 = arith.muli %iota3A, %mul3A_528 : vector<16xi32>
        %add3A_530 = vector.broadcast %mul3A_526 : i32 to vector<16xi32>
        %add3A_531 = arith.addi %add3A_530, %mul3A_529 : vector<16xi32>
        %add3A_532 = arith.constant 8 : i32
        %add3A_533 = vector.broadcast %add3A_532 : i32 to vector<16xi32>
        %add3A_534 = arith.addi %add3A_531, %add3A_533 : vector<16xi32>
        %gather3A_535 = tpu.vector_load_idx %arg7[%add3A_534] : memref<6400xf32, #tpu.memory_space<vmem>>[vector<16xi32>], vector<16xf32>,
        %max3A_536 = arith.maximumf %max3A_524, %gather3A_535 : vector<16xf32>
        %mul3A_537 = arith.constant 256 : i32
        %mul3A_538 = arith.muli %scan3A_428, %mul3A_537 : i32
        %mul3A_539 = arith.constant 16 : i32
        %mul3A_540 = vector.broadcast %mul3A_539 : i32 to vector<16xi32>
        %mul3A_541 = arith.muli %iota3A, %mul3A_540 : vector<16xi32>
        %add3A_542 = vector.broadcast %mul3A_538 : i32 to vector<16xi32>
        %add3A_543 = arith.addi %add3A_542, %mul3A_541 : vector<16xi32>
        %add3A_544 = arith.constant 9 : i32
        %add3A_545 = vector.broadcast %add3A_544 : i32 to vector<16xi32>
        %add3A_546 = arith.addi %add3A_543, %add3A_545 : vector<16xi32>
        %gather3A_547 = tpu.vector_load_idx %arg7[%add3A_546] : memref<6400xf32, #tpu.memory_space<vmem>>[vector<16xi32>], vector<16xf32>,
        %max3A_548 = arith.maximumf %max3A_536, %gather3A_547 : vector<16xf32>
        %mul3A_549 = arith.constant 256 : i32
        %mul3A_550 = arith.muli %scan3A_428, %mul3A_549 : i32
        %mul3A_551 = arith.constant 16 : i32
        %mul3A_552 = vector.broadcast %mul3A_551 : i32 to vector<16xi32>
        %mul3A_553 = arith.muli %iota3A, %mul3A_552 : vector<16xi32>
        %add3A_554 = vector.broadcast %mul3A_550 : i32 to vector<16xi32>
        %add3A_555 = arith.addi %add3A_554, %mul3A_553 : vector<16xi32>
        %add3A_556 = arith.constant 10 : i32
        %add3A_557 = vector.broadcast %add3A_556 : i32 to vector<16xi32>
        %add3A_558 = arith.addi %add3A_555, %add3A_557 : vector<16xi32>
        %gather3A_559 = tpu.vector_load_idx %arg7[%add3A_558] : memref<6400xf32, #tpu.memory_space<vmem>>[vector<16xi32>], vector<16xf32>,
        %max3A_560 = arith.maximumf %max3A_548, %gather3A_559 : vector<16xf32>
        %mul3A_561 = arith.constant 256 : i32
        %mul3A_562 = arith.muli %scan3A_428, %mul3A_561 : i32
        %mul3A_563 = arith.constant 16 : i32
        %mul3A_564 = vector.broadcast %mul3A_563 : i32 to vector<16xi32>
        %mul3A_565 = arith.muli %iota3A, %mul3A_564 : vector<16xi32>
        %add3A_566 = vector.broadcast %mul3A_562 : i32 to vector<16xi32>
        %add3A_567 = arith.addi %add3A_566, %mul3A_565 : vector<16xi32>
        %add3A_568 = arith.constant 11 : i32
        %add3A_569 = vector.broadcast %add3A_568 : i32 to vector<16xi32>
        %add3A_570 = arith.addi %add3A_567, %add3A_569 : vector<16xi32>
        %gather3A_571 = tpu.vector_load_idx %arg7[%add3A_570] : memref<6400xf32, #tpu.memory_space<vmem>>[vector<16xi32>], vector<16xf32>,
        %max3A_572 = arith.maximumf %max3A_560, %gather3A_571 : vector<16xf32>
        %mul3A_573 = arith.constant 256 : i32
        %mul3A_574 = arith.muli %scan3A_428, %mul3A_573 : i32
        %mul3A_575 = arith.constant 16 : i32
        %mul3A_576 = vector.broadcast %mul3A_575 : i32 to vector<16xi32>
        %mul3A_577 = arith.muli %iota3A, %mul3A_576 : vector<16xi32>
        %add3A_578 = vector.broadcast %mul3A_574 : i32 to vector<16xi32>
        %add3A_579 = arith.addi %add3A_578, %mul3A_577 : vector<16xi32>
        %add3A_580 = arith.constant 12 : i32
        %add3A_581 = vector.broadcast %add3A_580 : i32 to vector<16xi32>
        %add3A_582 = arith.addi %add3A_579, %add3A_581 : vector<16xi32>
        %gather3A_583 = tpu.vector_load_idx %arg7[%add3A_582] : memref<6400xf32, #tpu.memory_space<vmem>>[vector<16xi32>], vector<16xf32>,
        %max3A_584 = arith.maximumf %max3A_572, %gather3A_583 : vector<16xf32>
        %mul3A_585 = arith.constant 256 : i32
        %mul3A_586 = arith.muli %scan3A_428, %mul3A_585 : i32
        %mul3A_587 = arith.constant 16 : i32
        %mul3A_588 = vector.broadcast %mul3A_587 : i32 to vector<16xi32>
        %mul3A_589 = arith.muli %iota3A, %mul3A_588 : vector<16xi32>
        %add3A_590 = vector.broadcast %mul3A_586 : i32 to vector<16xi32>
        %add3A_591 = arith.addi %add3A_590, %mul3A_589 : vector<16xi32>
        %add3A_592 = arith.constant 13 : i32
        %add3A_593 = vector.broadcast %add3A_592 : i32 to vector<16xi32>
        %add3A_594 = arith.addi %add3A_591, %add3A_593 : vector<16xi32>
        %gather3A_595 = tpu.vector_load_idx %arg7[%add3A_594] : memref<6400xf32, #tpu.memory_space<vmem>>[vector<16xi32>], vector<16xf32>,
        %max3A_596 = arith.maximumf %max3A_584, %gather3A_595 : vector<16xf32>
        %mul3A_597 = arith.constant 256 : i32
        %mul3A_598 = arith.muli %scan3A_428, %mul3A_597 : i32
        %mul3A_599 = arith.constant 16 : i32
        %mul3A_600 = vector.broadcast %mul3A_599 : i32 to vector<16xi32>
        %mul3A_601 = arith.muli %iota3A, %mul3A_600 : vector<16xi32>
        %add3A_602 = vector.broadcast %mul3A_598 : i32 to vector<16xi32>
        %add3A_603 = arith.addi %add3A_602, %mul3A_601 : vector<16xi32>
        %add3A_604 = arith.constant 14 : i32
        %add3A_605 = vector.broadcast %add3A_604 : i32 to vector<16xi32>
        %add3A_606 = arith.addi %add3A_603, %add3A_605 : vector<16xi32>
        %gather3A_607 = tpu.vector_load_idx %arg7[%add3A_606] : memref<6400xf32, #tpu.memory_space<vmem>>[vector<16xi32>], vector<16xf32>,
        %max3A_608 = arith.maximumf %max3A_596, %gather3A_607 : vector<16xf32>
        %mul3A_609 = arith.constant 256 : i32
        %mul3A_610 = arith.muli %scan3A_428, %mul3A_609 : i32
        %mul3A_611 = arith.constant 16 : i32
        %mul3A_612 = vector.broadcast %mul3A_611 : i32 to vector<16xi32>
        %mul3A_613 = arith.muli %iota3A, %mul3A_612 : vector<16xi32>
        %add3A_614 = vector.broadcast %mul3A_610 : i32 to vector<16xi32>
        %add3A_615 = arith.addi %add3A_614, %mul3A_613 : vector<16xi32>
        %add3A_616 = arith.constant 15 : i32
        %add3A_617 = vector.broadcast %add3A_616 : i32 to vector<16xi32>
        %add3A_618 = arith.addi %add3A_615, %add3A_617 : vector<16xi32>
        %gather3A_619 = tpu.vector_load_idx %arg7[%add3A_618] : memref<6400xf32, #tpu.memory_space<vmem>>[vector<16xi32>], vector<16xf32>,
        %max3A_620 = arith.maximumf %max3A_608, %gather3A_619 : vector<16xf32>
        %mul3A_621 = arith.constant 16 : i32
        %mul3A_622 = arith.muli %scan3A_428, %mul3A_621 : i32
        %add3A_623 = vector.broadcast %mul3A_622 : i32 to vector<16xi32>
        %add3A_624 = arith.addi %add3A_623, %iota3A : vector<16xi32>
        tpu.vector_store_idx %arg8[%add3A_624], %max3A_620 : memref<512xf32, #tpu.memory_space<vmem>>[vector<16xi32>], vector<16xf32>,
      }
      %scan3A_43 = arith.constant 25 : i32
      %add3A_44 = arith.constant 400 : i32
      %add3A_45 = vector.broadcast %add3A_44 : i32 to vector<16xi32>
      %add3A_46 = arith.addi %add3A_45, %iota3A : vector<16xi32>
      tpu.vector_store_idx %arg8[%add3A_46], %broadcast_in_dim3A_1 : memref<512xf32, #tpu.memory_space<vmem>>[vector<16xi32>], vector<16xf32>,
      %add3A_47 = arith.constant 416 : i32
      %add3A_48 = vector.broadcast %add3A_47 : i32 to vector<16xi32>
      %add3A_49 = arith.addi %add3A_48, %iota3A : vector<16xi32>
      tpu.vector_store_idx %arg8[%add3A_49], %broadcast_in_dim3A_1 : memref<512xf32, #tpu.memory_space<vmem>>[vector<16xi32>], vector<16xf32>,
      %add3A_50 = arith.constant 432 : i32
      %add3A_51 = vector.broadcast %add3A_50 : i32 to vector<16xi32>
      %add3A_52 = arith.addi %add3A_51, %iota3A : vector<16xi32>
      tpu.vector_store_idx %arg8[%add3A_52], %broadcast_in_dim3A_1 : memref<512xf32, #tpu.memory_space<vmem>>[vector<16xi32>], vector<16xf32>,
      %add3A_53 = arith.constant 448 : i32
      %add3A_54 = vector.broadcast %add3A_53 : i32 to vector<16xi32>
      %add3A_55 = arith.addi %add3A_54, %iota3A : vector<16xi32>
      tpu.vector_store_idx %arg8[%add3A_55], %broadcast_in_dim3A_1 : memref<512xf32, #tpu.memory_space<vmem>>[vector<16xi32>], vector<16xf32>,
      %add3A_56 = arith.constant 464 : i32
      %add3A_57 = vector.broadcast %add3A_56 : i32 to vector<16xi32>
      %add3A_58 = arith.addi %add3A_57, %iota3A : vector<16xi32>
      tpu.vector_store_idx %arg8[%add3A_58], %broadcast_in_dim3A_1 : memref<512xf32, #tpu.memory_space<vmem>>[vector<16xi32>], vector<16xf32>,
      %add3A_59 = arith.constant 480 : i32
      %add3A_60 = vector.broadcast %add3A_59 : i32 to vector<16xi32>
      %add3A_61 = arith.addi %add3A_60, %iota3A : vector<16xi32>
      tpu.vector_store_idx %arg8[%add3A_61], %broadcast_in_dim3A_1 : memref<512xf32, #tpu.memory_space<vmem>>[vector<16xi32>], vector<16xf32>,
      %add3A_62 = arith.constant 496 : i32
      %add3A_63 = vector.broadcast %add3A_62 : i32 to vector<16xi32>
      %add3A_64 = arith.addi %add3A_63, %iota3A : vector<16xi32>
      tpu.vector_store_idx %arg8[%add3A_64], %broadcast_in_dim3A_1 : memref<512xf32, #tpu.memory_space<vmem>>[vector<16xi32>], vector<16xf32>,
      %mul3A_65 = arith.constant 16 : i32
      %mul3A_66 = vector.broadcast %mul3A_65 : i32 to vector<16xi32>
      %mul3A_67 = arith.muli %iota3A, %mul3A_66 : vector<16xi32>
      %add3A_68 = arith.constant 0 : i32
      %add3A_69 = vector.broadcast %add3A_68 : i32 to vector<16xi32>
      %add3A_70 = arith.addi %add3A_69, %mul3A_67 : vector<16xi32>
      %add3A_71 = arith.constant 0 : i32
      %add3A_72 = vector.broadcast %add3A_71 : i32 to vector<16xi32>
      %add3A_73 = arith.addi %add3A_70, %add3A_72 : vector<16xi32>
      %gather3A = tpu.vector_load_idx %arg8[%add3A_73] : memref<512xf32, #tpu.memory_space<vmem>>[vector<16xi32>], vector<16xf32>,
      %max3A = arith.maximumf %broadcast_in_dim3A_1, %gather3A : vector<16xf32>
      %mul3A_74 = arith.constant 16 : i32
      %mul3A_75 = vector.broadcast %mul3A_74 : i32 to vector<16xi32>
      %mul3A_76 = arith.muli %iota3A, %mul3A_75 : vector<16xi32>
      %add3A_77 = arith.constant 0 : i32
      %add3A_78 = vector.broadcast %add3A_77 : i32 to vector<16xi32>
      %add3A_79 = arith.addi %add3A_78, %mul3A_76 : vector<16xi32>
      %add3A_80 = arith.constant 1 : i32
      %add3A_81 = vector.broadcast %add3A_80 : i32 to vector<16xi32>
      %add3A_82 = arith.addi %add3A_79, %add3A_81 : vector<16xi32>
      %gather3A_83 = tpu.vector_load_idx %arg8[%add3A_82] : memref<512xf32, #tpu.memory_space<vmem>>[vector<16xi32>], vector<16xf32>,
      %max3A_84 = arith.maximumf %max3A, %gather3A_83 : vector<16xf32>
      %mul3A_85 = arith.constant 16 : i32
      %mul3A_86 = vector.broadcast %mul3A_85 : i32 to vector<16xi32>
      %mul3A_87 = arith.muli %iota3A, %mul3A_86 : vector<16xi32>
      %add3A_88 = arith.constant 0 : i32
      %add3A_89 = vector.broadcast %add3A_88 : i32 to vector<16xi32>
      %add3A_90 = arith.addi %add3A_89, %mul3A_87 : vector<16xi32>
      %add3A_91 = arith.constant 2 : i32
      %add3A_92 = vector.broadcast %add3A_91 : i32 to vector<16xi32>
      %add3A_93 = arith.addi %add3A_90, %add3A_92 : vector<16xi32>
      %gather3A_94 = tpu.vector_load_idx %arg8[%add3A_93] : memref<512xf32, #tpu.memory_space<vmem>>[vector<16xi32>], vector<16xf32>,
      %max3A_95 = arith.maximumf %max3A_84, %gather3A_94 : vector<16xf32>
      %mul3A_96 = arith.constant 16 : i32
      %mul3A_97 = vector.broadcast %mul3A_96 : i32 to vector<16xi32>
      %mul3A_98 = arith.muli %iota3A, %mul3A_97 : vector<16xi32>
      %add3A_99 = arith.constant 0 : i32
      %add3A_100 = vector.broadcast %add3A_99 : i32 to vector<16xi32>
      %add3A_101 = arith.addi %add3A_100, %mul3A_98 : vector<16xi32>
      %add3A_102 = arith.constant 3 : i32
      %add3A_103 = vector.broadcast %add3A_102 : i32 to vector<16xi32>
      %add3A_104 = arith.addi %add3A_101, %add3A_103 : vector<16xi32>
      %gather3A_105 = tpu.vector_load_idx %arg8[%add3A_104] : memref<512xf32, #tpu.memory_space<vmem>>[vector<16xi32>], vector<16xf32>,
      %max3A_106 = arith.maximumf %max3A_95, %gather3A_105 : vector<16xf32>
      %mul3A_107 = arith.constant 16 : i32
      %mul3A_108 = vector.broadcast %mul3A_107 : i32 to vector<16xi32>
      %mul3A_109 = arith.muli %iota3A, %mul3A_108 : vector<16xi32>
      %add3A_110 = arith.constant 0 : i32
      %add3A_111 = vector.broadcast %add3A_110 : i32 to vector<16xi32>
      %add3A_112 = arith.addi %add3A_111, %mul3A_109 : vector<16xi32>
      %add3A_113 = arith.constant 4 : i32
      %add3A_114 = vector.broadcast %add3A_113 : i32 to vector<16xi32>
      %add3A_115 = arith.addi %add3A_112, %add3A_114 : vector<16xi32>
      %gather3A_116 = tpu.vector_load_idx %arg8[%add3A_115] : memref<512xf32, #tpu.memory_space<vmem>>[vector<16xi32>], vector<16xf32>,
      %max3A_117 = arith.maximumf %max3A_106, %gather3A_116 : vector<16xf32>
      %mul3A_118 = arith.constant 16 : i32
      %mul3A_119 = vector.broadcast %mul3A_118 : i32 to vector<16xi32>
      %mul3A_120 = arith.muli %iota3A, %mul3A_119 : vector<16xi32>
      %add3A_121 = arith.constant 0 : i32
      %add3A_122 = vector.broadcast %add3A_121 : i32 to vector<16xi32>
      %add3A_123 = arith.addi %add3A_122, %mul3A_120 : vector<16xi32>
      %add3A_124 = arith.constant 5 : i32
      %add3A_125 = vector.broadcast %add3A_124 : i32 to vector<16xi32>
      %add3A_126 = arith.addi %add3A_123, %add3A_125 : vector<16xi32>
      %gather3A_127 = tpu.vector_load_idx %arg8[%add3A_126] : memref<512xf32, #tpu.memory_space<vmem>>[vector<16xi32>], vector<16xf32>,
      %max3A_128 = arith.maximumf %max3A_117, %gather3A_127 : vector<16xf32>
      %mul3A_129 = arith.constant 16 : i32
      %mul3A_130 = vector.broadcast %mul3A_129 : i32 to vector<16xi32>
      %mul3A_131 = arith.muli %iota3A, %mul3A_130 : vector<16xi32>
      %add3A_132 = arith.constant 0 : i32
      %add3A_133 = vector.broadcast %add3A_132 : i32 to vector<16xi32>
      %add3A_134 = arith.addi %add3A_133, %mul3A_131 : vector<16xi32>
      %add3A_135 = arith.constant 6 : i32
      %add3A_136 = vector.broadcast %add3A_135 : i32 to vector<16xi32>
      %add3A_137 = arith.addi %add3A_134, %add3A_136 : vector<16xi32>
      %gather3A_138 = tpu.vector_load_idx %arg8[%add3A_137] : memref<512xf32, #tpu.memory_space<vmem>>[vector<16xi32>], vector<16xf32>,
      %max3A_139 = arith.maximumf %max3A_128, %gather3A_138 : vector<16xf32>
      %mul3A_140 = arith.constant 16 : i32
      %mul3A_141 = vector.broadcast %mul3A_140 : i32 to vector<16xi32>
      %mul3A_142 = arith.muli %iota3A, %mul3A_141 : vector<16xi32>
      %add3A_143 = arith.constant 0 : i32
      %add3A_144 = vector.broadcast %add3A_143 : i32 to vector<16xi32>
      %add3A_145 = arith.addi %add3A_144, %mul3A_142 : vector<16xi32>
      %add3A_146 = arith.constant 7 : i32
      %add3A_147 = vector.broadcast %add3A_146 : i32 to vector<16xi32>
      %add3A_148 = arith.addi %add3A_145, %add3A_147 : vector<16xi32>
      %gather3A_149 = tpu.vector_load_idx %arg8[%add3A_148] : memref<512xf32, #tpu.memory_space<vmem>>[vector<16xi32>], vector<16xf32>,
      %max3A_150 = arith.maximumf %max3A_139, %gather3A_149 : vector<16xf32>
      %mul3A_151 = arith.constant 16 : i32
      %mul3A_152 = vector.broadcast %mul3A_151 : i32 to vector<16xi32>
      %mul3A_153 = arith.muli %iota3A, %mul3A_152 : vector<16xi32>
      %add3A_154 = arith.constant 0 : i32
      %add3A_155 = vector.broadcast %add3A_154 : i32 to vector<16xi32>
      %add3A_156 = arith.addi %add3A_155, %mul3A_153 : vector<16xi32>
      %add3A_157 = arith.constant 8 : i32
      %add3A_158 = vector.broadcast %add3A_157 : i32 to vector<16xi32>
      %add3A_159 = arith.addi %add3A_156, %add3A_158 : vector<16xi32>
      %gather3A_160 = tpu.vector_load_idx %arg8[%add3A_159] : memref<512xf32, #tpu.memory_space<vmem>>[vector<16xi32>], vector<16xf32>,
      %max3A_161 = arith.maximumf %max3A_150, %gather3A_160 : vector<16xf32>
      %mul3A_162 = arith.constant 16 : i32
      %mul3A_163 = vector.broadcast %mul3A_162 : i32 to vector<16xi32>
      %mul3A_164 = arith.muli %iota3A, %mul3A_163 : vector<16xi32>
      %add3A_165 = arith.constant 0 : i32
      %add3A_166 = vector.broadcast %add3A_165 : i32 to vector<16xi32>
      %add3A_167 = arith.addi %add3A_166, %mul3A_164 : vector<16xi32>
      %add3A_168 = arith.constant 9 : i32
      %add3A_169 = vector.broadcast %add3A_168 : i32 to vector<16xi32>
      %add3A_170 = arith.addi %add3A_167, %add3A_169 : vector<16xi32>
      %gather3A_171 = tpu.vector_load_idx %arg8[%add3A_170] : memref<512xf32, #tpu.memory_space<vmem>>[vector<16xi32>], vector<16xf32>,
      %max3A_172 = arith.maximumf %max3A_161, %gather3A_171 : vector<16xf32>
      %mul3A_173 = arith.constant 16 : i32
      %mul3A_174 = vector.broadcast %mul3A_173 : i32 to vector<16xi32>
      %mul3A_175 = arith.muli %iota3A, %mul3A_174 : vector<16xi32>
      %add3A_176 = arith.constant 0 : i32
      %add3A_177 = vector.broadcast %add3A_176 : i32 to vector<16xi32>
      %add3A_178 = arith.addi %add3A_177, %mul3A_175 : vector<16xi32>
      %add3A_179 = arith.constant 10 : i32
      %add3A_180 = vector.broadcast %add3A_179 : i32 to vector<16xi32>
      %add3A_181 = arith.addi %add3A_178, %add3A_180 : vector<16xi32>
      %gather3A_182 = tpu.vector_load_idx %arg8[%add3A_181] : memref<512xf32, #tpu.memory_space<vmem>>[vector<16xi32>], vector<16xf32>,
      %max3A_183 = arith.maximumf %max3A_172, %gather3A_182 : vector<16xf32>
      %mul3A_184 = arith.constant 16 : i32
      %mul3A_185 = vector.broadcast %mul3A_184 : i32 to vector<16xi32>
      %mul3A_186 = arith.muli %iota3A, %mul3A_185 : vector<16xi32>
      %add3A_187 = arith.constant 0 : i32
      %add3A_188 = vector.broadcast %add3A_187 : i32 to vector<16xi32>
      %add3A_189 = arith.addi %add3A_188, %mul3A_186 : vector<16xi32>
      %add3A_190 = arith.constant 11 : i32
      %add3A_191 = vector.broadcast %add3A_190 : i32 to vector<16xi32>
      %add3A_192 = arith.addi %add3A_189, %add3A_191 : vector<16xi32>
      %gather3A_193 = tpu.vector_load_idx %arg8[%add3A_192] : memref<512xf32, #tpu.memory_space<vmem>>[vector<16xi32>], vector<16xf32>,
      %max3A_194 = arith.maximumf %max3A_183, %gather3A_193 : vector<16xf32>
      %mul3A_195 = arith.constant 16 : i32
      %mul3A_196 = vector.broadcast %mul3A_195 : i32 to vector<16xi32>
      %mul3A_197 = arith.muli %iota3A, %mul3A_196 : vector<16xi32>
      %add3A_198 = arith.constant 0 : i32
      %add3A_199 = vector.broadcast %add3A_198 : i32 to vector<16xi32>
      %add3A_200 = arith.addi %add3A_199, %mul3A_197 : vector<16xi32>
      %add3A_201 = arith.constant 12 : i32
      %add3A_202 = vector.broadcast %add3A_201 : i32 to vector<16xi32>
      %add3A_203 = arith.addi %add3A_200, %add3A_202 : vector<16xi32>
      %gather3A_204 = tpu.vector_load_idx %arg8[%add3A_203] : memref<512xf32, #tpu.memory_space<vmem>>[vector<16xi32>], vector<16xf32>,
      %max3A_205 = arith.maximumf %max3A_194, %gather3A_204 : vector<16xf32>
      %mul3A_206 = arith.constant 16 : i32
      %mul3A_207 = vector.broadcast %mul3A_206 : i32 to vector<16xi32>
      %mul3A_208 = arith.muli %iota3A, %mul3A_207 : vector<16xi32>
      %add3A_209 = arith.constant 0 : i32
      %add3A_210 = vector.broadcast %add3A_209 : i32 to vector<16xi32>
      %add3A_211 = arith.addi %add3A_210, %mul3A_208 : vector<16xi32>
      %add3A_212 = arith.constant 13 : i32
      %add3A_213 = vector.broadcast %add3A_212 : i32 to vector<16xi32>
      %add3A_214 = arith.addi %add3A_211, %add3A_213 : vector<16xi32>
      %gather3A_215 = tpu.vector_load_idx %arg8[%add3A_214] : memref<512xf32, #tpu.memory_space<vmem>>[vector<16xi32>], vector<16xf32>,
      %max3A_216 = arith.maximumf %max3A_205, %gather3A_215 : vector<16xf32>
      %mul3A_217 = arith.constant 16 : i32
      %mul3A_218 = vector.broadcast %mul3A_217 : i32 to vector<16xi32>
      %mul3A_219 = arith.muli %iota3A, %mul3A_218 : vector<16xi32>
      %add3A_220 = arith.constant 0 : i32
      %add3A_221 = vector.broadcast %add3A_220 : i32 to vector<16xi32>
      %add3A_222 = arith.addi %add3A_221, %mul3A_219 : vector<16xi32>
      %add3A_223 = arith.constant 14 : i32
      %add3A_224 = vector.broadcast %add3A_223 : i32 to vector<16xi32>
      %add3A_225 = arith.addi %add3A_222, %add3A_224 : vector<16xi32>
      %gather3A_226 = tpu.vector_load_idx %arg8[%add3A_225] : memref<512xf32, #tpu.memory_space<vmem>>[vector<16xi32>], vector<16xf32>,
      %max3A_227 = arith.maximumf %max3A_216, %gather3A_226 : vector<16xf32>
      %mul3A_228 = arith.constant 16 : i32
      %mul3A_229 = vector.broadcast %mul3A_228 : i32 to vector<16xi32>
      %mul3A_230 = arith.muli %iota3A, %mul3A_229 : vector<16xi32>
      %add3A_231 = arith.constant 0 : i32
      %add3A_232 = vector.broadcast %add3A_231 : i32 to vector<16xi32>
      %add3A_233 = arith.addi %add3A_232, %mul3A_230 : vector<16xi32>
      %add3A_234 = arith.constant 15 : i32
      %add3A_235 = vector.broadcast %add3A_234 : i32 to vector<16xi32>
      %add3A_236 = arith.addi %add3A_233, %add3A_235 : vector<16xi32>
      %gather3A_237 = tpu.vector_load_idx %arg8[%add3A_236] : memref<512xf32, #tpu.memory_space<vmem>>[vector<16xi32>], vector<16xf32>,
      %max3A_238 = arith.maximumf %max3A_227, %gather3A_237 : vector<16xf32>
      %add3A_239 = arith.constant 0 : i32
      %add3A_240 = vector.broadcast %add3A_239 : i32 to vector<16xi32>
      %add3A_241 = arith.addi %add3A_240, %iota3A : vector<16xi32>
      tpu.vector_store_idx %arg9[%add3A_241], %max3A_238 : memref<32xf32, #tpu.memory_space<vmem>>[vector<16xi32>], vector<16xf32>,
      %mul3A_242 = arith.constant 16 : i32
      %mul3A_243 = vector.broadcast %mul3A_242 : i32 to vector<16xi32>
      %mul3A_244 = arith.muli %iota3A, %mul3A_243 : vector<16xi32>
      %add3A_245 = arith.constant 256 : i32
      %add3A_246 = vector.broadcast %add3A_245 : i32 to vector<16xi32>
      %add3A_247 = arith.addi %add3A_246, %mul3A_244 : vector<16xi32>
      %add3A_248 = arith.constant 0 : i32
      %add3A_249 = vector.broadcast %add3A_248 : i32 to vector<16xi32>
      %add3A_250 = arith.addi %add3A_247, %add3A_249 : vector<16xi32>
      %gather3A_251 = tpu.vector_load_idx %arg8[%add3A_250] : memref<512xf32, #tpu.memory_space<vmem>>[vector<16xi32>], vector<16xf32>,
      %max3A_252 = arith.maximumf %broadcast_in_dim3A_1, %gather3A_251 : vector<16xf32>
      %mul3A_253 = arith.constant 16 : i32
      %mul3A_254 = vector.broadcast %mul3A_253 : i32 to vector<16xi32>
      %mul3A_255 = arith.muli %iota3A, %mul3A_254 : vector<16xi32>
      %add3A_256 = arith.constant 256 : i32
      %add3A_257 = vector.broadcast %add3A_256 : i32 to vector<16xi32>
      %add3A_258 = arith.addi %add3A_257, %mul3A_255 : vector<16xi32>
      %add3A_259 = arith.constant 1 : i32
      %add3A_260 = vector.broadcast %add3A_259 : i32 to vector<16xi32>
      %add3A_261 = arith.addi %add3A_258, %add3A_260 : vector<16xi32>
      %gather3A_262 = tpu.vector_load_idx %arg8[%add3A_261] : memref<512xf32, #tpu.memory_space<vmem>>[vector<16xi32>], vector<16xf32>,
      %max3A_263 = arith.maximumf %max3A_252, %gather3A_262 : vector<16xf32>
      %mul3A_264 = arith.constant 16 : i32
      %mul3A_265 = vector.broadcast %mul3A_264 : i32 to vector<16xi32>
      %mul3A_266 = arith.muli %iota3A, %mul3A_265 : vector<16xi32>
      %add3A_267 = arith.constant 256 : i32
      %add3A_268 = vector.broadcast %add3A_267 : i32 to vector<16xi32>
      %add3A_269 = arith.addi %add3A_268, %mul3A_266 : vector<16xi32>
      %add3A_270 = arith.constant 2 : i32
      %add3A_271 = vector.broadcast %add3A_270 : i32 to vector<16xi32>
      %add3A_272 = arith.addi %add3A_269, %add3A_271 : vector<16xi32>
      %gather3A_273 = tpu.vector_load_idx %arg8[%add3A_272] : memref<512xf32, #tpu.memory_space<vmem>>[vector<16xi32>], vector<16xf32>,
      %max3A_274 = arith.maximumf %max3A_263, %gather3A_273 : vector<16xf32>
      %mul3A_275 = arith.constant 16 : i32
      %mul3A_276 = vector.broadcast %mul3A_275 : i32 to vector<16xi32>
      %mul3A_277 = arith.muli %iota3A, %mul3A_276 : vector<16xi32>
      %add3A_278 = arith.constant 256 : i32
      %add3A_279 = vector.broadcast %add3A_278 : i32 to vector<16xi32>
      %add3A_280 = arith.addi %add3A_279, %mul3A_277 : vector<16xi32>
      %add3A_281 = arith.constant 3 : i32
      %add3A_282 = vector.broadcast %add3A_281 : i32 to vector<16xi32>
      %add3A_283 = arith.addi %add3A_280, %add3A_282 : vector<16xi32>
      %gather3A_284 = tpu.vector_load_idx %arg8[%add3A_283] : memref<512xf32, #tpu.memory_space<vmem>>[vector<16xi32>], vector<16xf32>,
      %max3A_285 = arith.maximumf %max3A_274, %gather3A_284 : vector<16xf32>
      %mul3A_286 = arith.constant 16 : i32
      %mul3A_287 = vector.broadcast %mul3A_286 : i32 to vector<16xi32>
      %mul3A_288 = arith.muli %iota3A, %mul3A_287 : vector<16xi32>
      %add3A_289 = arith.constant 256 : i32
      %add3A_290 = vector.broadcast %add3A_289 : i32 to vector<16xi32>
      %add3A_291 = arith.addi %add3A_290, %mul3A_288 : vector<16xi32>
      %add3A_292 = arith.constant 4 : i32
      %add3A_293 = vector.broadcast %add3A_292 : i32 to vector<16xi32>
      %add3A_294 = arith.addi %add3A_291, %add3A_293 : vector<16xi32>
      %gather3A_295 = tpu.vector_load_idx %arg8[%add3A_294] : memref<512xf32, #tpu.memory_space<vmem>>[vector<16xi32>], vector<16xf32>,
      %max3A_296 = arith.maximumf %max3A_285, %gather3A_295 : vector<16xf32>
      %mul3A_297 = arith.constant 16 : i32
      %mul3A_298 = vector.broadcast %mul3A_297 : i32 to vector<16xi32>
      %mul3A_299 = arith.muli %iota3A, %mul3A_298 : vector<16xi32>
      %add3A_300 = arith.constant 256 : i32
      %add3A_301 = vector.broadcast %add3A_300 : i32 to vector<16xi32>
      %add3A_302 = arith.addi %add3A_301, %mul3A_299 : vector<16xi32>
      %add3A_303 = arith.constant 5 : i32
      %add3A_304 = vector.broadcast %add3A_303 : i32 to vector<16xi32>
      %add3A_305 = arith.addi %add3A_302, %add3A_304 : vector<16xi32>
      %gather3A_306 = tpu.vector_load_idx %arg8[%add3A_305] : memref<512xf32, #tpu.memory_space<vmem>>[vector<16xi32>], vector<16xf32>,
      %max3A_307 = arith.maximumf %max3A_296, %gather3A_306 : vector<16xf32>
      %mul3A_308 = arith.constant 16 : i32
      %mul3A_309 = vector.broadcast %mul3A_308 : i32 to vector<16xi32>
      %mul3A_310 = arith.muli %iota3A, %mul3A_309 : vector<16xi32>
      %add3A_311 = arith.constant 256 : i32
      %add3A_312 = vector.broadcast %add3A_311 : i32 to vector<16xi32>
      %add3A_313 = arith.addi %add3A_312, %mul3A_310 : vector<16xi32>
      %add3A_314 = arith.constant 6 : i32
      %add3A_315 = vector.broadcast %add3A_314 : i32 to vector<16xi32>
      %add3A_316 = arith.addi %add3A_313, %add3A_315 : vector<16xi32>
      %gather3A_317 = tpu.vector_load_idx %arg8[%add3A_316] : memref<512xf32, #tpu.memory_space<vmem>>[vector<16xi32>], vector<16xf32>,
      %max3A_318 = arith.maximumf %max3A_307, %gather3A_317 : vector<16xf32>
      %mul3A_319 = arith.constant 16 : i32
      %mul3A_320 = vector.broadcast %mul3A_319 : i32 to vector<16xi32>
      %mul3A_321 = arith.muli %iota3A, %mul3A_320 : vector<16xi32>
      %add3A_322 = arith.constant 256 : i32
      %add3A_323 = vector.broadcast %add3A_322 : i32 to vector<16xi32>
      %add3A_324 = arith.addi %add3A_323, %mul3A_321 : vector<16xi32>
      %add3A_325 = arith.constant 7 : i32
      %add3A_326 = vector.broadcast %add3A_325 : i32 to vector<16xi32>
      %add3A_327 = arith.addi %add3A_324, %add3A_326 : vector<16xi32>
      %gather3A_328 = tpu.vector_load_idx %arg8[%add3A_327] : memref<512xf32, #tpu.memory_space<vmem>>[vector<16xi32>], vector<16xf32>,
      %max3A_329 = arith.maximumf %max3A_318, %gather3A_328 : vector<16xf32>
      %mul3A_330 = arith.constant 16 : i32
      %mul3A_331 = vector.broadcast %mul3A_330 : i32 to vector<16xi32>
      %mul3A_332 = arith.muli %iota3A, %mul3A_331 : vector<16xi32>
      %add3A_333 = arith.constant 256 : i32
      %add3A_334 = vector.broadcast %add3A_333 : i32 to vector<16xi32>
      %add3A_335 = arith.addi %add3A_334, %mul3A_332 : vector<16xi32>
      %add3A_336 = arith.constant 8 : i32
      %add3A_337 = vector.broadcast %add3A_336 : i32 to vector<16xi32>
      %add3A_338 = arith.addi %add3A_335, %add3A_337 : vector<16xi32>
      %gather3A_339 = tpu.vector_load_idx %arg8[%add3A_338] : memref<512xf32, #tpu.memory_space<vmem>>[vector<16xi32>], vector<16xf32>,
      %max3A_340 = arith.maximumf %max3A_329, %gather3A_339 : vector<16xf32>
      %mul3A_341 = arith.constant 16 : i32
      %mul3A_342 = vector.broadcast %mul3A_341 : i32 to vector<16xi32>
      %mul3A_343 = arith.muli %iota3A, %mul3A_342 : vector<16xi32>
      %add3A_344 = arith.constant 256 : i32
      %add3A_345 = vector.broadcast %add3A_344 : i32 to vector<16xi32>
      %add3A_346 = arith.addi %add3A_345, %mul3A_343 : vector<16xi32>
      %add3A_347 = arith.constant 9 : i32
      %add3A_348 = vector.broadcast %add3A_347 : i32 to vector<16xi32>
      %add3A_349 = arith.addi %add3A_346, %add3A_348 : vector<16xi32>
      %gather3A_350 = tpu.vector_load_idx %arg8[%add3A_349] : memref<512xf32, #tpu.memory_space<vmem>>[vector<16xi32>], vector<16xf32>,
      %max3A_351 = arith.maximumf %max3A_340, %gather3A_350 : vector<16xf32>
      %mul3A_352 = arith.constant 16 : i32
      %mul3A_353 = vector.broadcast %mul3A_352 : i32 to vector<16xi32>
      %mul3A_354 = arith.muli %iota3A, %mul3A_353 : vector<16xi32>
      %add3A_355 = arith.constant 256 : i32
      %add3A_356 = vector.broadcast %add3A_355 : i32 to vector<16xi32>
      %add3A_357 = arith.addi %add3A_356, %mul3A_354 : vector<16xi32>
      %add3A_358 = arith.constant 10 : i32
      %add3A_359 = vector.broadcast %add3A_358 : i32 to vector<16xi32>
      %add3A_360 = arith.addi %add3A_357, %add3A_359 : vector<16xi32>
      %gather3A_361 = tpu.vector_load_idx %arg8[%add3A_360] : memref<512xf32, #tpu.memory_space<vmem>>[vector<16xi32>], vector<16xf32>,
      %max3A_362 = arith.maximumf %max3A_351, %gather3A_361 : vector<16xf32>
      %mul3A_363 = arith.constant 16 : i32
      %mul3A_364 = vector.broadcast %mul3A_363 : i32 to vector<16xi32>
      %mul3A_365 = arith.muli %iota3A, %mul3A_364 : vector<16xi32>
      %add3A_366 = arith.constant 256 : i32
      %add3A_367 = vector.broadcast %add3A_366 : i32 to vector<16xi32>
      %add3A_368 = arith.addi %add3A_367, %mul3A_365 : vector<16xi32>
      %add3A_369 = arith.constant 11 : i32
      %add3A_370 = vector.broadcast %add3A_369 : i32 to vector<16xi32>
      %add3A_371 = arith.addi %add3A_368, %add3A_370 : vector<16xi32>
      %gather3A_372 = tpu.vector_load_idx %arg8[%add3A_371] : memref<512xf32, #tpu.memory_space<vmem>>[vector<16xi32>], vector<16xf32>,
      %max3A_373 = arith.maximumf %max3A_362, %gather3A_372 : vector<16xf32>
      %mul3A_374 = arith.constant 16 : i32
      %mul3A_375 = vector.broadcast %mul3A_374 : i32 to vector<16xi32>
      %mul3A_376 = arith.muli %iota3A, %mul3A_375 : vector<16xi32>
      %add3A_377 = arith.constant 256 : i32
      %add3A_378 = vector.broadcast %add3A_377 : i32 to vector<16xi32>
      %add3A_379 = arith.addi %add3A_378, %mul3A_376 : vector<16xi32>
      %add3A_380 = arith.constant 12 : i32
      %add3A_381 = vector.broadcast %add3A_380 : i32 to vector<16xi32>
      %add3A_382 = arith.addi %add3A_379, %add3A_381 : vector<16xi32>
      %gather3A_383 = tpu.vector_load_idx %arg8[%add3A_382] : memref<512xf32, #tpu.memory_space<vmem>>[vector<16xi32>], vector<16xf32>,
      %max3A_384 = arith.maximumf %max3A_373, %gather3A_383 : vector<16xf32>
      %mul3A_385 = arith.constant 16 : i32
      %mul3A_386 = vector.broadcast %mul3A_385 : i32 to vector<16xi32>
      %mul3A_387 = arith.muli %iota3A, %mul3A_386 : vector<16xi32>
      %add3A_388 = arith.constant 256 : i32
      %add3A_389 = vector.broadcast %add3A_388 : i32 to vector<16xi32>
      %add3A_390 = arith.addi %add3A_389, %mul3A_387 : vector<16xi32>
      %add3A_391 = arith.constant 13 : i32
      %add3A_392 = vector.broadcast %add3A_391 : i32 to vector<16xi32>
      %add3A_393 = arith.addi %add3A_390, %add3A_392 : vector<16xi32>
      %gather3A_394 = tpu.vector_load_idx %arg8[%add3A_393] : memref<512xf32, #tpu.memory_space<vmem>>[vector<16xi32>], vector<16xf32>,
      %max3A_395 = arith.maximumf %max3A_384, %gather3A_394 : vector<16xf32>
      %mul3A_396 = arith.constant 16 : i32
      %mul3A_397 = vector.broadcast %mul3A_396 : i32 to vector<16xi32>
      %mul3A_398 = arith.muli %iota3A, %mul3A_397 : vector<16xi32>
      %add3A_399 = arith.constant 256 : i32
      %add3A_400 = vector.broadcast %add3A_399 : i32 to vector<16xi32>
      %add3A_401 = arith.addi %add3A_400, %mul3A_398 : vector<16xi32>
      %add3A_402 = arith.constant 14 : i32
      %add3A_403 = vector.broadcast %add3A_402 : i32 to vector<16xi32>
      %add3A_404 = arith.addi %add3A_401, %add3A_403 : vector<16xi32>
      %gather3A_405 = tpu.vector_load_idx %arg8[%add3A_404] : memref<512xf32, #tpu.memory_space<vmem>>[vector<16xi32>], vector<16xf32>,
      %max3A_406 = arith.maximumf %max3A_395, %gather3A_405 : vector<16xf32>
      %mul3A_407 = arith.constant 16 : i32
      %mul3A_408 = vector.broadcast %mul3A_407 : i32 to vector<16xi32>
      %mul3A_409 = arith.muli %iota3A, %mul3A_408 : vector<16xi32>
      %add3A_410 = arith.constant 256 : i32
      %add3A_411 = vector.broadcast %add3A_410 : i32 to vector<16xi32>
      %add3A_412 = arith.addi %add3A_411, %mul3A_409 : vector<16xi32>
      %add3A_413 = arith.constant 15 : i32
      %add3A_414 = vector.broadcast %add3A_413 : i32 to vector<16xi32>
      %add3A_415 = arith.addi %add3A_412, %add3A_414 : vector<16xi32>
      %gather3A_416 = tpu.vector_load_idx %arg8[%add3A_415] : memref<512xf32, #tpu.memory_space<vmem>>[vector<16xi32>], vector<16xf32>,
      %max3A_417 = arith.maximumf %max3A_406, %gather3A_416 : vector<16xf32>
      %add3A_418 = arith.constant 16 : i32
      %add3A_419 = vector.broadcast %add3A_418 : i32 to vector<16xi32>
      %add3A_420 = arith.addi %add3A_419, %iota3A : vector<16xi32>
      tpu.vector_store_idx %arg9[%add3A_420], %max3A_417 : memref<32xf32, #tpu.memory_space<vmem>>[vector<16xi32>], vector<16xf32>,
      %scan3A_421 = arith.constant 0 : i32
      %scan3A_422 = arith.constant 7 : i32
      %scan3A_423 = arith.addi %scan3A_421, %scan3A_422 : i32
      %scan3A_424 = arith.constant 1 : i32
      scf.for %scan3A_428 = %scan3A_421 to %scan3A_423 step %scan3A_424  : i32 {
        %broadcast_in_dim3A_429 = arith.constant 0 : i32
        %broadcast_in_dim3A_430 = vector.broadcast %broadcast_in_dim3A_429 : i32 to vector<16xi32>
        %gather3A_431 = tpu.vector_load_idx %arg9[%iota3A] : memref<32xf32, #tpu.memory_space<vmem>>[vector<16xi32>], vector<16xf32>,
        %add3A_432 = arith.constant 16 : i32
        %add3A_433 = vector.broadcast %add3A_432 : i32 to vector<16xi32>
        %add3A_434 = arith.addi %add3A_433, %iota3A : vector<16xi32>
        %gather3A_435 = tpu.vector_load_idx %arg9[%add3A_434] : memref<32xf32, #tpu.memory_space<vmem>>[vector<16xi32>], vector<16xf32>,
        %reduce_max3A = arith.constant true
        %reduce_max3A_436 = vector.broadcast %reduce_max3A : i1 to vector<16xi1>
        %reduce_max3A_437 = tpu.scan <max>, %gather3A_431 masked %reduce_max3A_436 : vector<16xf32>, vector<16xi1> -> vector<16xf32>
        %reduce_max3A_438 = vector.extract %reduce_max3A_437[15] : f32 from vector<16xf32>
        %reduce_max3A_439 = arith.constant true
        %reduce_max3A_440 = vector.broadcast %reduce_max3A_439 : i1 to vector<16xi1>
        %reduce_max3A_441 = tpu.scan <max>, %gather3A_435 masked %reduce_max3A_440 : vector<16xf32>, vector<16xi1> -> vector<16xf32>
        %reduce_max3A_442 = vector.extract %reduce_max3A_441[15] : f32 from vector<16xf32>
        %gt3A = arith.cmpf ogt, %reduce_max3A_442, %reduce_max3A_438 : f32
        %select_n3A = arith.select %gt3A, %reduce_max3A_442, %reduce_max3A_438 : f32
        %select_n3A_443 = arith.select %gt3A, %gather3A_435, %gather3A_431 : vector<16xf32>
        %eq3A = vector.broadcast %select_n3A : f32 to vector<16xf32>
        %eq3A_444 = arith.cmpf oeq, %select_n3A_443, %eq3A : vector<16xf32>
        %jit3A = arith.constant 99 : i32
        %broadcast_in_dim3A_445 = vector.broadcast %jit3A : i32 to vector<16xi32>
        %select_n3A_446 = arith.select %eq3A_444, %iota3A, %broadcast_in_dim3A_445 : vector<16xi1>, vector<16xi32>
        %reduce_min3A = arith.constant true
        %reduce_min3A_447 = vector.broadcast %reduce_min3A : i1 to vector<16xi1>
        %reduce_min3A_448 = arith.constant -2147483648 : i32
        %reduce_min3A_449 = vector.broadcast %reduce_min3A_448 : i32 to vector<16xi32>
        %reduce_min3A_450 = arith.xori %select_n3A_446, %reduce_min3A_449 : vector<16xi32>
        %reduce_min3A_451 = tpu.scan <min>, %reduce_min3A_450 masked %reduce_min3A_447 : vector<16xi32>, vector<16xi1> -> vector<16xi32>
        %reduce_min3A_452 = arith.xori %reduce_min3A_451, %reduce_min3A_449 : vector<16xi32>
        %reduce_min3A_453 = vector.extract %reduce_min3A_452[15] : i32 from vector<16xi32>
        %jit3A_454 = arith.constant 16 : i32
        %jit3A_455 = arith.constant 0 : i32
        %select_n3A_456 = arith.select %gt3A, %jit3A_454, %jit3A_455 : i32
        %add3A_457 = arith.addi %select_n3A_456, %reduce_min3A_453 : i32
        %mul3A_458 = arith.constant 16 : i32
        %mul3A_459 = arith.muli %add3A_457, %mul3A_458 : i32
        %add3A_460 = vector.broadcast %mul3A_459 : i32 to vector<16xi32>
        %add3A_461 = arith.addi %add3A_460, %iota3A : vector<16xi32>
        %gather3A_462 = tpu.vector_load_idx %arg8[%add3A_461] : memref<512xf32, #tpu.memory_space<vmem>>[vector<16xi32>], vector<16xf32>,
        %eq3A_463 = vector.broadcast %select_n3A : f32 to vector<16xf32>
        %eq3A_464 = arith.cmpf oeq, %gather3A_462, %eq3A_463 : vector<16xf32>
        %jit3A_465 = arith.constant 99 : i32
        %broadcast_in_dim3A_466 = vector.broadcast %jit3A_465 : i32 to vector<16xi32>
        %select_n3A_467 = arith.select %eq3A_464, %iota3A, %broadcast_in_dim3A_466 : vector<16xi1>, vector<16xi32>
        %reduce_min3A_468 = arith.constant true
        %reduce_min3A_469 = vector.broadcast %reduce_min3A_468 : i1 to vector<16xi1>
        %reduce_min3A_470 = arith.constant -2147483648 : i32
        %reduce_min3A_471 = vector.broadcast %reduce_min3A_470 : i32 to vector<16xi32>
        %reduce_min3A_472 = arith.xori %select_n3A_467, %reduce_min3A_471 : vector<16xi32>
        %reduce_min3A_473 = tpu.scan <min>, %reduce_min3A_472 masked %reduce_min3A_469 : vector<16xi32>, vector<16xi1> -> vector<16xi32>
        %reduce_min3A_474 = arith.xori %reduce_min3A_473, %reduce_min3A_471 : vector<16xi32>
        %reduce_min3A_475 = vector.extract %reduce_min3A_474[15] : i32 from vector<16xi32>
        %mul3A_476 = arith.constant 16 : i32
        %mul3A_477 = arith.muli %add3A_457, %mul3A_476 : i32
        %add3A_478 = arith.addi %mul3A_477, %reduce_min3A_475 : i32
        %mul3A_479 = arith.constant 16 : i32
        %mul3A_480 = arith.muli %add3A_478, %mul3A_479 : i32
        %add3A_481 = vector.broadcast %mul3A_480 : i32 to vector<16xi32>
        %add3A_482 = arith.addi %add3A_481, %iota3A : vector<16xi32>
        %gather3A_483 = tpu.vector_load_idx %arg7[%add3A_482] : memref<6400xf32, #tpu.memory_space<vmem>>[vector<16xi32>], vector<16xf32>,
        %eq3A_484 = vector.broadcast %select_n3A : f32 to vector<16xf32>
        %eq3A_485 = arith.cmpf oeq, %gather3A_483, %eq3A_484 : vector<16xf32>
        %jit3A_486 = arith.constant 99 : i32
        %broadcast_in_dim3A_487 = vector.broadcast %jit3A_486 : i32 to vector<16xi32>
        %select_n3A_488 = arith.select %eq3A_485, %iota3A, %broadcast_in_dim3A_487 : vector<16xi1>, vector<16xi32>
        %reduce_min3A_489 = arith.constant true
        %reduce_min3A_490 = vector.broadcast %reduce_min3A_489 : i1 to vector<16xi1>
        %reduce_min3A_491 = arith.constant -2147483648 : i32
        %reduce_min3A_492 = vector.broadcast %reduce_min3A_491 : i32 to vector<16xi32>
        %reduce_min3A_493 = arith.xori %select_n3A_488, %reduce_min3A_492 : vector<16xi32>
        %reduce_min3A_494 = tpu.scan <min>, %reduce_min3A_493 masked %reduce_min3A_490 : vector<16xi32>, vector<16xi1> -> vector<16xi32>
        %reduce_min3A_495 = arith.xori %reduce_min3A_494, %reduce_min3A_492 : vector<16xi32>
        %reduce_min3A_496 = vector.extract %reduce_min3A_495[15] : i32 from vector<16xi32>
        %mul3A_497 = arith.constant 16 : i32
        %mul3A_498 = arith.muli %add3A_478, %mul3A_497 : i32
        %add3A_499 = arith.addi %mul3A_498, %reduce_min3A_496 : i32
        %mul3A_500 = arith.constant 16 : i32
        %mul3A_501 = arith.muli %add3A_499, %mul3A_500 : i32
        %add3A_502 = vector.broadcast %mul3A_501 : i32 to vector<16xi32>
        %add3A_503 = arith.addi %add3A_502, %iota3A : vector<16xi32>
        %gather3A_504 = tpu.vector_load_idx %arg6[%add3A_503] : memref<100352xf32, #tpu.memory_space<vmem>>[vector<16xi32>], vector<16xf32>,
        %eq3A_505 = vector.broadcast %select_n3A : f32 to vector<16xf32>
        %eq3A_506 = arith.cmpf oeq, %gather3A_504, %eq3A_505 : vector<16xf32>
        %jit3A_507 = arith.constant 99 : i32
        %broadcast_in_dim3A_508 = vector.broadcast %jit3A_507 : i32 to vector<16xi32>
        %select_n3A_509 = arith.select %eq3A_506, %iota3A, %broadcast_in_dim3A_508 : vector<16xi1>, vector<16xi32>
        %reduce_min3A_510 = arith.constant true
        %reduce_min3A_511 = vector.broadcast %reduce_min3A_510 : i1 to vector<16xi1>
        %reduce_min3A_512 = arith.constant -2147483648 : i32
        %reduce_min3A_513 = vector.broadcast %reduce_min3A_512 : i32 to vector<16xi32>
        %reduce_min3A_514 = arith.xori %select_n3A_509, %reduce_min3A_513 : vector<16xi32>
        %reduce_min3A_515 = tpu.scan <min>, %reduce_min3A_514 masked %reduce_min3A_511 : vector<16xi32>, vector<16xi1> -> vector<16xi32>
        %reduce_min3A_516 = arith.xori %reduce_min3A_515, %reduce_min3A_513 : vector<16xi32>
        %reduce_min3A_517 = vector.extract %reduce_min3A_516[15] : i32 from vector<16xi32>
        %mul3A_518 = arith.constant 16 : i32
        %mul3A_519 = arith.muli %add3A_499, %mul3A_518 : i32
        %add3A_520 = arith.addi %mul3A_519, %reduce_min3A_517 : i32
        %eq3A_521 = arith.constant 0 : i32
        %eq3A_522 = vector.broadcast %eq3A_521 : i32 to vector<16xi32>
        %eq3A_523 = arith.cmpi eq, %iota3A, %eq3A_522 : vector<16xi32>
        %broadcast_in_dim3A_524 = vector.broadcast %add3A_520 : i32 to vector<16xi32>
        %select_n3A_525 = arith.select %eq3A_523, %broadcast_in_dim3A_524, %broadcast_in_dim3A_430 : vector<16xi1>, vector<16xi32>
        %eq3A_526 = arith.constant 0 : i32
        %eq3A_527 = vector.broadcast %eq3A_526 : i32 to vector<16xi32>
        %eq3A_528 = arith.cmpi eq, %iota3A, %eq3A_527 : vector<16xi32>
        %broadcast_in_dim3A_529 = vector.broadcast %select_n3A : f32 to vector<16xf32>
        %select_n3A_530 = arith.select %eq3A_528, %broadcast_in_dim3A_529, %broadcast_in_dim3A_1 : vector<16xi1>, vector<16xf32>
        %eq3A_531 = vector.broadcast %reduce_min3A_517 : i32 to vector<16xi32>
        %eq3A_532 = arith.cmpi eq, %iota3A, %eq3A_531 : vector<16xi32>
        %jit3A_533 = arith.constant 0xFF800000 : f32
        %broadcast_in_dim3A_534 = vector.broadcast %jit3A_533 : f32 to vector<16xf32>
        %select_n3A_535 = arith.select %eq3A_532, %broadcast_in_dim3A_534, %gather3A_504 : vector<16xi1>, vector<16xf32>
        %mul3A_536 = arith.constant 16 : i32
        %mul3A_537 = arith.muli %add3A_499, %mul3A_536 : i32
        %add3A_538 = vector.broadcast %mul3A_537 : i32 to vector<16xi32>
        %add3A_539 = arith.addi %add3A_538, %iota3A : vector<16xi32>
        tpu.vector_store_idx %arg6[%add3A_539], %select_n3A_535 : memref<100352xf32, #tpu.memory_space<vmem>>[vector<16xi32>], vector<16xf32>,
        %reduce_max3A_540 = arith.constant true
        %reduce_max3A_541 = vector.broadcast %reduce_max3A_540 : i1 to vector<16xi1>
        %reduce_max3A_542 = tpu.scan <max>, %select_n3A_535 masked %reduce_max3A_541 : vector<16xf32>, vector<16xi1> -> vector<16xf32>
        %reduce_max3A_543 = vector.extract %reduce_max3A_542[15] : f32 from vector<16xf32>
        %eq3A_544 = vector.broadcast %reduce_min3A_496 : i32 to vector<16xi32>
        %eq3A_545 = arith.cmpi eq, %iota3A, %eq3A_544 : vector<16xi32>
        %broadcast_in_dim3A_546 = vector.broadcast %reduce_max3A_543 : f32 to vector<16xf32>
        %select_n3A_547 = arith.select %eq3A_545, %broadcast_in_dim3A_546, %gather3A_483 : vector<16xi1>, vector<16xf32>
        %mul3A_548 = arith.constant 16 : i32
        %mul3A_549 = arith.muli %add3A_478, %mul3A_548 : i32
        %add3A_550 = vector.broadcast %mul3A_549 : i32 to vector<16xi32>
        %add3A_551 = arith.addi %add3A_550, %iota3A : vector<16xi32>
        tpu.vector_store_idx %arg7[%add3A_551], %select_n3A_547 : memref<6400xf32, #tpu.memory_space<vmem>>[vector<16xi32>], vector<16xf32>,
        %reduce_max3A_552 = arith.constant true
        %reduce_max3A_553 = vector.broadcast %reduce_max3A_552 : i1 to vector<16xi1>
        %reduce_max3A_554 = tpu.scan <max>, %select_n3A_547 masked %reduce_max3A_553 : vector<16xf32>, vector<16xi1> -> vector<16xf32>
        %reduce_max3A_555 = vector.extract %reduce_max3A_554[15] : f32 from vector<16xf32>
        %eq3A_556 = vector.broadcast %reduce_min3A_475 : i32 to vector<16xi32>
        %eq3A_557 = arith.cmpi eq, %iota3A, %eq3A_556 : vector<16xi32>
        %broadcast_in_dim3A_558 = vector.broadcast %reduce_max3A_555 : f32 to vector<16xf32>
        %select_n3A_559 = arith.select %eq3A_557, %broadcast_in_dim3A_558, %gather3A_462 : vector<16xi1>, vector<16xf32>
        %mul3A_560 = arith.constant 16 : i32
        %mul3A_561 = arith.muli %add3A_457, %mul3A_560 : i32
        %add3A_562 = vector.broadcast %mul3A_561 : i32 to vector<16xi32>
        %add3A_563 = arith.addi %add3A_562, %iota3A : vector<16xi32>
        tpu.vector_store_idx %arg8[%add3A_563], %select_n3A_559 : memref<512xf32, #tpu.memory_space<vmem>>[vector<16xi32>], vector<16xf32>,
        %reduce_max3A_564 = arith.constant true
        %reduce_max3A_565 = vector.broadcast %reduce_max3A_564 : i1 to vector<16xi1>
        %reduce_max3A_566 = tpu.scan <max>, %select_n3A_559 masked %reduce_max3A_565 : vector<16xf32>, vector<16xi1> -> vector<16xf32>
        %reduce_max3A_567 = vector.extract %reduce_max3A_566[15] : f32 from vector<16xf32>
        %eq3A_568 = vector.broadcast %reduce_min3A_453 : i32 to vector<16xi32>
        %eq3A_569 = arith.cmpi eq, %iota3A, %eq3A_568 : vector<16xi32>
        %broadcast_in_dim3A_570 = vector.broadcast %reduce_max3A_567 : f32 to vector<16xf32>
        %select_n3A_571 = arith.select %eq3A_569, %broadcast_in_dim3A_570, %select_n3A_443 : vector<16xi1>, vector<16xf32>
        %add3A_572 = vector.broadcast %select_n3A_456 : i32 to vector<16xi32>
        %add3A_573 = arith.addi %add3A_572, %iota3A : vector<16xi32>
        tpu.vector_store_idx %arg9[%add3A_573], %select_n3A_571 : memref<32xf32, #tpu.memory_space<vmem>>[vector<16xi32>], vector<16xf32>,
        %gather3A_574 = tpu.vector_load_idx %arg9[%iota3A] : memref<32xf32, #tpu.memory_space<vmem>>[vector<16xi32>], vector<16xf32>,
        %add3A_575 = arith.constant 16 : i32
        %add3A_576 = vector.broadcast %add3A_575 : i32 to vector<16xi32>
        %add3A_577 = arith.addi %add3A_576, %iota3A : vector<16xi32>
        %gather3A_578 = tpu.vector_load_idx %arg9[%add3A_577] : memref<32xf32, #tpu.memory_space<vmem>>[vector<16xi32>], vector<16xf32>,
        %reduce_max3A_579 = arith.constant true
        %reduce_max3A_580 = vector.broadcast %reduce_max3A_579 : i1 to vector<16xi1>
        %reduce_max3A_581 = tpu.scan <max>, %gather3A_574 masked %reduce_max3A_580 : vector<16xf32>, vector<16xi1> -> vector<16xf32>
        %reduce_max3A_582 = vector.extract %reduce_max3A_581[15] : f32 from vector<16xf32>
        %reduce_max3A_583 = arith.constant true
        %reduce_max3A_584 = vector.broadcast %reduce_max3A_583 : i1 to vector<16xi1>
        %reduce_max3A_585 = tpu.scan <max>, %gather3A_578 masked %reduce_max3A_584 : vector<16xf32>, vector<16xi1> -> vector<16xf32>
        %reduce_max3A_586 = vector.extract %reduce_max3A_585[15] : f32 from vector<16xf32>
        %gt3A_587 = arith.cmpf ogt, %reduce_max3A_586, %reduce_max3A_582 : f32
        %select_n3A_588 = arith.select %gt3A_587, %reduce_max3A_586, %reduce_max3A_582 : f32
        %select_n3A_589 = arith.select %gt3A_587, %gather3A_578, %gather3A_574 : vector<16xf32>
        %eq3A_590 = vector.broadcast %select_n3A_588 : f32 to vector<16xf32>
        %eq3A_591 = arith.cmpf oeq, %select_n3A_589, %eq3A_590 : vector<16xf32>
        %jit3A_592 = arith.constant 99 : i32
        %broadcast_in_dim3A_593 = vector.broadcast %jit3A_592 : i32 to vector<16xi32>
        %select_n3A_594 = arith.select %eq3A_591, %iota3A, %broadcast_in_dim3A_593 : vector<16xi1>, vector<16xi32>
        %reduce_min3A_595 = arith.constant true
        %reduce_min3A_596 = vector.broadcast %reduce_min3A_595 : i1 to vector<16xi1>
        %reduce_min3A_597 = arith.constant -2147483648 : i32
        %reduce_min3A_598 = vector.broadcast %reduce_min3A_597 : i32 to vector<16xi32>
        %reduce_min3A_599 = arith.xori %select_n3A_594, %reduce_min3A_598 : vector<16xi32>
        %reduce_min3A_600 = tpu.scan <min>, %reduce_min3A_599 masked %reduce_min3A_596 : vector<16xi32>, vector<16xi1> -> vector<16xi32>
        %reduce_min3A_601 = arith.xori %reduce_min3A_600, %reduce_min3A_598 : vector<16xi32>
        %reduce_min3A_602 = vector.extract %reduce_min3A_601[15] : i32 from vector<16xi32>
        %jit3A_603 = arith.constant 16 : i32
        %jit3A_604 = arith.constant 0 : i32
        %select_n3A_605 = arith.select %gt3A_587, %jit3A_603, %jit3A_604 : i32
        %add3A_606 = arith.addi %select_n3A_605, %reduce_min3A_602 : i32
        %mul3A_607 = arith.constant 16 : i32
        %mul3A_608 = arith.muli %add3A_606, %mul3A_607 : i32
        %add3A_609 = vector.broadcast %mul3A_608 : i32 to vector<16xi32>
        %add3A_610 = arith.addi %add3A_609, %iota3A : vector<16xi32>
        %gather3A_611 = tpu.vector_load_idx %arg8[%add3A_610] : memref<512xf32, #tpu.memory_space<vmem>>[vector<16xi32>], vector<16xf32>,
        %eq3A_612 = vector.broadcast %select_n3A_588 : f32 to vector<16xf32>
        %eq3A_613 = arith.cmpf oeq, %gather3A_611, %eq3A_612 : vector<16xf32>
        %jit3A_614 = arith.constant 99 : i32
        %broadcast_in_dim3A_615 = vector.broadcast %jit3A_614 : i32 to vector<16xi32>
        %select_n3A_616 = arith.select %eq3A_613, %iota3A, %broadcast_in_dim3A_615 : vector<16xi1>, vector<16xi32>
        %reduce_min3A_617 = arith.constant true
        %reduce_min3A_618 = vector.broadcast %reduce_min3A_617 : i1 to vector<16xi1>
        %reduce_min3A_619 = arith.constant -2147483648 : i32
        %reduce_min3A_620 = vector.broadcast %reduce_min3A_619 : i32 to vector<16xi32>
        %reduce_min3A_621 = arith.xori %select_n3A_616, %reduce_min3A_620 : vector<16xi32>
        %reduce_min3A_622 = tpu.scan <min>, %reduce_min3A_621 masked %reduce_min3A_618 : vector<16xi32>, vector<16xi1> -> vector<16xi32>
        %reduce_min3A_623 = arith.xori %reduce_min3A_622, %reduce_min3A_620 : vector<16xi32>
        %reduce_min3A_624 = vector.extract %reduce_min3A_623[15] : i32 from vector<16xi32>
        %mul3A_625 = arith.constant 16 : i32
        %mul3A_626 = arith.muli %add3A_606, %mul3A_625 : i32
        %add3A_627 = arith.addi %mul3A_626, %reduce_min3A_624 : i32
        %mul3A_628 = arith.constant 16 : i32
        %mul3A_629 = arith.muli %add3A_627, %mul3A_628 : i32
        %add3A_630 = vector.broadcast %mul3A_629 : i32 to vector<16xi32>
        %add3A_631 = arith.addi %add3A_630, %iota3A : vector<16xi32>
        %gather3A_632 = tpu.vector_load_idx %arg7[%add3A_631] : memref<6400xf32, #tpu.memory_space<vmem>>[vector<16xi32>], vector<16xf32>,
        %eq3A_633 = vector.broadcast %select_n3A_588 : f32 to vector<16xf32>
        %eq3A_634 = arith.cmpf oeq, %gather3A_632, %eq3A_633 : vector<16xf32>
        %jit3A_635 = arith.constant 99 : i32
        %broadcast_in_dim3A_636 = vector.broadcast %jit3A_635 : i32 to vector<16xi32>
        %select_n3A_637 = arith.select %eq3A_634, %iota3A, %broadcast_in_dim3A_636 : vector<16xi1>, vector<16xi32>
        %reduce_min3A_638 = arith.constant true
        %reduce_min3A_639 = vector.broadcast %reduce_min3A_638 : i1 to vector<16xi1>
        %reduce_min3A_640 = arith.constant -2147483648 : i32
        %reduce_min3A_641 = vector.broadcast %reduce_min3A_640 : i32 to vector<16xi32>
        %reduce_min3A_642 = arith.xori %select_n3A_637, %reduce_min3A_641 : vector<16xi32>
        %reduce_min3A_643 = tpu.scan <min>, %reduce_min3A_642 masked %reduce_min3A_639 : vector<16xi32>, vector<16xi1> -> vector<16xi32>
        %reduce_min3A_644 = arith.xori %reduce_min3A_643, %reduce_min3A_641 : vector<16xi32>
        %reduce_min3A_645 = vector.extract %reduce_min3A_644[15] : i32 from vector<16xi32>
        %mul3A_646 = arith.constant 16 : i32
        %mul3A_647 = arith.muli %add3A_627, %mul3A_646 : i32
        %add3A_648 = arith.addi %mul3A_647, %reduce_min3A_645 : i32
        %mul3A_649 = arith.constant 16 : i32
        %mul3A_650 = arith.muli %add3A_648, %mul3A_649 : i32
        %add3A_651 = vector.broadcast %mul3A_650 : i32 to vector<16xi32>
        %add3A_652 = arith.addi %add3A_651, %iota3A : vector<16xi32>
        %gather3A_653 = tpu.vector_load_idx %arg6[%add3A_652] : memref<100352xf32, #tpu.memory_space<vmem>>[vector<16xi32>], vector<16xf32>,
        %eq3A_654 = vector.broadcast %select_n3A_588 : f32 to vector<16xf32>
        %eq3A_655 = arith.cmpf oeq, %gather3A_653, %eq3A_654 : vector<16xf32>
        %jit3A_656 = arith.constant 99 : i32
        %broadcast_in_dim3A_657 = vector.broadcast %jit3A_656 : i32 to vector<16xi32>
        %select_n3A_658 = arith.select %eq3A_655, %iota3A, %broadcast_in_dim3A_657 : vector<16xi1>, vector<16xi32>
        %reduce_min3A_659 = arith.constant true
        %reduce_min3A_660 = vector.broadcast %reduce_min3A_659 : i1 to vector<16xi1>
        %reduce_min3A_661 = arith.constant -2147483648 : i32
        %reduce_min3A_662 = vector.broadcast %reduce_min3A_661 : i32 to vector<16xi32>
        %reduce_min3A_663 = arith.xori %select_n3A_658, %reduce_min3A_662 : vector<16xi32>
        %reduce_min3A_664 = tpu.scan <min>, %reduce_min3A_663 masked %reduce_min3A_660 : vector<16xi32>, vector<16xi1> -> vector<16xi32>
        %reduce_min3A_665 = arith.xori %reduce_min3A_664, %reduce_min3A_662 : vector<16xi32>
        %reduce_min3A_666 = vector.extract %reduce_min3A_665[15] : i32 from vector<16xi32>
        %mul3A_667 = arith.constant 16 : i32
        %mul3A_668 = arith.muli %add3A_648, %mul3A_667 : i32
        %add3A_669 = arith.addi %mul3A_668, %reduce_min3A_666 : i32
        %eq3A_670 = arith.constant 1 : i32
        %eq3A_671 = vector.broadcast %eq3A_670 : i32 to vector<16xi32>
        %eq3A_672 = arith.cmpi eq, %iota3A, %eq3A_671 : vector<16xi32>
        %broadcast_in_dim3A_673 = vector.broadcast %add3A_669 : i32 to vector<16xi32>
        %select_n3A_674 = arith.select %eq3A_672, %broadcast_in_dim3A_673, %select_n3A_525 : vector<16xi1>, vector<16xi32>
        %eq3A_675 = arith.constant 1 : i32
        %eq3A_676 = vector.broadcast %eq3A_675 : i32 to vector<16xi32>
        %eq3A_677 = arith.cmpi eq, %iota3A, %eq3A_676 : vector<16xi32>
        %broadcast_in_dim3A_678 = vector.broadcast %select_n3A_588 : f32 to vector<16xf32>
        %select_n3A_679 = arith.select %eq3A_677, %broadcast_in_dim3A_678, %select_n3A_530 : vector<16xi1>, vector<16xf32>
        %eq3A_680 = vector.broadcast %reduce_min3A_666 : i32 to vector<16xi32>
        %eq3A_681 = arith.cmpi eq, %iota3A, %eq3A_680 : vector<16xi32>
        %jit3A_682 = arith.constant 0xFF800000 : f32
        %broadcast_in_dim3A_683 = vector.broadcast %jit3A_682 : f32 to vector<16xf32>
        %select_n3A_684 = arith.select %eq3A_681, %broadcast_in_dim3A_683, %gather3A_653 : vector<16xi1>, vector<16xf32>
        %mul3A_685 = arith.constant 16 : i32
        %mul3A_686 = arith.muli %add3A_648, %mul3A_685 : i32
        %add3A_687 = vector.broadcast %mul3A_686 : i32 to vector<16xi32>
        %add3A_688 = arith.addi %add3A_687, %iota3A : vector<16xi32>
        tpu.vector_store_idx %arg6[%add3A_688], %select_n3A_684 : memref<100352xf32, #tpu.memory_space<vmem>>[vector<16xi32>], vector<16xf32>,
        %reduce_max3A_689 = arith.constant true
        %reduce_max3A_690 = vector.broadcast %reduce_max3A_689 : i1 to vector<16xi1>
        %reduce_max3A_691 = tpu.scan <max>, %select_n3A_684 masked %reduce_max3A_690 : vector<16xf32>, vector<16xi1> -> vector<16xf32>
        %reduce_max3A_692 = vector.extract %reduce_max3A_691[15] : f32 from vector<16xf32>
        %eq3A_693 = vector.broadcast %reduce_min3A_645 : i32 to vector<16xi32>
        %eq3A_694 = arith.cmpi eq, %iota3A, %eq3A_693 : vector<16xi32>
        %broadcast_in_dim3A_695 = vector.broadcast %reduce_max3A_692 : f32 to vector<16xf32>
        %select_n3A_696 = arith.select %eq3A_694, %broadcast_in_dim3A_695, %gather3A_632 : vector<16xi1>, vector<16xf32>
        %mul3A_697 = arith.constant 16 : i32
        %mul3A_698 = arith.muli %add3A_627, %mul3A_697 : i32
        %add3A_699 = vector.broadcast %mul3A_698 : i32 to vector<16xi32>
        %add3A_700 = arith.addi %add3A_699, %iota3A : vector<16xi32>
        tpu.vector_store_idx %arg7[%add3A_700], %select_n3A_696 : memref<6400xf32, #tpu.memory_space<vmem>>[vector<16xi32>], vector<16xf32>,
        %reduce_max3A_701 = arith.constant true
        %reduce_max3A_702 = vector.broadcast %reduce_max3A_701 : i1 to vector<16xi1>
        %reduce_max3A_703 = tpu.scan <max>, %select_n3A_696 masked %reduce_max3A_702 : vector<16xf32>, vector<16xi1> -> vector<16xf32>
        %reduce_max3A_704 = vector.extract %reduce_max3A_703[15] : f32 from vector<16xf32>
        %eq3A_705 = vector.broadcast %reduce_min3A_624 : i32 to vector<16xi32>
        %eq3A_706 = arith.cmpi eq, %iota3A, %eq3A_705 : vector<16xi32>
        %broadcast_in_dim3A_707 = vector.broadcast %reduce_max3A_704 : f32 to vector<16xf32>
        %select_n3A_708 = arith.select %eq3A_706, %broadcast_in_dim3A_707, %gather3A_611 : vector<16xi1>, vector<16xf32>
        %mul3A_709 = arith.constant 16 : i32
        %mul3A_710 = arith.muli %add3A_606, %mul3A_709 : i32
        %add3A_711 = vector.broadcast %mul3A_710 : i32 to vector<16xi32>
        %add3A_712 = arith.addi %add3A_711, %iota3A : vector<16xi32>
        tpu.vector_store_idx %arg8[%add3A_712], %select_n3A_708 : memref<512xf32, #tpu.memory_space<vmem>>[vector<16xi32>], vector<16xf32>,
        %reduce_max3A_713 = arith.constant true
        %reduce_max3A_714 = vector.broadcast %reduce_max3A_713 : i1 to vector<16xi1>
        %reduce_max3A_715 = tpu.scan <max>, %select_n3A_708 masked %reduce_max3A_714 : vector<16xf32>, vector<16xi1> -> vector<16xf32>
        %reduce_max3A_716 = vector.extract %reduce_max3A_715[15] : f32 from vector<16xf32>
        %eq3A_717 = vector.broadcast %reduce_min3A_602 : i32 to vector<16xi32>
        %eq3A_718 = arith.cmpi eq, %iota3A, %eq3A_717 : vector<16xi32>
        %broadcast_in_dim3A_719 = vector.broadcast %reduce_max3A_716 : f32 to vector<16xf32>
        %select_n3A_720 = arith.select %eq3A_718, %broadcast_in_dim3A_719, %select_n3A_589 : vector<16xi1>, vector<16xf32>
        %add3A_721 = vector.broadcast %select_n3A_605 : i32 to vector<16xi32>
        %add3A_722 = arith.addi %add3A_721, %iota3A : vector<16xi32>
        tpu.vector_store_idx %arg9[%add3A_722], %select_n3A_720 : memref<32xf32, #tpu.memory_space<vmem>>[vector<16xi32>], vector<16xf32>,
        %gather3A_723 = tpu.vector_load_idx %arg9[%iota3A] : memref<32xf32, #tpu.memory_space<vmem>>[vector<16xi32>], vector<16xf32>,
        %add3A_724 = arith.constant 16 : i32
        %add3A_725 = vector.broadcast %add3A_724 : i32 to vector<16xi32>
        %add3A_726 = arith.addi %add3A_725, %iota3A : vector<16xi32>
        %gather3A_727 = tpu.vector_load_idx %arg9[%add3A_726] : memref<32xf32, #tpu.memory_space<vmem>>[vector<16xi32>], vector<16xf32>,
        %reduce_max3A_728 = arith.constant true
        %reduce_max3A_729 = vector.broadcast %reduce_max3A_728 : i1 to vector<16xi1>
        %reduce_max3A_730 = tpu.scan <max>, %gather3A_723 masked %reduce_max3A_729 : vector<16xf32>, vector<16xi1> -> vector<16xf32>
        %reduce_max3A_731 = vector.extract %reduce_max3A_730[15] : f32 from vector<16xf32>
        %reduce_max3A_732 = arith.constant true
        %reduce_max3A_733 = vector.broadcast %reduce_max3A_732 : i1 to vector<16xi1>
        %reduce_max3A_734 = tpu.scan <max>, %gather3A_727 masked %reduce_max3A_733 : vector<16xf32>, vector<16xi1> -> vector<16xf32>
        %reduce_max3A_735 = vector.extract %reduce_max3A_734[15] : f32 from vector<16xf32>
        %gt3A_736 = arith.cmpf ogt, %reduce_max3A_735, %reduce_max3A_731 : f32
        %select_n3A_737 = arith.select %gt3A_736, %reduce_max3A_735, %reduce_max3A_731 : f32
        %select_n3A_738 = arith.select %gt3A_736, %gather3A_727, %gather3A_723 : vector<16xf32>
        %eq3A_739 = vector.broadcast %select_n3A_737 : f32 to vector<16xf32>
        %eq3A_740 = arith.cmpf oeq, %select_n3A_738, %eq3A_739 : vector<16xf32>
        %jit3A_741 = arith.constant 99 : i32
        %broadcast_in_dim3A_742 = vector.broadcast %jit3A_741 : i32 to vector<16xi32>
        %select_n3A_743 = arith.select %eq3A_740, %iota3A, %broadcast_in_dim3A_742 : vector<16xi1>, vector<16xi32>
        %reduce_min3A_744 = arith.constant true
        %reduce_min3A_745 = vector.broadcast %reduce_min3A_744 : i1 to vector<16xi1>
        %reduce_min3A_746 = arith.constant -2147483648 : i32
        %reduce_min3A_747 = vector.broadcast %reduce_min3A_746 : i32 to vector<16xi32>
        %reduce_min3A_748 = arith.xori %select_n3A_743, %reduce_min3A_747 : vector<16xi32>
        %reduce_min3A_749 = tpu.scan <min>, %reduce_min3A_748 masked %reduce_min3A_745 : vector<16xi32>, vector<16xi1> -> vector<16xi32>
        %reduce_min3A_750 = arith.xori %reduce_min3A_749, %reduce_min3A_747 : vector<16xi32>
        %reduce_min3A_751 = vector.extract %reduce_min3A_750[15] : i32 from vector<16xi32>
        %jit3A_752 = arith.constant 16 : i32
        %jit3A_753 = arith.constant 0 : i32
        %select_n3A_754 = arith.select %gt3A_736, %jit3A_752, %jit3A_753 : i32
        %add3A_755 = arith.addi %select_n3A_754, %reduce_min3A_751 : i32
        %mul3A_756 = arith.constant 16 : i32
        %mul3A_757 = arith.muli %add3A_755, %mul3A_756 : i32
        %add3A_758 = vector.broadcast %mul3A_757 : i32 to vector<16xi32>
        %add3A_759 = arith.addi %add3A_758, %iota3A : vector<16xi32>
        %gather3A_760 = tpu.vector_load_idx %arg8[%add3A_759] : memref<512xf32, #tpu.memory_space<vmem>>[vector<16xi32>], vector<16xf32>,
        %eq3A_761 = vector.broadcast %select_n3A_737 : f32 to vector<16xf32>
        %eq3A_762 = arith.cmpf oeq, %gather3A_760, %eq3A_761 : vector<16xf32>
        %jit3A_763 = arith.constant 99 : i32
        %broadcast_in_dim3A_764 = vector.broadcast %jit3A_763 : i32 to vector<16xi32>
        %select_n3A_765 = arith.select %eq3A_762, %iota3A, %broadcast_in_dim3A_764 : vector<16xi1>, vector<16xi32>
        %reduce_min3A_766 = arith.constant true
        %reduce_min3A_767 = vector.broadcast %reduce_min3A_766 : i1 to vector<16xi1>
        %reduce_min3A_768 = arith.constant -2147483648 : i32
        %reduce_min3A_769 = vector.broadcast %reduce_min3A_768 : i32 to vector<16xi32>
        %reduce_min3A_770 = arith.xori %select_n3A_765, %reduce_min3A_769 : vector<16xi32>
        %reduce_min3A_771 = tpu.scan <min>, %reduce_min3A_770 masked %reduce_min3A_767 : vector<16xi32>, vector<16xi1> -> vector<16xi32>
        %reduce_min3A_772 = arith.xori %reduce_min3A_771, %reduce_min3A_769 : vector<16xi32>
        %reduce_min3A_773 = vector.extract %reduce_min3A_772[15] : i32 from vector<16xi32>
        %mul3A_774 = arith.constant 16 : i32
        %mul3A_775 = arith.muli %add3A_755, %mul3A_774 : i32
        %add3A_776 = arith.addi %mul3A_775, %reduce_min3A_773 : i32
        %mul3A_777 = arith.constant 16 : i32
        %mul3A_778 = arith.muli %add3A_776, %mul3A_777 : i32
        %add3A_779 = vector.broadcast %mul3A_778 : i32 to vector<16xi32>
        %add3A_780 = arith.addi %add3A_779, %iota3A : vector<16xi32>
        %gather3A_781 = tpu.vector_load_idx %arg7[%add3A_780] : memref<6400xf32, #tpu.memory_space<vmem>>[vector<16xi32>], vector<16xf32>,
        %eq3A_782 = vector.broadcast %select_n3A_737 : f32 to vector<16xf32>
        %eq3A_783 = arith.cmpf oeq, %gather3A_781, %eq3A_782 : vector<16xf32>
        %jit3A_784 = arith.constant 99 : i32
        %broadcast_in_dim3A_785 = vector.broadcast %jit3A_784 : i32 to vector<16xi32>
        %select_n3A_786 = arith.select %eq3A_783, %iota3A, %broadcast_in_dim3A_785 : vector<16xi1>, vector<16xi32>
        %reduce_min3A_787 = arith.constant true
        %reduce_min3A_788 = vector.broadcast %reduce_min3A_787 : i1 to vector<16xi1>
        %reduce_min3A_789 = arith.constant -2147483648 : i32
        %reduce_min3A_790 = vector.broadcast %reduce_min3A_789 : i32 to vector<16xi32>
        %reduce_min3A_791 = arith.xori %select_n3A_786, %reduce_min3A_790 : vector<16xi32>
        %reduce_min3A_792 = tpu.scan <min>, %reduce_min3A_791 masked %reduce_min3A_788 : vector<16xi32>, vector<16xi1> -> vector<16xi32>
        %reduce_min3A_793 = arith.xori %reduce_min3A_792, %reduce_min3A_790 : vector<16xi32>
        %reduce_min3A_794 = vector.extract %reduce_min3A_793[15] : i32 from vector<16xi32>
        %mul3A_795 = arith.constant 16 : i32
        %mul3A_796 = arith.muli %add3A_776, %mul3A_795 : i32
        %add3A_797 = arith.addi %mul3A_796, %reduce_min3A_794 : i32
        %mul3A_798 = arith.constant 16 : i32
        %mul3A_799 = arith.muli %add3A_797, %mul3A_798 : i32
        %add3A_800 = vector.broadcast %mul3A_799 : i32 to vector<16xi32>
        %add3A_801 = arith.addi %add3A_800, %iota3A : vector<16xi32>
        %gather3A_802 = tpu.vector_load_idx %arg6[%add3A_801] : memref<100352xf32, #tpu.memory_space<vmem>>[vector<16xi32>], vector<16xf32>,
        %eq3A_803 = vector.broadcast %select_n3A_737 : f32 to vector<16xf32>
        %eq3A_804 = arith.cmpf oeq, %gather3A_802, %eq3A_803 : vector<16xf32>
        %jit3A_805 = arith.constant 99 : i32
        %broadcast_in_dim3A_806 = vector.broadcast %jit3A_805 : i32 to vector<16xi32>
        %select_n3A_807 = arith.select %eq3A_804, %iota3A, %broadcast_in_dim3A_806 : vector<16xi1>, vector<16xi32>
        %reduce_min3A_808 = arith.constant true
        %reduce_min3A_809 = vector.broadcast %reduce_min3A_808 : i1 to vector<16xi1>
        %reduce_min3A_810 = arith.constant -2147483648 : i32
        %reduce_min3A_811 = vector.broadcast %reduce_min3A_810 : i32 to vector<16xi32>
        %reduce_min3A_812 = arith.xori %select_n3A_807, %reduce_min3A_811 : vector<16xi32>
        %reduce_min3A_813 = tpu.scan <min>, %reduce_min3A_812 masked %reduce_min3A_809 : vector<16xi32>, vector<16xi1> -> vector<16xi32>
        %reduce_min3A_814 = arith.xori %reduce_min3A_813, %reduce_min3A_811 : vector<16xi32>
        %reduce_min3A_815 = vector.extract %reduce_min3A_814[15] : i32 from vector<16xi32>
        %mul3A_816 = arith.constant 16 : i32
        %mul3A_817 = arith.muli %add3A_797, %mul3A_816 : i32
        %add3A_818 = arith.addi %mul3A_817, %reduce_min3A_815 : i32
        %eq3A_819 = arith.constant 2 : i32
        %eq3A_820 = vector.broadcast %eq3A_819 : i32 to vector<16xi32>
        %eq3A_821 = arith.cmpi eq, %iota3A, %eq3A_820 : vector<16xi32>
        %broadcast_in_dim3A_822 = vector.broadcast %add3A_818 : i32 to vector<16xi32>
        %select_n3A_823 = arith.select %eq3A_821, %broadcast_in_dim3A_822, %select_n3A_674 : vector<16xi1>, vector<16xi32>
        %eq3A_824 = arith.constant 2 : i32
        %eq3A_825 = vector.broadcast %eq3A_824 : i32 to vector<16xi32>
        %eq3A_826 = arith.cmpi eq, %iota3A, %eq3A_825 : vector<16xi32>
        %broadcast_in_dim3A_827 = vector.broadcast %select_n3A_737 : f32 to vector<16xf32>
        %select_n3A_828 = arith.select %eq3A_826, %broadcast_in_dim3A_827, %select_n3A_679 : vector<16xi1>, vector<16xf32>
        %eq3A_829 = vector.broadcast %reduce_min3A_815 : i32 to vector<16xi32>
        %eq3A_830 = arith.cmpi eq, %iota3A, %eq3A_829 : vector<16xi32>
        %jit3A_831 = arith.constant 0xFF800000 : f32
        %broadcast_in_dim3A_832 = vector.broadcast %jit3A_831 : f32 to vector<16xf32>
        %select_n3A_833 = arith.select %eq3A_830, %broadcast_in_dim3A_832, %gather3A_802 : vector<16xi1>, vector<16xf32>
        %mul3A_834 = arith.constant 16 : i32
        %mul3A_835 = arith.muli %add3A_797, %mul3A_834 : i32
        %add3A_836 = vector.broadcast %mul3A_835 : i32 to vector<16xi32>
        %add3A_837 = arith.addi %add3A_836, %iota3A : vector<16xi32>
        tpu.vector_store_idx %arg6[%add3A_837], %select_n3A_833 : memref<100352xf32, #tpu.memory_space<vmem>>[vector<16xi32>], vector<16xf32>,
        %reduce_max3A_838 = arith.constant true
        %reduce_max3A_839 = vector.broadcast %reduce_max3A_838 : i1 to vector<16xi1>
        %reduce_max3A_840 = tpu.scan <max>, %select_n3A_833 masked %reduce_max3A_839 : vector<16xf32>, vector<16xi1> -> vector<16xf32>
        %reduce_max3A_841 = vector.extract %reduce_max3A_840[15] : f32 from vector<16xf32>
        %eq3A_842 = vector.broadcast %reduce_min3A_794 : i32 to vector<16xi32>
        %eq3A_843 = arith.cmpi eq, %iota3A, %eq3A_842 : vector<16xi32>
        %broadcast_in_dim3A_844 = vector.broadcast %reduce_max3A_841 : f32 to vector<16xf32>
        %select_n3A_845 = arith.select %eq3A_843, %broadcast_in_dim3A_844, %gather3A_781 : vector<16xi1>, vector<16xf32>
        %mul3A_846 = arith.constant 16 : i32
        %mul3A_847 = arith.muli %add3A_776, %mul3A_846 : i32
        %add3A_848 = vector.broadcast %mul3A_847 : i32 to vector<16xi32>
        %add3A_849 = arith.addi %add3A_848, %iota3A : vector<16xi32>
        tpu.vector_store_idx %arg7[%add3A_849], %select_n3A_845 : memref<6400xf32, #tpu.memory_space<vmem>>[vector<16xi32>], vector<16xf32>,
        %reduce_max3A_850 = arith.constant true
        %reduce_max3A_851 = vector.broadcast %reduce_max3A_850 : i1 to vector<16xi1>
        %reduce_max3A_852 = tpu.scan <max>, %select_n3A_845 masked %reduce_max3A_851 : vector<16xf32>, vector<16xi1> -> vector<16xf32>
        %reduce_max3A_853 = vector.extract %reduce_max3A_852[15] : f32 from vector<16xf32>
        %eq3A_854 = vector.broadcast %reduce_min3A_773 : i32 to vector<16xi32>
        %eq3A_855 = arith.cmpi eq, %iota3A, %eq3A_854 : vector<16xi32>
        %broadcast_in_dim3A_856 = vector.broadcast %reduce_max3A_853 : f32 to vector<16xf32>
        %select_n3A_857 = arith.select %eq3A_855, %broadcast_in_dim3A_856, %gather3A_760 : vector<16xi1>, vector<16xf32>
        %mul3A_858 = arith.constant 16 : i32
        %mul3A_859 = arith.muli %add3A_755, %mul3A_858 : i32
        %add3A_860 = vector.broadcast %mul3A_859 : i32 to vector<16xi32>
        %add3A_861 = arith.addi %add3A_860, %iota3A : vector<16xi32>
        tpu.vector_store_idx %arg8[%add3A_861], %select_n3A_857 : memref<512xf32, #tpu.memory_space<vmem>>[vector<16xi32>], vector<16xf32>,
        %reduce_max3A_862 = arith.constant true
        %reduce_max3A_863 = vector.broadcast %reduce_max3A_862 : i1 to vector<16xi1>
        %reduce_max3A_864 = tpu.scan <max>, %select_n3A_857 masked %reduce_max3A_863 : vector<16xf32>, vector<16xi1> -> vector<16xf32>
        %reduce_max3A_865 = vector.extract %reduce_max3A_864[15] : f32 from vector<16xf32>
        %eq3A_866 = vector.broadcast %reduce_min3A_751 : i32 to vector<16xi32>
        %eq3A_867 = arith.cmpi eq, %iota3A, %eq3A_866 : vector<16xi32>
        %broadcast_in_dim3A_868 = vector.broadcast %reduce_max3A_865 : f32 to vector<16xf32>
        %select_n3A_869 = arith.select %eq3A_867, %broadcast_in_dim3A_868, %select_n3A_738 : vector<16xi1>, vector<16xf32>
        %add3A_870 = vector.broadcast %select_n3A_754 : i32 to vector<16xi32>
        %add3A_871 = arith.addi %add3A_870, %iota3A : vector<16xi32>
        tpu.vector_store_idx %arg9[%add3A_871], %select_n3A_869 : memref<32xf32, #tpu.memory_space<vmem>>[vector<16xi32>], vector<16xf32>,
        %gather3A_872 = tpu.vector_load_idx %arg9[%iota3A] : memref<32xf32, #tpu.memory_space<vmem>>[vector<16xi32>], vector<16xf32>,
        %add3A_873 = arith.constant 16 : i32
        %add3A_874 = vector.broadcast %add3A_873 : i32 to vector<16xi32>
        %add3A_875 = arith.addi %add3A_874, %iota3A : vector<16xi32>
        %gather3A_876 = tpu.vector_load_idx %arg9[%add3A_875] : memref<32xf32, #tpu.memory_space<vmem>>[vector<16xi32>], vector<16xf32>,
        %reduce_max3A_877 = arith.constant true
        %reduce_max3A_878 = vector.broadcast %reduce_max3A_877 : i1 to vector<16xi1>
        %reduce_max3A_879 = tpu.scan <max>, %gather3A_872 masked %reduce_max3A_878 : vector<16xf32>, vector<16xi1> -> vector<16xf32>
        %reduce_max3A_880 = vector.extract %reduce_max3A_879[15] : f32 from vector<16xf32>
        %reduce_max3A_881 = arith.constant true
        %reduce_max3A_882 = vector.broadcast %reduce_max3A_881 : i1 to vector<16xi1>
        %reduce_max3A_883 = tpu.scan <max>, %gather3A_876 masked %reduce_max3A_882 : vector<16xf32>, vector<16xi1> -> vector<16xf32>
        %reduce_max3A_884 = vector.extract %reduce_max3A_883[15] : f32 from vector<16xf32>
        %gt3A_885 = arith.cmpf ogt, %reduce_max3A_884, %reduce_max3A_880 : f32
        %select_n3A_886 = arith.select %gt3A_885, %reduce_max3A_884, %reduce_max3A_880 : f32
        %select_n3A_887 = arith.select %gt3A_885, %gather3A_876, %gather3A_872 : vector<16xf32>
        %eq3A_888 = vector.broadcast %select_n3A_886 : f32 to vector<16xf32>
        %eq3A_889 = arith.cmpf oeq, %select_n3A_887, %eq3A_888 : vector<16xf32>
        %jit3A_890 = arith.constant 99 : i32
        %broadcast_in_dim3A_891 = vector.broadcast %jit3A_890 : i32 to vector<16xi32>
        %select_n3A_892 = arith.select %eq3A_889, %iota3A, %broadcast_in_dim3A_891 : vector<16xi1>, vector<16xi32>
        %reduce_min3A_893 = arith.constant true
        %reduce_min3A_894 = vector.broadcast %reduce_min3A_893 : i1 to vector<16xi1>
        %reduce_min3A_895 = arith.constant -2147483648 : i32
        %reduce_min3A_896 = vector.broadcast %reduce_min3A_895 : i32 to vector<16xi32>
        %reduce_min3A_897 = arith.xori %select_n3A_892, %reduce_min3A_896 : vector<16xi32>
        %reduce_min3A_898 = tpu.scan <min>, %reduce_min3A_897 masked %reduce_min3A_894 : vector<16xi32>, vector<16xi1> -> vector<16xi32>
        %reduce_min3A_899 = arith.xori %reduce_min3A_898, %reduce_min3A_896 : vector<16xi32>
        %reduce_min3A_900 = vector.extract %reduce_min3A_899[15] : i32 from vector<16xi32>
        %jit3A_901 = arith.constant 16 : i32
        %jit3A_902 = arith.constant 0 : i32
        %select_n3A_903 = arith.select %gt3A_885, %jit3A_901, %jit3A_902 : i32
        %add3A_904 = arith.addi %select_n3A_903, %reduce_min3A_900 : i32
        %mul3A_905 = arith.constant 16 : i32
        %mul3A_906 = arith.muli %add3A_904, %mul3A_905 : i32
        %add3A_907 = vector.broadcast %mul3A_906 : i32 to vector<16xi32>
        %add3A_908 = arith.addi %add3A_907, %iota3A : vector<16xi32>
        %gather3A_909 = tpu.vector_load_idx %arg8[%add3A_908] : memref<512xf32, #tpu.memory_space<vmem>>[vector<16xi32>], vector<16xf32>,
        %eq3A_910 = vector.broadcast %select_n3A_886 : f32 to vector<16xf32>
        %eq3A_911 = arith.cmpf oeq, %gather3A_909, %eq3A_910 : vector<16xf32>
        %jit3A_912 = arith.constant 99 : i32
        %broadcast_in_dim3A_913 = vector.broadcast %jit3A_912 : i32 to vector<16xi32>
        %select_n3A_914 = arith.select %eq3A_911, %iota3A, %broadcast_in_dim3A_913 : vector<16xi1>, vector<16xi32>
        %reduce_min3A_915 = arith.constant true
        %reduce_min3A_916 = vector.broadcast %reduce_min3A_915 : i1 to vector<16xi1>
        %reduce_min3A_917 = arith.constant -2147483648 : i32
        %reduce_min3A_918 = vector.broadcast %reduce_min3A_917 : i32 to vector<16xi32>
        %reduce_min3A_919 = arith.xori %select_n3A_914, %reduce_min3A_918 : vector<16xi32>
        %reduce_min3A_920 = tpu.scan <min>, %reduce_min3A_919 masked %reduce_min3A_916 : vector<16xi32>, vector<16xi1> -> vector<16xi32>
        %reduce_min3A_921 = arith.xori %reduce_min3A_920, %reduce_min3A_918 : vector<16xi32>
        %reduce_min3A_922 = vector.extract %reduce_min3A_921[15] : i32 from vector<16xi32>
        %mul3A_923 = arith.constant 16 : i32
        %mul3A_924 = arith.muli %add3A_904, %mul3A_923 : i32
        %add3A_925 = arith.addi %mul3A_924, %reduce_min3A_922 : i32
        %mul3A_926 = arith.constant 16 : i32
        %mul3A_927 = arith.muli %add3A_925, %mul3A_926 : i32
        %add3A_928 = vector.broadcast %mul3A_927 : i32 to vector<16xi32>
        %add3A_929 = arith.addi %add3A_928, %iota3A : vector<16xi32>
        %gather3A_930 = tpu.vector_load_idx %arg7[%add3A_929] : memref<6400xf32, #tpu.memory_space<vmem>>[vector<16xi32>], vector<16xf32>,
        %eq3A_931 = vector.broadcast %select_n3A_886 : f32 to vector<16xf32>
        %eq3A_932 = arith.cmpf oeq, %gather3A_930, %eq3A_931 : vector<16xf32>
        %jit3A_933 = arith.constant 99 : i32
        %broadcast_in_dim3A_934 = vector.broadcast %jit3A_933 : i32 to vector<16xi32>
        %select_n3A_935 = arith.select %eq3A_932, %iota3A, %broadcast_in_dim3A_934 : vector<16xi1>, vector<16xi32>
        %reduce_min3A_936 = arith.constant true
        %reduce_min3A_937 = vector.broadcast %reduce_min3A_936 : i1 to vector<16xi1>
        %reduce_min3A_938 = arith.constant -2147483648 : i32
        %reduce_min3A_939 = vector.broadcast %reduce_min3A_938 : i32 to vector<16xi32>
        %reduce_min3A_940 = arith.xori %select_n3A_935, %reduce_min3A_939 : vector<16xi32>
        %reduce_min3A_941 = tpu.scan <min>, %reduce_min3A_940 masked %reduce_min3A_937 : vector<16xi32>, vector<16xi1> -> vector<16xi32>
        %reduce_min3A_942 = arith.xori %reduce_min3A_941, %reduce_min3A_939 : vector<16xi32>
        %reduce_min3A_943 = vector.extract %reduce_min3A_942[15] : i32 from vector<16xi32>
        %mul3A_944 = arith.constant 16 : i32
        %mul3A_945 = arith.muli %add3A_925, %mul3A_944 : i32
        %add3A_946 = arith.addi %mul3A_945, %reduce_min3A_943 : i32
        %mul3A_947 = arith.constant 16 : i32
        %mul3A_948 = arith.muli %add3A_946, %mul3A_947 : i32
        %add3A_949 = vector.broadcast %mul3A_948 : i32 to vector<16xi32>
        %add3A_950 = arith.addi %add3A_949, %iota3A : vector<16xi32>
        %gather3A_951 = tpu.vector_load_idx %arg6[%add3A_950] : memref<100352xf32, #tpu.memory_space<vmem>>[vector<16xi32>], vector<16xf32>,
        %eq3A_952 = vector.broadcast %select_n3A_886 : f32 to vector<16xf32>
        %eq3A_953 = arith.cmpf oeq, %gather3A_951, %eq3A_952 : vector<16xf32>
        %jit3A_954 = arith.constant 99 : i32
        %broadcast_in_dim3A_955 = vector.broadcast %jit3A_954 : i32 to vector<16xi32>
        %select_n3A_956 = arith.select %eq3A_953, %iota3A, %broadcast_in_dim3A_955 : vector<16xi1>, vector<16xi32>
        %reduce_min3A_957 = arith.constant true
        %reduce_min3A_958 = vector.broadcast %reduce_min3A_957 : i1 to vector<16xi1>
        %reduce_min3A_959 = arith.constant -2147483648 : i32
        %reduce_min3A_960 = vector.broadcast %reduce_min3A_959 : i32 to vector<16xi32>
        %reduce_min3A_961 = arith.xori %select_n3A_956, %reduce_min3A_960 : vector<16xi32>
        %reduce_min3A_962 = tpu.scan <min>, %reduce_min3A_961 masked %reduce_min3A_958 : vector<16xi32>, vector<16xi1> -> vector<16xi32>
        %reduce_min3A_963 = arith.xori %reduce_min3A_962, %reduce_min3A_960 : vector<16xi32>
        %reduce_min3A_964 = vector.extract %reduce_min3A_963[15] : i32 from vector<16xi32>
        %mul3A_965 = arith.constant 16 : i32
        %mul3A_966 = arith.muli %add3A_946, %mul3A_965 : i32
        %add3A_967 = arith.addi %mul3A_966, %reduce_min3A_964 : i32
        %eq3A_968 = arith.constant 3 : i32
        %eq3A_969 = vector.broadcast %eq3A_968 : i32 to vector<16xi32>
        %eq3A_970 = arith.cmpi eq, %iota3A, %eq3A_969 : vector<16xi32>
        %broadcast_in_dim3A_971 = vector.broadcast %add3A_967 : i32 to vector<16xi32>
        %select_n3A_972 = arith.select %eq3A_970, %broadcast_in_dim3A_971, %select_n3A_823 : vector<16xi1>, vector<16xi32>
        %eq3A_973 = arith.constant 3 : i32
        %eq3A_974 = vector.broadcast %eq3A_973 : i32 to vector<16xi32>
        %eq3A_975 = arith.cmpi eq, %iota3A, %eq3A_974 : vector<16xi32>
        %broadcast_in_dim3A_976 = vector.broadcast %select_n3A_886 : f32 to vector<16xf32>
        %select_n3A_977 = arith.select %eq3A_975, %broadcast_in_dim3A_976, %select_n3A_828 : vector<16xi1>, vector<16xf32>
        %eq3A_978 = vector.broadcast %reduce_min3A_964 : i32 to vector<16xi32>
        %eq3A_979 = arith.cmpi eq, %iota3A, %eq3A_978 : vector<16xi32>
        %jit3A_980 = arith.constant 0xFF800000 : f32
        %broadcast_in_dim3A_981 = vector.broadcast %jit3A_980 : f32 to vector<16xf32>
        %select_n3A_982 = arith.select %eq3A_979, %broadcast_in_dim3A_981, %gather3A_951 : vector<16xi1>, vector<16xf32>
        %mul3A_983 = arith.constant 16 : i32
        %mul3A_984 = arith.muli %add3A_946, %mul3A_983 : i32
        %add3A_985 = vector.broadcast %mul3A_984 : i32 to vector<16xi32>
        %add3A_986 = arith.addi %add3A_985, %iota3A : vector<16xi32>
        tpu.vector_store_idx %arg6[%add3A_986], %select_n3A_982 : memref<100352xf32, #tpu.memory_space<vmem>>[vector<16xi32>], vector<16xf32>,
        %reduce_max3A_987 = arith.constant true
        %reduce_max3A_988 = vector.broadcast %reduce_max3A_987 : i1 to vector<16xi1>
        %reduce_max3A_989 = tpu.scan <max>, %select_n3A_982 masked %reduce_max3A_988 : vector<16xf32>, vector<16xi1> -> vector<16xf32>
        %reduce_max3A_990 = vector.extract %reduce_max3A_989[15] : f32 from vector<16xf32>
        %eq3A_991 = vector.broadcast %reduce_min3A_943 : i32 to vector<16xi32>
        %eq3A_992 = arith.cmpi eq, %iota3A, %eq3A_991 : vector<16xi32>
        %broadcast_in_dim3A_993 = vector.broadcast %reduce_max3A_990 : f32 to vector<16xf32>
        %select_n3A_994 = arith.select %eq3A_992, %broadcast_in_dim3A_993, %gather3A_930 : vector<16xi1>, vector<16xf32>
        %mul3A_995 = arith.constant 16 : i32
        %mul3A_996 = arith.muli %add3A_925, %mul3A_995 : i32
        %add3A_997 = vector.broadcast %mul3A_996 : i32 to vector<16xi32>
        %add3A_998 = arith.addi %add3A_997, %iota3A : vector<16xi32>
        tpu.vector_store_idx %arg7[%add3A_998], %select_n3A_994 : memref<6400xf32, #tpu.memory_space<vmem>>[vector<16xi32>], vector<16xf32>,
        %reduce_max3A_999 = arith.constant true
        %reduce_max3A_1000 = vector.broadcast %reduce_max3A_999 : i1 to vector<16xi1>
        %reduce_max3A_1001 = tpu.scan <max>, %select_n3A_994 masked %reduce_max3A_1000 : vector<16xf32>, vector<16xi1> -> vector<16xf32>
        %reduce_max3A_1002 = vector.extract %reduce_max3A_1001[15] : f32 from vector<16xf32>
        %eq3A_1003 = vector.broadcast %reduce_min3A_922 : i32 to vector<16xi32>
        %eq3A_1004 = arith.cmpi eq, %iota3A, %eq3A_1003 : vector<16xi32>
        %broadcast_in_dim3A_1005 = vector.broadcast %reduce_max3A_1002 : f32 to vector<16xf32>
        %select_n3A_1006 = arith.select %eq3A_1004, %broadcast_in_dim3A_1005, %gather3A_909 : vector<16xi1>, vector<16xf32>
        %mul3A_1007 = arith.constant 16 : i32
        %mul3A_1008 = arith.muli %add3A_904, %mul3A_1007 : i32
        %add3A_1009 = vector.broadcast %mul3A_1008 : i32 to vector<16xi32>
        %add3A_1010 = arith.addi %add3A_1009, %iota3A : vector<16xi32>
        tpu.vector_store_idx %arg8[%add3A_1010], %select_n3A_1006 : memref<512xf32, #tpu.memory_space<vmem>>[vector<16xi32>], vector<16xf32>,
        %reduce_max3A_1011 = arith.constant true
        %reduce_max3A_1012 = vector.broadcast %reduce_max3A_1011 : i1 to vector<16xi1>
        %reduce_max3A_1013 = tpu.scan <max>, %select_n3A_1006 masked %reduce_max3A_1012 : vector<16xf32>, vector<16xi1> -> vector<16xf32>
        %reduce_max3A_1014 = vector.extract %reduce_max3A_1013[15] : f32 from vector<16xf32>
        %eq3A_1015 = vector.broadcast %reduce_min3A_900 : i32 to vector<16xi32>
        %eq3A_1016 = arith.cmpi eq, %iota3A, %eq3A_1015 : vector<16xi32>
        %broadcast_in_dim3A_1017 = vector.broadcast %reduce_max3A_1014 : f32 to vector<16xf32>
        %select_n3A_1018 = arith.select %eq3A_1016, %broadcast_in_dim3A_1017, %select_n3A_887 : vector<16xi1>, vector<16xf32>
        %add3A_1019 = vector.broadcast %select_n3A_903 : i32 to vector<16xi32>
        %add3A_1020 = arith.addi %add3A_1019, %iota3A : vector<16xi32>
        tpu.vector_store_idx %arg9[%add3A_1020], %select_n3A_1018 : memref<32xf32, #tpu.memory_space<vmem>>[vector<16xi32>], vector<16xf32>,
        %gather3A_1021 = tpu.vector_load_idx %arg9[%iota3A] : memref<32xf32, #tpu.memory_space<vmem>>[vector<16xi32>], vector<16xf32>,
        %add3A_1022 = arith.constant 16 : i32
        %add3A_1023 = vector.broadcast %add3A_1022 : i32 to vector<16xi32>
        %add3A_1024 = arith.addi %add3A_1023, %iota3A : vector<16xi32>
        %gather3A_1025 = tpu.vector_load_idx %arg9[%add3A_1024] : memref<32xf32, #tpu.memory_space<vmem>>[vector<16xi32>], vector<16xf32>,
        %reduce_max3A_1026 = arith.constant true
        %reduce_max3A_1027 = vector.broadcast %reduce_max3A_1026 : i1 to vector<16xi1>
        %reduce_max3A_1028 = tpu.scan <max>, %gather3A_1021 masked %reduce_max3A_1027 : vector<16xf32>, vector<16xi1> -> vector<16xf32>
        %reduce_max3A_1029 = vector.extract %reduce_max3A_1028[15] : f32 from vector<16xf32>
        %reduce_max3A_1030 = arith.constant true
        %reduce_max3A_1031 = vector.broadcast %reduce_max3A_1030 : i1 to vector<16xi1>
        %reduce_max3A_1032 = tpu.scan <max>, %gather3A_1025 masked %reduce_max3A_1031 : vector<16xf32>, vector<16xi1> -> vector<16xf32>
        %reduce_max3A_1033 = vector.extract %reduce_max3A_1032[15] : f32 from vector<16xf32>
        %gt3A_1034 = arith.cmpf ogt, %reduce_max3A_1033, %reduce_max3A_1029 : f32
        %select_n3A_1035 = arith.select %gt3A_1034, %reduce_max3A_1033, %reduce_max3A_1029 : f32
        %select_n3A_1036 = arith.select %gt3A_1034, %gather3A_1025, %gather3A_1021 : vector<16xf32>
        %eq3A_1037 = vector.broadcast %select_n3A_1035 : f32 to vector<16xf32>
        %eq3A_1038 = arith.cmpf oeq, %select_n3A_1036, %eq3A_1037 : vector<16xf32>
        %jit3A_1039 = arith.constant 99 : i32
        %broadcast_in_dim3A_1040 = vector.broadcast %jit3A_1039 : i32 to vector<16xi32>
        %select_n3A_1041 = arith.select %eq3A_1038, %iota3A, %broadcast_in_dim3A_1040 : vector<16xi1>, vector<16xi32>
        %reduce_min3A_1042 = arith.constant true
        %reduce_min3A_1043 = vector.broadcast %reduce_min3A_1042 : i1 to vector<16xi1>
        %reduce_min3A_1044 = arith.constant -2147483648 : i32
        %reduce_min3A_1045 = vector.broadcast %reduce_min3A_1044 : i32 to vector<16xi32>
        %reduce_min3A_1046 = arith.xori %select_n3A_1041, %reduce_min3A_1045 : vector<16xi32>
        %reduce_min3A_1047 = tpu.scan <min>, %reduce_min3A_1046 masked %reduce_min3A_1043 : vector<16xi32>, vector<16xi1> -> vector<16xi32>
        %reduce_min3A_1048 = arith.xori %reduce_min3A_1047, %reduce_min3A_1045 : vector<16xi32>
        %reduce_min3A_1049 = vector.extract %reduce_min3A_1048[15] : i32 from vector<16xi32>
        %jit3A_1050 = arith.constant 16 : i32
        %jit3A_1051 = arith.constant 0 : i32
        %select_n3A_1052 = arith.select %gt3A_1034, %jit3A_1050, %jit3A_1051 : i32
        %add3A_1053 = arith.addi %select_n3A_1052, %reduce_min3A_1049 : i32
        %mul3A_1054 = arith.constant 16 : i32
        %mul3A_1055 = arith.muli %add3A_1053, %mul3A_1054 : i32
        %add3A_1056 = vector.broadcast %mul3A_1055 : i32 to vector<16xi32>
        %add3A_1057 = arith.addi %add3A_1056, %iota3A : vector<16xi32>
        %gather3A_1058 = tpu.vector_load_idx %arg8[%add3A_1057] : memref<512xf32, #tpu.memory_space<vmem>>[vector<16xi32>], vector<16xf32>,
        %eq3A_1059 = vector.broadcast %select_n3A_1035 : f32 to vector<16xf32>
        %eq3A_1060 = arith.cmpf oeq, %gather3A_1058, %eq3A_1059 : vector<16xf32>
        %jit3A_1061 = arith.constant 99 : i32
        %broadcast_in_dim3A_1062 = vector.broadcast %jit3A_1061 : i32 to vector<16xi32>
        %select_n3A_1063 = arith.select %eq3A_1060, %iota3A, %broadcast_in_dim3A_1062 : vector<16xi1>, vector<16xi32>
        %reduce_min3A_1064 = arith.constant true
        %reduce_min3A_1065 = vector.broadcast %reduce_min3A_1064 : i1 to vector<16xi1>
        %reduce_min3A_1066 = arith.constant -2147483648 : i32
        %reduce_min3A_1067 = vector.broadcast %reduce_min3A_1066 : i32 to vector<16xi32>
        %reduce_min3A_1068 = arith.xori %select_n3A_1063, %reduce_min3A_1067 : vector<16xi32>
        %reduce_min3A_1069 = tpu.scan <min>, %reduce_min3A_1068 masked %reduce_min3A_1065 : vector<16xi32>, vector<16xi1> -> vector<16xi32>
        %reduce_min3A_1070 = arith.xori %reduce_min3A_1069, %reduce_min3A_1067 : vector<16xi32>
        %reduce_min3A_1071 = vector.extract %reduce_min3A_1070[15] : i32 from vector<16xi32>
        %mul3A_1072 = arith.constant 16 : i32
        %mul3A_1073 = arith.muli %add3A_1053, %mul3A_1072 : i32
        %add3A_1074 = arith.addi %mul3A_1073, %reduce_min3A_1071 : i32
        %mul3A_1075 = arith.constant 16 : i32
        %mul3A_1076 = arith.muli %add3A_1074, %mul3A_1075 : i32
        %add3A_1077 = vector.broadcast %mul3A_1076 : i32 to vector<16xi32>
        %add3A_1078 = arith.addi %add3A_1077, %iota3A : vector<16xi32>
        %gather3A_1079 = tpu.vector_load_idx %arg7[%add3A_1078] : memref<6400xf32, #tpu.memory_space<vmem>>[vector<16xi32>], vector<16xf32>,
        %eq3A_1080 = vector.broadcast %select_n3A_1035 : f32 to vector<16xf32>
        %eq3A_1081 = arith.cmpf oeq, %gather3A_1079, %eq3A_1080 : vector<16xf32>
        %jit3A_1082 = arith.constant 99 : i32
        %broadcast_in_dim3A_1083 = vector.broadcast %jit3A_1082 : i32 to vector<16xi32>
        %select_n3A_1084 = arith.select %eq3A_1081, %iota3A, %broadcast_in_dim3A_1083 : vector<16xi1>, vector<16xi32>
        %reduce_min3A_1085 = arith.constant true
        %reduce_min3A_1086 = vector.broadcast %reduce_min3A_1085 : i1 to vector<16xi1>
        %reduce_min3A_1087 = arith.constant -2147483648 : i32
        %reduce_min3A_1088 = vector.broadcast %reduce_min3A_1087 : i32 to vector<16xi32>
        %reduce_min3A_1089 = arith.xori %select_n3A_1084, %reduce_min3A_1088 : vector<16xi32>
        %reduce_min3A_1090 = tpu.scan <min>, %reduce_min3A_1089 masked %reduce_min3A_1086 : vector<16xi32>, vector<16xi1> -> vector<16xi32>
        %reduce_min3A_1091 = arith.xori %reduce_min3A_1090, %reduce_min3A_1088 : vector<16xi32>
        %reduce_min3A_1092 = vector.extract %reduce_min3A_1091[15] : i32 from vector<16xi32>
        %mul3A_1093 = arith.constant 16 : i32
        %mul3A_1094 = arith.muli %add3A_1074, %mul3A_1093 : i32
        %add3A_1095 = arith.addi %mul3A_1094, %reduce_min3A_1092 : i32
        %mul3A_1096 = arith.constant 16 : i32
        %mul3A_1097 = arith.muli %add3A_1095, %mul3A_1096 : i32
        %add3A_1098 = vector.broadcast %mul3A_1097 : i32 to vector<16xi32>
        %add3A_1099 = arith.addi %add3A_1098, %iota3A : vector<16xi32>
        %gather3A_1100 = tpu.vector_load_idx %arg6[%add3A_1099] : memref<100352xf32, #tpu.memory_space<vmem>>[vector<16xi32>], vector<16xf32>,
        %eq3A_1101 = vector.broadcast %select_n3A_1035 : f32 to vector<16xf32>
        %eq3A_1102 = arith.cmpf oeq, %gather3A_1100, %eq3A_1101 : vector<16xf32>
        %jit3A_1103 = arith.constant 99 : i32
        %broadcast_in_dim3A_1104 = vector.broadcast %jit3A_1103 : i32 to vector<16xi32>
        %select_n3A_1105 = arith.select %eq3A_1102, %iota3A, %broadcast_in_dim3A_1104 : vector<16xi1>, vector<16xi32>
        %reduce_min3A_1106 = arith.constant true
        %reduce_min3A_1107 = vector.broadcast %reduce_min3A_1106 : i1 to vector<16xi1>
        %reduce_min3A_1108 = arith.constant -2147483648 : i32
        %reduce_min3A_1109 = vector.broadcast %reduce_min3A_1108 : i32 to vector<16xi32>
        %reduce_min3A_1110 = arith.xori %select_n3A_1105, %reduce_min3A_1109 : vector<16xi32>
        %reduce_min3A_1111 = tpu.scan <min>, %reduce_min3A_1110 masked %reduce_min3A_1107 : vector<16xi32>, vector<16xi1> -> vector<16xi32>
        %reduce_min3A_1112 = arith.xori %reduce_min3A_1111, %reduce_min3A_1109 : vector<16xi32>
        %reduce_min3A_1113 = vector.extract %reduce_min3A_1112[15] : i32 from vector<16xi32>
        %mul3A_1114 = arith.constant 16 : i32
        %mul3A_1115 = arith.muli %add3A_1095, %mul3A_1114 : i32
        %add3A_1116 = arith.addi %mul3A_1115, %reduce_min3A_1113 : i32
        %eq3A_1117 = arith.constant 4 : i32
        %eq3A_1118 = vector.broadcast %eq3A_1117 : i32 to vector<16xi32>
        %eq3A_1119 = arith.cmpi eq, %iota3A, %eq3A_1118 : vector<16xi32>
        %broadcast_in_dim3A_1120 = vector.broadcast %add3A_1116 : i32 to vector<16xi32>
        %select_n3A_1121 = arith.select %eq3A_1119, %broadcast_in_dim3A_1120, %select_n3A_972 : vector<16xi1>, vector<16xi32>
        %eq3A_1122 = arith.constant 4 : i32
        %eq3A_1123 = vector.broadcast %eq3A_1122 : i32 to vector<16xi32>
        %eq3A_1124 = arith.cmpi eq, %iota3A, %eq3A_1123 : vector<16xi32>
        %broadcast_in_dim3A_1125 = vector.broadcast %select_n3A_1035 : f32 to vector<16xf32>
        %select_n3A_1126 = arith.select %eq3A_1124, %broadcast_in_dim3A_1125, %select_n3A_977 : vector<16xi1>, vector<16xf32>
        %eq3A_1127 = vector.broadcast %reduce_min3A_1113 : i32 to vector<16xi32>
        %eq3A_1128 = arith.cmpi eq, %iota3A, %eq3A_1127 : vector<16xi32>
        %jit3A_1129 = arith.constant 0xFF800000 : f32
        %broadcast_in_dim3A_1130 = vector.broadcast %jit3A_1129 : f32 to vector<16xf32>
        %select_n3A_1131 = arith.select %eq3A_1128, %broadcast_in_dim3A_1130, %gather3A_1100 : vector<16xi1>, vector<16xf32>
        %mul3A_1132 = arith.constant 16 : i32
        %mul3A_1133 = arith.muli %add3A_1095, %mul3A_1132 : i32
        %add3A_1134 = vector.broadcast %mul3A_1133 : i32 to vector<16xi32>
        %add3A_1135 = arith.addi %add3A_1134, %iota3A : vector<16xi32>
        tpu.vector_store_idx %arg6[%add3A_1135], %select_n3A_1131 : memref<100352xf32, #tpu.memory_space<vmem>>[vector<16xi32>], vector<16xf32>,
        %reduce_max3A_1136 = arith.constant true
        %reduce_max3A_1137 = vector.broadcast %reduce_max3A_1136 : i1 to vector<16xi1>
        %reduce_max3A_1138 = tpu.scan <max>, %select_n3A_1131 masked %reduce_max3A_1137 : vector<16xf32>, vector<16xi1> -> vector<16xf32>
        %reduce_max3A_1139 = vector.extract %reduce_max3A_1138[15] : f32 from vector<16xf32>
        %eq3A_1140 = vector.broadcast %reduce_min3A_1092 : i32 to vector<16xi32>
        %eq3A_1141 = arith.cmpi eq, %iota3A, %eq3A_1140 : vector<16xi32>
        %broadcast_in_dim3A_1142 = vector.broadcast %reduce_max3A_1139 : f32 to vector<16xf32>
        %select_n3A_1143 = arith.select %eq3A_1141, %broadcast_in_dim3A_1142, %gather3A_1079 : vector<16xi1>, vector<16xf32>
        %mul3A_1144 = arith.constant 16 : i32
        %mul3A_1145 = arith.muli %add3A_1074, %mul3A_1144 : i32
        %add3A_1146 = vector.broadcast %mul3A_1145 : i32 to vector<16xi32>
        %add3A_1147 = arith.addi %add3A_1146, %iota3A : vector<16xi32>
        tpu.vector_store_idx %arg7[%add3A_1147], %select_n3A_1143 : memref<6400xf32, #tpu.memory_space<vmem>>[vector<16xi32>], vector<16xf32>,
        %reduce_max3A_1148 = arith.constant true
        %reduce_max3A_1149 = vector.broadcast %reduce_max3A_1148 : i1 to vector<16xi1>
        %reduce_max3A_1150 = tpu.scan <max>, %select_n3A_1143 masked %reduce_max3A_1149 : vector<16xf32>, vector<16xi1> -> vector<16xf32>
        %reduce_max3A_1151 = vector.extract %reduce_max3A_1150[15] : f32 from vector<16xf32>
        %eq3A_1152 = vector.broadcast %reduce_min3A_1071 : i32 to vector<16xi32>
        %eq3A_1153 = arith.cmpi eq, %iota3A, %eq3A_1152 : vector<16xi32>
        %broadcast_in_dim3A_1154 = vector.broadcast %reduce_max3A_1151 : f32 to vector<16xf32>
        %select_n3A_1155 = arith.select %eq3A_1153, %broadcast_in_dim3A_1154, %gather3A_1058 : vector<16xi1>, vector<16xf32>
        %mul3A_1156 = arith.constant 16 : i32
        %mul3A_1157 = arith.muli %add3A_1053, %mul3A_1156 : i32
        %add3A_1158 = vector.broadcast %mul3A_1157 : i32 to vector<16xi32>
        %add3A_1159 = arith.addi %add3A_1158, %iota3A : vector<16xi32>
        tpu.vector_store_idx %arg8[%add3A_1159], %select_n3A_1155 : memref<512xf32, #tpu.memory_space<vmem>>[vector<16xi32>], vector<16xf32>,
        %reduce_max3A_1160 = arith.constant true
        %reduce_max3A_1161 = vector.broadcast %reduce_max3A_1160 : i1 to vector<16xi1>
        %reduce_max3A_1162 = tpu.scan <max>, %select_n3A_1155 masked %reduce_max3A_1161 : vector<16xf32>, vector<16xi1> -> vector<16xf32>
        %reduce_max3A_1163 = vector.extract %reduce_max3A_1162[15] : f32 from vector<16xf32>
        %eq3A_1164 = vector.broadcast %reduce_min3A_1049 : i32 to vector<16xi32>
        %eq3A_1165 = arith.cmpi eq, %iota3A, %eq3A_1164 : vector<16xi32>
        %broadcast_in_dim3A_1166 = vector.broadcast %reduce_max3A_1163 : f32 to vector<16xf32>
        %select_n3A_1167 = arith.select %eq3A_1165, %broadcast_in_dim3A_1166, %select_n3A_1036 : vector<16xi1>, vector<16xf32>
        %add3A_1168 = vector.broadcast %select_n3A_1052 : i32 to vector<16xi32>
        %add3A_1169 = arith.addi %add3A_1168, %iota3A : vector<16xi32>
        tpu.vector_store_idx %arg9[%add3A_1169], %select_n3A_1167 : memref<32xf32, #tpu.memory_space<vmem>>[vector<16xi32>], vector<16xf32>,
        %gather3A_1170 = tpu.vector_load_idx %arg9[%iota3A] : memref<32xf32, #tpu.memory_space<vmem>>[vector<16xi32>], vector<16xf32>,
        %add3A_1171 = arith.constant 16 : i32
        %add3A_1172 = vector.broadcast %add3A_1171 : i32 to vector<16xi32>
        %add3A_1173 = arith.addi %add3A_1172, %iota3A : vector<16xi32>
        %gather3A_1174 = tpu.vector_load_idx %arg9[%add3A_1173] : memref<32xf32, #tpu.memory_space<vmem>>[vector<16xi32>], vector<16xf32>,
        %reduce_max3A_1175 = arith.constant true
        %reduce_max3A_1176 = vector.broadcast %reduce_max3A_1175 : i1 to vector<16xi1>
        %reduce_max3A_1177 = tpu.scan <max>, %gather3A_1170 masked %reduce_max3A_1176 : vector<16xf32>, vector<16xi1> -> vector<16xf32>
        %reduce_max3A_1178 = vector.extract %reduce_max3A_1177[15] : f32 from vector<16xf32>
        %reduce_max3A_1179 = arith.constant true
        %reduce_max3A_1180 = vector.broadcast %reduce_max3A_1179 : i1 to vector<16xi1>
        %reduce_max3A_1181 = tpu.scan <max>, %gather3A_1174 masked %reduce_max3A_1180 : vector<16xf32>, vector<16xi1> -> vector<16xf32>
        %reduce_max3A_1182 = vector.extract %reduce_max3A_1181[15] : f32 from vector<16xf32>
        %gt3A_1183 = arith.cmpf ogt, %reduce_max3A_1182, %reduce_max3A_1178 : f32
        %select_n3A_1184 = arith.select %gt3A_1183, %reduce_max3A_1182, %reduce_max3A_1178 : f32
        %select_n3A_1185 = arith.select %gt3A_1183, %gather3A_1174, %gather3A_1170 : vector<16xf32>
        %eq3A_1186 = vector.broadcast %select_n3A_1184 : f32 to vector<16xf32>
        %eq3A_1187 = arith.cmpf oeq, %select_n3A_1185, %eq3A_1186 : vector<16xf32>
        %jit3A_1188 = arith.constant 99 : i32
        %broadcast_in_dim3A_1189 = vector.broadcast %jit3A_1188 : i32 to vector<16xi32>
        %select_n3A_1190 = arith.select %eq3A_1187, %iota3A, %broadcast_in_dim3A_1189 : vector<16xi1>, vector<16xi32>
        %reduce_min3A_1191 = arith.constant true
        %reduce_min3A_1192 = vector.broadcast %reduce_min3A_1191 : i1 to vector<16xi1>
        %reduce_min3A_1193 = arith.constant -2147483648 : i32
        %reduce_min3A_1194 = vector.broadcast %reduce_min3A_1193 : i32 to vector<16xi32>
        %reduce_min3A_1195 = arith.xori %select_n3A_1190, %reduce_min3A_1194 : vector<16xi32>
        %reduce_min3A_1196 = tpu.scan <min>, %reduce_min3A_1195 masked %reduce_min3A_1192 : vector<16xi32>, vector<16xi1> -> vector<16xi32>
        %reduce_min3A_1197 = arith.xori %reduce_min3A_1196, %reduce_min3A_1194 : vector<16xi32>
        %reduce_min3A_1198 = vector.extract %reduce_min3A_1197[15] : i32 from vector<16xi32>
        %jit3A_1199 = arith.constant 16 : i32
        %jit3A_1200 = arith.constant 0 : i32
        %select_n3A_1201 = arith.select %gt3A_1183, %jit3A_1199, %jit3A_1200 : i32
        %add3A_1202 = arith.addi %select_n3A_1201, %reduce_min3A_1198 : i32
        %mul3A_1203 = arith.constant 16 : i32
        %mul3A_1204 = arith.muli %add3A_1202, %mul3A_1203 : i32
        %add3A_1205 = vector.broadcast %mul3A_1204 : i32 to vector<16xi32>
        %add3A_1206 = arith.addi %add3A_1205, %iota3A : vector<16xi32>
        %gather3A_1207 = tpu.vector_load_idx %arg8[%add3A_1206] : memref<512xf32, #tpu.memory_space<vmem>>[vector<16xi32>], vector<16xf32>,
        %eq3A_1208 = vector.broadcast %select_n3A_1184 : f32 to vector<16xf32>
        %eq3A_1209 = arith.cmpf oeq, %gather3A_1207, %eq3A_1208 : vector<16xf32>
        %jit3A_1210 = arith.constant 99 : i32
        %broadcast_in_dim3A_1211 = vector.broadcast %jit3A_1210 : i32 to vector<16xi32>
        %select_n3A_1212 = arith.select %eq3A_1209, %iota3A, %broadcast_in_dim3A_1211 : vector<16xi1>, vector<16xi32>
        %reduce_min3A_1213 = arith.constant true
        %reduce_min3A_1214 = vector.broadcast %reduce_min3A_1213 : i1 to vector<16xi1>
        %reduce_min3A_1215 = arith.constant -2147483648 : i32
        %reduce_min3A_1216 = vector.broadcast %reduce_min3A_1215 : i32 to vector<16xi32>
        %reduce_min3A_1217 = arith.xori %select_n3A_1212, %reduce_min3A_1216 : vector<16xi32>
        %reduce_min3A_1218 = tpu.scan <min>, %reduce_min3A_1217 masked %reduce_min3A_1214 : vector<16xi32>, vector<16xi1> -> vector<16xi32>
        %reduce_min3A_1219 = arith.xori %reduce_min3A_1218, %reduce_min3A_1216 : vector<16xi32>
        %reduce_min3A_1220 = vector.extract %reduce_min3A_1219[15] : i32 from vector<16xi32>
        %mul3A_1221 = arith.constant 16 : i32
        %mul3A_1222 = arith.muli %add3A_1202, %mul3A_1221 : i32
        %add3A_1223 = arith.addi %mul3A_1222, %reduce_min3A_1220 : i32
        %mul3A_1224 = arith.constant 16 : i32
        %mul3A_1225 = arith.muli %add3A_1223, %mul3A_1224 : i32
        %add3A_1226 = vector.broadcast %mul3A_1225 : i32 to vector<16xi32>
        %add3A_1227 = arith.addi %add3A_1226, %iota3A : vector<16xi32>
        %gather3A_1228 = tpu.vector_load_idx %arg7[%add3A_1227] : memref<6400xf32, #tpu.memory_space<vmem>>[vector<16xi32>], vector<16xf32>,
        %eq3A_1229 = vector.broadcast %select_n3A_1184 : f32 to vector<16xf32>
        %eq3A_1230 = arith.cmpf oeq, %gather3A_1228, %eq3A_1229 : vector<16xf32>
        %jit3A_1231 = arith.constant 99 : i32
        %broadcast_in_dim3A_1232 = vector.broadcast %jit3A_1231 : i32 to vector<16xi32>
        %select_n3A_1233 = arith.select %eq3A_1230, %iota3A, %broadcast_in_dim3A_1232 : vector<16xi1>, vector<16xi32>
        %reduce_min3A_1234 = arith.constant true
        %reduce_min3A_1235 = vector.broadcast %reduce_min3A_1234 : i1 to vector<16xi1>
        %reduce_min3A_1236 = arith.constant -2147483648 : i32
        %reduce_min3A_1237 = vector.broadcast %reduce_min3A_1236 : i32 to vector<16xi32>
        %reduce_min3A_1238 = arith.xori %select_n3A_1233, %reduce_min3A_1237 : vector<16xi32>
        %reduce_min3A_1239 = tpu.scan <min>, %reduce_min3A_1238 masked %reduce_min3A_1235 : vector<16xi32>, vector<16xi1> -> vector<16xi32>
        %reduce_min3A_1240 = arith.xori %reduce_min3A_1239, %reduce_min3A_1237 : vector<16xi32>
        %reduce_min3A_1241 = vector.extract %reduce_min3A_1240[15] : i32 from vector<16xi32>
        %mul3A_1242 = arith.constant 16 : i32
        %mul3A_1243 = arith.muli %add3A_1223, %mul3A_1242 : i32
        %add3A_1244 = arith.addi %mul3A_1243, %reduce_min3A_1241 : i32
        %mul3A_1245 = arith.constant 16 : i32
        %mul3A_1246 = arith.muli %add3A_1244, %mul3A_1245 : i32
        %add3A_1247 = vector.broadcast %mul3A_1246 : i32 to vector<16xi32>
        %add3A_1248 = arith.addi %add3A_1247, %iota3A : vector<16xi32>
        %gather3A_1249 = tpu.vector_load_idx %arg6[%add3A_1248] : memref<100352xf32, #tpu.memory_space<vmem>>[vector<16xi32>], vector<16xf32>,
        %eq3A_1250 = vector.broadcast %select_n3A_1184 : f32 to vector<16xf32>
        %eq3A_1251 = arith.cmpf oeq, %gather3A_1249, %eq3A_1250 : vector<16xf32>
        %jit3A_1252 = arith.constant 99 : i32
        %broadcast_in_dim3A_1253 = vector.broadcast %jit3A_1252 : i32 to vector<16xi32>
        %select_n3A_1254 = arith.select %eq3A_1251, %iota3A, %broadcast_in_dim3A_1253 : vector<16xi1>, vector<16xi32>
        %reduce_min3A_1255 = arith.constant true
        %reduce_min3A_1256 = vector.broadcast %reduce_min3A_1255 : i1 to vector<16xi1>
        %reduce_min3A_1257 = arith.constant -2147483648 : i32
        %reduce_min3A_1258 = vector.broadcast %reduce_min3A_1257 : i32 to vector<16xi32>
        %reduce_min3A_1259 = arith.xori %select_n3A_1254, %reduce_min3A_1258 : vector<16xi32>
        %reduce_min3A_1260 = tpu.scan <min>, %reduce_min3A_1259 masked %reduce_min3A_1256 : vector<16xi32>, vector<16xi1> -> vector<16xi32>
        %reduce_min3A_1261 = arith.xori %reduce_min3A_1260, %reduce_min3A_1258 : vector<16xi32>
        %reduce_min3A_1262 = vector.extract %reduce_min3A_1261[15] : i32 from vector<16xi32>
        %mul3A_1263 = arith.constant 16 : i32
        %mul3A_1264 = arith.muli %add3A_1244, %mul3A_1263 : i32
        %add3A_1265 = arith.addi %mul3A_1264, %reduce_min3A_1262 : i32
        %eq3A_1266 = arith.constant 5 : i32
        %eq3A_1267 = vector.broadcast %eq3A_1266 : i32 to vector<16xi32>
        %eq3A_1268 = arith.cmpi eq, %iota3A, %eq3A_1267 : vector<16xi32>
        %broadcast_in_dim3A_1269 = vector.broadcast %add3A_1265 : i32 to vector<16xi32>
        %select_n3A_1270 = arith.select %eq3A_1268, %broadcast_in_dim3A_1269, %select_n3A_1121 : vector<16xi1>, vector<16xi32>
        %eq3A_1271 = arith.constant 5 : i32
        %eq3A_1272 = vector.broadcast %eq3A_1271 : i32 to vector<16xi32>
        %eq3A_1273 = arith.cmpi eq, %iota3A, %eq3A_1272 : vector<16xi32>
        %broadcast_in_dim3A_1274 = vector.broadcast %select_n3A_1184 : f32 to vector<16xf32>
        %select_n3A_1275 = arith.select %eq3A_1273, %broadcast_in_dim3A_1274, %select_n3A_1126 : vector<16xi1>, vector<16xf32>
        %eq3A_1276 = vector.broadcast %reduce_min3A_1262 : i32 to vector<16xi32>
        %eq3A_1277 = arith.cmpi eq, %iota3A, %eq3A_1276 : vector<16xi32>
        %jit3A_1278 = arith.constant 0xFF800000 : f32
        %broadcast_in_dim3A_1279 = vector.broadcast %jit3A_1278 : f32 to vector<16xf32>
        %select_n3A_1280 = arith.select %eq3A_1277, %broadcast_in_dim3A_1279, %gather3A_1249 : vector<16xi1>, vector<16xf32>
        %mul3A_1281 = arith.constant 16 : i32
        %mul3A_1282 = arith.muli %add3A_1244, %mul3A_1281 : i32
        %add3A_1283 = vector.broadcast %mul3A_1282 : i32 to vector<16xi32>
        %add3A_1284 = arith.addi %add3A_1283, %iota3A : vector<16xi32>
        tpu.vector_store_idx %arg6[%add3A_1284], %select_n3A_1280 : memref<100352xf32, #tpu.memory_space<vmem>>[vector<16xi32>], vector<16xf32>,
        %reduce_max3A_1285 = arith.constant true
        %reduce_max3A_1286 = vector.broadcast %reduce_max3A_1285 : i1 to vector<16xi1>
        %reduce_max3A_1287 = tpu.scan <max>, %select_n3A_1280 masked %reduce_max3A_1286 : vector<16xf32>, vector<16xi1> -> vector<16xf32>
        %reduce_max3A_1288 = vector.extract %reduce_max3A_1287[15] : f32 from vector<16xf32>
        %eq3A_1289 = vector.broadcast %reduce_min3A_1241 : i32 to vector<16xi32>
        %eq3A_1290 = arith.cmpi eq, %iota3A, %eq3A_1289 : vector<16xi32>
        %broadcast_in_dim3A_1291 = vector.broadcast %reduce_max3A_1288 : f32 to vector<16xf32>
        %select_n3A_1292 = arith.select %eq3A_1290, %broadcast_in_dim3A_1291, %gather3A_1228 : vector<16xi1>, vector<16xf32>
        %mul3A_1293 = arith.constant 16 : i32
        %mul3A_1294 = arith.muli %add3A_1223, %mul3A_1293 : i32
        %add3A_1295 = vector.broadcast %mul3A_1294 : i32 to vector<16xi32>
        %add3A_1296 = arith.addi %add3A_1295, %iota3A : vector<16xi32>
        tpu.vector_store_idx %arg7[%add3A_1296], %select_n3A_1292 : memref<6400xf32, #tpu.memory_space<vmem>>[vector<16xi32>], vector<16xf32>,
        %reduce_max3A_1297 = arith.constant true
        %reduce_max3A_1298 = vector.broadcast %reduce_max3A_1297 : i1 to vector<16xi1>
        %reduce_max3A_1299 = tpu.scan <max>, %select_n3A_1292 masked %reduce_max3A_1298 : vector<16xf32>, vector<16xi1> -> vector<16xf32>
        %reduce_max3A_1300 = vector.extract %reduce_max3A_1299[15] : f32 from vector<16xf32>
        %eq3A_1301 = vector.broadcast %reduce_min3A_1220 : i32 to vector<16xi32>
        %eq3A_1302 = arith.cmpi eq, %iota3A, %eq3A_1301 : vector<16xi32>
        %broadcast_in_dim3A_1303 = vector.broadcast %reduce_max3A_1300 : f32 to vector<16xf32>
        %select_n3A_1304 = arith.select %eq3A_1302, %broadcast_in_dim3A_1303, %gather3A_1207 : vector<16xi1>, vector<16xf32>
        %mul3A_1305 = arith.constant 16 : i32
        %mul3A_1306 = arith.muli %add3A_1202, %mul3A_1305 : i32
        %add3A_1307 = vector.broadcast %mul3A_1306 : i32 to vector<16xi32>
        %add3A_1308 = arith.addi %add3A_1307, %iota3A : vector<16xi32>
        tpu.vector_store_idx %arg8[%add3A_1308], %select_n3A_1304 : memref<512xf32, #tpu.memory_space<vmem>>[vector<16xi32>], vector<16xf32>,
        %reduce_max3A_1309 = arith.constant true
        %reduce_max3A_1310 = vector.broadcast %reduce_max3A_1309 : i1 to vector<16xi1>
        %reduce_max3A_1311 = tpu.scan <max>, %select_n3A_1304 masked %reduce_max3A_1310 : vector<16xf32>, vector<16xi1> -> vector<16xf32>
        %reduce_max3A_1312 = vector.extract %reduce_max3A_1311[15] : f32 from vector<16xf32>
        %eq3A_1313 = vector.broadcast %reduce_min3A_1198 : i32 to vector<16xi32>
        %eq3A_1314 = arith.cmpi eq, %iota3A, %eq3A_1313 : vector<16xi32>
        %broadcast_in_dim3A_1315 = vector.broadcast %reduce_max3A_1312 : f32 to vector<16xf32>
        %select_n3A_1316 = arith.select %eq3A_1314, %broadcast_in_dim3A_1315, %select_n3A_1185 : vector<16xi1>, vector<16xf32>
        %add3A_1317 = vector.broadcast %select_n3A_1201 : i32 to vector<16xi32>
        %add3A_1318 = arith.addi %add3A_1317, %iota3A : vector<16xi32>
        tpu.vector_store_idx %arg9[%add3A_1318], %select_n3A_1316 : memref<32xf32, #tpu.memory_space<vmem>>[vector<16xi32>], vector<16xf32>,
        %gather3A_1319 = tpu.vector_load_idx %arg9[%iota3A] : memref<32xf32, #tpu.memory_space<vmem>>[vector<16xi32>], vector<16xf32>,
        %add3A_1320 = arith.constant 16 : i32
        %add3A_1321 = vector.broadcast %add3A_1320 : i32 to vector<16xi32>
        %add3A_1322 = arith.addi %add3A_1321, %iota3A : vector<16xi32>
        %gather3A_1323 = tpu.vector_load_idx %arg9[%add3A_1322] : memref<32xf32, #tpu.memory_space<vmem>>[vector<16xi32>], vector<16xf32>,
        %reduce_max3A_1324 = arith.constant true
        %reduce_max3A_1325 = vector.broadcast %reduce_max3A_1324 : i1 to vector<16xi1>
        %reduce_max3A_1326 = tpu.scan <max>, %gather3A_1319 masked %reduce_max3A_1325 : vector<16xf32>, vector<16xi1> -> vector<16xf32>
        %reduce_max3A_1327 = vector.extract %reduce_max3A_1326[15] : f32 from vector<16xf32>
        %reduce_max3A_1328 = arith.constant true
        %reduce_max3A_1329 = vector.broadcast %reduce_max3A_1328 : i1 to vector<16xi1>
        %reduce_max3A_1330 = tpu.scan <max>, %gather3A_1323 masked %reduce_max3A_1329 : vector<16xf32>, vector<16xi1> -> vector<16xf32>
        %reduce_max3A_1331 = vector.extract %reduce_max3A_1330[15] : f32 from vector<16xf32>
        %gt3A_1332 = arith.cmpf ogt, %reduce_max3A_1331, %reduce_max3A_1327 : f32
        %select_n3A_1333 = arith.select %gt3A_1332, %reduce_max3A_1331, %reduce_max3A_1327 : f32
        %select_n3A_1334 = arith.select %gt3A_1332, %gather3A_1323, %gather3A_1319 : vector<16xf32>
        %eq3A_1335 = vector.broadcast %select_n3A_1333 : f32 to vector<16xf32>
        %eq3A_1336 = arith.cmpf oeq, %select_n3A_1334, %eq3A_1335 : vector<16xf32>
        %jit3A_1337 = arith.constant 99 : i32
        %broadcast_in_dim3A_1338 = vector.broadcast %jit3A_1337 : i32 to vector<16xi32>
        %select_n3A_1339 = arith.select %eq3A_1336, %iota3A, %broadcast_in_dim3A_1338 : vector<16xi1>, vector<16xi32>
        %reduce_min3A_1340 = arith.constant true
        %reduce_min3A_1341 = vector.broadcast %reduce_min3A_1340 : i1 to vector<16xi1>
        %reduce_min3A_1342 = arith.constant -2147483648 : i32
        %reduce_min3A_1343 = vector.broadcast %reduce_min3A_1342 : i32 to vector<16xi32>
        %reduce_min3A_1344 = arith.xori %select_n3A_1339, %reduce_min3A_1343 : vector<16xi32>
        %reduce_min3A_1345 = tpu.scan <min>, %reduce_min3A_1344 masked %reduce_min3A_1341 : vector<16xi32>, vector<16xi1> -> vector<16xi32>
        %reduce_min3A_1346 = arith.xori %reduce_min3A_1345, %reduce_min3A_1343 : vector<16xi32>
        %reduce_min3A_1347 = vector.extract %reduce_min3A_1346[15] : i32 from vector<16xi32>
        %jit3A_1348 = arith.constant 16 : i32
        %jit3A_1349 = arith.constant 0 : i32
        %select_n3A_1350 = arith.select %gt3A_1332, %jit3A_1348, %jit3A_1349 : i32
        %add3A_1351 = arith.addi %select_n3A_1350, %reduce_min3A_1347 : i32
        %mul3A_1352 = arith.constant 16 : i32
        %mul3A_1353 = arith.muli %add3A_1351, %mul3A_1352 : i32
        %add3A_1354 = vector.broadcast %mul3A_1353 : i32 to vector<16xi32>
        %add3A_1355 = arith.addi %add3A_1354, %iota3A : vector<16xi32>
        %gather3A_1356 = tpu.vector_load_idx %arg8[%add3A_1355] : memref<512xf32, #tpu.memory_space<vmem>>[vector<16xi32>], vector<16xf32>,
        %eq3A_1357 = vector.broadcast %select_n3A_1333 : f32 to vector<16xf32>
        %eq3A_1358 = arith.cmpf oeq, %gather3A_1356, %eq3A_1357 : vector<16xf32>
        %jit3A_1359 = arith.constant 99 : i32
        %broadcast_in_dim3A_1360 = vector.broadcast %jit3A_1359 : i32 to vector<16xi32>
        %select_n3A_1361 = arith.select %eq3A_1358, %iota3A, %broadcast_in_dim3A_1360 : vector<16xi1>, vector<16xi32>
        %reduce_min3A_1362 = arith.constant true
        %reduce_min3A_1363 = vector.broadcast %reduce_min3A_1362 : i1 to vector<16xi1>
        %reduce_min3A_1364 = arith.constant -2147483648 : i32
        %reduce_min3A_1365 = vector.broadcast %reduce_min3A_1364 : i32 to vector<16xi32>
        %reduce_min3A_1366 = arith.xori %select_n3A_1361, %reduce_min3A_1365 : vector<16xi32>
        %reduce_min3A_1367 = tpu.scan <min>, %reduce_min3A_1366 masked %reduce_min3A_1363 : vector<16xi32>, vector<16xi1> -> vector<16xi32>
        %reduce_min3A_1368 = arith.xori %reduce_min3A_1367, %reduce_min3A_1365 : vector<16xi32>
        %reduce_min3A_1369 = vector.extract %reduce_min3A_1368[15] : i32 from vector<16xi32>
        %mul3A_1370 = arith.constant 16 : i32
        %mul3A_1371 = arith.muli %add3A_1351, %mul3A_1370 : i32
        %add3A_1372 = arith.addi %mul3A_1371, %reduce_min3A_1369 : i32
        %mul3A_1373 = arith.constant 16 : i32
        %mul3A_1374 = arith.muli %add3A_1372, %mul3A_1373 : i32
        %add3A_1375 = vector.broadcast %mul3A_1374 : i32 to vector<16xi32>
        %add3A_1376 = arith.addi %add3A_1375, %iota3A : vector<16xi32>
        %gather3A_1377 = tpu.vector_load_idx %arg7[%add3A_1376] : memref<6400xf32, #tpu.memory_space<vmem>>[vector<16xi32>], vector<16xf32>,
        %eq3A_1378 = vector.broadcast %select_n3A_1333 : f32 to vector<16xf32>
        %eq3A_1379 = arith.cmpf oeq, %gather3A_1377, %eq3A_1378 : vector<16xf32>
        %jit3A_1380 = arith.constant 99 : i32
        %broadcast_in_dim3A_1381 = vector.broadcast %jit3A_1380 : i32 to vector<16xi32>
        %select_n3A_1382 = arith.select %eq3A_1379, %iota3A, %broadcast_in_dim3A_1381 : vector<16xi1>, vector<16xi32>
        %reduce_min3A_1383 = arith.constant true
        %reduce_min3A_1384 = vector.broadcast %reduce_min3A_1383 : i1 to vector<16xi1>
        %reduce_min3A_1385 = arith.constant -2147483648 : i32
        %reduce_min3A_1386 = vector.broadcast %reduce_min3A_1385 : i32 to vector<16xi32>
        %reduce_min3A_1387 = arith.xori %select_n3A_1382, %reduce_min3A_1386 : vector<16xi32>
        %reduce_min3A_1388 = tpu.scan <min>, %reduce_min3A_1387 masked %reduce_min3A_1384 : vector<16xi32>, vector<16xi1> -> vector<16xi32>
        %reduce_min3A_1389 = arith.xori %reduce_min3A_1388, %reduce_min3A_1386 : vector<16xi32>
        %reduce_min3A_1390 = vector.extract %reduce_min3A_1389[15] : i32 from vector<16xi32>
        %mul3A_1391 = arith.constant 16 : i32
        %mul3A_1392 = arith.muli %add3A_1372, %mul3A_1391 : i32
        %add3A_1393 = arith.addi %mul3A_1392, %reduce_min3A_1390 : i32
        %mul3A_1394 = arith.constant 16 : i32
        %mul3A_1395 = arith.muli %add3A_1393, %mul3A_1394 : i32
        %add3A_1396 = vector.broadcast %mul3A_1395 : i32 to vector<16xi32>
        %add3A_1397 = arith.addi %add3A_1396, %iota3A : vector<16xi32>
        %gather3A_1398 = tpu.vector_load_idx %arg6[%add3A_1397] : memref<100352xf32, #tpu.memory_space<vmem>>[vector<16xi32>], vector<16xf32>,
        %eq3A_1399 = vector.broadcast %select_n3A_1333 : f32 to vector<16xf32>
        %eq3A_1400 = arith.cmpf oeq, %gather3A_1398, %eq3A_1399 : vector<16xf32>
        %jit3A_1401 = arith.constant 99 : i32
        %broadcast_in_dim3A_1402 = vector.broadcast %jit3A_1401 : i32 to vector<16xi32>
        %select_n3A_1403 = arith.select %eq3A_1400, %iota3A, %broadcast_in_dim3A_1402 : vector<16xi1>, vector<16xi32>
        %reduce_min3A_1404 = arith.constant true
        %reduce_min3A_1405 = vector.broadcast %reduce_min3A_1404 : i1 to vector<16xi1>
        %reduce_min3A_1406 = arith.constant -2147483648 : i32
        %reduce_min3A_1407 = vector.broadcast %reduce_min3A_1406 : i32 to vector<16xi32>
        %reduce_min3A_1408 = arith.xori %select_n3A_1403, %reduce_min3A_1407 : vector<16xi32>
        %reduce_min3A_1409 = tpu.scan <min>, %reduce_min3A_1408 masked %reduce_min3A_1405 : vector<16xi32>, vector<16xi1> -> vector<16xi32>
        %reduce_min3A_1410 = arith.xori %reduce_min3A_1409, %reduce_min3A_1407 : vector<16xi32>
        %reduce_min3A_1411 = vector.extract %reduce_min3A_1410[15] : i32 from vector<16xi32>
        %mul3A_1412 = arith.constant 16 : i32
        %mul3A_1413 = arith.muli %add3A_1393, %mul3A_1412 : i32
        %add3A_1414 = arith.addi %mul3A_1413, %reduce_min3A_1411 : i32
        %eq3A_1415 = arith.constant 6 : i32
        %eq3A_1416 = vector.broadcast %eq3A_1415 : i32 to vector<16xi32>
        %eq3A_1417 = arith.cmpi eq, %iota3A, %eq3A_1416 : vector<16xi32>
        %broadcast_in_dim3A_1418 = vector.broadcast %add3A_1414 : i32 to vector<16xi32>
        %select_n3A_1419 = arith.select %eq3A_1417, %broadcast_in_dim3A_1418, %select_n3A_1270 : vector<16xi1>, vector<16xi32>
        %eq3A_1420 = arith.constant 6 : i32
        %eq3A_1421 = vector.broadcast %eq3A_1420 : i32 to vector<16xi32>
        %eq3A_1422 = arith.cmpi eq, %iota3A, %eq3A_1421 : vector<16xi32>
        %broadcast_in_dim3A_1423 = vector.broadcast %select_n3A_1333 : f32 to vector<16xf32>
        %select_n3A_1424 = arith.select %eq3A_1422, %broadcast_in_dim3A_1423, %select_n3A_1275 : vector<16xi1>, vector<16xf32>
        %eq3A_1425 = vector.broadcast %reduce_min3A_1411 : i32 to vector<16xi32>
        %eq3A_1426 = arith.cmpi eq, %iota3A, %eq3A_1425 : vector<16xi32>
        %jit3A_1427 = arith.constant 0xFF800000 : f32
        %broadcast_in_dim3A_1428 = vector.broadcast %jit3A_1427 : f32 to vector<16xf32>
        %select_n3A_1429 = arith.select %eq3A_1426, %broadcast_in_dim3A_1428, %gather3A_1398 : vector<16xi1>, vector<16xf32>
        %mul3A_1430 = arith.constant 16 : i32
        %mul3A_1431 = arith.muli %add3A_1393, %mul3A_1430 : i32
        %add3A_1432 = vector.broadcast %mul3A_1431 : i32 to vector<16xi32>
        %add3A_1433 = arith.addi %add3A_1432, %iota3A : vector<16xi32>
        tpu.vector_store_idx %arg6[%add3A_1433], %select_n3A_1429 : memref<100352xf32, #tpu.memory_space<vmem>>[vector<16xi32>], vector<16xf32>,
        %reduce_max3A_1434 = arith.constant true
        %reduce_max3A_1435 = vector.broadcast %reduce_max3A_1434 : i1 to vector<16xi1>
        %reduce_max3A_1436 = tpu.scan <max>, %select_n3A_1429 masked %reduce_max3A_1435 : vector<16xf32>, vector<16xi1> -> vector<16xf32>
        %reduce_max3A_1437 = vector.extract %reduce_max3A_1436[15] : f32 from vector<16xf32>
        %eq3A_1438 = vector.broadcast %reduce_min3A_1390 : i32 to vector<16xi32>
        %eq3A_1439 = arith.cmpi eq, %iota3A, %eq3A_1438 : vector<16xi32>
        %broadcast_in_dim3A_1440 = vector.broadcast %reduce_max3A_1437 : f32 to vector<16xf32>
        %select_n3A_1441 = arith.select %eq3A_1439, %broadcast_in_dim3A_1440, %gather3A_1377 : vector<16xi1>, vector<16xf32>
        %mul3A_1442 = arith.constant 16 : i32
        %mul3A_1443 = arith.muli %add3A_1372, %mul3A_1442 : i32
        %add3A_1444 = vector.broadcast %mul3A_1443 : i32 to vector<16xi32>
        %add3A_1445 = arith.addi %add3A_1444, %iota3A : vector<16xi32>
        tpu.vector_store_idx %arg7[%add3A_1445], %select_n3A_1441 : memref<6400xf32, #tpu.memory_space<vmem>>[vector<16xi32>], vector<16xf32>,
        %reduce_max3A_1446 = arith.constant true
        %reduce_max3A_1447 = vector.broadcast %reduce_max3A_1446 : i1 to vector<16xi1>
        %reduce_max3A_1448 = tpu.scan <max>, %select_n3A_1441 masked %reduce_max3A_1447 : vector<16xf32>, vector<16xi1> -> vector<16xf32>
        %reduce_max3A_1449 = vector.extract %reduce_max3A_1448[15] : f32 from vector<16xf32>
        %eq3A_1450 = vector.broadcast %reduce_min3A_1369 : i32 to vector<16xi32>
        %eq3A_1451 = arith.cmpi eq, %iota3A, %eq3A_1450 : vector<16xi32>
        %broadcast_in_dim3A_1452 = vector.broadcast %reduce_max3A_1449 : f32 to vector<16xf32>
        %select_n3A_1453 = arith.select %eq3A_1451, %broadcast_in_dim3A_1452, %gather3A_1356 : vector<16xi1>, vector<16xf32>
        %mul3A_1454 = arith.constant 16 : i32
        %mul3A_1455 = arith.muli %add3A_1351, %mul3A_1454 : i32
        %add3A_1456 = vector.broadcast %mul3A_1455 : i32 to vector<16xi32>
        %add3A_1457 = arith.addi %add3A_1456, %iota3A : vector<16xi32>
        tpu.vector_store_idx %arg8[%add3A_1457], %select_n3A_1453 : memref<512xf32, #tpu.memory_space<vmem>>[vector<16xi32>], vector<16xf32>,
        %reduce_max3A_1458 = arith.constant true
        %reduce_max3A_1459 = vector.broadcast %reduce_max3A_1458 : i1 to vector<16xi1>
        %reduce_max3A_1460 = tpu.scan <max>, %select_n3A_1453 masked %reduce_max3A_1459 : vector<16xf32>, vector<16xi1> -> vector<16xf32>
        %reduce_max3A_1461 = vector.extract %reduce_max3A_1460[15] : f32 from vector<16xf32>
        %eq3A_1462 = vector.broadcast %reduce_min3A_1347 : i32 to vector<16xi32>
        %eq3A_1463 = arith.cmpi eq, %iota3A, %eq3A_1462 : vector<16xi32>
        %broadcast_in_dim3A_1464 = vector.broadcast %reduce_max3A_1461 : f32 to vector<16xf32>
        %select_n3A_1465 = arith.select %eq3A_1463, %broadcast_in_dim3A_1464, %select_n3A_1334 : vector<16xi1>, vector<16xf32>
        %add3A_1466 = vector.broadcast %select_n3A_1350 : i32 to vector<16xi32>
        %add3A_1467 = arith.addi %add3A_1466, %iota3A : vector<16xi32>
        tpu.vector_store_idx %arg9[%add3A_1467], %select_n3A_1465 : memref<32xf32, #tpu.memory_space<vmem>>[vector<16xi32>], vector<16xf32>,
        %gather3A_1468 = tpu.vector_load_idx %arg9[%iota3A] : memref<32xf32, #tpu.memory_space<vmem>>[vector<16xi32>], vector<16xf32>,
        %add3A_1469 = arith.constant 16 : i32
        %add3A_1470 = vector.broadcast %add3A_1469 : i32 to vector<16xi32>
        %add3A_1471 = arith.addi %add3A_1470, %iota3A : vector<16xi32>
        %gather3A_1472 = tpu.vector_load_idx %arg9[%add3A_1471] : memref<32xf32, #tpu.memory_space<vmem>>[vector<16xi32>], vector<16xf32>,
        %reduce_max3A_1473 = arith.constant true
        %reduce_max3A_1474 = vector.broadcast %reduce_max3A_1473 : i1 to vector<16xi1>
        %reduce_max3A_1475 = tpu.scan <max>, %gather3A_1468 masked %reduce_max3A_1474 : vector<16xf32>, vector<16xi1> -> vector<16xf32>
        %reduce_max3A_1476 = vector.extract %reduce_max3A_1475[15] : f32 from vector<16xf32>
        %reduce_max3A_1477 = arith.constant true
        %reduce_max3A_1478 = vector.broadcast %reduce_max3A_1477 : i1 to vector<16xi1>
        %reduce_max3A_1479 = tpu.scan <max>, %gather3A_1472 masked %reduce_max3A_1478 : vector<16xf32>, vector<16xi1> -> vector<16xf32>
        %reduce_max3A_1480 = vector.extract %reduce_max3A_1479[15] : f32 from vector<16xf32>
        %gt3A_1481 = arith.cmpf ogt, %reduce_max3A_1480, %reduce_max3A_1476 : f32
        %select_n3A_1482 = arith.select %gt3A_1481, %reduce_max3A_1480, %reduce_max3A_1476 : f32
        %select_n3A_1483 = arith.select %gt3A_1481, %gather3A_1472, %gather3A_1468 : vector<16xf32>
        %eq3A_1484 = vector.broadcast %select_n3A_1482 : f32 to vector<16xf32>
        %eq3A_1485 = arith.cmpf oeq, %select_n3A_1483, %eq3A_1484 : vector<16xf32>
        %jit3A_1486 = arith.constant 99 : i32
        %broadcast_in_dim3A_1487 = vector.broadcast %jit3A_1486 : i32 to vector<16xi32>
        %select_n3A_1488 = arith.select %eq3A_1485, %iota3A, %broadcast_in_dim3A_1487 : vector<16xi1>, vector<16xi32>
        %reduce_min3A_1489 = arith.constant true
        %reduce_min3A_1490 = vector.broadcast %reduce_min3A_1489 : i1 to vector<16xi1>
        %reduce_min3A_1491 = arith.constant -2147483648 : i32
        %reduce_min3A_1492 = vector.broadcast %reduce_min3A_1491 : i32 to vector<16xi32>
        %reduce_min3A_1493 = arith.xori %select_n3A_1488, %reduce_min3A_1492 : vector<16xi32>
        %reduce_min3A_1494 = tpu.scan <min>, %reduce_min3A_1493 masked %reduce_min3A_1490 : vector<16xi32>, vector<16xi1> -> vector<16xi32>
        %reduce_min3A_1495 = arith.xori %reduce_min3A_1494, %reduce_min3A_1492 : vector<16xi32>
        %reduce_min3A_1496 = vector.extract %reduce_min3A_1495[15] : i32 from vector<16xi32>
        %jit3A_1497 = arith.constant 16 : i32
        %jit3A_1498 = arith.constant 0 : i32
        %select_n3A_1499 = arith.select %gt3A_1481, %jit3A_1497, %jit3A_1498 : i32
        %add3A_1500 = arith.addi %select_n3A_1499, %reduce_min3A_1496 : i32
        %mul3A_1501 = arith.constant 16 : i32
        %mul3A_1502 = arith.muli %add3A_1500, %mul3A_1501 : i32
        %add3A_1503 = vector.broadcast %mul3A_1502 : i32 to vector<16xi32>
        %add3A_1504 = arith.addi %add3A_1503, %iota3A : vector<16xi32>
        %gather3A_1505 = tpu.vector_load_idx %arg8[%add3A_1504] : memref<512xf32, #tpu.memory_space<vmem>>[vector<16xi32>], vector<16xf32>,
        %eq3A_1506 = vector.broadcast %select_n3A_1482 : f32 to vector<16xf32>
        %eq3A_1507 = arith.cmpf oeq, %gather3A_1505, %eq3A_1506 : vector<16xf32>
        %jit3A_1508 = arith.constant 99 : i32
        %broadcast_in_dim3A_1509 = vector.broadcast %jit3A_1508 : i32 to vector<16xi32>
        %select_n3A_1510 = arith.select %eq3A_1507, %iota3A, %broadcast_in_dim3A_1509 : vector<16xi1>, vector<16xi32>
        %reduce_min3A_1511 = arith.constant true
        %reduce_min3A_1512 = vector.broadcast %reduce_min3A_1511 : i1 to vector<16xi1>
        %reduce_min3A_1513 = arith.constant -2147483648 : i32
        %reduce_min3A_1514 = vector.broadcast %reduce_min3A_1513 : i32 to vector<16xi32>
        %reduce_min3A_1515 = arith.xori %select_n3A_1510, %reduce_min3A_1514 : vector<16xi32>
        %reduce_min3A_1516 = tpu.scan <min>, %reduce_min3A_1515 masked %reduce_min3A_1512 : vector<16xi32>, vector<16xi1> -> vector<16xi32>
        %reduce_min3A_1517 = arith.xori %reduce_min3A_1516, %reduce_min3A_1514 : vector<16xi32>
        %reduce_min3A_1518 = vector.extract %reduce_min3A_1517[15] : i32 from vector<16xi32>
        %mul3A_1519 = arith.constant 16 : i32
        %mul3A_1520 = arith.muli %add3A_1500, %mul3A_1519 : i32
        %add3A_1521 = arith.addi %mul3A_1520, %reduce_min3A_1518 : i32
        %mul3A_1522 = arith.constant 16 : i32
        %mul3A_1523 = arith.muli %add3A_1521, %mul3A_1522 : i32
        %add3A_1524 = vector.broadcast %mul3A_1523 : i32 to vector<16xi32>
        %add3A_1525 = arith.addi %add3A_1524, %iota3A : vector<16xi32>
        %gather3A_1526 = tpu.vector_load_idx %arg7[%add3A_1525] : memref<6400xf32, #tpu.memory_space<vmem>>[vector<16xi32>], vector<16xf32>,
        %eq3A_1527 = vector.broadcast %select_n3A_1482 : f32 to vector<16xf32>
        %eq3A_1528 = arith.cmpf oeq, %gather3A_1526, %eq3A_1527 : vector<16xf32>
        %jit3A_1529 = arith.constant 99 : i32
        %broadcast_in_dim3A_1530 = vector.broadcast %jit3A_1529 : i32 to vector<16xi32>
        %select_n3A_1531 = arith.select %eq3A_1528, %iota3A, %broadcast_in_dim3A_1530 : vector<16xi1>, vector<16xi32>
        %reduce_min3A_1532 = arith.constant true
        %reduce_min3A_1533 = vector.broadcast %reduce_min3A_1532 : i1 to vector<16xi1>
        %reduce_min3A_1534 = arith.constant -2147483648 : i32
        %reduce_min3A_1535 = vector.broadcast %reduce_min3A_1534 : i32 to vector<16xi32>
        %reduce_min3A_1536 = arith.xori %select_n3A_1531, %reduce_min3A_1535 : vector<16xi32>
        %reduce_min3A_1537 = tpu.scan <min>, %reduce_min3A_1536 masked %reduce_min3A_1533 : vector<16xi32>, vector<16xi1> -> vector<16xi32>
        %reduce_min3A_1538 = arith.xori %reduce_min3A_1537, %reduce_min3A_1535 : vector<16xi32>
        %reduce_min3A_1539 = vector.extract %reduce_min3A_1538[15] : i32 from vector<16xi32>
        %mul3A_1540 = arith.constant 16 : i32
        %mul3A_1541 = arith.muli %add3A_1521, %mul3A_1540 : i32
        %add3A_1542 = arith.addi %mul3A_1541, %reduce_min3A_1539 : i32
        %mul3A_1543 = arith.constant 16 : i32
        %mul3A_1544 = arith.muli %add3A_1542, %mul3A_1543 : i32
        %add3A_1545 = vector.broadcast %mul3A_1544 : i32 to vector<16xi32>
        %add3A_1546 = arith.addi %add3A_1545, %iota3A : vector<16xi32>
        %gather3A_1547 = tpu.vector_load_idx %arg6[%add3A_1546] : memref<100352xf32, #tpu.memory_space<vmem>>[vector<16xi32>], vector<16xf32>,
        %eq3A_1548 = vector.broadcast %select_n3A_1482 : f32 to vector<16xf32>
        %eq3A_1549 = arith.cmpf oeq, %gather3A_1547, %eq3A_1548 : vector<16xf32>
        %jit3A_1550 = arith.constant 99 : i32
        %broadcast_in_dim3A_1551 = vector.broadcast %jit3A_1550 : i32 to vector<16xi32>
        %select_n3A_1552 = arith.select %eq3A_1549, %iota3A, %broadcast_in_dim3A_1551 : vector<16xi1>, vector<16xi32>
        %reduce_min3A_1553 = arith.constant true
        %reduce_min3A_1554 = vector.broadcast %reduce_min3A_1553 : i1 to vector<16xi1>
        %reduce_min3A_1555 = arith.constant -2147483648 : i32
        %reduce_min3A_1556 = vector.broadcast %reduce_min3A_1555 : i32 to vector<16xi32>
        %reduce_min3A_1557 = arith.xori %select_n3A_1552, %reduce_min3A_1556 : vector<16xi32>
        %reduce_min3A_1558 = tpu.scan <min>, %reduce_min3A_1557 masked %reduce_min3A_1554 : vector<16xi32>, vector<16xi1> -> vector<16xi32>
        %reduce_min3A_1559 = arith.xori %reduce_min3A_1558, %reduce_min3A_1556 : vector<16xi32>
        %reduce_min3A_1560 = vector.extract %reduce_min3A_1559[15] : i32 from vector<16xi32>
        %mul3A_1561 = arith.constant 16 : i32
        %mul3A_1562 = arith.muli %add3A_1542, %mul3A_1561 : i32
        %add3A_1563 = arith.addi %mul3A_1562, %reduce_min3A_1560 : i32
        %eq3A_1564 = arith.constant 7 : i32
        %eq3A_1565 = vector.broadcast %eq3A_1564 : i32 to vector<16xi32>
        %eq3A_1566 = arith.cmpi eq, %iota3A, %eq3A_1565 : vector<16xi32>
        %broadcast_in_dim3A_1567 = vector.broadcast %add3A_1563 : i32 to vector<16xi32>
        %select_n3A_1568 = arith.select %eq3A_1566, %broadcast_in_dim3A_1567, %select_n3A_1419 : vector<16xi1>, vector<16xi32>
        %eq3A_1569 = arith.constant 7 : i32
        %eq3A_1570 = vector.broadcast %eq3A_1569 : i32 to vector<16xi32>
        %eq3A_1571 = arith.cmpi eq, %iota3A, %eq3A_1570 : vector<16xi32>
        %broadcast_in_dim3A_1572 = vector.broadcast %select_n3A_1482 : f32 to vector<16xf32>
        %select_n3A_1573 = arith.select %eq3A_1571, %broadcast_in_dim3A_1572, %select_n3A_1424 : vector<16xi1>, vector<16xf32>
        %eq3A_1574 = vector.broadcast %reduce_min3A_1560 : i32 to vector<16xi32>
        %eq3A_1575 = arith.cmpi eq, %iota3A, %eq3A_1574 : vector<16xi32>
        %jit3A_1576 = arith.constant 0xFF800000 : f32
        %broadcast_in_dim3A_1577 = vector.broadcast %jit3A_1576 : f32 to vector<16xf32>
        %select_n3A_1578 = arith.select %eq3A_1575, %broadcast_in_dim3A_1577, %gather3A_1547 : vector<16xi1>, vector<16xf32>
        %mul3A_1579 = arith.constant 16 : i32
        %mul3A_1580 = arith.muli %add3A_1542, %mul3A_1579 : i32
        %add3A_1581 = vector.broadcast %mul3A_1580 : i32 to vector<16xi32>
        %add3A_1582 = arith.addi %add3A_1581, %iota3A : vector<16xi32>
        tpu.vector_store_idx %arg6[%add3A_1582], %select_n3A_1578 : memref<100352xf32, #tpu.memory_space<vmem>>[vector<16xi32>], vector<16xf32>,
        %reduce_max3A_1583 = arith.constant true
        %reduce_max3A_1584 = vector.broadcast %reduce_max3A_1583 : i1 to vector<16xi1>
        %reduce_max3A_1585 = tpu.scan <max>, %select_n3A_1578 masked %reduce_max3A_1584 : vector<16xf32>, vector<16xi1> -> vector<16xf32>
        %reduce_max3A_1586 = vector.extract %reduce_max3A_1585[15] : f32 from vector<16xf32>
        %eq3A_1587 = vector.broadcast %reduce_min3A_1539 : i32 to vector<16xi32>
        %eq3A_1588 = arith.cmpi eq, %iota3A, %eq3A_1587 : vector<16xi32>
        %broadcast_in_dim3A_1589 = vector.broadcast %reduce_max3A_1586 : f32 to vector<16xf32>
        %select_n3A_1590 = arith.select %eq3A_1588, %broadcast_in_dim3A_1589, %gather3A_1526 : vector<16xi1>, vector<16xf32>
        %mul3A_1591 = arith.constant 16 : i32
        %mul3A_1592 = arith.muli %add3A_1521, %mul3A_1591 : i32
        %add3A_1593 = vector.broadcast %mul3A_1592 : i32 to vector<16xi32>
        %add3A_1594 = arith.addi %add3A_1593, %iota3A : vector<16xi32>
        tpu.vector_store_idx %arg7[%add3A_1594], %select_n3A_1590 : memref<6400xf32, #tpu.memory_space<vmem>>[vector<16xi32>], vector<16xf32>,
        %reduce_max3A_1595 = arith.constant true
        %reduce_max3A_1596 = vector.broadcast %reduce_max3A_1595 : i1 to vector<16xi1>
        %reduce_max3A_1597 = tpu.scan <max>, %select_n3A_1590 masked %reduce_max3A_1596 : vector<16xf32>, vector<16xi1> -> vector<16xf32>
        %reduce_max3A_1598 = vector.extract %reduce_max3A_1597[15] : f32 from vector<16xf32>
        %eq3A_1599 = vector.broadcast %reduce_min3A_1518 : i32 to vector<16xi32>
        %eq3A_1600 = arith.cmpi eq, %iota3A, %eq3A_1599 : vector<16xi32>
        %broadcast_in_dim3A_1601 = vector.broadcast %reduce_max3A_1598 : f32 to vector<16xf32>
        %select_n3A_1602 = arith.select %eq3A_1600, %broadcast_in_dim3A_1601, %gather3A_1505 : vector<16xi1>, vector<16xf32>
        %mul3A_1603 = arith.constant 16 : i32
        %mul3A_1604 = arith.muli %add3A_1500, %mul3A_1603 : i32
        %add3A_1605 = vector.broadcast %mul3A_1604 : i32 to vector<16xi32>
        %add3A_1606 = arith.addi %add3A_1605, %iota3A : vector<16xi32>
        tpu.vector_store_idx %arg8[%add3A_1606], %select_n3A_1602 : memref<512xf32, #tpu.memory_space<vmem>>[vector<16xi32>], vector<16xf32>,
        %reduce_max3A_1607 = arith.constant true
        %reduce_max3A_1608 = vector.broadcast %reduce_max3A_1607 : i1 to vector<16xi1>
        %reduce_max3A_1609 = tpu.scan <max>, %select_n3A_1602 masked %reduce_max3A_1608 : vector<16xf32>, vector<16xi1> -> vector<16xf32>
        %reduce_max3A_1610 = vector.extract %reduce_max3A_1609[15] : f32 from vector<16xf32>
        %eq3A_1611 = vector.broadcast %reduce_min3A_1496 : i32 to vector<16xi32>
        %eq3A_1612 = arith.cmpi eq, %iota3A, %eq3A_1611 : vector<16xi32>
        %broadcast_in_dim3A_1613 = vector.broadcast %reduce_max3A_1610 : f32 to vector<16xf32>
        %select_n3A_1614 = arith.select %eq3A_1612, %broadcast_in_dim3A_1613, %select_n3A_1483 : vector<16xi1>, vector<16xf32>
        %add3A_1615 = vector.broadcast %select_n3A_1499 : i32 to vector<16xi32>
        %add3A_1616 = arith.addi %add3A_1615, %iota3A : vector<16xi32>
        tpu.vector_store_idx %arg9[%add3A_1616], %select_n3A_1614 : memref<32xf32, #tpu.memory_space<vmem>>[vector<16xi32>], vector<16xf32>,
        %gather3A_1617 = tpu.vector_load_idx %arg9[%iota3A] : memref<32xf32, #tpu.memory_space<vmem>>[vector<16xi32>], vector<16xf32>,
        %add3A_1618 = arith.constant 16 : i32
        %add3A_1619 = vector.broadcast %add3A_1618 : i32 to vector<16xi32>
        %add3A_1620 = arith.addi %add3A_1619, %iota3A : vector<16xi32>
        %gather3A_1621 = tpu.vector_load_idx %arg9[%add3A_1620] : memref<32xf32, #tpu.memory_space<vmem>>[vector<16xi32>], vector<16xf32>,
        %reduce_max3A_1622 = arith.constant true
        %reduce_max3A_1623 = vector.broadcast %reduce_max3A_1622 : i1 to vector<16xi1>
        %reduce_max3A_1624 = tpu.scan <max>, %gather3A_1617 masked %reduce_max3A_1623 : vector<16xf32>, vector<16xi1> -> vector<16xf32>
        %reduce_max3A_1625 = vector.extract %reduce_max3A_1624[15] : f32 from vector<16xf32>
        %reduce_max3A_1626 = arith.constant true
        %reduce_max3A_1627 = vector.broadcast %reduce_max3A_1626 : i1 to vector<16xi1>
        %reduce_max3A_1628 = tpu.scan <max>, %gather3A_1621 masked %reduce_max3A_1627 : vector<16xf32>, vector<16xi1> -> vector<16xf32>
        %reduce_max3A_1629 = vector.extract %reduce_max3A_1628[15] : f32 from vector<16xf32>
        %gt3A_1630 = arith.cmpf ogt, %reduce_max3A_1629, %reduce_max3A_1625 : f32
        %select_n3A_1631 = arith.select %gt3A_1630, %reduce_max3A_1629, %reduce_max3A_1625 : f32
        %select_n3A_1632 = arith.select %gt3A_1630, %gather3A_1621, %gather3A_1617 : vector<16xf32>
        %eq3A_1633 = vector.broadcast %select_n3A_1631 : f32 to vector<16xf32>
        %eq3A_1634 = arith.cmpf oeq, %select_n3A_1632, %eq3A_1633 : vector<16xf32>
        %jit3A_1635 = arith.constant 99 : i32
        %broadcast_in_dim3A_1636 = vector.broadcast %jit3A_1635 : i32 to vector<16xi32>
        %select_n3A_1637 = arith.select %eq3A_1634, %iota3A, %broadcast_in_dim3A_1636 : vector<16xi1>, vector<16xi32>
        %reduce_min3A_1638 = arith.constant true
        %reduce_min3A_1639 = vector.broadcast %reduce_min3A_1638 : i1 to vector<16xi1>
        %reduce_min3A_1640 = arith.constant -2147483648 : i32
        %reduce_min3A_1641 = vector.broadcast %reduce_min3A_1640 : i32 to vector<16xi32>
        %reduce_min3A_1642 = arith.xori %select_n3A_1637, %reduce_min3A_1641 : vector<16xi32>
        %reduce_min3A_1643 = tpu.scan <min>, %reduce_min3A_1642 masked %reduce_min3A_1639 : vector<16xi32>, vector<16xi1> -> vector<16xi32>
        %reduce_min3A_1644 = arith.xori %reduce_min3A_1643, %reduce_min3A_1641 : vector<16xi32>
        %reduce_min3A_1645 = vector.extract %reduce_min3A_1644[15] : i32 from vector<16xi32>
        %jit3A_1646 = arith.constant 16 : i32
        %jit3A_1647 = arith.constant 0 : i32
        %select_n3A_1648 = arith.select %gt3A_1630, %jit3A_1646, %jit3A_1647 : i32
        %add3A_1649 = arith.addi %select_n3A_1648, %reduce_min3A_1645 : i32
        %mul3A_1650 = arith.constant 16 : i32
        %mul3A_1651 = arith.muli %add3A_1649, %mul3A_1650 : i32
        %add3A_1652 = vector.broadcast %mul3A_1651 : i32 to vector<16xi32>
        %add3A_1653 = arith.addi %add3A_1652, %iota3A : vector<16xi32>
        %gather3A_1654 = tpu.vector_load_idx %arg8[%add3A_1653] : memref<512xf32, #tpu.memory_space<vmem>>[vector<16xi32>], vector<16xf32>,
        %eq3A_1655 = vector.broadcast %select_n3A_1631 : f32 to vector<16xf32>
        %eq3A_1656 = arith.cmpf oeq, %gather3A_1654, %eq3A_1655 : vector<16xf32>
        %jit3A_1657 = arith.constant 99 : i32
        %broadcast_in_dim3A_1658 = vector.broadcast %jit3A_1657 : i32 to vector<16xi32>
        %select_n3A_1659 = arith.select %eq3A_1656, %iota3A, %broadcast_in_dim3A_1658 : vector<16xi1>, vector<16xi32>
        %reduce_min3A_1660 = arith.constant true
        %reduce_min3A_1661 = vector.broadcast %reduce_min3A_1660 : i1 to vector<16xi1>
        %reduce_min3A_1662 = arith.constant -2147483648 : i32
        %reduce_min3A_1663 = vector.broadcast %reduce_min3A_1662 : i32 to vector<16xi32>
        %reduce_min3A_1664 = arith.xori %select_n3A_1659, %reduce_min3A_1663 : vector<16xi32>
        %reduce_min3A_1665 = tpu.scan <min>, %reduce_min3A_1664 masked %reduce_min3A_1661 : vector<16xi32>, vector<16xi1> -> vector<16xi32>
        %reduce_min3A_1666 = arith.xori %reduce_min3A_1665, %reduce_min3A_1663 : vector<16xi32>
        %reduce_min3A_1667 = vector.extract %reduce_min3A_1666[15] : i32 from vector<16xi32>
        %mul3A_1668 = arith.constant 16 : i32
        %mul3A_1669 = arith.muli %add3A_1649, %mul3A_1668 : i32
        %add3A_1670 = arith.addi %mul3A_1669, %reduce_min3A_1667 : i32
        %mul3A_1671 = arith.constant 16 : i32
        %mul3A_1672 = arith.muli %add3A_1670, %mul3A_1671 : i32
        %add3A_1673 = vector.broadcast %mul3A_1672 : i32 to vector<16xi32>
        %add3A_1674 = arith.addi %add3A_1673, %iota3A : vector<16xi32>
        %gather3A_1675 = tpu.vector_load_idx %arg7[%add3A_1674] : memref<6400xf32, #tpu.memory_space<vmem>>[vector<16xi32>], vector<16xf32>,
        %eq3A_1676 = vector.broadcast %select_n3A_1631 : f32 to vector<16xf32>
        %eq3A_1677 = arith.cmpf oeq, %gather3A_1675, %eq3A_1676 : vector<16xf32>
        %jit3A_1678 = arith.constant 99 : i32
        %broadcast_in_dim3A_1679 = vector.broadcast %jit3A_1678 : i32 to vector<16xi32>
        %select_n3A_1680 = arith.select %eq3A_1677, %iota3A, %broadcast_in_dim3A_1679 : vector<16xi1>, vector<16xi32>
        %reduce_min3A_1681 = arith.constant true
        %reduce_min3A_1682 = vector.broadcast %reduce_min3A_1681 : i1 to vector<16xi1>
        %reduce_min3A_1683 = arith.constant -2147483648 : i32
        %reduce_min3A_1684 = vector.broadcast %reduce_min3A_1683 : i32 to vector<16xi32>
        %reduce_min3A_1685 = arith.xori %select_n3A_1680, %reduce_min3A_1684 : vector<16xi32>
        %reduce_min3A_1686 = tpu.scan <min>, %reduce_min3A_1685 masked %reduce_min3A_1682 : vector<16xi32>, vector<16xi1> -> vector<16xi32>
        %reduce_min3A_1687 = arith.xori %reduce_min3A_1686, %reduce_min3A_1684 : vector<16xi32>
        %reduce_min3A_1688 = vector.extract %reduce_min3A_1687[15] : i32 from vector<16xi32>
        %mul3A_1689 = arith.constant 16 : i32
        %mul3A_1690 = arith.muli %add3A_1670, %mul3A_1689 : i32
        %add3A_1691 = arith.addi %mul3A_1690, %reduce_min3A_1688 : i32
        %mul3A_1692 = arith.constant 16 : i32
        %mul3A_1693 = arith.muli %add3A_1691, %mul3A_1692 : i32
        %add3A_1694 = vector.broadcast %mul3A_1693 : i32 to vector<16xi32>
        %add3A_1695 = arith.addi %add3A_1694, %iota3A : vector<16xi32>
        %gather3A_1696 = tpu.vector_load_idx %arg6[%add3A_1695] : memref<100352xf32, #tpu.memory_space<vmem>>[vector<16xi32>], vector<16xf32>,
        %eq3A_1697 = vector.broadcast %select_n3A_1631 : f32 to vector<16xf32>
        %eq3A_1698 = arith.cmpf oeq, %gather3A_1696, %eq3A_1697 : vector<16xf32>
        %jit3A_1699 = arith.constant 99 : i32
        %broadcast_in_dim3A_1700 = vector.broadcast %jit3A_1699 : i32 to vector<16xi32>
        %select_n3A_1701 = arith.select %eq3A_1698, %iota3A, %broadcast_in_dim3A_1700 : vector<16xi1>, vector<16xi32>
        %reduce_min3A_1702 = arith.constant true
        %reduce_min3A_1703 = vector.broadcast %reduce_min3A_1702 : i1 to vector<16xi1>
        %reduce_min3A_1704 = arith.constant -2147483648 : i32
        %reduce_min3A_1705 = vector.broadcast %reduce_min3A_1704 : i32 to vector<16xi32>
        %reduce_min3A_1706 = arith.xori %select_n3A_1701, %reduce_min3A_1705 : vector<16xi32>
        %reduce_min3A_1707 = tpu.scan <min>, %reduce_min3A_1706 masked %reduce_min3A_1703 : vector<16xi32>, vector<16xi1> -> vector<16xi32>
        %reduce_min3A_1708 = arith.xori %reduce_min3A_1707, %reduce_min3A_1705 : vector<16xi32>
        %reduce_min3A_1709 = vector.extract %reduce_min3A_1708[15] : i32 from vector<16xi32>
        %mul3A_1710 = arith.constant 16 : i32
        %mul3A_1711 = arith.muli %add3A_1691, %mul3A_1710 : i32
        %add3A_1712 = arith.addi %mul3A_1711, %reduce_min3A_1709 : i32
        %eq3A_1713 = arith.constant 8 : i32
        %eq3A_1714 = vector.broadcast %eq3A_1713 : i32 to vector<16xi32>
        %eq3A_1715 = arith.cmpi eq, %iota3A, %eq3A_1714 : vector<16xi32>
        %broadcast_in_dim3A_1716 = vector.broadcast %add3A_1712 : i32 to vector<16xi32>
        %select_n3A_1717 = arith.select %eq3A_1715, %broadcast_in_dim3A_1716, %select_n3A_1568 : vector<16xi1>, vector<16xi32>
        %eq3A_1718 = arith.constant 8 : i32
        %eq3A_1719 = vector.broadcast %eq3A_1718 : i32 to vector<16xi32>
        %eq3A_1720 = arith.cmpi eq, %iota3A, %eq3A_1719 : vector<16xi32>
        %broadcast_in_dim3A_1721 = vector.broadcast %select_n3A_1631 : f32 to vector<16xf32>
        %select_n3A_1722 = arith.select %eq3A_1720, %broadcast_in_dim3A_1721, %select_n3A_1573 : vector<16xi1>, vector<16xf32>
        %eq3A_1723 = vector.broadcast %reduce_min3A_1709 : i32 to vector<16xi32>
        %eq3A_1724 = arith.cmpi eq, %iota3A, %eq3A_1723 : vector<16xi32>
        %jit3A_1725 = arith.constant 0xFF800000 : f32
        %broadcast_in_dim3A_1726 = vector.broadcast %jit3A_1725 : f32 to vector<16xf32>
        %select_n3A_1727 = arith.select %eq3A_1724, %broadcast_in_dim3A_1726, %gather3A_1696 : vector<16xi1>, vector<16xf32>
        %mul3A_1728 = arith.constant 16 : i32
        %mul3A_1729 = arith.muli %add3A_1691, %mul3A_1728 : i32
        %add3A_1730 = vector.broadcast %mul3A_1729 : i32 to vector<16xi32>
        %add3A_1731 = arith.addi %add3A_1730, %iota3A : vector<16xi32>
        tpu.vector_store_idx %arg6[%add3A_1731], %select_n3A_1727 : memref<100352xf32, #tpu.memory_space<vmem>>[vector<16xi32>], vector<16xf32>,
        %reduce_max3A_1732 = arith.constant true
        %reduce_max3A_1733 = vector.broadcast %reduce_max3A_1732 : i1 to vector<16xi1>
        %reduce_max3A_1734 = tpu.scan <max>, %select_n3A_1727 masked %reduce_max3A_1733 : vector<16xf32>, vector<16xi1> -> vector<16xf32>
        %reduce_max3A_1735 = vector.extract %reduce_max3A_1734[15] : f32 from vector<16xf32>
        %eq3A_1736 = vector.broadcast %reduce_min3A_1688 : i32 to vector<16xi32>
        %eq3A_1737 = arith.cmpi eq, %iota3A, %eq3A_1736 : vector<16xi32>
        %broadcast_in_dim3A_1738 = vector.broadcast %reduce_max3A_1735 : f32 to vector<16xf32>
        %select_n3A_1739 = arith.select %eq3A_1737, %broadcast_in_dim3A_1738, %gather3A_1675 : vector<16xi1>, vector<16xf32>
        %mul3A_1740 = arith.constant 16 : i32
        %mul3A_1741 = arith.muli %add3A_1670, %mul3A_1740 : i32
        %add3A_1742 = vector.broadcast %mul3A_1741 : i32 to vector<16xi32>
        %add3A_1743 = arith.addi %add3A_1742, %iota3A : vector<16xi32>
        tpu.vector_store_idx %arg7[%add3A_1743], %select_n3A_1739 : memref<6400xf32, #tpu.memory_space<vmem>>[vector<16xi32>], vector<16xf32>,
        %reduce_max3A_1744 = arith.constant true
        %reduce_max3A_1745 = vector.broadcast %reduce_max3A_1744 : i1 to vector<16xi1>
        %reduce_max3A_1746 = tpu.scan <max>, %select_n3A_1739 masked %reduce_max3A_1745 : vector<16xf32>, vector<16xi1> -> vector<16xf32>
        %reduce_max3A_1747 = vector.extract %reduce_max3A_1746[15] : f32 from vector<16xf32>
        %eq3A_1748 = vector.broadcast %reduce_min3A_1667 : i32 to vector<16xi32>
        %eq3A_1749 = arith.cmpi eq, %iota3A, %eq3A_1748 : vector<16xi32>
        %broadcast_in_dim3A_1750 = vector.broadcast %reduce_max3A_1747 : f32 to vector<16xf32>
        %select_n3A_1751 = arith.select %eq3A_1749, %broadcast_in_dim3A_1750, %gather3A_1654 : vector<16xi1>, vector<16xf32>
        %mul3A_1752 = arith.constant 16 : i32
        %mul3A_1753 = arith.muli %add3A_1649, %mul3A_1752 : i32
        %add3A_1754 = vector.broadcast %mul3A_1753 : i32 to vector<16xi32>
        %add3A_1755 = arith.addi %add3A_1754, %iota3A : vector<16xi32>
        tpu.vector_store_idx %arg8[%add3A_1755], %select_n3A_1751 : memref<512xf32, #tpu.memory_space<vmem>>[vector<16xi32>], vector<16xf32>,
        %reduce_max3A_1756 = arith.constant true
        %reduce_max3A_1757 = vector.broadcast %reduce_max3A_1756 : i1 to vector<16xi1>
        %reduce_max3A_1758 = tpu.scan <max>, %select_n3A_1751 masked %reduce_max3A_1757 : vector<16xf32>, vector<16xi1> -> vector<16xf32>
        %reduce_max3A_1759 = vector.extract %reduce_max3A_1758[15] : f32 from vector<16xf32>
        %eq3A_1760 = vector.broadcast %reduce_min3A_1645 : i32 to vector<16xi32>
        %eq3A_1761 = arith.cmpi eq, %iota3A, %eq3A_1760 : vector<16xi32>
        %broadcast_in_dim3A_1762 = vector.broadcast %reduce_max3A_1759 : f32 to vector<16xf32>
        %select_n3A_1763 = arith.select %eq3A_1761, %broadcast_in_dim3A_1762, %select_n3A_1632 : vector<16xi1>, vector<16xf32>
        %add3A_1764 = vector.broadcast %select_n3A_1648 : i32 to vector<16xi32>
        %add3A_1765 = arith.addi %add3A_1764, %iota3A : vector<16xi32>
        tpu.vector_store_idx %arg9[%add3A_1765], %select_n3A_1763 : memref<32xf32, #tpu.memory_space<vmem>>[vector<16xi32>], vector<16xf32>,
        %gather3A_1766 = tpu.vector_load_idx %arg9[%iota3A] : memref<32xf32, #tpu.memory_space<vmem>>[vector<16xi32>], vector<16xf32>,
        %add3A_1767 = arith.constant 16 : i32
        %add3A_1768 = vector.broadcast %add3A_1767 : i32 to vector<16xi32>
        %add3A_1769 = arith.addi %add3A_1768, %iota3A : vector<16xi32>
        %gather3A_1770 = tpu.vector_load_idx %arg9[%add3A_1769] : memref<32xf32, #tpu.memory_space<vmem>>[vector<16xi32>], vector<16xf32>,
        %reduce_max3A_1771 = arith.constant true
        %reduce_max3A_1772 = vector.broadcast %reduce_max3A_1771 : i1 to vector<16xi1>
        %reduce_max3A_1773 = tpu.scan <max>, %gather3A_1766 masked %reduce_max3A_1772 : vector<16xf32>, vector<16xi1> -> vector<16xf32>
        %reduce_max3A_1774 = vector.extract %reduce_max3A_1773[15] : f32 from vector<16xf32>
        %reduce_max3A_1775 = arith.constant true
        %reduce_max3A_1776 = vector.broadcast %reduce_max3A_1775 : i1 to vector<16xi1>
        %reduce_max3A_1777 = tpu.scan <max>, %gather3A_1770 masked %reduce_max3A_1776 : vector<16xf32>, vector<16xi1> -> vector<16xf32>
        %reduce_max3A_1778 = vector.extract %reduce_max3A_1777[15] : f32 from vector<16xf32>
        %gt3A_1779 = arith.cmpf ogt, %reduce_max3A_1778, %reduce_max3A_1774 : f32
        %select_n3A_1780 = arith.select %gt3A_1779, %reduce_max3A_1778, %reduce_max3A_1774 : f32
        %select_n3A_1781 = arith.select %gt3A_1779, %gather3A_1770, %gather3A_1766 : vector<16xf32>
        %eq3A_1782 = vector.broadcast %select_n3A_1780 : f32 to vector<16xf32>
        %eq3A_1783 = arith.cmpf oeq, %select_n3A_1781, %eq3A_1782 : vector<16xf32>
        %jit3A_1784 = arith.constant 99 : i32
        %broadcast_in_dim3A_1785 = vector.broadcast %jit3A_1784 : i32 to vector<16xi32>
        %select_n3A_1786 = arith.select %eq3A_1783, %iota3A, %broadcast_in_dim3A_1785 : vector<16xi1>, vector<16xi32>
        %reduce_min3A_1787 = arith.constant true
        %reduce_min3A_1788 = vector.broadcast %reduce_min3A_1787 : i1 to vector<16xi1>
        %reduce_min3A_1789 = arith.constant -2147483648 : i32
        %reduce_min3A_1790 = vector.broadcast %reduce_min3A_1789 : i32 to vector<16xi32>
        %reduce_min3A_1791 = arith.xori %select_n3A_1786, %reduce_min3A_1790 : vector<16xi32>
        %reduce_min3A_1792 = tpu.scan <min>, %reduce_min3A_1791 masked %reduce_min3A_1788 : vector<16xi32>, vector<16xi1> -> vector<16xi32>
        %reduce_min3A_1793 = arith.xori %reduce_min3A_1792, %reduce_min3A_1790 : vector<16xi32>
        %reduce_min3A_1794 = vector.extract %reduce_min3A_1793[15] : i32 from vector<16xi32>
        %jit3A_1795 = arith.constant 16 : i32
        %jit3A_1796 = arith.constant 0 : i32
        %select_n3A_1797 = arith.select %gt3A_1779, %jit3A_1795, %jit3A_1796 : i32
        %add3A_1798 = arith.addi %select_n3A_1797, %reduce_min3A_1794 : i32
        %mul3A_1799 = arith.constant 16 : i32
        %mul3A_1800 = arith.muli %add3A_1798, %mul3A_1799 : i32
        %add3A_1801 = vector.broadcast %mul3A_1800 : i32 to vector<16xi32>
        %add3A_1802 = arith.addi %add3A_1801, %iota3A : vector<16xi32>
        %gather3A_1803 = tpu.vector_load_idx %arg8[%add3A_1802] : memref<512xf32, #tpu.memory_space<vmem>>[vector<16xi32>], vector<16xf32>,
        %eq3A_1804 = vector.broadcast %select_n3A_1780 : f32 to vector<16xf32>
        %eq3A_1805 = arith.cmpf oeq, %gather3A_1803, %eq3A_1804 : vector<16xf32>
        %jit3A_1806 = arith.constant 99 : i32
        %broadcast_in_dim3A_1807 = vector.broadcast %jit3A_1806 : i32 to vector<16xi32>
        %select_n3A_1808 = arith.select %eq3A_1805, %iota3A, %broadcast_in_dim3A_1807 : vector<16xi1>, vector<16xi32>
        %reduce_min3A_1809 = arith.constant true
        %reduce_min3A_1810 = vector.broadcast %reduce_min3A_1809 : i1 to vector<16xi1>
        %reduce_min3A_1811 = arith.constant -2147483648 : i32
        %reduce_min3A_1812 = vector.broadcast %reduce_min3A_1811 : i32 to vector<16xi32>
        %reduce_min3A_1813 = arith.xori %select_n3A_1808, %reduce_min3A_1812 : vector<16xi32>
        %reduce_min3A_1814 = tpu.scan <min>, %reduce_min3A_1813 masked %reduce_min3A_1810 : vector<16xi32>, vector<16xi1> -> vector<16xi32>
        %reduce_min3A_1815 = arith.xori %reduce_min3A_1814, %reduce_min3A_1812 : vector<16xi32>
        %reduce_min3A_1816 = vector.extract %reduce_min3A_1815[15] : i32 from vector<16xi32>
        %mul3A_1817 = arith.constant 16 : i32
        %mul3A_1818 = arith.muli %add3A_1798, %mul3A_1817 : i32
        %add3A_1819 = arith.addi %mul3A_1818, %reduce_min3A_1816 : i32
        %mul3A_1820 = arith.constant 16 : i32
        %mul3A_1821 = arith.muli %add3A_1819, %mul3A_1820 : i32
        %add3A_1822 = vector.broadcast %mul3A_1821 : i32 to vector<16xi32>
        %add3A_1823 = arith.addi %add3A_1822, %iota3A : vector<16xi32>
        %gather3A_1824 = tpu.vector_load_idx %arg7[%add3A_1823] : memref<6400xf32, #tpu.memory_space<vmem>>[vector<16xi32>], vector<16xf32>,
        %eq3A_1825 = vector.broadcast %select_n3A_1780 : f32 to vector<16xf32>
        %eq3A_1826 = arith.cmpf oeq, %gather3A_1824, %eq3A_1825 : vector<16xf32>
        %jit3A_1827 = arith.constant 99 : i32
        %broadcast_in_dim3A_1828 = vector.broadcast %jit3A_1827 : i32 to vector<16xi32>
        %select_n3A_1829 = arith.select %eq3A_1826, %iota3A, %broadcast_in_dim3A_1828 : vector<16xi1>, vector<16xi32>
        %reduce_min3A_1830 = arith.constant true
        %reduce_min3A_1831 = vector.broadcast %reduce_min3A_1830 : i1 to vector<16xi1>
        %reduce_min3A_1832 = arith.constant -2147483648 : i32
        %reduce_min3A_1833 = vector.broadcast %reduce_min3A_1832 : i32 to vector<16xi32>
        %reduce_min3A_1834 = arith.xori %select_n3A_1829, %reduce_min3A_1833 : vector<16xi32>
        %reduce_min3A_1835 = tpu.scan <min>, %reduce_min3A_1834 masked %reduce_min3A_1831 : vector<16xi32>, vector<16xi1> -> vector<16xi32>
        %reduce_min3A_1836 = arith.xori %reduce_min3A_1835, %reduce_min3A_1833 : vector<16xi32>
        %reduce_min3A_1837 = vector.extract %reduce_min3A_1836[15] : i32 from vector<16xi32>
        %mul3A_1838 = arith.constant 16 : i32
        %mul3A_1839 = arith.muli %add3A_1819, %mul3A_1838 : i32
        %add3A_1840 = arith.addi %mul3A_1839, %reduce_min3A_1837 : i32
        %mul3A_1841 = arith.constant 16 : i32
        %mul3A_1842 = arith.muli %add3A_1840, %mul3A_1841 : i32
        %add3A_1843 = vector.broadcast %mul3A_1842 : i32 to vector<16xi32>
        %add3A_1844 = arith.addi %add3A_1843, %iota3A : vector<16xi32>
        %gather3A_1845 = tpu.vector_load_idx %arg6[%add3A_1844] : memref<100352xf32, #tpu.memory_space<vmem>>[vector<16xi32>], vector<16xf32>,
        %eq3A_1846 = vector.broadcast %select_n3A_1780 : f32 to vector<16xf32>
        %eq3A_1847 = arith.cmpf oeq, %gather3A_1845, %eq3A_1846 : vector<16xf32>
        %jit3A_1848 = arith.constant 99 : i32
        %broadcast_in_dim3A_1849 = vector.broadcast %jit3A_1848 : i32 to vector<16xi32>
        %select_n3A_1850 = arith.select %eq3A_1847, %iota3A, %broadcast_in_dim3A_1849 : vector<16xi1>, vector<16xi32>
        %reduce_min3A_1851 = arith.constant true
        %reduce_min3A_1852 = vector.broadcast %reduce_min3A_1851 : i1 to vector<16xi1>
        %reduce_min3A_1853 = arith.constant -2147483648 : i32
        %reduce_min3A_1854 = vector.broadcast %reduce_min3A_1853 : i32 to vector<16xi32>
        %reduce_min3A_1855 = arith.xori %select_n3A_1850, %reduce_min3A_1854 : vector<16xi32>
        %reduce_min3A_1856 = tpu.scan <min>, %reduce_min3A_1855 masked %reduce_min3A_1852 : vector<16xi32>, vector<16xi1> -> vector<16xi32>
        %reduce_min3A_1857 = arith.xori %reduce_min3A_1856, %reduce_min3A_1854 : vector<16xi32>
        %reduce_min3A_1858 = vector.extract %reduce_min3A_1857[15] : i32 from vector<16xi32>
        %mul3A_1859 = arith.constant 16 : i32
        %mul3A_1860 = arith.muli %add3A_1840, %mul3A_1859 : i32
        %add3A_1861 = arith.addi %mul3A_1860, %reduce_min3A_1858 : i32
        %eq3A_1862 = arith.constant 9 : i32
        %eq3A_1863 = vector.broadcast %eq3A_1862 : i32 to vector<16xi32>
        %eq3A_1864 = arith.cmpi eq, %iota3A, %eq3A_1863 : vector<16xi32>
        %broadcast_in_dim3A_1865 = vector.broadcast %add3A_1861 : i32 to vector<16xi32>
        %select_n3A_1866 = arith.select %eq3A_1864, %broadcast_in_dim3A_1865, %select_n3A_1717 : vector<16xi1>, vector<16xi32>
        %eq3A_1867 = arith.constant 9 : i32
        %eq3A_1868 = vector.broadcast %eq3A_1867 : i32 to vector<16xi32>
        %eq3A_1869 = arith.cmpi eq, %iota3A, %eq3A_1868 : vector<16xi32>
        %broadcast_in_dim3A_1870 = vector.broadcast %select_n3A_1780 : f32 to vector<16xf32>
        %select_n3A_1871 = arith.select %eq3A_1869, %broadcast_in_dim3A_1870, %select_n3A_1722 : vector<16xi1>, vector<16xf32>
        %eq3A_1872 = vector.broadcast %reduce_min3A_1858 : i32 to vector<16xi32>
        %eq3A_1873 = arith.cmpi eq, %iota3A, %eq3A_1872 : vector<16xi32>
        %jit3A_1874 = arith.constant 0xFF800000 : f32
        %broadcast_in_dim3A_1875 = vector.broadcast %jit3A_1874 : f32 to vector<16xf32>
        %select_n3A_1876 = arith.select %eq3A_1873, %broadcast_in_dim3A_1875, %gather3A_1845 : vector<16xi1>, vector<16xf32>
        %mul3A_1877 = arith.constant 16 : i32
        %mul3A_1878 = arith.muli %add3A_1840, %mul3A_1877 : i32
        %add3A_1879 = vector.broadcast %mul3A_1878 : i32 to vector<16xi32>
        %add3A_1880 = arith.addi %add3A_1879, %iota3A : vector<16xi32>
        tpu.vector_store_idx %arg6[%add3A_1880], %select_n3A_1876 : memref<100352xf32, #tpu.memory_space<vmem>>[vector<16xi32>], vector<16xf32>,
        %reduce_max3A_1881 = arith.constant true
        %reduce_max3A_1882 = vector.broadcast %reduce_max3A_1881 : i1 to vector<16xi1>
        %reduce_max3A_1883 = tpu.scan <max>, %select_n3A_1876 masked %reduce_max3A_1882 : vector<16xf32>, vector<16xi1> -> vector<16xf32>
        %reduce_max3A_1884 = vector.extract %reduce_max3A_1883[15] : f32 from vector<16xf32>
        %eq3A_1885 = vector.broadcast %reduce_min3A_1837 : i32 to vector<16xi32>
        %eq3A_1886 = arith.cmpi eq, %iota3A, %eq3A_1885 : vector<16xi32>
        %broadcast_in_dim3A_1887 = vector.broadcast %reduce_max3A_1884 : f32 to vector<16xf32>
        %select_n3A_1888 = arith.select %eq3A_1886, %broadcast_in_dim3A_1887, %gather3A_1824 : vector<16xi1>, vector<16xf32>
        %mul3A_1889 = arith.constant 16 : i32
        %mul3A_1890 = arith.muli %add3A_1819, %mul3A_1889 : i32
        %add3A_1891 = vector.broadcast %mul3A_1890 : i32 to vector<16xi32>
        %add3A_1892 = arith.addi %add3A_1891, %iota3A : vector<16xi32>
        tpu.vector_store_idx %arg7[%add3A_1892], %select_n3A_1888 : memref<6400xf32, #tpu.memory_space<vmem>>[vector<16xi32>], vector<16xf32>,
        %reduce_max3A_1893 = arith.constant true
        %reduce_max3A_1894 = vector.broadcast %reduce_max3A_1893 : i1 to vector<16xi1>
        %reduce_max3A_1895 = tpu.scan <max>, %select_n3A_1888 masked %reduce_max3A_1894 : vector<16xf32>, vector<16xi1> -> vector<16xf32>
        %reduce_max3A_1896 = vector.extract %reduce_max3A_1895[15] : f32 from vector<16xf32>
        %eq3A_1897 = vector.broadcast %reduce_min3A_1816 : i32 to vector<16xi32>
        %eq3A_1898 = arith.cmpi eq, %iota3A, %eq3A_1897 : vector<16xi32>
        %broadcast_in_dim3A_1899 = vector.broadcast %reduce_max3A_1896 : f32 to vector<16xf32>
        %select_n3A_1900 = arith.select %eq3A_1898, %broadcast_in_dim3A_1899, %gather3A_1803 : vector<16xi1>, vector<16xf32>
        %mul3A_1901 = arith.constant 16 : i32
        %mul3A_1902 = arith.muli %add3A_1798, %mul3A_1901 : i32
        %add3A_1903 = vector.broadcast %mul3A_1902 : i32 to vector<16xi32>
        %add3A_1904 = arith.addi %add3A_1903, %iota3A : vector<16xi32>
        tpu.vector_store_idx %arg8[%add3A_1904], %select_n3A_1900 : memref<512xf32, #tpu.memory_space<vmem>>[vector<16xi32>], vector<16xf32>,
        %reduce_max3A_1905 = arith.constant true
        %reduce_max3A_1906 = vector.broadcast %reduce_max3A_1905 : i1 to vector<16xi1>
        %reduce_max3A_1907 = tpu.scan <max>, %select_n3A_1900 masked %reduce_max3A_1906 : vector<16xf32>, vector<16xi1> -> vector<16xf32>
        %reduce_max3A_1908 = vector.extract %reduce_max3A_1907[15] : f32 from vector<16xf32>
        %eq3A_1909 = vector.broadcast %reduce_min3A_1794 : i32 to vector<16xi32>
        %eq3A_1910 = arith.cmpi eq, %iota3A, %eq3A_1909 : vector<16xi32>
        %broadcast_in_dim3A_1911 = vector.broadcast %reduce_max3A_1908 : f32 to vector<16xf32>
        %select_n3A_1912 = arith.select %eq3A_1910, %broadcast_in_dim3A_1911, %select_n3A_1781 : vector<16xi1>, vector<16xf32>
        %add3A_1913 = vector.broadcast %select_n3A_1797 : i32 to vector<16xi32>
        %add3A_1914 = arith.addi %add3A_1913, %iota3A : vector<16xi32>
        tpu.vector_store_idx %arg9[%add3A_1914], %select_n3A_1912 : memref<32xf32, #tpu.memory_space<vmem>>[vector<16xi32>], vector<16xf32>,
        %gather3A_1915 = tpu.vector_load_idx %arg9[%iota3A] : memref<32xf32, #tpu.memory_space<vmem>>[vector<16xi32>], vector<16xf32>,
        %add3A_1916 = arith.constant 16 : i32
        %add3A_1917 = vector.broadcast %add3A_1916 : i32 to vector<16xi32>
        %add3A_1918 = arith.addi %add3A_1917, %iota3A : vector<16xi32>
        %gather3A_1919 = tpu.vector_load_idx %arg9[%add3A_1918] : memref<32xf32, #tpu.memory_space<vmem>>[vector<16xi32>], vector<16xf32>,
        %reduce_max3A_1920 = arith.constant true
        %reduce_max3A_1921 = vector.broadcast %reduce_max3A_1920 : i1 to vector<16xi1>
        %reduce_max3A_1922 = tpu.scan <max>, %gather3A_1915 masked %reduce_max3A_1921 : vector<16xf32>, vector<16xi1> -> vector<16xf32>
        %reduce_max3A_1923 = vector.extract %reduce_max3A_1922[15] : f32 from vector<16xf32>
        %reduce_max3A_1924 = arith.constant true
        %reduce_max3A_1925 = vector.broadcast %reduce_max3A_1924 : i1 to vector<16xi1>
        %reduce_max3A_1926 = tpu.scan <max>, %gather3A_1919 masked %reduce_max3A_1925 : vector<16xf32>, vector<16xi1> -> vector<16xf32>
        %reduce_max3A_1927 = vector.extract %reduce_max3A_1926[15] : f32 from vector<16xf32>
        %gt3A_1928 = arith.cmpf ogt, %reduce_max3A_1927, %reduce_max3A_1923 : f32
        %select_n3A_1929 = arith.select %gt3A_1928, %reduce_max3A_1927, %reduce_max3A_1923 : f32
        %select_n3A_1930 = arith.select %gt3A_1928, %gather3A_1919, %gather3A_1915 : vector<16xf32>
        %eq3A_1931 = vector.broadcast %select_n3A_1929 : f32 to vector<16xf32>
        %eq3A_1932 = arith.cmpf oeq, %select_n3A_1930, %eq3A_1931 : vector<16xf32>
        %jit3A_1933 = arith.constant 99 : i32
        %broadcast_in_dim3A_1934 = vector.broadcast %jit3A_1933 : i32 to vector<16xi32>
        %select_n3A_1935 = arith.select %eq3A_1932, %iota3A, %broadcast_in_dim3A_1934 : vector<16xi1>, vector<16xi32>
        %reduce_min3A_1936 = arith.constant true
        %reduce_min3A_1937 = vector.broadcast %reduce_min3A_1936 : i1 to vector<16xi1>
        %reduce_min3A_1938 = arith.constant -2147483648 : i32
        %reduce_min3A_1939 = vector.broadcast %reduce_min3A_1938 : i32 to vector<16xi32>
        %reduce_min3A_1940 = arith.xori %select_n3A_1935, %reduce_min3A_1939 : vector<16xi32>
        %reduce_min3A_1941 = tpu.scan <min>, %reduce_min3A_1940 masked %reduce_min3A_1937 : vector<16xi32>, vector<16xi1> -> vector<16xi32>
        %reduce_min3A_1942 = arith.xori %reduce_min3A_1941, %reduce_min3A_1939 : vector<16xi32>
        %reduce_min3A_1943 = vector.extract %reduce_min3A_1942[15] : i32 from vector<16xi32>
        %jit3A_1944 = arith.constant 16 : i32
        %jit3A_1945 = arith.constant 0 : i32
        %select_n3A_1946 = arith.select %gt3A_1928, %jit3A_1944, %jit3A_1945 : i32
        %add3A_1947 = arith.addi %select_n3A_1946, %reduce_min3A_1943 : i32
        %mul3A_1948 = arith.constant 16 : i32
        %mul3A_1949 = arith.muli %add3A_1947, %mul3A_1948 : i32
        %add3A_1950 = vector.broadcast %mul3A_1949 : i32 to vector<16xi32>
        %add3A_1951 = arith.addi %add3A_1950, %iota3A : vector<16xi32>
        %gather3A_1952 = tpu.vector_load_idx %arg8[%add3A_1951] : memref<512xf32, #tpu.memory_space<vmem>>[vector<16xi32>], vector<16xf32>,
        %eq3A_1953 = vector.broadcast %select_n3A_1929 : f32 to vector<16xf32>
        %eq3A_1954 = arith.cmpf oeq, %gather3A_1952, %eq3A_1953 : vector<16xf32>
        %jit3A_1955 = arith.constant 99 : i32
        %broadcast_in_dim3A_1956 = vector.broadcast %jit3A_1955 : i32 to vector<16xi32>
        %select_n3A_1957 = arith.select %eq3A_1954, %iota3A, %broadcast_in_dim3A_1956 : vector<16xi1>, vector<16xi32>
        %reduce_min3A_1958 = arith.constant true
        %reduce_min3A_1959 = vector.broadcast %reduce_min3A_1958 : i1 to vector<16xi1>
        %reduce_min3A_1960 = arith.constant -2147483648 : i32
        %reduce_min3A_1961 = vector.broadcast %reduce_min3A_1960 : i32 to vector<16xi32>
        %reduce_min3A_1962 = arith.xori %select_n3A_1957, %reduce_min3A_1961 : vector<16xi32>
        %reduce_min3A_1963 = tpu.scan <min>, %reduce_min3A_1962 masked %reduce_min3A_1959 : vector<16xi32>, vector<16xi1> -> vector<16xi32>
        %reduce_min3A_1964 = arith.xori %reduce_min3A_1963, %reduce_min3A_1961 : vector<16xi32>
        %reduce_min3A_1965 = vector.extract %reduce_min3A_1964[15] : i32 from vector<16xi32>
        %mul3A_1966 = arith.constant 16 : i32
        %mul3A_1967 = arith.muli %add3A_1947, %mul3A_1966 : i32
        %add3A_1968 = arith.addi %mul3A_1967, %reduce_min3A_1965 : i32
        %mul3A_1969 = arith.constant 16 : i32
        %mul3A_1970 = arith.muli %add3A_1968, %mul3A_1969 : i32
        %add3A_1971 = vector.broadcast %mul3A_1970 : i32 to vector<16xi32>
        %add3A_1972 = arith.addi %add3A_1971, %iota3A : vector<16xi32>
        %gather3A_1973 = tpu.vector_load_idx %arg7[%add3A_1972] : memref<6400xf32, #tpu.memory_space<vmem>>[vector<16xi32>], vector<16xf32>,
        %eq3A_1974 = vector.broadcast %select_n3A_1929 : f32 to vector<16xf32>
        %eq3A_1975 = arith.cmpf oeq, %gather3A_1973, %eq3A_1974 : vector<16xf32>
        %jit3A_1976 = arith.constant 99 : i32
        %broadcast_in_dim3A_1977 = vector.broadcast %jit3A_1976 : i32 to vector<16xi32>
        %select_n3A_1978 = arith.select %eq3A_1975, %iota3A, %broadcast_in_dim3A_1977 : vector<16xi1>, vector<16xi32>
        %reduce_min3A_1979 = arith.constant true
        %reduce_min3A_1980 = vector.broadcast %reduce_min3A_1979 : i1 to vector<16xi1>
        %reduce_min3A_1981 = arith.constant -2147483648 : i32
        %reduce_min3A_1982 = vector.broadcast %reduce_min3A_1981 : i32 to vector<16xi32>
        %reduce_min3A_1983 = arith.xori %select_n3A_1978, %reduce_min3A_1982 : vector<16xi32>
        %reduce_min3A_1984 = tpu.scan <min>, %reduce_min3A_1983 masked %reduce_min3A_1980 : vector<16xi32>, vector<16xi1> -> vector<16xi32>
        %reduce_min3A_1985 = arith.xori %reduce_min3A_1984, %reduce_min3A_1982 : vector<16xi32>
        %reduce_min3A_1986 = vector.extract %reduce_min3A_1985[15] : i32 from vector<16xi32>
        %mul3A_1987 = arith.constant 16 : i32
        %mul3A_1988 = arith.muli %add3A_1968, %mul3A_1987 : i32
        %add3A_1989 = arith.addi %mul3A_1988, %reduce_min3A_1986 : i32
        %mul3A_1990 = arith.constant 16 : i32
        %mul3A_1991 = arith.muli %add3A_1989, %mul3A_1990 : i32
        %add3A_1992 = vector.broadcast %mul3A_1991 : i32 to vector<16xi32>
        %add3A_1993 = arith.addi %add3A_1992, %iota3A : vector<16xi32>
        %gather3A_1994 = tpu.vector_load_idx %arg6[%add3A_1993] : memref<100352xf32, #tpu.memory_space<vmem>>[vector<16xi32>], vector<16xf32>,
        %eq3A_1995 = vector.broadcast %select_n3A_1929 : f32 to vector<16xf32>
        %eq3A_1996 = arith.cmpf oeq, %gather3A_1994, %eq3A_1995 : vector<16xf32>
        %jit3A_1997 = arith.constant 99 : i32
        %broadcast_in_dim3A_1998 = vector.broadcast %jit3A_1997 : i32 to vector<16xi32>
        %select_n3A_1999 = arith.select %eq3A_1996, %iota3A, %broadcast_in_dim3A_1998 : vector<16xi1>, vector<16xi32>
        %reduce_min3A_2000 = arith.constant true
        %reduce_min3A_2001 = vector.broadcast %reduce_min3A_2000 : i1 to vector<16xi1>
        %reduce_min3A_2002 = arith.constant -2147483648 : i32
        %reduce_min3A_2003 = vector.broadcast %reduce_min3A_2002 : i32 to vector<16xi32>
        %reduce_min3A_2004 = arith.xori %select_n3A_1999, %reduce_min3A_2003 : vector<16xi32>
        %reduce_min3A_2005 = tpu.scan <min>, %reduce_min3A_2004 masked %reduce_min3A_2001 : vector<16xi32>, vector<16xi1> -> vector<16xi32>
        %reduce_min3A_2006 = arith.xori %reduce_min3A_2005, %reduce_min3A_2003 : vector<16xi32>
        %reduce_min3A_2007 = vector.extract %reduce_min3A_2006[15] : i32 from vector<16xi32>
        %mul3A_2008 = arith.constant 16 : i32
        %mul3A_2009 = arith.muli %add3A_1989, %mul3A_2008 : i32
        %add3A_2010 = arith.addi %mul3A_2009, %reduce_min3A_2007 : i32
        %eq3A_2011 = arith.constant 10 : i32
        %eq3A_2012 = vector.broadcast %eq3A_2011 : i32 to vector<16xi32>
        %eq3A_2013 = arith.cmpi eq, %iota3A, %eq3A_2012 : vector<16xi32>
        %broadcast_in_dim3A_2014 = vector.broadcast %add3A_2010 : i32 to vector<16xi32>
        %select_n3A_2015 = arith.select %eq3A_2013, %broadcast_in_dim3A_2014, %select_n3A_1866 : vector<16xi1>, vector<16xi32>
        %eq3A_2016 = arith.constant 10 : i32
        %eq3A_2017 = vector.broadcast %eq3A_2016 : i32 to vector<16xi32>
        %eq3A_2018 = arith.cmpi eq, %iota3A, %eq3A_2017 : vector<16xi32>
        %broadcast_in_dim3A_2019 = vector.broadcast %select_n3A_1929 : f32 to vector<16xf32>
        %select_n3A_2020 = arith.select %eq3A_2018, %broadcast_in_dim3A_2019, %select_n3A_1871 : vector<16xi1>, vector<16xf32>
        %eq3A_2021 = vector.broadcast %reduce_min3A_2007 : i32 to vector<16xi32>
        %eq3A_2022 = arith.cmpi eq, %iota3A, %eq3A_2021 : vector<16xi32>
        %jit3A_2023 = arith.constant 0xFF800000 : f32
        %broadcast_in_dim3A_2024 = vector.broadcast %jit3A_2023 : f32 to vector<16xf32>
        %select_n3A_2025 = arith.select %eq3A_2022, %broadcast_in_dim3A_2024, %gather3A_1994 : vector<16xi1>, vector<16xf32>
        %mul3A_2026 = arith.constant 16 : i32
        %mul3A_2027 = arith.muli %add3A_1989, %mul3A_2026 : i32
        %add3A_2028 = vector.broadcast %mul3A_2027 : i32 to vector<16xi32>
        %add3A_2029 = arith.addi %add3A_2028, %iota3A : vector<16xi32>
        tpu.vector_store_idx %arg6[%add3A_2029], %select_n3A_2025 : memref<100352xf32, #tpu.memory_space<vmem>>[vector<16xi32>], vector<16xf32>,
        %reduce_max3A_2030 = arith.constant true
        %reduce_max3A_2031 = vector.broadcast %reduce_max3A_2030 : i1 to vector<16xi1>
        %reduce_max3A_2032 = tpu.scan <max>, %select_n3A_2025 masked %reduce_max3A_2031 : vector<16xf32>, vector<16xi1> -> vector<16xf32>
        %reduce_max3A_2033 = vector.extract %reduce_max3A_2032[15] : f32 from vector<16xf32>
        %eq3A_2034 = vector.broadcast %reduce_min3A_1986 : i32 to vector<16xi32>
        %eq3A_2035 = arith.cmpi eq, %iota3A, %eq3A_2034 : vector<16xi32>
        %broadcast_in_dim3A_2036 = vector.broadcast %reduce_max3A_2033 : f32 to vector<16xf32>
        %select_n3A_2037 = arith.select %eq3A_2035, %broadcast_in_dim3A_2036, %gather3A_1973 : vector<16xi1>, vector<16xf32>
        %mul3A_2038 = arith.constant 16 : i32
        %mul3A_2039 = arith.muli %add3A_1968, %mul3A_2038 : i32
        %add3A_2040 = vector.broadcast %mul3A_2039 : i32 to vector<16xi32>
        %add3A_2041 = arith.addi %add3A_2040, %iota3A : vector<16xi32>
        tpu.vector_store_idx %arg7[%add3A_2041], %select_n3A_2037 : memref<6400xf32, #tpu.memory_space<vmem>>[vector<16xi32>], vector<16xf32>,
        %reduce_max3A_2042 = arith.constant true
        %reduce_max3A_2043 = vector.broadcast %reduce_max3A_2042 : i1 to vector<16xi1>
        %reduce_max3A_2044 = tpu.scan <max>, %select_n3A_2037 masked %reduce_max3A_2043 : vector<16xf32>, vector<16xi1> -> vector<16xf32>
        %reduce_max3A_2045 = vector.extract %reduce_max3A_2044[15] : f32 from vector<16xf32>
        %eq3A_2046 = vector.broadcast %reduce_min3A_1965 : i32 to vector<16xi32>
        %eq3A_2047 = arith.cmpi eq, %iota3A, %eq3A_2046 : vector<16xi32>
        %broadcast_in_dim3A_2048 = vector.broadcast %reduce_max3A_2045 : f32 to vector<16xf32>
        %select_n3A_2049 = arith.select %eq3A_2047, %broadcast_in_dim3A_2048, %gather3A_1952 : vector<16xi1>, vector<16xf32>
        %mul3A_2050 = arith.constant 16 : i32
        %mul3A_2051 = arith.muli %add3A_1947, %mul3A_2050 : i32
        %add3A_2052 = vector.broadcast %mul3A_2051 : i32 to vector<16xi32>
        %add3A_2053 = arith.addi %add3A_2052, %iota3A : vector<16xi32>
        tpu.vector_store_idx %arg8[%add3A_2053], %select_n3A_2049 : memref<512xf32, #tpu.memory_space<vmem>>[vector<16xi32>], vector<16xf32>,
        %reduce_max3A_2054 = arith.constant true
        %reduce_max3A_2055 = vector.broadcast %reduce_max3A_2054 : i1 to vector<16xi1>
        %reduce_max3A_2056 = tpu.scan <max>, %select_n3A_2049 masked %reduce_max3A_2055 : vector<16xf32>, vector<16xi1> -> vector<16xf32>
        %reduce_max3A_2057 = vector.extract %reduce_max3A_2056[15] : f32 from vector<16xf32>
        %eq3A_2058 = vector.broadcast %reduce_min3A_1943 : i32 to vector<16xi32>
        %eq3A_2059 = arith.cmpi eq, %iota3A, %eq3A_2058 : vector<16xi32>
        %broadcast_in_dim3A_2060 = vector.broadcast %reduce_max3A_2057 : f32 to vector<16xf32>
        %select_n3A_2061 = arith.select %eq3A_2059, %broadcast_in_dim3A_2060, %select_n3A_1930 : vector<16xi1>, vector<16xf32>
        %add3A_2062 = vector.broadcast %select_n3A_1946 : i32 to vector<16xi32>
        %add3A_2063 = arith.addi %add3A_2062, %iota3A : vector<16xi32>
        tpu.vector_store_idx %arg9[%add3A_2063], %select_n3A_2061 : memref<32xf32, #tpu.memory_space<vmem>>[vector<16xi32>], vector<16xf32>,
        %gather3A_2064 = tpu.vector_load_idx %arg9[%iota3A] : memref<32xf32, #tpu.memory_space<vmem>>[vector<16xi32>], vector<16xf32>,
        %add3A_2065 = arith.constant 16 : i32
        %add3A_2066 = vector.broadcast %add3A_2065 : i32 to vector<16xi32>
        %add3A_2067 = arith.addi %add3A_2066, %iota3A : vector<16xi32>
        %gather3A_2068 = tpu.vector_load_idx %arg9[%add3A_2067] : memref<32xf32, #tpu.memory_space<vmem>>[vector<16xi32>], vector<16xf32>,
        %reduce_max3A_2069 = arith.constant true
        %reduce_max3A_2070 = vector.broadcast %reduce_max3A_2069 : i1 to vector<16xi1>
        %reduce_max3A_2071 = tpu.scan <max>, %gather3A_2064 masked %reduce_max3A_2070 : vector<16xf32>, vector<16xi1> -> vector<16xf32>
        %reduce_max3A_2072 = vector.extract %reduce_max3A_2071[15] : f32 from vector<16xf32>
        %reduce_max3A_2073 = arith.constant true
        %reduce_max3A_2074 = vector.broadcast %reduce_max3A_2073 : i1 to vector<16xi1>
        %reduce_max3A_2075 = tpu.scan <max>, %gather3A_2068 masked %reduce_max3A_2074 : vector<16xf32>, vector<16xi1> -> vector<16xf32>
        %reduce_max3A_2076 = vector.extract %reduce_max3A_2075[15] : f32 from vector<16xf32>
        %gt3A_2077 = arith.cmpf ogt, %reduce_max3A_2076, %reduce_max3A_2072 : f32
        %select_n3A_2078 = arith.select %gt3A_2077, %reduce_max3A_2076, %reduce_max3A_2072 : f32
        %select_n3A_2079 = arith.select %gt3A_2077, %gather3A_2068, %gather3A_2064 : vector<16xf32>
        %eq3A_2080 = vector.broadcast %select_n3A_2078 : f32 to vector<16xf32>
        %eq3A_2081 = arith.cmpf oeq, %select_n3A_2079, %eq3A_2080 : vector<16xf32>
        %jit3A_2082 = arith.constant 99 : i32
        %broadcast_in_dim3A_2083 = vector.broadcast %jit3A_2082 : i32 to vector<16xi32>
        %select_n3A_2084 = arith.select %eq3A_2081, %iota3A, %broadcast_in_dim3A_2083 : vector<16xi1>, vector<16xi32>
        %reduce_min3A_2085 = arith.constant true
        %reduce_min3A_2086 = vector.broadcast %reduce_min3A_2085 : i1 to vector<16xi1>
        %reduce_min3A_2087 = arith.constant -2147483648 : i32
        %reduce_min3A_2088 = vector.broadcast %reduce_min3A_2087 : i32 to vector<16xi32>
        %reduce_min3A_2089 = arith.xori %select_n3A_2084, %reduce_min3A_2088 : vector<16xi32>
        %reduce_min3A_2090 = tpu.scan <min>, %reduce_min3A_2089 masked %reduce_min3A_2086 : vector<16xi32>, vector<16xi1> -> vector<16xi32>
        %reduce_min3A_2091 = arith.xori %reduce_min3A_2090, %reduce_min3A_2088 : vector<16xi32>
        %reduce_min3A_2092 = vector.extract %reduce_min3A_2091[15] : i32 from vector<16xi32>
        %jit3A_2093 = arith.constant 16 : i32
        %jit3A_2094 = arith.constant 0 : i32
        %select_n3A_2095 = arith.select %gt3A_2077, %jit3A_2093, %jit3A_2094 : i32
        %add3A_2096 = arith.addi %select_n3A_2095, %reduce_min3A_2092 : i32
        %mul3A_2097 = arith.constant 16 : i32
        %mul3A_2098 = arith.muli %add3A_2096, %mul3A_2097 : i32
        %add3A_2099 = vector.broadcast %mul3A_2098 : i32 to vector<16xi32>
        %add3A_2100 = arith.addi %add3A_2099, %iota3A : vector<16xi32>
        %gather3A_2101 = tpu.vector_load_idx %arg8[%add3A_2100] : memref<512xf32, #tpu.memory_space<vmem>>[vector<16xi32>], vector<16xf32>,
        %eq3A_2102 = vector.broadcast %select_n3A_2078 : f32 to vector<16xf32>
        %eq3A_2103 = arith.cmpf oeq, %gather3A_2101, %eq3A_2102 : vector<16xf32>
        %jit3A_2104 = arith.constant 99 : i32
        %broadcast_in_dim3A_2105 = vector.broadcast %jit3A_2104 : i32 to vector<16xi32>
        %select_n3A_2106 = arith.select %eq3A_2103, %iota3A, %broadcast_in_dim3A_2105 : vector<16xi1>, vector<16xi32>
        %reduce_min3A_2107 = arith.constant true
        %reduce_min3A_2108 = vector.broadcast %reduce_min3A_2107 : i1 to vector<16xi1>
        %reduce_min3A_2109 = arith.constant -2147483648 : i32
        %reduce_min3A_2110 = vector.broadcast %reduce_min3A_2109 : i32 to vector<16xi32>
        %reduce_min3A_2111 = arith.xori %select_n3A_2106, %reduce_min3A_2110 : vector<16xi32>
        %reduce_min3A_2112 = tpu.scan <min>, %reduce_min3A_2111 masked %reduce_min3A_2108 : vector<16xi32>, vector<16xi1> -> vector<16xi32>
        %reduce_min3A_2113 = arith.xori %reduce_min3A_2112, %reduce_min3A_2110 : vector<16xi32>
        %reduce_min3A_2114 = vector.extract %reduce_min3A_2113[15] : i32 from vector<16xi32>
        %mul3A_2115 = arith.constant 16 : i32
        %mul3A_2116 = arith.muli %add3A_2096, %mul3A_2115 : i32
        %add3A_2117 = arith.addi %mul3A_2116, %reduce_min3A_2114 : i32
        %mul3A_2118 = arith.constant 16 : i32
        %mul3A_2119 = arith.muli %add3A_2117, %mul3A_2118 : i32
        %add3A_2120 = vector.broadcast %mul3A_2119 : i32 to vector<16xi32>
        %add3A_2121 = arith.addi %add3A_2120, %iota3A : vector<16xi32>
        %gather3A_2122 = tpu.vector_load_idx %arg7[%add3A_2121] : memref<6400xf32, #tpu.memory_space<vmem>>[vector<16xi32>], vector<16xf32>,
        %eq3A_2123 = vector.broadcast %select_n3A_2078 : f32 to vector<16xf32>
        %eq3A_2124 = arith.cmpf oeq, %gather3A_2122, %eq3A_2123 : vector<16xf32>
        %jit3A_2125 = arith.constant 99 : i32
        %broadcast_in_dim3A_2126 = vector.broadcast %jit3A_2125 : i32 to vector<16xi32>
        %select_n3A_2127 = arith.select %eq3A_2124, %iota3A, %broadcast_in_dim3A_2126 : vector<16xi1>, vector<16xi32>
        %reduce_min3A_2128 = arith.constant true
        %reduce_min3A_2129 = vector.broadcast %reduce_min3A_2128 : i1 to vector<16xi1>
        %reduce_min3A_2130 = arith.constant -2147483648 : i32
        %reduce_min3A_2131 = vector.broadcast %reduce_min3A_2130 : i32 to vector<16xi32>
        %reduce_min3A_2132 = arith.xori %select_n3A_2127, %reduce_min3A_2131 : vector<16xi32>
        %reduce_min3A_2133 = tpu.scan <min>, %reduce_min3A_2132 masked %reduce_min3A_2129 : vector<16xi32>, vector<16xi1> -> vector<16xi32>
        %reduce_min3A_2134 = arith.xori %reduce_min3A_2133, %reduce_min3A_2131 : vector<16xi32>
        %reduce_min3A_2135 = vector.extract %reduce_min3A_2134[15] : i32 from vector<16xi32>
        %mul3A_2136 = arith.constant 16 : i32
        %mul3A_2137 = arith.muli %add3A_2117, %mul3A_2136 : i32
        %add3A_2138 = arith.addi %mul3A_2137, %reduce_min3A_2135 : i32
        %mul3A_2139 = arith.constant 16 : i32
        %mul3A_2140 = arith.muli %add3A_2138, %mul3A_2139 : i32
        %add3A_2141 = vector.broadcast %mul3A_2140 : i32 to vector<16xi32>
        %add3A_2142 = arith.addi %add3A_2141, %iota3A : vector<16xi32>
        %gather3A_2143 = tpu.vector_load_idx %arg6[%add3A_2142] : memref<100352xf32, #tpu.memory_space<vmem>>[vector<16xi32>], vector<16xf32>,
        %eq3A_2144 = vector.broadcast %select_n3A_2078 : f32 to vector<16xf32>
        %eq3A_2145 = arith.cmpf oeq, %gather3A_2143, %eq3A_2144 : vector<16xf32>
        %jit3A_2146 = arith.constant 99 : i32
        %broadcast_in_dim3A_2147 = vector.broadcast %jit3A_2146 : i32 to vector<16xi32>
        %select_n3A_2148 = arith.select %eq3A_2145, %iota3A, %broadcast_in_dim3A_2147 : vector<16xi1>, vector<16xi32>
        %reduce_min3A_2149 = arith.constant true
        %reduce_min3A_2150 = vector.broadcast %reduce_min3A_2149 : i1 to vector<16xi1>
        %reduce_min3A_2151 = arith.constant -2147483648 : i32
        %reduce_min3A_2152 = vector.broadcast %reduce_min3A_2151 : i32 to vector<16xi32>
        %reduce_min3A_2153 = arith.xori %select_n3A_2148, %reduce_min3A_2152 : vector<16xi32>
        %reduce_min3A_2154 = tpu.scan <min>, %reduce_min3A_2153 masked %reduce_min3A_2150 : vector<16xi32>, vector<16xi1> -> vector<16xi32>
        %reduce_min3A_2155 = arith.xori %reduce_min3A_2154, %reduce_min3A_2152 : vector<16xi32>
        %reduce_min3A_2156 = vector.extract %reduce_min3A_2155[15] : i32 from vector<16xi32>
        %mul3A_2157 = arith.constant 16 : i32
        %mul3A_2158 = arith.muli %add3A_2138, %mul3A_2157 : i32
        %add3A_2159 = arith.addi %mul3A_2158, %reduce_min3A_2156 : i32
        %eq3A_2160 = arith.constant 11 : i32
        %eq3A_2161 = vector.broadcast %eq3A_2160 : i32 to vector<16xi32>
        %eq3A_2162 = arith.cmpi eq, %iota3A, %eq3A_2161 : vector<16xi32>
        %broadcast_in_dim3A_2163 = vector.broadcast %add3A_2159 : i32 to vector<16xi32>
        %select_n3A_2164 = arith.select %eq3A_2162, %broadcast_in_dim3A_2163, %select_n3A_2015 : vector<16xi1>, vector<16xi32>
        %eq3A_2165 = arith.constant 11 : i32
        %eq3A_2166 = vector.broadcast %eq3A_2165 : i32 to vector<16xi32>
        %eq3A_2167 = arith.cmpi eq, %iota3A, %eq3A_2166 : vector<16xi32>
        %broadcast_in_dim3A_2168 = vector.broadcast %select_n3A_2078 : f32 to vector<16xf32>
        %select_n3A_2169 = arith.select %eq3A_2167, %broadcast_in_dim3A_2168, %select_n3A_2020 : vector<16xi1>, vector<16xf32>
        %eq3A_2170 = vector.broadcast %reduce_min3A_2156 : i32 to vector<16xi32>
        %eq3A_2171 = arith.cmpi eq, %iota3A, %eq3A_2170 : vector<16xi32>
        %jit3A_2172 = arith.constant 0xFF800000 : f32
        %broadcast_in_dim3A_2173 = vector.broadcast %jit3A_2172 : f32 to vector<16xf32>
        %select_n3A_2174 = arith.select %eq3A_2171, %broadcast_in_dim3A_2173, %gather3A_2143 : vector<16xi1>, vector<16xf32>
        %mul3A_2175 = arith.constant 16 : i32
        %mul3A_2176 = arith.muli %add3A_2138, %mul3A_2175 : i32
        %add3A_2177 = vector.broadcast %mul3A_2176 : i32 to vector<16xi32>
        %add3A_2178 = arith.addi %add3A_2177, %iota3A : vector<16xi32>
        tpu.vector_store_idx %arg6[%add3A_2178], %select_n3A_2174 : memref<100352xf32, #tpu.memory_space<vmem>>[vector<16xi32>], vector<16xf32>,
        %reduce_max3A_2179 = arith.constant true
        %reduce_max3A_2180 = vector.broadcast %reduce_max3A_2179 : i1 to vector<16xi1>
        %reduce_max3A_2181 = tpu.scan <max>, %select_n3A_2174 masked %reduce_max3A_2180 : vector<16xf32>, vector<16xi1> -> vector<16xf32>
        %reduce_max3A_2182 = vector.extract %reduce_max3A_2181[15] : f32 from vector<16xf32>
        %eq3A_2183 = vector.broadcast %reduce_min3A_2135 : i32 to vector<16xi32>
        %eq3A_2184 = arith.cmpi eq, %iota3A, %eq3A_2183 : vector<16xi32>
        %broadcast_in_dim3A_2185 = vector.broadcast %reduce_max3A_2182 : f32 to vector<16xf32>
        %select_n3A_2186 = arith.select %eq3A_2184, %broadcast_in_dim3A_2185, %gather3A_2122 : vector<16xi1>, vector<16xf32>
        %mul3A_2187 = arith.constant 16 : i32
        %mul3A_2188 = arith.muli %add3A_2117, %mul3A_2187 : i32
        %add3A_2189 = vector.broadcast %mul3A_2188 : i32 to vector<16xi32>
        %add3A_2190 = arith.addi %add3A_2189, %iota3A : vector<16xi32>
        tpu.vector_store_idx %arg7[%add3A_2190], %select_n3A_2186 : memref<6400xf32, #tpu.memory_space<vmem>>[vector<16xi32>], vector<16xf32>,
        %reduce_max3A_2191 = arith.constant true
        %reduce_max3A_2192 = vector.broadcast %reduce_max3A_2191 : i1 to vector<16xi1>
        %reduce_max3A_2193 = tpu.scan <max>, %select_n3A_2186 masked %reduce_max3A_2192 : vector<16xf32>, vector<16xi1> -> vector<16xf32>
        %reduce_max3A_2194 = vector.extract %reduce_max3A_2193[15] : f32 from vector<16xf32>
        %eq3A_2195 = vector.broadcast %reduce_min3A_2114 : i32 to vector<16xi32>
        %eq3A_2196 = arith.cmpi eq, %iota3A, %eq3A_2195 : vector<16xi32>
        %broadcast_in_dim3A_2197 = vector.broadcast %reduce_max3A_2194 : f32 to vector<16xf32>
        %select_n3A_2198 = arith.select %eq3A_2196, %broadcast_in_dim3A_2197, %gather3A_2101 : vector<16xi1>, vector<16xf32>
        %mul3A_2199 = arith.constant 16 : i32
        %mul3A_2200 = arith.muli %add3A_2096, %mul3A_2199 : i32
        %add3A_2201 = vector.broadcast %mul3A_2200 : i32 to vector<16xi32>
        %add3A_2202 = arith.addi %add3A_2201, %iota3A : vector<16xi32>
        tpu.vector_store_idx %arg8[%add3A_2202], %select_n3A_2198 : memref<512xf32, #tpu.memory_space<vmem>>[vector<16xi32>], vector<16xf32>,
        %reduce_max3A_2203 = arith.constant true
        %reduce_max3A_2204 = vector.broadcast %reduce_max3A_2203 : i1 to vector<16xi1>
        %reduce_max3A_2205 = tpu.scan <max>, %select_n3A_2198 masked %reduce_max3A_2204 : vector<16xf32>, vector<16xi1> -> vector<16xf32>
        %reduce_max3A_2206 = vector.extract %reduce_max3A_2205[15] : f32 from vector<16xf32>
        %eq3A_2207 = vector.broadcast %reduce_min3A_2092 : i32 to vector<16xi32>
        %eq3A_2208 = arith.cmpi eq, %iota3A, %eq3A_2207 : vector<16xi32>
        %broadcast_in_dim3A_2209 = vector.broadcast %reduce_max3A_2206 : f32 to vector<16xf32>
        %select_n3A_2210 = arith.select %eq3A_2208, %broadcast_in_dim3A_2209, %select_n3A_2079 : vector<16xi1>, vector<16xf32>
        %add3A_2211 = vector.broadcast %select_n3A_2095 : i32 to vector<16xi32>
        %add3A_2212 = arith.addi %add3A_2211, %iota3A : vector<16xi32>
        tpu.vector_store_idx %arg9[%add3A_2212], %select_n3A_2210 : memref<32xf32, #tpu.memory_space<vmem>>[vector<16xi32>], vector<16xf32>,
        %gather3A_2213 = tpu.vector_load_idx %arg9[%iota3A] : memref<32xf32, #tpu.memory_space<vmem>>[vector<16xi32>], vector<16xf32>,
        %add3A_2214 = arith.constant 16 : i32
        %add3A_2215 = vector.broadcast %add3A_2214 : i32 to vector<16xi32>
        %add3A_2216 = arith.addi %add3A_2215, %iota3A : vector<16xi32>
        %gather3A_2217 = tpu.vector_load_idx %arg9[%add3A_2216] : memref<32xf32, #tpu.memory_space<vmem>>[vector<16xi32>], vector<16xf32>,
        %reduce_max3A_2218 = arith.constant true
        %reduce_max3A_2219 = vector.broadcast %reduce_max3A_2218 : i1 to vector<16xi1>
        %reduce_max3A_2220 = tpu.scan <max>, %gather3A_2213 masked %reduce_max3A_2219 : vector<16xf32>, vector<16xi1> -> vector<16xf32>
        %reduce_max3A_2221 = vector.extract %reduce_max3A_2220[15] : f32 from vector<16xf32>
        %reduce_max3A_2222 = arith.constant true
        %reduce_max3A_2223 = vector.broadcast %reduce_max3A_2222 : i1 to vector<16xi1>
        %reduce_max3A_2224 = tpu.scan <max>, %gather3A_2217 masked %reduce_max3A_2223 : vector<16xf32>, vector<16xi1> -> vector<16xf32>
        %reduce_max3A_2225 = vector.extract %reduce_max3A_2224[15] : f32 from vector<16xf32>
        %gt3A_2226 = arith.cmpf ogt, %reduce_max3A_2225, %reduce_max3A_2221 : f32
        %select_n3A_2227 = arith.select %gt3A_2226, %reduce_max3A_2225, %reduce_max3A_2221 : f32
        %select_n3A_2228 = arith.select %gt3A_2226, %gather3A_2217, %gather3A_2213 : vector<16xf32>
        %eq3A_2229 = vector.broadcast %select_n3A_2227 : f32 to vector<16xf32>
        %eq3A_2230 = arith.cmpf oeq, %select_n3A_2228, %eq3A_2229 : vector<16xf32>
        %jit3A_2231 = arith.constant 99 : i32
        %broadcast_in_dim3A_2232 = vector.broadcast %jit3A_2231 : i32 to vector<16xi32>
        %select_n3A_2233 = arith.select %eq3A_2230, %iota3A, %broadcast_in_dim3A_2232 : vector<16xi1>, vector<16xi32>
        %reduce_min3A_2234 = arith.constant true
        %reduce_min3A_2235 = vector.broadcast %reduce_min3A_2234 : i1 to vector<16xi1>
        %reduce_min3A_2236 = arith.constant -2147483648 : i32
        %reduce_min3A_2237 = vector.broadcast %reduce_min3A_2236 : i32 to vector<16xi32>
        %reduce_min3A_2238 = arith.xori %select_n3A_2233, %reduce_min3A_2237 : vector<16xi32>
        %reduce_min3A_2239 = tpu.scan <min>, %reduce_min3A_2238 masked %reduce_min3A_2235 : vector<16xi32>, vector<16xi1> -> vector<16xi32>
        %reduce_min3A_2240 = arith.xori %reduce_min3A_2239, %reduce_min3A_2237 : vector<16xi32>
        %reduce_min3A_2241 = vector.extract %reduce_min3A_2240[15] : i32 from vector<16xi32>
        %jit3A_2242 = arith.constant 16 : i32
        %jit3A_2243 = arith.constant 0 : i32
        %select_n3A_2244 = arith.select %gt3A_2226, %jit3A_2242, %jit3A_2243 : i32
        %add3A_2245 = arith.addi %select_n3A_2244, %reduce_min3A_2241 : i32
        %mul3A_2246 = arith.constant 16 : i32
        %mul3A_2247 = arith.muli %add3A_2245, %mul3A_2246 : i32
        %add3A_2248 = vector.broadcast %mul3A_2247 : i32 to vector<16xi32>
        %add3A_2249 = arith.addi %add3A_2248, %iota3A : vector<16xi32>
        %gather3A_2250 = tpu.vector_load_idx %arg8[%add3A_2249] : memref<512xf32, #tpu.memory_space<vmem>>[vector<16xi32>], vector<16xf32>,
        %eq3A_2251 = vector.broadcast %select_n3A_2227 : f32 to vector<16xf32>
        %eq3A_2252 = arith.cmpf oeq, %gather3A_2250, %eq3A_2251 : vector<16xf32>
        %jit3A_2253 = arith.constant 99 : i32
        %broadcast_in_dim3A_2254 = vector.broadcast %jit3A_2253 : i32 to vector<16xi32>
        %select_n3A_2255 = arith.select %eq3A_2252, %iota3A, %broadcast_in_dim3A_2254 : vector<16xi1>, vector<16xi32>
        %reduce_min3A_2256 = arith.constant true
        %reduce_min3A_2257 = vector.broadcast %reduce_min3A_2256 : i1 to vector<16xi1>
        %reduce_min3A_2258 = arith.constant -2147483648 : i32
        %reduce_min3A_2259 = vector.broadcast %reduce_min3A_2258 : i32 to vector<16xi32>
        %reduce_min3A_2260 = arith.xori %select_n3A_2255, %reduce_min3A_2259 : vector<16xi32>
        %reduce_min3A_2261 = tpu.scan <min>, %reduce_min3A_2260 masked %reduce_min3A_2257 : vector<16xi32>, vector<16xi1> -> vector<16xi32>
        %reduce_min3A_2262 = arith.xori %reduce_min3A_2261, %reduce_min3A_2259 : vector<16xi32>
        %reduce_min3A_2263 = vector.extract %reduce_min3A_2262[15] : i32 from vector<16xi32>
        %mul3A_2264 = arith.constant 16 : i32
        %mul3A_2265 = arith.muli %add3A_2245, %mul3A_2264 : i32
        %add3A_2266 = arith.addi %mul3A_2265, %reduce_min3A_2263 : i32
        %mul3A_2267 = arith.constant 16 : i32
        %mul3A_2268 = arith.muli %add3A_2266, %mul3A_2267 : i32
        %add3A_2269 = vector.broadcast %mul3A_2268 : i32 to vector<16xi32>
        %add3A_2270 = arith.addi %add3A_2269, %iota3A : vector<16xi32>
        %gather3A_2271 = tpu.vector_load_idx %arg7[%add3A_2270] : memref<6400xf32, #tpu.memory_space<vmem>>[vector<16xi32>], vector<16xf32>,
        %eq3A_2272 = vector.broadcast %select_n3A_2227 : f32 to vector<16xf32>
        %eq3A_2273 = arith.cmpf oeq, %gather3A_2271, %eq3A_2272 : vector<16xf32>
        %jit3A_2274 = arith.constant 99 : i32
        %broadcast_in_dim3A_2275 = vector.broadcast %jit3A_2274 : i32 to vector<16xi32>
        %select_n3A_2276 = arith.select %eq3A_2273, %iota3A, %broadcast_in_dim3A_2275 : vector<16xi1>, vector<16xi32>
        %reduce_min3A_2277 = arith.constant true
        %reduce_min3A_2278 = vector.broadcast %reduce_min3A_2277 : i1 to vector<16xi1>
        %reduce_min3A_2279 = arith.constant -2147483648 : i32
        %reduce_min3A_2280 = vector.broadcast %reduce_min3A_2279 : i32 to vector<16xi32>
        %reduce_min3A_2281 = arith.xori %select_n3A_2276, %reduce_min3A_2280 : vector<16xi32>
        %reduce_min3A_2282 = tpu.scan <min>, %reduce_min3A_2281 masked %reduce_min3A_2278 : vector<16xi32>, vector<16xi1> -> vector<16xi32>
        %reduce_min3A_2283 = arith.xori %reduce_min3A_2282, %reduce_min3A_2280 : vector<16xi32>
        %reduce_min3A_2284 = vector.extract %reduce_min3A_2283[15] : i32 from vector<16xi32>
        %mul3A_2285 = arith.constant 16 : i32
        %mul3A_2286 = arith.muli %add3A_2266, %mul3A_2285 : i32
        %add3A_2287 = arith.addi %mul3A_2286, %reduce_min3A_2284 : i32
        %mul3A_2288 = arith.constant 16 : i32
        %mul3A_2289 = arith.muli %add3A_2287, %mul3A_2288 : i32
        %add3A_2290 = vector.broadcast %mul3A_2289 : i32 to vector<16xi32>
        %add3A_2291 = arith.addi %add3A_2290, %iota3A : vector<16xi32>
        %gather3A_2292 = tpu.vector_load_idx %arg6[%add3A_2291] : memref<100352xf32, #tpu.memory_space<vmem>>[vector<16xi32>], vector<16xf32>,
        %eq3A_2293 = vector.broadcast %select_n3A_2227 : f32 to vector<16xf32>
        %eq3A_2294 = arith.cmpf oeq, %gather3A_2292, %eq3A_2293 : vector<16xf32>
        %jit3A_2295 = arith.constant 99 : i32
        %broadcast_in_dim3A_2296 = vector.broadcast %jit3A_2295 : i32 to vector<16xi32>
        %select_n3A_2297 = arith.select %eq3A_2294, %iota3A, %broadcast_in_dim3A_2296 : vector<16xi1>, vector<16xi32>
        %reduce_min3A_2298 = arith.constant true
        %reduce_min3A_2299 = vector.broadcast %reduce_min3A_2298 : i1 to vector<16xi1>
        %reduce_min3A_2300 = arith.constant -2147483648 : i32
        %reduce_min3A_2301 = vector.broadcast %reduce_min3A_2300 : i32 to vector<16xi32>
        %reduce_min3A_2302 = arith.xori %select_n3A_2297, %reduce_min3A_2301 : vector<16xi32>
        %reduce_min3A_2303 = tpu.scan <min>, %reduce_min3A_2302 masked %reduce_min3A_2299 : vector<16xi32>, vector<16xi1> -> vector<16xi32>
        %reduce_min3A_2304 = arith.xori %reduce_min3A_2303, %reduce_min3A_2301 : vector<16xi32>
        %reduce_min3A_2305 = vector.extract %reduce_min3A_2304[15] : i32 from vector<16xi32>
        %mul3A_2306 = arith.constant 16 : i32
        %mul3A_2307 = arith.muli %add3A_2287, %mul3A_2306 : i32
        %add3A_2308 = arith.addi %mul3A_2307, %reduce_min3A_2305 : i32
        %eq3A_2309 = arith.constant 12 : i32
        %eq3A_2310 = vector.broadcast %eq3A_2309 : i32 to vector<16xi32>
        %eq3A_2311 = arith.cmpi eq, %iota3A, %eq3A_2310 : vector<16xi32>
        %broadcast_in_dim3A_2312 = vector.broadcast %add3A_2308 : i32 to vector<16xi32>
        %select_n3A_2313 = arith.select %eq3A_2311, %broadcast_in_dim3A_2312, %select_n3A_2164 : vector<16xi1>, vector<16xi32>
        %eq3A_2314 = arith.constant 12 : i32
        %eq3A_2315 = vector.broadcast %eq3A_2314 : i32 to vector<16xi32>
        %eq3A_2316 = arith.cmpi eq, %iota3A, %eq3A_2315 : vector<16xi32>
        %broadcast_in_dim3A_2317 = vector.broadcast %select_n3A_2227 : f32 to vector<16xf32>
        %select_n3A_2318 = arith.select %eq3A_2316, %broadcast_in_dim3A_2317, %select_n3A_2169 : vector<16xi1>, vector<16xf32>
        %eq3A_2319 = vector.broadcast %reduce_min3A_2305 : i32 to vector<16xi32>
        %eq3A_2320 = arith.cmpi eq, %iota3A, %eq3A_2319 : vector<16xi32>
        %jit3A_2321 = arith.constant 0xFF800000 : f32
        %broadcast_in_dim3A_2322 = vector.broadcast %jit3A_2321 : f32 to vector<16xf32>
        %select_n3A_2323 = arith.select %eq3A_2320, %broadcast_in_dim3A_2322, %gather3A_2292 : vector<16xi1>, vector<16xf32>
        %mul3A_2324 = arith.constant 16 : i32
        %mul3A_2325 = arith.muli %add3A_2287, %mul3A_2324 : i32
        %add3A_2326 = vector.broadcast %mul3A_2325 : i32 to vector<16xi32>
        %add3A_2327 = arith.addi %add3A_2326, %iota3A : vector<16xi32>
        tpu.vector_store_idx %arg6[%add3A_2327], %select_n3A_2323 : memref<100352xf32, #tpu.memory_space<vmem>>[vector<16xi32>], vector<16xf32>,
        %reduce_max3A_2328 = arith.constant true
        %reduce_max3A_2329 = vector.broadcast %reduce_max3A_2328 : i1 to vector<16xi1>
        %reduce_max3A_2330 = tpu.scan <max>, %select_n3A_2323 masked %reduce_max3A_2329 : vector<16xf32>, vector<16xi1> -> vector<16xf32>
        %reduce_max3A_2331 = vector.extract %reduce_max3A_2330[15] : f32 from vector<16xf32>
        %eq3A_2332 = vector.broadcast %reduce_min3A_2284 : i32 to vector<16xi32>
        %eq3A_2333 = arith.cmpi eq, %iota3A, %eq3A_2332 : vector<16xi32>
        %broadcast_in_dim3A_2334 = vector.broadcast %reduce_max3A_2331 : f32 to vector<16xf32>
        %select_n3A_2335 = arith.select %eq3A_2333, %broadcast_in_dim3A_2334, %gather3A_2271 : vector<16xi1>, vector<16xf32>
        %mul3A_2336 = arith.constant 16 : i32
        %mul3A_2337 = arith.muli %add3A_2266, %mul3A_2336 : i32
        %add3A_2338 = vector.broadcast %mul3A_2337 : i32 to vector<16xi32>
        %add3A_2339 = arith.addi %add3A_2338, %iota3A : vector<16xi32>
        tpu.vector_store_idx %arg7[%add3A_2339], %select_n3A_2335 : memref<6400xf32, #tpu.memory_space<vmem>>[vector<16xi32>], vector<16xf32>,
        %reduce_max3A_2340 = arith.constant true
        %reduce_max3A_2341 = vector.broadcast %reduce_max3A_2340 : i1 to vector<16xi1>
        %reduce_max3A_2342 = tpu.scan <max>, %select_n3A_2335 masked %reduce_max3A_2341 : vector<16xf32>, vector<16xi1> -> vector<16xf32>
        %reduce_max3A_2343 = vector.extract %reduce_max3A_2342[15] : f32 from vector<16xf32>
        %eq3A_2344 = vector.broadcast %reduce_min3A_2263 : i32 to vector<16xi32>
        %eq3A_2345 = arith.cmpi eq, %iota3A, %eq3A_2344 : vector<16xi32>
        %broadcast_in_dim3A_2346 = vector.broadcast %reduce_max3A_2343 : f32 to vector<16xf32>
        %select_n3A_2347 = arith.select %eq3A_2345, %broadcast_in_dim3A_2346, %gather3A_2250 : vector<16xi1>, vector<16xf32>
        %mul3A_2348 = arith.constant 16 : i32
        %mul3A_2349 = arith.muli %add3A_2245, %mul3A_2348 : i32
        %add3A_2350 = vector.broadcast %mul3A_2349 : i32 to vector<16xi32>
        %add3A_2351 = arith.addi %add3A_2350, %iota3A : vector<16xi32>
        tpu.vector_store_idx %arg8[%add3A_2351], %select_n3A_2347 : memref<512xf32, #tpu.memory_space<vmem>>[vector<16xi32>], vector<16xf32>,
        %reduce_max3A_2352 = arith.constant true
        %reduce_max3A_2353 = vector.broadcast %reduce_max3A_2352 : i1 to vector<16xi1>
        %reduce_max3A_2354 = tpu.scan <max>, %select_n3A_2347 masked %reduce_max3A_2353 : vector<16xf32>, vector<16xi1> -> vector<16xf32>
        %reduce_max3A_2355 = vector.extract %reduce_max3A_2354[15] : f32 from vector<16xf32>
        %eq3A_2356 = vector.broadcast %reduce_min3A_2241 : i32 to vector<16xi32>
        %eq3A_2357 = arith.cmpi eq, %iota3A, %eq3A_2356 : vector<16xi32>
        %broadcast_in_dim3A_2358 = vector.broadcast %reduce_max3A_2355 : f32 to vector<16xf32>
        %select_n3A_2359 = arith.select %eq3A_2357, %broadcast_in_dim3A_2358, %select_n3A_2228 : vector<16xi1>, vector<16xf32>
        %add3A_2360 = vector.broadcast %select_n3A_2244 : i32 to vector<16xi32>
        %add3A_2361 = arith.addi %add3A_2360, %iota3A : vector<16xi32>
        tpu.vector_store_idx %arg9[%add3A_2361], %select_n3A_2359 : memref<32xf32, #tpu.memory_space<vmem>>[vector<16xi32>], vector<16xf32>,
        %gather3A_2362 = tpu.vector_load_idx %arg9[%iota3A] : memref<32xf32, #tpu.memory_space<vmem>>[vector<16xi32>], vector<16xf32>,
        %add3A_2363 = arith.constant 16 : i32
        %add3A_2364 = vector.broadcast %add3A_2363 : i32 to vector<16xi32>
        %add3A_2365 = arith.addi %add3A_2364, %iota3A : vector<16xi32>
        %gather3A_2366 = tpu.vector_load_idx %arg9[%add3A_2365] : memref<32xf32, #tpu.memory_space<vmem>>[vector<16xi32>], vector<16xf32>,
        %reduce_max3A_2367 = arith.constant true
        %reduce_max3A_2368 = vector.broadcast %reduce_max3A_2367 : i1 to vector<16xi1>
        %reduce_max3A_2369 = tpu.scan <max>, %gather3A_2362 masked %reduce_max3A_2368 : vector<16xf32>, vector<16xi1> -> vector<16xf32>
        %reduce_max3A_2370 = vector.extract %reduce_max3A_2369[15] : f32 from vector<16xf32>
        %reduce_max3A_2371 = arith.constant true
        %reduce_max3A_2372 = vector.broadcast %reduce_max3A_2371 : i1 to vector<16xi1>
        %reduce_max3A_2373 = tpu.scan <max>, %gather3A_2366 masked %reduce_max3A_2372 : vector<16xf32>, vector<16xi1> -> vector<16xf32>
        %reduce_max3A_2374 = vector.extract %reduce_max3A_2373[15] : f32 from vector<16xf32>
        %gt3A_2375 = arith.cmpf ogt, %reduce_max3A_2374, %reduce_max3A_2370 : f32
        %select_n3A_2376 = arith.select %gt3A_2375, %reduce_max3A_2374, %reduce_max3A_2370 : f32
        %select_n3A_2377 = arith.select %gt3A_2375, %gather3A_2366, %gather3A_2362 : vector<16xf32>
        %eq3A_2378 = vector.broadcast %select_n3A_2376 : f32 to vector<16xf32>
        %eq3A_2379 = arith.cmpf oeq, %select_n3A_2377, %eq3A_2378 : vector<16xf32>
        %jit3A_2380 = arith.constant 99 : i32
        %broadcast_in_dim3A_2381 = vector.broadcast %jit3A_2380 : i32 to vector<16xi32>
        %select_n3A_2382 = arith.select %eq3A_2379, %iota3A, %broadcast_in_dim3A_2381 : vector<16xi1>, vector<16xi32>
        %reduce_min3A_2383 = arith.constant true
        %reduce_min3A_2384 = vector.broadcast %reduce_min3A_2383 : i1 to vector<16xi1>
        %reduce_min3A_2385 = arith.constant -2147483648 : i32
        %reduce_min3A_2386 = vector.broadcast %reduce_min3A_2385 : i32 to vector<16xi32>
        %reduce_min3A_2387 = arith.xori %select_n3A_2382, %reduce_min3A_2386 : vector<16xi32>
        %reduce_min3A_2388 = tpu.scan <min>, %reduce_min3A_2387 masked %reduce_min3A_2384 : vector<16xi32>, vector<16xi1> -> vector<16xi32>
        %reduce_min3A_2389 = arith.xori %reduce_min3A_2388, %reduce_min3A_2386 : vector<16xi32>
        %reduce_min3A_2390 = vector.extract %reduce_min3A_2389[15] : i32 from vector<16xi32>
        %jit3A_2391 = arith.constant 16 : i32
        %jit3A_2392 = arith.constant 0 : i32
        %select_n3A_2393 = arith.select %gt3A_2375, %jit3A_2391, %jit3A_2392 : i32
        %add3A_2394 = arith.addi %select_n3A_2393, %reduce_min3A_2390 : i32
        %mul3A_2395 = arith.constant 16 : i32
        %mul3A_2396 = arith.muli %add3A_2394, %mul3A_2395 : i32
        %add3A_2397 = vector.broadcast %mul3A_2396 : i32 to vector<16xi32>
        %add3A_2398 = arith.addi %add3A_2397, %iota3A : vector<16xi32>
        %gather3A_2399 = tpu.vector_load_idx %arg8[%add3A_2398] : memref<512xf32, #tpu.memory_space<vmem>>[vector<16xi32>], vector<16xf32>,
        %eq3A_2400 = vector.broadcast %select_n3A_2376 : f32 to vector<16xf32>
        %eq3A_2401 = arith.cmpf oeq, %gather3A_2399, %eq3A_2400 : vector<16xf32>
        %jit3A_2402 = arith.constant 99 : i32
        %broadcast_in_dim3A_2403 = vector.broadcast %jit3A_2402 : i32 to vector<16xi32>
        %select_n3A_2404 = arith.select %eq3A_2401, %iota3A, %broadcast_in_dim3A_2403 : vector<16xi1>, vector<16xi32>
        %reduce_min3A_2405 = arith.constant true
        %reduce_min3A_2406 = vector.broadcast %reduce_min3A_2405 : i1 to vector<16xi1>
        %reduce_min3A_2407 = arith.constant -2147483648 : i32
        %reduce_min3A_2408 = vector.broadcast %reduce_min3A_2407 : i32 to vector<16xi32>
        %reduce_min3A_2409 = arith.xori %select_n3A_2404, %reduce_min3A_2408 : vector<16xi32>
        %reduce_min3A_2410 = tpu.scan <min>, %reduce_min3A_2409 masked %reduce_min3A_2406 : vector<16xi32>, vector<16xi1> -> vector<16xi32>
        %reduce_min3A_2411 = arith.xori %reduce_min3A_2410, %reduce_min3A_2408 : vector<16xi32>
        %reduce_min3A_2412 = vector.extract %reduce_min3A_2411[15] : i32 from vector<16xi32>
        %mul3A_2413 = arith.constant 16 : i32
        %mul3A_2414 = arith.muli %add3A_2394, %mul3A_2413 : i32
        %add3A_2415 = arith.addi %mul3A_2414, %reduce_min3A_2412 : i32
        %mul3A_2416 = arith.constant 16 : i32
        %mul3A_2417 = arith.muli %add3A_2415, %mul3A_2416 : i32
        %add3A_2418 = vector.broadcast %mul3A_2417 : i32 to vector<16xi32>
        %add3A_2419 = arith.addi %add3A_2418, %iota3A : vector<16xi32>
        %gather3A_2420 = tpu.vector_load_idx %arg7[%add3A_2419] : memref<6400xf32, #tpu.memory_space<vmem>>[vector<16xi32>], vector<16xf32>,
        %eq3A_2421 = vector.broadcast %select_n3A_2376 : f32 to vector<16xf32>
        %eq3A_2422 = arith.cmpf oeq, %gather3A_2420, %eq3A_2421 : vector<16xf32>
        %jit3A_2423 = arith.constant 99 : i32
        %broadcast_in_dim3A_2424 = vector.broadcast %jit3A_2423 : i32 to vector<16xi32>
        %select_n3A_2425 = arith.select %eq3A_2422, %iota3A, %broadcast_in_dim3A_2424 : vector<16xi1>, vector<16xi32>
        %reduce_min3A_2426 = arith.constant true
        %reduce_min3A_2427 = vector.broadcast %reduce_min3A_2426 : i1 to vector<16xi1>
        %reduce_min3A_2428 = arith.constant -2147483648 : i32
        %reduce_min3A_2429 = vector.broadcast %reduce_min3A_2428 : i32 to vector<16xi32>
        %reduce_min3A_2430 = arith.xori %select_n3A_2425, %reduce_min3A_2429 : vector<16xi32>
        %reduce_min3A_2431 = tpu.scan <min>, %reduce_min3A_2430 masked %reduce_min3A_2427 : vector<16xi32>, vector<16xi1> -> vector<16xi32>
        %reduce_min3A_2432 = arith.xori %reduce_min3A_2431, %reduce_min3A_2429 : vector<16xi32>
        %reduce_min3A_2433 = vector.extract %reduce_min3A_2432[15] : i32 from vector<16xi32>
        %mul3A_2434 = arith.constant 16 : i32
        %mul3A_2435 = arith.muli %add3A_2415, %mul3A_2434 : i32
        %add3A_2436 = arith.addi %mul3A_2435, %reduce_min3A_2433 : i32
        %mul3A_2437 = arith.constant 16 : i32
        %mul3A_2438 = arith.muli %add3A_2436, %mul3A_2437 : i32
        %add3A_2439 = vector.broadcast %mul3A_2438 : i32 to vector<16xi32>
        %add3A_2440 = arith.addi %add3A_2439, %iota3A : vector<16xi32>
        %gather3A_2441 = tpu.vector_load_idx %arg6[%add3A_2440] : memref<100352xf32, #tpu.memory_space<vmem>>[vector<16xi32>], vector<16xf32>,
        %eq3A_2442 = vector.broadcast %select_n3A_2376 : f32 to vector<16xf32>
        %eq3A_2443 = arith.cmpf oeq, %gather3A_2441, %eq3A_2442 : vector<16xf32>
        %jit3A_2444 = arith.constant 99 : i32
        %broadcast_in_dim3A_2445 = vector.broadcast %jit3A_2444 : i32 to vector<16xi32>
        %select_n3A_2446 = arith.select %eq3A_2443, %iota3A, %broadcast_in_dim3A_2445 : vector<16xi1>, vector<16xi32>
        %reduce_min3A_2447 = arith.constant true
        %reduce_min3A_2448 = vector.broadcast %reduce_min3A_2447 : i1 to vector<16xi1>
        %reduce_min3A_2449 = arith.constant -2147483648 : i32
        %reduce_min3A_2450 = vector.broadcast %reduce_min3A_2449 : i32 to vector<16xi32>
        %reduce_min3A_2451 = arith.xori %select_n3A_2446, %reduce_min3A_2450 : vector<16xi32>
        %reduce_min3A_2452 = tpu.scan <min>, %reduce_min3A_2451 masked %reduce_min3A_2448 : vector<16xi32>, vector<16xi1> -> vector<16xi32>
        %reduce_min3A_2453 = arith.xori %reduce_min3A_2452, %reduce_min3A_2450 : vector<16xi32>
        %reduce_min3A_2454 = vector.extract %reduce_min3A_2453[15] : i32 from vector<16xi32>
        %mul3A_2455 = arith.constant 16 : i32
        %mul3A_2456 = arith.muli %add3A_2436, %mul3A_2455 : i32
        %add3A_2457 = arith.addi %mul3A_2456, %reduce_min3A_2454 : i32
        %eq3A_2458 = arith.constant 13 : i32
        %eq3A_2459 = vector.broadcast %eq3A_2458 : i32 to vector<16xi32>
        %eq3A_2460 = arith.cmpi eq, %iota3A, %eq3A_2459 : vector<16xi32>
        %broadcast_in_dim3A_2461 = vector.broadcast %add3A_2457 : i32 to vector<16xi32>
        %select_n3A_2462 = arith.select %eq3A_2460, %broadcast_in_dim3A_2461, %select_n3A_2313 : vector<16xi1>, vector<16xi32>
        %eq3A_2463 = arith.constant 13 : i32
        %eq3A_2464 = vector.broadcast %eq3A_2463 : i32 to vector<16xi32>
        %eq3A_2465 = arith.cmpi eq, %iota3A, %eq3A_2464 : vector<16xi32>
        %broadcast_in_dim3A_2466 = vector.broadcast %select_n3A_2376 : f32 to vector<16xf32>
        %select_n3A_2467 = arith.select %eq3A_2465, %broadcast_in_dim3A_2466, %select_n3A_2318 : vector<16xi1>, vector<16xf32>
        %eq3A_2468 = vector.broadcast %reduce_min3A_2454 : i32 to vector<16xi32>
        %eq3A_2469 = arith.cmpi eq, %iota3A, %eq3A_2468 : vector<16xi32>
        %jit3A_2470 = arith.constant 0xFF800000 : f32
        %broadcast_in_dim3A_2471 = vector.broadcast %jit3A_2470 : f32 to vector<16xf32>
        %select_n3A_2472 = arith.select %eq3A_2469, %broadcast_in_dim3A_2471, %gather3A_2441 : vector<16xi1>, vector<16xf32>
        %mul3A_2473 = arith.constant 16 : i32
        %mul3A_2474 = arith.muli %add3A_2436, %mul3A_2473 : i32
        %add3A_2475 = vector.broadcast %mul3A_2474 : i32 to vector<16xi32>
        %add3A_2476 = arith.addi %add3A_2475, %iota3A : vector<16xi32>
        tpu.vector_store_idx %arg6[%add3A_2476], %select_n3A_2472 : memref<100352xf32, #tpu.memory_space<vmem>>[vector<16xi32>], vector<16xf32>,
        %reduce_max3A_2477 = arith.constant true
        %reduce_max3A_2478 = vector.broadcast %reduce_max3A_2477 : i1 to vector<16xi1>
        %reduce_max3A_2479 = tpu.scan <max>, %select_n3A_2472 masked %reduce_max3A_2478 : vector<16xf32>, vector<16xi1> -> vector<16xf32>
        %reduce_max3A_2480 = vector.extract %reduce_max3A_2479[15] : f32 from vector<16xf32>
        %eq3A_2481 = vector.broadcast %reduce_min3A_2433 : i32 to vector<16xi32>
        %eq3A_2482 = arith.cmpi eq, %iota3A, %eq3A_2481 : vector<16xi32>
        %broadcast_in_dim3A_2483 = vector.broadcast %reduce_max3A_2480 : f32 to vector<16xf32>
        %select_n3A_2484 = arith.select %eq3A_2482, %broadcast_in_dim3A_2483, %gather3A_2420 : vector<16xi1>, vector<16xf32>
        %mul3A_2485 = arith.constant 16 : i32
        %mul3A_2486 = arith.muli %add3A_2415, %mul3A_2485 : i32
        %add3A_2487 = vector.broadcast %mul3A_2486 : i32 to vector<16xi32>
        %add3A_2488 = arith.addi %add3A_2487, %iota3A : vector<16xi32>
        tpu.vector_store_idx %arg7[%add3A_2488], %select_n3A_2484 : memref<6400xf32, #tpu.memory_space<vmem>>[vector<16xi32>], vector<16xf32>,
        %reduce_max3A_2489 = arith.constant true
        %reduce_max3A_2490 = vector.broadcast %reduce_max3A_2489 : i1 to vector<16xi1>
        %reduce_max3A_2491 = tpu.scan <max>, %select_n3A_2484 masked %reduce_max3A_2490 : vector<16xf32>, vector<16xi1> -> vector<16xf32>
        %reduce_max3A_2492 = vector.extract %reduce_max3A_2491[15] : f32 from vector<16xf32>
        %eq3A_2493 = vector.broadcast %reduce_min3A_2412 : i32 to vector<16xi32>
        %eq3A_2494 = arith.cmpi eq, %iota3A, %eq3A_2493 : vector<16xi32>
        %broadcast_in_dim3A_2495 = vector.broadcast %reduce_max3A_2492 : f32 to vector<16xf32>
        %select_n3A_2496 = arith.select %eq3A_2494, %broadcast_in_dim3A_2495, %gather3A_2399 : vector<16xi1>, vector<16xf32>
        %mul3A_2497 = arith.constant 16 : i32
        %mul3A_2498 = arith.muli %add3A_2394, %mul3A_2497 : i32
        %add3A_2499 = vector.broadcast %mul3A_2498 : i32 to vector<16xi32>
        %add3A_2500 = arith.addi %add3A_2499, %iota3A : vector<16xi32>
        tpu.vector_store_idx %arg8[%add3A_2500], %select_n3A_2496 : memref<512xf32, #tpu.memory_space<vmem>>[vector<16xi32>], vector<16xf32>,
        %reduce_max3A_2501 = arith.constant true
        %reduce_max3A_2502 = vector.broadcast %reduce_max3A_2501 : i1 to vector<16xi1>
        %reduce_max3A_2503 = tpu.scan <max>, %select_n3A_2496 masked %reduce_max3A_2502 : vector<16xf32>, vector<16xi1> -> vector<16xf32>
        %reduce_max3A_2504 = vector.extract %reduce_max3A_2503[15] : f32 from vector<16xf32>
        %eq3A_2505 = vector.broadcast %reduce_min3A_2390 : i32 to vector<16xi32>
        %eq3A_2506 = arith.cmpi eq, %iota3A, %eq3A_2505 : vector<16xi32>
        %broadcast_in_dim3A_2507 = vector.broadcast %reduce_max3A_2504 : f32 to vector<16xf32>
        %select_n3A_2508 = arith.select %eq3A_2506, %broadcast_in_dim3A_2507, %select_n3A_2377 : vector<16xi1>, vector<16xf32>
        %add3A_2509 = vector.broadcast %select_n3A_2393 : i32 to vector<16xi32>
        %add3A_2510 = arith.addi %add3A_2509, %iota3A : vector<16xi32>
        tpu.vector_store_idx %arg9[%add3A_2510], %select_n3A_2508 : memref<32xf32, #tpu.memory_space<vmem>>[vector<16xi32>], vector<16xf32>,
        %gather3A_2511 = tpu.vector_load_idx %arg9[%iota3A] : memref<32xf32, #tpu.memory_space<vmem>>[vector<16xi32>], vector<16xf32>,
        %add3A_2512 = arith.constant 16 : i32
        %add3A_2513 = vector.broadcast %add3A_2512 : i32 to vector<16xi32>
        %add3A_2514 = arith.addi %add3A_2513, %iota3A : vector<16xi32>
        %gather3A_2515 = tpu.vector_load_idx %arg9[%add3A_2514] : memref<32xf32, #tpu.memory_space<vmem>>[vector<16xi32>], vector<16xf32>,
        %reduce_max3A_2516 = arith.constant true
        %reduce_max3A_2517 = vector.broadcast %reduce_max3A_2516 : i1 to vector<16xi1>
        %reduce_max3A_2518 = tpu.scan <max>, %gather3A_2511 masked %reduce_max3A_2517 : vector<16xf32>, vector<16xi1> -> vector<16xf32>
        %reduce_max3A_2519 = vector.extract %reduce_max3A_2518[15] : f32 from vector<16xf32>
        %reduce_max3A_2520 = arith.constant true
        %reduce_max3A_2521 = vector.broadcast %reduce_max3A_2520 : i1 to vector<16xi1>
        %reduce_max3A_2522 = tpu.scan <max>, %gather3A_2515 masked %reduce_max3A_2521 : vector<16xf32>, vector<16xi1> -> vector<16xf32>
        %reduce_max3A_2523 = vector.extract %reduce_max3A_2522[15] : f32 from vector<16xf32>
        %gt3A_2524 = arith.cmpf ogt, %reduce_max3A_2523, %reduce_max3A_2519 : f32
        %select_n3A_2525 = arith.select %gt3A_2524, %reduce_max3A_2523, %reduce_max3A_2519 : f32
        %select_n3A_2526 = arith.select %gt3A_2524, %gather3A_2515, %gather3A_2511 : vector<16xf32>
        %eq3A_2527 = vector.broadcast %select_n3A_2525 : f32 to vector<16xf32>
        %eq3A_2528 = arith.cmpf oeq, %select_n3A_2526, %eq3A_2527 : vector<16xf32>
        %jit3A_2529 = arith.constant 99 : i32
        %broadcast_in_dim3A_2530 = vector.broadcast %jit3A_2529 : i32 to vector<16xi32>
        %select_n3A_2531 = arith.select %eq3A_2528, %iota3A, %broadcast_in_dim3A_2530 : vector<16xi1>, vector<16xi32>
        %reduce_min3A_2532 = arith.constant true
        %reduce_min3A_2533 = vector.broadcast %reduce_min3A_2532 : i1 to vector<16xi1>
        %reduce_min3A_2534 = arith.constant -2147483648 : i32
        %reduce_min3A_2535 = vector.broadcast %reduce_min3A_2534 : i32 to vector<16xi32>
        %reduce_min3A_2536 = arith.xori %select_n3A_2531, %reduce_min3A_2535 : vector<16xi32>
        %reduce_min3A_2537 = tpu.scan <min>, %reduce_min3A_2536 masked %reduce_min3A_2533 : vector<16xi32>, vector<16xi1> -> vector<16xi32>
        %reduce_min3A_2538 = arith.xori %reduce_min3A_2537, %reduce_min3A_2535 : vector<16xi32>
        %reduce_min3A_2539 = vector.extract %reduce_min3A_2538[15] : i32 from vector<16xi32>
        %jit3A_2540 = arith.constant 16 : i32
        %jit3A_2541 = arith.constant 0 : i32
        %select_n3A_2542 = arith.select %gt3A_2524, %jit3A_2540, %jit3A_2541 : i32
        %add3A_2543 = arith.addi %select_n3A_2542, %reduce_min3A_2539 : i32
        %mul3A_2544 = arith.constant 16 : i32
        %mul3A_2545 = arith.muli %add3A_2543, %mul3A_2544 : i32
        %add3A_2546 = vector.broadcast %mul3A_2545 : i32 to vector<16xi32>
        %add3A_2547 = arith.addi %add3A_2546, %iota3A : vector<16xi32>
        %gather3A_2548 = tpu.vector_load_idx %arg8[%add3A_2547] : memref<512xf32, #tpu.memory_space<vmem>>[vector<16xi32>], vector<16xf32>,
        %eq3A_2549 = vector.broadcast %select_n3A_2525 : f32 to vector<16xf32>
        %eq3A_2550 = arith.cmpf oeq, %gather3A_2548, %eq3A_2549 : vector<16xf32>
        %jit3A_2551 = arith.constant 99 : i32
        %broadcast_in_dim3A_2552 = vector.broadcast %jit3A_2551 : i32 to vector<16xi32>
        %select_n3A_2553 = arith.select %eq3A_2550, %iota3A, %broadcast_in_dim3A_2552 : vector<16xi1>, vector<16xi32>
        %reduce_min3A_2554 = arith.constant true
        %reduce_min3A_2555 = vector.broadcast %reduce_min3A_2554 : i1 to vector<16xi1>
        %reduce_min3A_2556 = arith.constant -2147483648 : i32
        %reduce_min3A_2557 = vector.broadcast %reduce_min3A_2556 : i32 to vector<16xi32>
        %reduce_min3A_2558 = arith.xori %select_n3A_2553, %reduce_min3A_2557 : vector<16xi32>
        %reduce_min3A_2559 = tpu.scan <min>, %reduce_min3A_2558 masked %reduce_min3A_2555 : vector<16xi32>, vector<16xi1> -> vector<16xi32>
        %reduce_min3A_2560 = arith.xori %reduce_min3A_2559, %reduce_min3A_2557 : vector<16xi32>
        %reduce_min3A_2561 = vector.extract %reduce_min3A_2560[15] : i32 from vector<16xi32>
        %mul3A_2562 = arith.constant 16 : i32
        %mul3A_2563 = arith.muli %add3A_2543, %mul3A_2562 : i32
        %add3A_2564 = arith.addi %mul3A_2563, %reduce_min3A_2561 : i32
        %mul3A_2565 = arith.constant 16 : i32
        %mul3A_2566 = arith.muli %add3A_2564, %mul3A_2565 : i32
        %add3A_2567 = vector.broadcast %mul3A_2566 : i32 to vector<16xi32>
        %add3A_2568 = arith.addi %add3A_2567, %iota3A : vector<16xi32>
        %gather3A_2569 = tpu.vector_load_idx %arg7[%add3A_2568] : memref<6400xf32, #tpu.memory_space<vmem>>[vector<16xi32>], vector<16xf32>,
        %eq3A_2570 = vector.broadcast %select_n3A_2525 : f32 to vector<16xf32>
        %eq3A_2571 = arith.cmpf oeq, %gather3A_2569, %eq3A_2570 : vector<16xf32>
        %jit3A_2572 = arith.constant 99 : i32
        %broadcast_in_dim3A_2573 = vector.broadcast %jit3A_2572 : i32 to vector<16xi32>
        %select_n3A_2574 = arith.select %eq3A_2571, %iota3A, %broadcast_in_dim3A_2573 : vector<16xi1>, vector<16xi32>
        %reduce_min3A_2575 = arith.constant true
        %reduce_min3A_2576 = vector.broadcast %reduce_min3A_2575 : i1 to vector<16xi1>
        %reduce_min3A_2577 = arith.constant -2147483648 : i32
        %reduce_min3A_2578 = vector.broadcast %reduce_min3A_2577 : i32 to vector<16xi32>
        %reduce_min3A_2579 = arith.xori %select_n3A_2574, %reduce_min3A_2578 : vector<16xi32>
        %reduce_min3A_2580 = tpu.scan <min>, %reduce_min3A_2579 masked %reduce_min3A_2576 : vector<16xi32>, vector<16xi1> -> vector<16xi32>
        %reduce_min3A_2581 = arith.xori %reduce_min3A_2580, %reduce_min3A_2578 : vector<16xi32>
        %reduce_min3A_2582 = vector.extract %reduce_min3A_2581[15] : i32 from vector<16xi32>
        %mul3A_2583 = arith.constant 16 : i32
        %mul3A_2584 = arith.muli %add3A_2564, %mul3A_2583 : i32
        %add3A_2585 = arith.addi %mul3A_2584, %reduce_min3A_2582 : i32
        %mul3A_2586 = arith.constant 16 : i32
        %mul3A_2587 = arith.muli %add3A_2585, %mul3A_2586 : i32
        %add3A_2588 = vector.broadcast %mul3A_2587 : i32 to vector<16xi32>
        %add3A_2589 = arith.addi %add3A_2588, %iota3A : vector<16xi32>
        %gather3A_2590 = tpu.vector_load_idx %arg6[%add3A_2589] : memref<100352xf32, #tpu.memory_space<vmem>>[vector<16xi32>], vector<16xf32>,
        %eq3A_2591 = vector.broadcast %select_n3A_2525 : f32 to vector<16xf32>
        %eq3A_2592 = arith.cmpf oeq, %gather3A_2590, %eq3A_2591 : vector<16xf32>
        %jit3A_2593 = arith.constant 99 : i32
        %broadcast_in_dim3A_2594 = vector.broadcast %jit3A_2593 : i32 to vector<16xi32>
        %select_n3A_2595 = arith.select %eq3A_2592, %iota3A, %broadcast_in_dim3A_2594 : vector<16xi1>, vector<16xi32>
        %reduce_min3A_2596 = arith.constant true
        %reduce_min3A_2597 = vector.broadcast %reduce_min3A_2596 : i1 to vector<16xi1>
        %reduce_min3A_2598 = arith.constant -2147483648 : i32
        %reduce_min3A_2599 = vector.broadcast %reduce_min3A_2598 : i32 to vector<16xi32>
        %reduce_min3A_2600 = arith.xori %select_n3A_2595, %reduce_min3A_2599 : vector<16xi32>
        %reduce_min3A_2601 = tpu.scan <min>, %reduce_min3A_2600 masked %reduce_min3A_2597 : vector<16xi32>, vector<16xi1> -> vector<16xi32>
        %reduce_min3A_2602 = arith.xori %reduce_min3A_2601, %reduce_min3A_2599 : vector<16xi32>
        %reduce_min3A_2603 = vector.extract %reduce_min3A_2602[15] : i32 from vector<16xi32>
        %mul3A_2604 = arith.constant 16 : i32
        %mul3A_2605 = arith.muli %add3A_2585, %mul3A_2604 : i32
        %add3A_2606 = arith.addi %mul3A_2605, %reduce_min3A_2603 : i32
        %eq3A_2607 = arith.constant 14 : i32
        %eq3A_2608 = vector.broadcast %eq3A_2607 : i32 to vector<16xi32>
        %eq3A_2609 = arith.cmpi eq, %iota3A, %eq3A_2608 : vector<16xi32>
        %broadcast_in_dim3A_2610 = vector.broadcast %add3A_2606 : i32 to vector<16xi32>
        %select_n3A_2611 = arith.select %eq3A_2609, %broadcast_in_dim3A_2610, %select_n3A_2462 : vector<16xi1>, vector<16xi32>
        %eq3A_2612 = arith.constant 14 : i32
        %eq3A_2613 = vector.broadcast %eq3A_2612 : i32 to vector<16xi32>
        %eq3A_2614 = arith.cmpi eq, %iota3A, %eq3A_2613 : vector<16xi32>
        %broadcast_in_dim3A_2615 = vector.broadcast %select_n3A_2525 : f32 to vector<16xf32>
        %select_n3A_2616 = arith.select %eq3A_2614, %broadcast_in_dim3A_2615, %select_n3A_2467 : vector<16xi1>, vector<16xf32>
        %eq3A_2617 = vector.broadcast %reduce_min3A_2603 : i32 to vector<16xi32>
        %eq3A_2618 = arith.cmpi eq, %iota3A, %eq3A_2617 : vector<16xi32>
        %jit3A_2619 = arith.constant 0xFF800000 : f32
        %broadcast_in_dim3A_2620 = vector.broadcast %jit3A_2619 : f32 to vector<16xf32>
        %select_n3A_2621 = arith.select %eq3A_2618, %broadcast_in_dim3A_2620, %gather3A_2590 : vector<16xi1>, vector<16xf32>
        %mul3A_2622 = arith.constant 16 : i32
        %mul3A_2623 = arith.muli %add3A_2585, %mul3A_2622 : i32
        %add3A_2624 = vector.broadcast %mul3A_2623 : i32 to vector<16xi32>
        %add3A_2625 = arith.addi %add3A_2624, %iota3A : vector<16xi32>
        tpu.vector_store_idx %arg6[%add3A_2625], %select_n3A_2621 : memref<100352xf32, #tpu.memory_space<vmem>>[vector<16xi32>], vector<16xf32>,
        %reduce_max3A_2626 = arith.constant true
        %reduce_max3A_2627 = vector.broadcast %reduce_max3A_2626 : i1 to vector<16xi1>
        %reduce_max3A_2628 = tpu.scan <max>, %select_n3A_2621 masked %reduce_max3A_2627 : vector<16xf32>, vector<16xi1> -> vector<16xf32>
        %reduce_max3A_2629 = vector.extract %reduce_max3A_2628[15] : f32 from vector<16xf32>
        %eq3A_2630 = vector.broadcast %reduce_min3A_2582 : i32 to vector<16xi32>
        %eq3A_2631 = arith.cmpi eq, %iota3A, %eq3A_2630 : vector<16xi32>
        %broadcast_in_dim3A_2632 = vector.broadcast %reduce_max3A_2629 : f32 to vector<16xf32>
        %select_n3A_2633 = arith.select %eq3A_2631, %broadcast_in_dim3A_2632, %gather3A_2569 : vector<16xi1>, vector<16xf32>
        %mul3A_2634 = arith.constant 16 : i32
        %mul3A_2635 = arith.muli %add3A_2564, %mul3A_2634 : i32
        %add3A_2636 = vector.broadcast %mul3A_2635 : i32 to vector<16xi32>
        %add3A_2637 = arith.addi %add3A_2636, %iota3A : vector<16xi32>
        tpu.vector_store_idx %arg7[%add3A_2637], %select_n3A_2633 : memref<6400xf32, #tpu.memory_space<vmem>>[vector<16xi32>], vector<16xf32>,
        %reduce_max3A_2638 = arith.constant true
        %reduce_max3A_2639 = vector.broadcast %reduce_max3A_2638 : i1 to vector<16xi1>
        %reduce_max3A_2640 = tpu.scan <max>, %select_n3A_2633 masked %reduce_max3A_2639 : vector<16xf32>, vector<16xi1> -> vector<16xf32>
        %reduce_max3A_2641 = vector.extract %reduce_max3A_2640[15] : f32 from vector<16xf32>
        %eq3A_2642 = vector.broadcast %reduce_min3A_2561 : i32 to vector<16xi32>
        %eq3A_2643 = arith.cmpi eq, %iota3A, %eq3A_2642 : vector<16xi32>
        %broadcast_in_dim3A_2644 = vector.broadcast %reduce_max3A_2641 : f32 to vector<16xf32>
        %select_n3A_2645 = arith.select %eq3A_2643, %broadcast_in_dim3A_2644, %gather3A_2548 : vector<16xi1>, vector<16xf32>
        %mul3A_2646 = arith.constant 16 : i32
        %mul3A_2647 = arith.muli %add3A_2543, %mul3A_2646 : i32
        %add3A_2648 = vector.broadcast %mul3A_2647 : i32 to vector<16xi32>
        %add3A_2649 = arith.addi %add3A_2648, %iota3A : vector<16xi32>
        tpu.vector_store_idx %arg8[%add3A_2649], %select_n3A_2645 : memref<512xf32, #tpu.memory_space<vmem>>[vector<16xi32>], vector<16xf32>,
        %reduce_max3A_2650 = arith.constant true
        %reduce_max3A_2651 = vector.broadcast %reduce_max3A_2650 : i1 to vector<16xi1>
        %reduce_max3A_2652 = tpu.scan <max>, %select_n3A_2645 masked %reduce_max3A_2651 : vector<16xf32>, vector<16xi1> -> vector<16xf32>
        %reduce_max3A_2653 = vector.extract %reduce_max3A_2652[15] : f32 from vector<16xf32>
        %eq3A_2654 = vector.broadcast %reduce_min3A_2539 : i32 to vector<16xi32>
        %eq3A_2655 = arith.cmpi eq, %iota3A, %eq3A_2654 : vector<16xi32>
        %broadcast_in_dim3A_2656 = vector.broadcast %reduce_max3A_2653 : f32 to vector<16xf32>
        %select_n3A_2657 = arith.select %eq3A_2655, %broadcast_in_dim3A_2656, %select_n3A_2526 : vector<16xi1>, vector<16xf32>
        %add3A_2658 = vector.broadcast %select_n3A_2542 : i32 to vector<16xi32>
        %add3A_2659 = arith.addi %add3A_2658, %iota3A : vector<16xi32>
        tpu.vector_store_idx %arg9[%add3A_2659], %select_n3A_2657 : memref<32xf32, #tpu.memory_space<vmem>>[vector<16xi32>], vector<16xf32>,
        %gather3A_2660 = tpu.vector_load_idx %arg9[%iota3A] : memref<32xf32, #tpu.memory_space<vmem>>[vector<16xi32>], vector<16xf32>,
        %add3A_2661 = arith.constant 16 : i32
        %add3A_2662 = vector.broadcast %add3A_2661 : i32 to vector<16xi32>
        %add3A_2663 = arith.addi %add3A_2662, %iota3A : vector<16xi32>
        %gather3A_2664 = tpu.vector_load_idx %arg9[%add3A_2663] : memref<32xf32, #tpu.memory_space<vmem>>[vector<16xi32>], vector<16xf32>,
        %reduce_max3A_2665 = arith.constant true
        %reduce_max3A_2666 = vector.broadcast %reduce_max3A_2665 : i1 to vector<16xi1>
        %reduce_max3A_2667 = tpu.scan <max>, %gather3A_2660 masked %reduce_max3A_2666 : vector<16xf32>, vector<16xi1> -> vector<16xf32>
        %reduce_max3A_2668 = vector.extract %reduce_max3A_2667[15] : f32 from vector<16xf32>
        %reduce_max3A_2669 = arith.constant true
        %reduce_max3A_2670 = vector.broadcast %reduce_max3A_2669 : i1 to vector<16xi1>
        %reduce_max3A_2671 = tpu.scan <max>, %gather3A_2664 masked %reduce_max3A_2670 : vector<16xf32>, vector<16xi1> -> vector<16xf32>
        %reduce_max3A_2672 = vector.extract %reduce_max3A_2671[15] : f32 from vector<16xf32>
        %gt3A_2673 = arith.cmpf ogt, %reduce_max3A_2672, %reduce_max3A_2668 : f32
        %select_n3A_2674 = arith.select %gt3A_2673, %reduce_max3A_2672, %reduce_max3A_2668 : f32
        %select_n3A_2675 = arith.select %gt3A_2673, %gather3A_2664, %gather3A_2660 : vector<16xf32>
        %eq3A_2676 = vector.broadcast %select_n3A_2674 : f32 to vector<16xf32>
        %eq3A_2677 = arith.cmpf oeq, %select_n3A_2675, %eq3A_2676 : vector<16xf32>
        %jit3A_2678 = arith.constant 99 : i32
        %broadcast_in_dim3A_2679 = vector.broadcast %jit3A_2678 : i32 to vector<16xi32>
        %select_n3A_2680 = arith.select %eq3A_2677, %iota3A, %broadcast_in_dim3A_2679 : vector<16xi1>, vector<16xi32>
        %reduce_min3A_2681 = arith.constant true
        %reduce_min3A_2682 = vector.broadcast %reduce_min3A_2681 : i1 to vector<16xi1>
        %reduce_min3A_2683 = arith.constant -2147483648 : i32
        %reduce_min3A_2684 = vector.broadcast %reduce_min3A_2683 : i32 to vector<16xi32>
        %reduce_min3A_2685 = arith.xori %select_n3A_2680, %reduce_min3A_2684 : vector<16xi32>
        %reduce_min3A_2686 = tpu.scan <min>, %reduce_min3A_2685 masked %reduce_min3A_2682 : vector<16xi32>, vector<16xi1> -> vector<16xi32>
        %reduce_min3A_2687 = arith.xori %reduce_min3A_2686, %reduce_min3A_2684 : vector<16xi32>
        %reduce_min3A_2688 = vector.extract %reduce_min3A_2687[15] : i32 from vector<16xi32>
        %jit3A_2689 = arith.constant 16 : i32
        %jit3A_2690 = arith.constant 0 : i32
        %select_n3A_2691 = arith.select %gt3A_2673, %jit3A_2689, %jit3A_2690 : i32
        %add3A_2692 = arith.addi %select_n3A_2691, %reduce_min3A_2688 : i32
        %mul3A_2693 = arith.constant 16 : i32
        %mul3A_2694 = arith.muli %add3A_2692, %mul3A_2693 : i32
        %add3A_2695 = vector.broadcast %mul3A_2694 : i32 to vector<16xi32>
        %add3A_2696 = arith.addi %add3A_2695, %iota3A : vector<16xi32>
        %gather3A_2697 = tpu.vector_load_idx %arg8[%add3A_2696] : memref<512xf32, #tpu.memory_space<vmem>>[vector<16xi32>], vector<16xf32>,
        %eq3A_2698 = vector.broadcast %select_n3A_2674 : f32 to vector<16xf32>
        %eq3A_2699 = arith.cmpf oeq, %gather3A_2697, %eq3A_2698 : vector<16xf32>
        %jit3A_2700 = arith.constant 99 : i32
        %broadcast_in_dim3A_2701 = vector.broadcast %jit3A_2700 : i32 to vector<16xi32>
        %select_n3A_2702 = arith.select %eq3A_2699, %iota3A, %broadcast_in_dim3A_2701 : vector<16xi1>, vector<16xi32>
        %reduce_min3A_2703 = arith.constant true
        %reduce_min3A_2704 = vector.broadcast %reduce_min3A_2703 : i1 to vector<16xi1>
        %reduce_min3A_2705 = arith.constant -2147483648 : i32
        %reduce_min3A_2706 = vector.broadcast %reduce_min3A_2705 : i32 to vector<16xi32>
        %reduce_min3A_2707 = arith.xori %select_n3A_2702, %reduce_min3A_2706 : vector<16xi32>
        %reduce_min3A_2708 = tpu.scan <min>, %reduce_min3A_2707 masked %reduce_min3A_2704 : vector<16xi32>, vector<16xi1> -> vector<16xi32>
        %reduce_min3A_2709 = arith.xori %reduce_min3A_2708, %reduce_min3A_2706 : vector<16xi32>
        %reduce_min3A_2710 = vector.extract %reduce_min3A_2709[15] : i32 from vector<16xi32>
        %mul3A_2711 = arith.constant 16 : i32
        %mul3A_2712 = arith.muli %add3A_2692, %mul3A_2711 : i32
        %add3A_2713 = arith.addi %mul3A_2712, %reduce_min3A_2710 : i32
        %mul3A_2714 = arith.constant 16 : i32
        %mul3A_2715 = arith.muli %add3A_2713, %mul3A_2714 : i32
        %add3A_2716 = vector.broadcast %mul3A_2715 : i32 to vector<16xi32>
        %add3A_2717 = arith.addi %add3A_2716, %iota3A : vector<16xi32>
        %gather3A_2718 = tpu.vector_load_idx %arg7[%add3A_2717] : memref<6400xf32, #tpu.memory_space<vmem>>[vector<16xi32>], vector<16xf32>,
        %eq3A_2719 = vector.broadcast %select_n3A_2674 : f32 to vector<16xf32>
        %eq3A_2720 = arith.cmpf oeq, %gather3A_2718, %eq3A_2719 : vector<16xf32>
        %jit3A_2721 = arith.constant 99 : i32
        %broadcast_in_dim3A_2722 = vector.broadcast %jit3A_2721 : i32 to vector<16xi32>
        %select_n3A_2723 = arith.select %eq3A_2720, %iota3A, %broadcast_in_dim3A_2722 : vector<16xi1>, vector<16xi32>
        %reduce_min3A_2724 = arith.constant true
        %reduce_min3A_2725 = vector.broadcast %reduce_min3A_2724 : i1 to vector<16xi1>
        %reduce_min3A_2726 = arith.constant -2147483648 : i32
        %reduce_min3A_2727 = vector.broadcast %reduce_min3A_2726 : i32 to vector<16xi32>
        %reduce_min3A_2728 = arith.xori %select_n3A_2723, %reduce_min3A_2727 : vector<16xi32>
        %reduce_min3A_2729 = tpu.scan <min>, %reduce_min3A_2728 masked %reduce_min3A_2725 : vector<16xi32>, vector<16xi1> -> vector<16xi32>
        %reduce_min3A_2730 = arith.xori %reduce_min3A_2729, %reduce_min3A_2727 : vector<16xi32>
        %reduce_min3A_2731 = vector.extract %reduce_min3A_2730[15] : i32 from vector<16xi32>
        %mul3A_2732 = arith.constant 16 : i32
        %mul3A_2733 = arith.muli %add3A_2713, %mul3A_2732 : i32
        %add3A_2734 = arith.addi %mul3A_2733, %reduce_min3A_2731 : i32
        %mul3A_2735 = arith.constant 16 : i32
        %mul3A_2736 = arith.muli %add3A_2734, %mul3A_2735 : i32
        %add3A_2737 = vector.broadcast %mul3A_2736 : i32 to vector<16xi32>
        %add3A_2738 = arith.addi %add3A_2737, %iota3A : vector<16xi32>
        %gather3A_2739 = tpu.vector_load_idx %arg6[%add3A_2738] : memref<100352xf32, #tpu.memory_space<vmem>>[vector<16xi32>], vector<16xf32>,
        %eq3A_2740 = vector.broadcast %select_n3A_2674 : f32 to vector<16xf32>
        %eq3A_2741 = arith.cmpf oeq, %gather3A_2739, %eq3A_2740 : vector<16xf32>
        %jit3A_2742 = arith.constant 99 : i32
        %broadcast_in_dim3A_2743 = vector.broadcast %jit3A_2742 : i32 to vector<16xi32>
        %select_n3A_2744 = arith.select %eq3A_2741, %iota3A, %broadcast_in_dim3A_2743 : vector<16xi1>, vector<16xi32>
        %reduce_min3A_2745 = arith.constant true
        %reduce_min3A_2746 = vector.broadcast %reduce_min3A_2745 : i1 to vector<16xi1>
        %reduce_min3A_2747 = arith.constant -2147483648 : i32
        %reduce_min3A_2748 = vector.broadcast %reduce_min3A_2747 : i32 to vector<16xi32>
        %reduce_min3A_2749 = arith.xori %select_n3A_2744, %reduce_min3A_2748 : vector<16xi32>
        %reduce_min3A_2750 = tpu.scan <min>, %reduce_min3A_2749 masked %reduce_min3A_2746 : vector<16xi32>, vector<16xi1> -> vector<16xi32>
        %reduce_min3A_2751 = arith.xori %reduce_min3A_2750, %reduce_min3A_2748 : vector<16xi32>
        %reduce_min3A_2752 = vector.extract %reduce_min3A_2751[15] : i32 from vector<16xi32>
        %mul3A_2753 = arith.constant 16 : i32
        %mul3A_2754 = arith.muli %add3A_2734, %mul3A_2753 : i32
        %add3A_2755 = arith.addi %mul3A_2754, %reduce_min3A_2752 : i32
        %eq3A_2756 = arith.constant 15 : i32
        %eq3A_2757 = vector.broadcast %eq3A_2756 : i32 to vector<16xi32>
        %eq3A_2758 = arith.cmpi eq, %iota3A, %eq3A_2757 : vector<16xi32>
        %broadcast_in_dim3A_2759 = vector.broadcast %add3A_2755 : i32 to vector<16xi32>
        %select_n3A_2760 = arith.select %eq3A_2758, %broadcast_in_dim3A_2759, %select_n3A_2611 : vector<16xi1>, vector<16xi32>
        %eq3A_2761 = arith.constant 15 : i32
        %eq3A_2762 = vector.broadcast %eq3A_2761 : i32 to vector<16xi32>
        %eq3A_2763 = arith.cmpi eq, %iota3A, %eq3A_2762 : vector<16xi32>
        %broadcast_in_dim3A_2764 = vector.broadcast %select_n3A_2674 : f32 to vector<16xf32>
        %select_n3A_2765 = arith.select %eq3A_2763, %broadcast_in_dim3A_2764, %select_n3A_2616 : vector<16xi1>, vector<16xf32>
        %eq3A_2766 = vector.broadcast %reduce_min3A_2752 : i32 to vector<16xi32>
        %eq3A_2767 = arith.cmpi eq, %iota3A, %eq3A_2766 : vector<16xi32>
        %jit3A_2768 = arith.constant 0xFF800000 : f32
        %broadcast_in_dim3A_2769 = vector.broadcast %jit3A_2768 : f32 to vector<16xf32>
        %select_n3A_2770 = arith.select %eq3A_2767, %broadcast_in_dim3A_2769, %gather3A_2739 : vector<16xi1>, vector<16xf32>
        %mul3A_2771 = arith.constant 16 : i32
        %mul3A_2772 = arith.muli %add3A_2734, %mul3A_2771 : i32
        %add3A_2773 = vector.broadcast %mul3A_2772 : i32 to vector<16xi32>
        %add3A_2774 = arith.addi %add3A_2773, %iota3A : vector<16xi32>
        tpu.vector_store_idx %arg6[%add3A_2774], %select_n3A_2770 : memref<100352xf32, #tpu.memory_space<vmem>>[vector<16xi32>], vector<16xf32>,
        %reduce_max3A_2775 = arith.constant true
        %reduce_max3A_2776 = vector.broadcast %reduce_max3A_2775 : i1 to vector<16xi1>
        %reduce_max3A_2777 = tpu.scan <max>, %select_n3A_2770 masked %reduce_max3A_2776 : vector<16xf32>, vector<16xi1> -> vector<16xf32>
        %reduce_max3A_2778 = vector.extract %reduce_max3A_2777[15] : f32 from vector<16xf32>
        %eq3A_2779 = vector.broadcast %reduce_min3A_2731 : i32 to vector<16xi32>
        %eq3A_2780 = arith.cmpi eq, %iota3A, %eq3A_2779 : vector<16xi32>
        %broadcast_in_dim3A_2781 = vector.broadcast %reduce_max3A_2778 : f32 to vector<16xf32>
        %select_n3A_2782 = arith.select %eq3A_2780, %broadcast_in_dim3A_2781, %gather3A_2718 : vector<16xi1>, vector<16xf32>
        %mul3A_2783 = arith.constant 16 : i32
        %mul3A_2784 = arith.muli %add3A_2713, %mul3A_2783 : i32
        %add3A_2785 = vector.broadcast %mul3A_2784 : i32 to vector<16xi32>
        %add3A_2786 = arith.addi %add3A_2785, %iota3A : vector<16xi32>
        tpu.vector_store_idx %arg7[%add3A_2786], %select_n3A_2782 : memref<6400xf32, #tpu.memory_space<vmem>>[vector<16xi32>], vector<16xf32>,
        %reduce_max3A_2787 = arith.constant true
        %reduce_max3A_2788 = vector.broadcast %reduce_max3A_2787 : i1 to vector<16xi1>
        %reduce_max3A_2789 = tpu.scan <max>, %select_n3A_2782 masked %reduce_max3A_2788 : vector<16xf32>, vector<16xi1> -> vector<16xf32>
        %reduce_max3A_2790 = vector.extract %reduce_max3A_2789[15] : f32 from vector<16xf32>
        %eq3A_2791 = vector.broadcast %reduce_min3A_2710 : i32 to vector<16xi32>
        %eq3A_2792 = arith.cmpi eq, %iota3A, %eq3A_2791 : vector<16xi32>
        %broadcast_in_dim3A_2793 = vector.broadcast %reduce_max3A_2790 : f32 to vector<16xf32>
        %select_n3A_2794 = arith.select %eq3A_2792, %broadcast_in_dim3A_2793, %gather3A_2697 : vector<16xi1>, vector<16xf32>
        %mul3A_2795 = arith.constant 16 : i32
        %mul3A_2796 = arith.muli %add3A_2692, %mul3A_2795 : i32
        %add3A_2797 = vector.broadcast %mul3A_2796 : i32 to vector<16xi32>
        %add3A_2798 = arith.addi %add3A_2797, %iota3A : vector<16xi32>
        tpu.vector_store_idx %arg8[%add3A_2798], %select_n3A_2794 : memref<512xf32, #tpu.memory_space<vmem>>[vector<16xi32>], vector<16xf32>,
        %reduce_max3A_2799 = arith.constant true
        %reduce_max3A_2800 = vector.broadcast %reduce_max3A_2799 : i1 to vector<16xi1>
        %reduce_max3A_2801 = tpu.scan <max>, %select_n3A_2794 masked %reduce_max3A_2800 : vector<16xf32>, vector<16xi1> -> vector<16xf32>
        %reduce_max3A_2802 = vector.extract %reduce_max3A_2801[15] : f32 from vector<16xf32>
        %eq3A_2803 = vector.broadcast %reduce_min3A_2688 : i32 to vector<16xi32>
        %eq3A_2804 = arith.cmpi eq, %iota3A, %eq3A_2803 : vector<16xi32>
        %broadcast_in_dim3A_2805 = vector.broadcast %reduce_max3A_2802 : f32 to vector<16xf32>
        %select_n3A_2806 = arith.select %eq3A_2804, %broadcast_in_dim3A_2805, %select_n3A_2675 : vector<16xi1>, vector<16xf32>
        %add3A_2807 = vector.broadcast %select_n3A_2691 : i32 to vector<16xi32>
        %add3A_2808 = arith.addi %add3A_2807, %iota3A : vector<16xi32>
        tpu.vector_store_idx %arg9[%add3A_2808], %select_n3A_2806 : memref<32xf32, #tpu.memory_space<vmem>>[vector<16xi32>], vector<16xf32>,
        %mul3A_2809 = arith.constant 16 : i32
        %mul3A_2810 = arith.muli %scan3A_428, %mul3A_2809 : i32
        %add3A_2811 = vector.broadcast %mul3A_2810 : i32 to vector<16xi32>
        %add3A_2812 = arith.addi %add3A_2811, %iota3A : vector<16xi32>
        tpu.vector_store_idx %arg10[%add3A_2812], %select_n3A_2760 : memref<112xi32, #tpu.memory_space<vmem>>[vector<16xi32>], vector<16xi32>,
        %mul3A_2813 = arith.constant 16 : i32
        %mul3A_2814 = arith.muli %scan3A_428, %mul3A_2813 : i32
        %add3A_2815 = vector.broadcast %mul3A_2814 : i32 to vector<16xi32>
        %add3A_2816 = arith.addi %add3A_2815, %iota3A : vector<16xi32>
        tpu.vector_store_idx %arg11[%add3A_2816], %select_n3A_2765 : memref<112xf32, #tpu.memory_space<vmem>>[vector<16xi32>], vector<16xf32>,
      }
      %scan3A_425 = arith.constant 7 : i32
      %dma_start3A = arith.constant 0 : i32
      %dma_start3A_426 = tpu.memref_slice %arg3[%dma_start3A] : memref<100352xi32, #tpu.memory_space<hbm>> -> memref<100352xi32, #tpu.memory_space<hbm>>
      tpu.enqueue_indirect_dma source(%dma_start3A_426 : memref<100352xi32, #tpu.memory_space<hbm>>) target(%arg12 : memref<112xi32, #tpu.memory_space<vmem>>) offsets(%arg10 : memref<112xi32, #tpu.memory_space<vmem>>) semaphore(%arg13 : memref<!tpu.dma_semaphore, #tpu.memory_space<semaphore_mem>>)
      %dma_wait3A = arith.constant 0 : i32
      %dma_wait3A_427 = tpu.memref_slice %arg3[%dma_wait3A] : memref<100352xi32, #tpu.memory_space<hbm>> -> memref<100352xi32, #tpu.memory_space<hbm>>
      tpu.wait_indirect_dma semaphore(%arg13 : memref<!tpu.dma_semaphore, #tpu.memory_space<semaphore_mem>>) src(%dma_wait3A_427 : memref<100352xi32, #tpu.memory_space<hbm>>) dst(%arg12 : memref<112xi32, #tpu.memory_space<vmem>>)
      "tpu.region"() ({
        %run_scoped3A = tpu.sem_alloc : memref<!tpu.dma_semaphore, #tpu.memory_space<semaphore_mem>>
        %dma_start3A_428 = arith.constant 0 : i32
        %dma_start3A_429 = tpu.memref_slice %arg4[%add3A_9, %dma_start3A_428] : memref<1024x112xi32, #tpu.memory_space<hbm>> -> memref<1x112xi32, #tpu.memory_space<hbm>>
        %dma_start3A_430 = tpu.memref_squeeze %dma_start3A_429 : memref<1x112xi32, #tpu.memory_space<hbm>> -> memref<112xi32, #tpu.memory_space<hbm>>
        %dma_start3A_431 = arith.constant 0 : i32
        %dma_start3A_432 = tpu.memref_slice %arg4[%add3A_9, %dma_start3A_431] : memref<1024x112xi32, #tpu.memory_space<hbm>> -> memref<1x112xi32, #tpu.memory_space<hbm>>
        %dma_start3A_433 = tpu.memref_squeeze %dma_start3A_432 : memref<1x112xi32, #tpu.memory_space<hbm>> -> memref<112xi32, #tpu.memory_space<hbm>>
        tpu.enqueue_dma source(%arg12 : memref<112xi32, #tpu.memory_space<vmem>>) target(%dma_start3A_433 : memref<112xi32, #tpu.memory_space<hbm>>) target_semaphore(%run_scoped3A : memref<!tpu.dma_semaphore, #tpu.memory_space<semaphore_mem>>)
        %dma_wait3A_434 = arith.constant 0 : i32
        %dma_wait3A_435 = tpu.memref_slice %arg4[%add3A_9, %dma_wait3A_434] : memref<1024x112xi32, #tpu.memory_space<hbm>> -> memref<1x112xi32, #tpu.memory_space<hbm>>
        %dma_wait3A_436 = tpu.memref_squeeze %dma_wait3A_435 : memref<1x112xi32, #tpu.memory_space<hbm>> -> memref<112xi32, #tpu.memory_space<hbm>>
        %dma_wait3A_437 = arith.constant 0 : i32
        %dma_wait3A_438 = tpu.memref_slice %arg4[%add3A_9, %dma_wait3A_437] : memref<1024x112xi32, #tpu.memory_space<hbm>> -> memref<1x112xi32, #tpu.memory_space<hbm>>
        %dma_wait3A_439 = tpu.memref_squeeze %dma_wait3A_438 : memref<1x112xi32, #tpu.memory_space<hbm>> -> memref<112xi32, #tpu.memory_space<hbm>>
        tpu.wait_dma2 semaphore(%run_scoped3A : memref<!tpu.dma_semaphore, #tpu.memory_space<semaphore_mem>>) src(%arg12 : memref<112xi32, #tpu.memory_space<vmem>>) dst(%dma_wait3A_439 : memref<112xi32, #tpu.memory_space<hbm>>)
        tpu.yield
      }) : () -> ()
      "tpu.region"() ({
        %run_scoped3A = tpu.sem_alloc : memref<!tpu.dma_semaphore, #tpu.memory_space<semaphore_mem>>
        %dma_start3A_428 = arith.constant 0 : i32
        %dma_start3A_429 = tpu.memref_slice %arg5[%add3A_9, %dma_start3A_428] : memref<1024x112xf32, #tpu.memory_space<hbm>> -> memref<1x112xf32, #tpu.memory_space<hbm>>
        %dma_start3A_430 = tpu.memref_squeeze %dma_start3A_429 : memref<1x112xf32, #tpu.memory_space<hbm>> -> memref<112xf32, #tpu.memory_space<hbm>>
        %dma_start3A_431 = arith.constant 0 : i32
        %dma_start3A_432 = tpu.memref_slice %arg5[%add3A_9, %dma_start3A_431] : memref<1024x112xf32, #tpu.memory_space<hbm>> -> memref<1x112xf32, #tpu.memory_space<hbm>>
        %dma_start3A_433 = tpu.memref_squeeze %dma_start3A_432 : memref<1x112xf32, #tpu.memory_space<hbm>> -> memref<112xf32, #tpu.memory_space<hbm>>
        tpu.enqueue_dma source(%arg11 : memref<112xf32, #tpu.memory_space<vmem>>) target(%dma_start3A_433 : memref<112xf32, #tpu.memory_space<hbm>>) target_semaphore(%run_scoped3A : memref<!tpu.dma_semaphore, #tpu.memory_space<semaphore_mem>>)
        %dma_wait3A_434 = arith.constant 0 : i32
        %dma_wait3A_435 = tpu.memref_slice %arg5[%add3A_9, %dma_wait3A_434] : memref<1024x112xf32, #tpu.memory_space<hbm>> -> memref<1x112xf32, #tpu.memory_space<hbm>>
        %dma_wait3A_436 = tpu.memref_squeeze %dma_wait3A_435 : memref<1x112xf32, #tpu.memory_space<hbm>> -> memref<112xf32, #tpu.memory_space<hbm>>
        %dma_wait3A_437 = arith.constant 0 : i32
        %dma_wait3A_438 = tpu.memref_slice %arg5[%add3A_9, %dma_wait3A_437] : memref<1024x112xf32, #tpu.memory_space<hbm>> -> memref<1x112xf32, #tpu.memory_space<hbm>>
        %dma_wait3A_439 = tpu.memref_squeeze %dma_wait3A_438 : memref<1x112xf32, #tpu.memory_space<hbm>> -> memref<112xf32, #tpu.memory_space<hbm>>
        tpu.wait_dma2 semaphore(%run_scoped3A : memref<!tpu.dma_semaphore, #tpu.memory_space<semaphore_mem>>) src(%arg11 : memref<112xf32, #tpu.memory_space<vmem>>) dst(%dma_wait3A_439 : memref<112xf32, #tpu.memory_space<hbm>>)
        tpu.yield
      }) : () -> ()
    }
    %scan3A_5 = arith.constant 32 : i32
    return
  }
}

module attributes {stable_mosaic.version = 14 : i64} {
  func.func @_score_body(%arg0: i32, %arg1: i32, %arg2: memref<256x16xf32, #tpu.memory_space<vmem>>, %arg3: memref<2048x16xf32, #tpu.memory_space<vmem>>, %arg4: memref<256x2048xi32, #tpu.memory_space<vmem>>, %arg5: memref<256x2048xf32, #tpu.memory_space<vmem>>) attributes {dimension_semantics = [#tpu.dimension_semantics<arbitrary>, #tpu.dimension_semantics<arbitrary>], iteration_bounds = array<i64: 4, 49>, scalar_prefetch = 0 : i64, scratch_operands = 0 : i64, tpu.core_type = #tpu.core_type<tc>, window_params = [{transform_indices = @transform_0, window_bounds = array<i64: 256, 16>}, {transform_indices = @transform_1, window_bounds = array<i64: 2048, 16>}, {transform_indices = @transform_2, window_bounds = array<i64: 256, 2048>}, {transform_indices = @transform_3, window_bounds = array<i64: 256, 2048>}]} {
    %get3A = arith.constant 0 : index
    %get3A_0 = arith.constant 0 : index
    %get3A_1 = vector.load %arg2[%get3A, %get3A_0] : memref<256x16xf32, #tpu.memory_space<vmem>>, vector<256x16xf32>
    %get3A_2 = arith.constant 0 : index
    %get3A_3 = arith.constant 0 : index
    %get3A_4 = vector.load %arg3[%get3A_2, %get3A_3] : memref<2048x16xf32, #tpu.memory_space<vmem>>, vector<2048x16xf32>
    %dot_general3A = arith.constant dense<0.000000e+00> : vector<256x2048xf32>
    %dot_general3A_5 = tpu.matmul %get3A_1, %get3A_4, %dot_general3A {dimension_numbers = #tpu.dot_dimension_numbers<[1], [1], [0], [0], [0, 0, 1, 0], [], []>, transpose_lhs_hint = false} : vector<256x16xf32>, vector<2048x16xf32>, vector<256x2048xf32> -> vector<256x2048xf32>
    %ne3A = arith.constant 48 : i32
    %ne3A_6 = arith.cmpi ne, %arg1, %ne3A : i32
    %convert_element_type3A = arith.extui %ne3A_6 : i1 to i32
    %cond3A = arith.constant 0 : i32
    %cond3A_7 = arith.cmpi ne, %convert_element_type3A, %cond3A : i32
    scf.if %cond3A_7 {
      %get3A_12 = arith.constant 0 : index
      %get3A_13 = arith.constant 0 : index
      %get3A_14 = vector.load %arg4[%get3A_12, %get3A_13] : memref<256x2048xi32, #tpu.memory_space<vmem>>, vector<256x2048xi32>
      %eq3A_15 = arith.constant 1 : i32
      %eq3A_16 = vector.broadcast %eq3A_15 : i32 to vector<256x2048xi32>
      %eq3A_17 = arith.cmpi eq, %get3A_14, %eq3A_16 : vector<256x2048xi32>
      %jit3A = arith.constant 0xFF800000 : f32
      %broadcast_in_dim3A = vector.broadcast %jit3A : f32 to vector<256x2048xf32>
      %select_n3A = arith.select %eq3A_17, %dot_general3A_5, %broadcast_in_dim3A : vector<256x2048xi1>, vector<256x2048xf32>
      %swap3A = arith.constant 0 : index
      %swap3A_18 = arith.constant 0 : index
      %swap3A_19 = vector.load %arg5[%swap3A, %swap3A_18] : memref<256x2048xf32, #tpu.memory_space<vmem>>, vector<256x2048xf32>
      tpu.vector_store %arg5[%swap3A, %swap3A_18], %select_n3A {strides = array<i32>} : memref<256x2048xf32, #tpu.memory_space<vmem>>, vector<256x2048xf32>,
    } else {
    }
    %eq3A = arith.constant 48 : i32
    %eq3A_8 = arith.cmpi eq, %arg1, %eq3A : i32
    %convert_element_type3A_9 = arith.extui %eq3A_8 : i1 to i32
    %cond3A_10 = arith.constant 0 : i32
    %cond3A_11 = arith.cmpi ne, %convert_element_type3A_9, %cond3A_10 : i32
    scf.if %cond3A_11 {
      %mul3A = arith.constant 2048 : i32
      %mul3A_12 = arith.muli %arg1, %mul3A : i32
      %iota3A = tpu.iota {dimensions = array<i32: 1>} : vector<256x2048xi32>
      %add3A = vector.broadcast %mul3A_12 : i32 to vector<256x2048xi32>
      %add3A_13 = arith.addi %add3A, %iota3A : vector<256x2048xi32>
      %get3A_14 = arith.constant 0 : index
      %get3A_15 = arith.constant 0 : index
      %get3A_16 = vector.load %arg4[%get3A_14, %get3A_15] : memref<256x2048xi32, #tpu.memory_space<vmem>>, vector<256x2048xi32>
      %eq3A_17 = arith.constant 1 : i32
      %eq3A_18 = vector.broadcast %eq3A_17 : i32 to vector<256x2048xi32>
      %eq3A_19 = arith.cmpi eq, %get3A_16, %eq3A_18 : vector<256x2048xi32>
      %lt3A = arith.constant 100000 : i32
      %lt3A_20 = vector.broadcast %lt3A : i32 to vector<256x2048xi32>
      %lt3A_21 = arith.cmpi slt, %add3A_13, %lt3A_20 : vector<256x2048xi32>
      %and3A = arith.andi %eq3A_19, %lt3A_21 : vector<256x2048xi1>
      %jit3A = arith.constant 0xFF800000 : f32
      %broadcast_in_dim3A = vector.broadcast %jit3A : f32 to vector<256x2048xf32>
      %select_n3A = arith.select %and3A, %dot_general3A_5, %broadcast_in_dim3A : vector<256x2048xi1>, vector<256x2048xf32>
      %swap3A = arith.constant 0 : index
      %swap3A_22 = arith.constant 0 : index
      %swap3A_23 = vector.load %arg5[%swap3A, %swap3A_22] : memref<256x2048xf32, #tpu.memory_space<vmem>>, vector<256x2048xf32>
      tpu.vector_store %arg5[%swap3A, %swap3A_22], %select_n3A {strides = array<i32>} : memref<256x2048xf32, #tpu.memory_space<vmem>>, vector<256x2048xf32>,
    } else {
    }
    return
  }
  func.func @transform_0(%arg0: i32, %arg1: i32) -> (i32, i32) {
    %c0_i32 = arith.constant 0 : i32
    %c0_i32_0 = arith.constant 0 : i32
    return %arg0, %c0_i32 : i32, i32
  }
  func.func @transform_1(%arg0: i32, %arg1: i32) -> (i32, i32) {
    %c0_i32 = arith.constant 0 : i32
    %c0_i32_0 = arith.constant 0 : i32
    return %arg1, %c0_i32 : i32, i32
  }
  func.func @transform_2(%arg0: i32, %arg1: i32) -> (i32, i32) {
    %c0_i32 = arith.constant 0 : i32
    return %arg0, %arg1 : i32, i32
  }
  func.func @transform_3(%arg0: i32, %arg1: i32) -> (i32, i32) {
    %c0_i32 = arith.constant 0 : i32
    return %arg0, %arg1 : i32, i32
  }
}

</mosaic_0001>

<sc_bundles>
// kernel: kernel.5.cloned.1.call-start
scs
__scs_entry_jumppad:
0x0: {  	(pc) =	sbr.rel $0x88, $3  }
0x1: {  	(tag) =	ssettag $0x0;
	lr =	simm.s32 $0x1  }
0x2: {  	[smem:$0x3F9B] =	sst lr;
	_ =	strace $0xD0000000  }
0x3: {  	_ = 	snop  }
0x4: {  	_ = 	snop  }
0x5: {  	_ = 	snop  }
0x6: {  	_ = 	snop  }
0x7: {  	_ = 	snop  }
__scs_overlays_trampoline_lowered:
0x8: {  	[smem:$0x3FAA] =	sst s0  }
0x9: {  	[smem:$0x3FAB] =	sst s1  }
0xa: {  	[smem:$0x3FAC] =	sst s2  }
0xb: {  	[smem:$0x3FAD] =	sst s3  }
0xc: {  	[smem:$0x3FAE] =	sst s4  }
0xd: {  	[smem:$0x3FAF] =	sst s5  }
0xe: {  	[smem:$0x3FB0] =	sst s6  }
0xf: {  	[smem:$0x3FB1] =	sst s7  }
0x10: {  	[smem:$0x3FB2] =	sst s8  }
0x11: {  	[smem:$0x3FB3] =	sst s9;
	s0 =	simm.s32 @!p0 $0x0  }
0x12: {  	s1 =	sld [smem:$0x3F99];
	s0 =	simm.s32 @p0 $0x1  }
0x13: {  	[smem:$0x3FB4] =	sst s0;
	s0 =	simm.s32 @!p1 $0x0  }
0x14: {  	s2 =	sld [smem:$0x3F98];
	s0 =	simm.s32 @p1 $0x1  }
0x15: {  	[smem:$0x3FB5] =	sst s0;
	s0 =	simm.s32 @!p2 $0x0  }
0x16: {  	s3 =	sld [smem:$0x3FDB];
	s0 =	simm.s32 @p2 $0x1  }
0x17: {  	s4 =	simm.s32 $0x1BF5;
	[smem:$0x3FB7] =	sst s0  }
0x18: {  	s0 =	sld [smem:$0x3F9A];
	_ =	swait.ge [sflag:s4], $0x0  }
0x19: {  	s7 =	sld [smem:$0x3F9B]  }
0x1a: {  	s8 =	sadd.s32 $0xFFFFE003, lr  }
0x1b: {  	s9 =	sadd.s32 $0xFFFFFEF7, lr;
	s5 =	simm.s32 $0xFFFFFFFF;
	p2 =	slt.u32 s8, $0xFFFFF086  }
0x1c: {  	p1 =	slt.u32 s9, $0xF7A;
	s5 =	simm.s32 @!p2 $0x0  }
0x1d: {  	s5 =	simm.s32 @p1 $0x1;
	p0 =	seq.s32 s7, s2  }
0x1e: {  	s7 =	smul.u32 @!p0 $0xF7A, s2;
	p2 =	seq.s32 @!p0 s5, $0x0  }
0x1f: {  	s9 =	smul.u32 $0xF7A, s1;
	s8 =	simm.s32 @!p0 $0x1BF5;
	p2 =	por !p2, p0  }
0x20: {  	[sflag:s8] =	ssyncset.s32 @!p0 $0xFFFFF086;
	s6 =	sadd.s32 @!p0 s3, s7;
	s7 =	simm.s32 @!p0 $0x108  }
0x21: {  	s3 =	sadd.s32 s3, s9;
	s6 =	sadd.s32 @!p0 $0x88, s6;
	s7 =	simm.s32 @p2 $0x1082  }
0x22: {  	[simem:s7], [sflag:s8] =	dma.local @!p0 [hbm:s6], $0xF7A  }
0x23: {  	s9 =	sor.u32 $0xD0000000, s2;
	s6 =	simm.s32 $0x108;
	_ =	swait.ge @!p0 [sflag:s8], $0x0  }
0x24: {  	s3 =	sadd.s32 $0x88, s3;
	s6 =	simm.s32 @!p1 $0x1082;
	[sflag:s4] =	ssyncset.s32 $0xFFFFF086  }
0x25: {  	[simem:s6], [sflag:s4] =	dma.local [hbm:s3], $0xF7A  }
0x26: {  	[smem:$0x3F9B] =	sst s1;
	(tag) =	ssettag s2;
	_ =	strace s9  }
0x27: {  	s1 =	sld [smem:$0x3FAB]  }
0x28: {  	s2 =	sld [smem:$0x3FAC]  }
0x29: {  	s4 =	sld [smem:$0x3FAE]  }
0x2a: {  	p0 =	seq.s32 s5, $0x0;
	s5 =	sld [smem:$0x3FAF]  }
0x2b: {  	s6 =	sld [smem:$0x3FB0]  }
0x2c: {  	s7 =	sld [smem:$0x3FB1]  }
0x2d: {  	s3 =	simm.s32 $0x108;
	s8 =	sld [smem:$0x3FB2]  }
0x2e: {  	s3 =	simm.s32 @!p0 $0x1082;
	s9 =	sld [smem:$0x3FB3]  }
0x2f: {  	lr =	sadd.s32 s0, s3;
	s0 =	sld [smem:$0x3FAA]  }
0x30: {  	s3 =	sld [smem:$0x3FAD]  }
0x31: {  	[smem:$0x3FB6] =	sst s10  }
0x32: {  	s10 =	sld [smem:$0x3FB4];
	_ =	sdelay $0x3  }
0x33: {  	p0 =	seq.s32 s10, $0x1;
	s10 =	sld [smem:$0x3FB6];
	_ =	sdelay $0x3  }
0x34: {  	[smem:$0x3FB6] =	sst s10  }
0x35: {  	s10 =	sld [smem:$0x3FB5];
	_ =	sdelay $0x3  }
0x36: {  	p1 =	seq.s32 s10, $0x1;
	s10 =	sld [smem:$0x3FB6];
	_ =	sdelay $0x3  }
0x37: {  	[smem:$0x3FB6] =	sst s10  }
0x38: {  	s10 =	sld [smem:$0x3FB7]  }
0x39: {  	_ = 	snop;
	(pc) =	sbr.ind lr, $3  }
0x3a: {  	_ = 	snop  }
0x3b: {  	_ = 	snop  }
0x3c: {  	p2 =	seq.s32 s10, $0x1;
	s10 =	sld [smem:$0x3FB6]  }
0x3d: {  	_ =	shalt  }
0x3e: {  	_ =	shalt  }
0x3f: {  	_ =	shalt  }
0x40: {  	_ =	shalt  }
0x41: {  	_ =	shalt  }
0x42: {  	_ =	shalt  }
0x43: {  	_ =	shalt  }
0x44: {  	_ =	shalt  }
0x45: {  	_ =	shalt  }
0x46: {  	_ =	shalt  }
0x47: {  	_ =	shalt  }
0x48: {  	_ =	shalt  }
0x49: {  	_ =	shalt  }
0x4a: {  	_ =	shalt  }
0x4b: {  	_ =	shalt  }
0x4c: {  	_ =	shalt  }
0x4d: {  	_ =	shalt  }
0x4e: {  	_ =	shalt  }
0x4f: {  	_ =	shalt  }
0x50: {  	_ =	shalt  }
0x51: {  	_ =	shalt  }
0x52: {  	_ =	shalt  }
0x53: {  	_ =	shalt  }
0x54: {  	_ =	shalt  }
0x55: {  	_ =	shalt  }
0x56: {  	_ =	shalt  }
0x57: {  	_ =	shalt  }
0x58: {  	_ =	shalt  }
0x59: {  	_ =	shalt  }
0x5a: {  	_ =	shalt  }
0x5b: {  	_ =	shalt  }
0x5c: {  	_ =	shalt  }
0x5d: {  	_ =	shalt  }
0x5e: {  	_ =	shalt  }
0x5f: {  	_ =	shalt  }
0x60: {  	_ =	shalt  }
0x61: {  	_ =	shalt  }
0x62: {  	_ =	shalt  }
0x63: {  	_ =	shalt  }
0x64: {  	_ =	shalt  }
0x65: {  	_ =	shalt  }
0x66: {  	_ =	shalt  }
0x67: {  	_ =	shalt  }
0x68: {  	_ =	shalt  }
0x69: {  	_ =	shalt  }
0x6a: {  	_ =	shalt  }
0x6b: {  	_ =	shalt  }
0x6c: {  	_ =	shalt  }
0x6d: {  	_ =	shalt  }
0x6e: {  	_ =	shalt  }
0x6f: {  	_ =	shalt  }
0x70: {  	_ =	shalt  }
0x71: {  	_ =	shalt  }
0x72: {  	_ =	shalt  }
0x73: {  	_ =	shalt  }
0x74: {  	_ =	shalt  }
0x75: {  	_ =	shalt  }
0x76: {  	_ =	shalt  }
0x77: {  	_ =	shalt  }
0x78: {  	_ =	shalt  }
0x79: {  	_ =	shalt  }
0x7a: {  	_ =	shalt  }
0x7b: {  	_ =	shalt  }
0x7c: {  	_ =	shalt  }
0x7d: {  	_ =	shalt  }
0x7e: {  	_ =	shalt  }
0x7f: {  	_ =	shalt  }
0x80: {  	_ =	shalt  }
0x81: {  	_ =	shalt  }
0x82: {  	_ =	shalt  }
0x83: {  	_ =	shalt  }
0x84: {  	_ =	shalt  }
0x85: {  	_ =	shalt  }
0x86: {  	_ =	shalt  }
0x87: {  	_ =	shalt  }
.Lfunc_end0:
.L_simem_size_0:
called_computation_lowered:
.L_overlay_start_0:
0x88: {  	s2 =	sld [smem:$0x3FD9]  }
0x89: {  	s3 =	sld [smem:$0x3FFE];
	_ =	sdelay $0x1  }
0x8a: {  	s1 =	srdreg.scid  }
0x8b: {  	s0 =	sand.u32 $0x1, s1  }
0x8c: {  	s14 =	sshll.u32 s0, $0xA;
	s2 =	sadd.s32 s3, s2  }
0x8d: {  	s2 =	sadd.s32 s2, s14  }
0x8e: {  	[smem:$0x3FC2] =	sst s2  }
0x8f: {  	_ = 	snop  }
0x90: {  	s2 =	sld [smem:$0x3FD0];
	_ =	sdelay $0x2  }
0x91: {  	s4 =	simm.s32 $0xA;
	s5 =	simm.s32 $0x10;
	s15 =	sld [smem:$0x3FC9]  }
0x92: {  	[smem:s5], [sflag:s4] =	dma.local [hbm:s2], $0x1  }
0x93: {  	_ =	swait.eq [sflag:s4], $0x1  }
0x94: {  	[sflag:s4] =	ssyncset.done $0x0  }
0x95: {  	s16 =	sld [smem:$0x10];
	[sflag:s4] =	ssyncadd.s32 $0xFFFFFFFF  }
0x96: {  	s17 =	sld [smem:$0x11];
	(tm) =	ssettm $0x1  }
0x97: {  	s18 =	sld [smem:$0x3FFB];
	_ =	sdelay $0x3  }
0x98: {  	_ =	strace s18  }
0x99: {  	s5 =	sld [smem:$0x3FFC];
	_ =	sdelay $0x3  }
0x9a: {  	_ =	strace s5  }
0x9b: {  	s5 =	sld [smem:$0x3FFD];
	_ =	sdelay $0x3  }
0x9c: {  	_ =	strace s5  }
0x9d: {  	_ =	strace $0x8FFFFFFF  }
0x9e: {  	s19 =	sld [smem:$0x3FDB];
	_ =	sdelay $0x1  }
0x9f: {  	s6 =	simm.s32 $_scs_section_size  }
0xa0: {  	s7 =	simm.s32 $_size__tile_overlayer_lowered;
	s8 =	simm.s32 $_tile_overlayer_lowered  }
0xa1: {  	s22 =	simm.s32 $0x1BFF;
	s21 =	sshll.u32 s8, $0x1;
	s5 =	sadd.s32 s6, s19  }
0xa2: {  	s9 =	simm.s32 $0x0;
	s20 =	sshll.u32 s7, $0x1;
	s7 =	sadd.s32 s21, s5  }
0xa3: {  	[timem:s9], [sflag:s22] =	dma.local [hbm:s7], s20  }
0xa4: {  	_ =	swait.ge [sflag:s22], s20  }
0xa5: {  	s6 =	ssub.s32 $0x0, s20;
	[sflag:s22] =	ssyncset.done $0x0  }
0xa6: {  	[sflag:s22] =	ssyncadd.s32 s6;
	_ =	sdelay $0x1  }
0xa7: {  	s23 =	simm.s32 $0x1B8B  }
0xa8: {  	_ =	swait.ge [sflag:s23], $0x1  }
0xa9: {  	[sflag:s23] =	ssyncset.done $0x0  }
0xaa: {  	s25 =	simm.s32 $0x1B8E;
	s24 =	sld [smem:$0x3FFE];
	[sflag:s23] =	ssyncadd.s32 $0xFFFFFFFF  }
0xab: {  	s26 =	simm.s32 $execute0_lowered;
	[smem:$0x3FD2] =	sst s25  }
0xac: {  	s7 =	sshll.u32 s26, $0x1;
	_ =	strace $0x80000046;
	[dreg:$0x1] =	wrdreg $0xFFFFFFFF  }
0xad: {  	s28 =	simm.s32 $_size_execute0_lowered;
	s5 =	sadd.s32 s5, s7;
	[dreg:$0x0] =	wrdreg $0x0  }
0xae: {  	s7 =	sshll.u32 s28, $0x1;
	[dreg:$0x2] =	wrdreg s5  }
0xaf: {  	[dreg:$0x3] =	wrdreg s7  }
0xb0: {  	[dreg:$0x4] =	wrdreg $0xC0  }
0xb1: {  	_ =	task [dreg:s9], $0x5FFFF  }
0xb2: {  	[dreg:$0x1] =	wrdreg $0xFFFFFFFF  }
0xb3: {  	[dreg:$0x0] =	wrdreg $0x60  }
0xb4: {  	[dreg:$0x2] =	wrdreg s15  }
0xb5: {  	[dreg:$0x3] =	wrdreg s17  }
0xb6: {  	[dreg:$0x4] =	wrdreg s24  }
0xb7: {  	[dreg:$0x5] =	wrdreg s16  }
0xb8: {  	[dreg:$0x6] =	wrdreg $0x9  }
0xb9: {  	_ =	task.clear_ibuf [dreg:s9], $0x7FFFF;
	_ =	strace $0x90000046  }
0xba: {  	s29 =	simm.s32 $0x9;
	_ =	strace $0x80000048  }
0xbb: {  	_ =	swait.ge [sflag:s29], $0x1  }
0xbc: {  	[sflag:s29] =	ssyncadd.s32 $0xFFFFFFFF  }
0xbd: {  	_ =	strace $0x90000048  }
0xbe: {  	_ =	sfence  }
0xbf: {  	s30 =	sld [smem:$0x0];
	_ =	sdelay $0x2  }
0xc0: {  	s31 =	sshll.u32 s1, $0xD;
	s1 =	sshrl.u32 s1, $0x2  }
0xc1: {  	s3 =	sand.u32 $0x4000, s31;
	s1 =	sadd.s32 s1, s30  }
0xc2: {  	s0 =	sor.u32 s3, s0;
	s1 =	sshll.u32 s1, $0x11  }
0xc3: {  	s0 =	sor.u32 s1, s0  }
0xc4: {  	s0 =	sadd.s32 $0x8F2B, s0  }
0xc5: {  	[sflag:s0] =	ssyncadd.remote.s32 $0x1  }
0xc6: {  	_ =	sfence.sel $0xFFFF  }
0xc7: {  	[dreg:$0x0] =	wrdreg $0xFFFFFFFF;
	(pc) =	sbr.abs _section_cstart, $3  }
0xc8: {  	[dreg:$0x1] =	wrdreg $0xFFFFFFFF  }
0xc9: {  	_ =	task.clear_ibuf [dreg:s9], $0x2FFFF;
	_ =	strace $0x9FFFFFFF  }
0xca: {  	(tm) =	ssettm $0x7FFFFFFF  }
0xcb: {  	_ =	shalt  }
tec
execute0_lowered:
.L_overlay_start_1:
0x0: {  	(tag) =	ssettag $0x1  }
0x1: {  	s5 =	rddreg [dreg:$0x0]  }
0x2: {  	s9 =	rddreg [dreg:$0x1]  }
0x3: {  	s6 =	rddreg [dreg:$0x2]  }
0x4: {  	s7 =	rddreg [dreg:$0x3]  }
0x5: {  	s0 =	rddreg [dreg:$0x4];
	s2 =	simm.s32 $0x0;
	s1 =	stileid.u32  }
0x6: {  	s4 =	srdreg.scid;
	s15 =	simm.s32 $0x70;
	s16 =	simm.s32 $0x0  }
0x7: {  	[smem:$0x7FF] =	sst s2;
	s8 =	smul.u32 $0x3100, s1;
	s3 =	sadd.s32 $0x112BC00, s6  }
0x8: {  	s10 =	sand.u32 $0x1, s4;
	s4 =	sadd.s32 $0xF43600, s6;
	s13 =	smul.u32 $0x1880, s1  }
0x9: {  	s12 =	sshll.u32 s1, $0x1;
	_ =	strace $0x80000047;
	s30 =	smul.u32 $0xC40, s10  }
0xa: {  	s28 =	ssub.s32 $0x2, s10;
	s29 =	sor.u32 s10, s12;
	s10 =	smul.u32 $0x1880, s10  }
0xb: {  	s8 =	sadd.s32 s8, s6;
	s11 =	sshrl.u32 s28, $0x1;
	s14 =	sshll.u32 s29, $0x2  }
0xc: {  	s6 =	sshll.u32 s29, $0x6;
	s11 =	ssub.s32 s28, s11;
	s5 =	sadd.s32 s5, s14  }
0xd: {  	s6 =	sadd.s32 s7, s6;
	s12 =	sadd.s32 s30, s13;
	s8 =	sadd.s32 s10, s8  }
0xe: {  	s10 =	simm.s32 $0x770;
	s13 =	simm.s32 $0x790;
	s14 =	simm.s32 $0x1  }
0xf: {  	s7 =	smax.u32 s11, $0x1;
	s31 =	sshrl.u32 s12, $0x3;
	s8 =	sadd.s32 $0x1200, s8  }
0x10: {  	s11 =	simm.s32 $0x2;
	s12 =	simm.s32 $0x20;
	s9 =	sadd.s32 s31, s9  }
.LBB2_1:
0x11: {  	[tilespmem:s10], [sflag:$0x2] =	stream.linear.gather [hbm4b:s5+s2], $0x20, $0x38;
	[tilespmem:$0x990] =	vst v63  }
0x12: {  	_ =	swait.ge [sflag:s11], $0x20  }
0x13: {  	[sflag:s11] =	ssyncset.done $0x0  }
0x14: {  	[sflag:s11] =	ssyncadd.s32 $0xFFFFFFE0  }
0x15: {  	[tilespmem:s13], [sflag:$0x1] =	stream.indirect.gather [hbm4b:s3+s12], $0x10, s10, s12, $0xb8;
	[tilespmem:$0x990] =	vst v63  }
0x16: {  	_ =	swait.ge [sflag:s14], $0x200  }
0x17: {  	[sflag:s14] =	ssyncset.done $0x0  }
0x18: {  	[sflag:s14] =	ssyncadd.s32 $0xFFFFFE00  }
0x19: {  	[hbm4b:s6+s2] =	stream.linear.scatter [tilespmem:s13], [sflag:$0x2], $0x200, $0x38;
	[tilespmem:$0x990] =	vst v63  }
0x1a: {  	_ =	swait.ge [sflag:s11], $0x200  }
0x1b: {  	[sflag:s11] =	ssyncset.done $0x0  }
0x1c: {  	s17 =	sadd.s32 $0x0, s9;
	[sflag:s11] =	ssyncadd.s32 $0xFFFFFE00  }
0x1d: {  	[tilespmem:s2], [sflag:$0x2] =	stream.linear.gather [hbm4b:s17+s2], $0x70, $0x38;
	[tilespmem:$0x990] =	vst v63  }
0x1e: {  	_ =	swait.ge [sflag:s11], $0x70  }
0x1f: {  	[sflag:s11] =	ssyncset.done $0x0  }
0x20: {  	[sflag:s11] =	ssyncadd.s32 $0xFFFFFF90  }
0x21: {  	[tilespmem:s15], [sflag:$0x1] =	stream.indirect.gather [hbm4b:s4+s15], $0x10, s2, s15, $0xb8;
	[tilespmem:$0x990] =	vst v63  }
0x22: {  	_ =	swait.ge [sflag:s14], $0x700  }
0x23: {  	[sflag:s14] =	ssyncset.done $0x0  }
0x24: {  	[sflag:s14] =	ssyncadd.s32 $0xFFFFF900  }
0x25: {  	[hbm4b:s8+s2] =	stream.linear.scatter [tilespmem:s15], [sflag:$0x2], $0x700, $0x38;
	[tilespmem:$0x990] =	vst v63  }
0x26: {  	s18 =	simm.s32 $0xE;
	_ =	swait.ge [sflag:s11], $0x700  }
0x27: {  	s19 =	simm.s32 $0x1C;
	s17 =	sadd.s32 $0xE0, s8;
	[sflag:s11] =	ssyncset.done $0x0  }
.LBB2_2:
0x28: {  	s20 =	sadd.s32 s18, s9  }
0x29: {  	[sflag:s11] =	ssyncadd.s32 $0xFFFFF900;
	s18 =	smov.u32 s19;
	s21 =	sadd.s32 $0xE, s19  }
0x2a: {  	[tilespmem:s2], [sflag:$0x2] =	stream.linear.gather [hbm4b:s20+s2], $0x70, $0x38;
	[tilespmem:$0x990] =	vst v63  }
0x2b: {  	p0 =	sne.s32 s19, $0x17A;
	_ =	swait.ge [sflag:s11], $0x70  }
0x2c: {  	[sflag:s11] =	ssyncset.done $0x0  }
0x2d: {  	[sflag:s11] =	ssyncadd.s32 $0xFFFFFF90  }
0x2e: {  	[tilespmem:s15], [sflag:$0x1] =	stream.indirect.gather [hbm4b:s4+s15], $0x10, s2, s15, $0xb8;
	[tilespmem:$0x990] =	vst v63  }
0x2f: {  	_ =	swait.ge [sflag:s14], $0x700  }
.Ltmp0:
0x30: {  	[sflag:s14] =	ssyncset.done $0x0;
	(pc) =	sbr.rel @p0 .LBB2_2-.Ltmp0, $4  }
0x31: {  	[sflag:s14] =	ssyncadd.s32 $0xFFFFF900  }
0x32: {  	[hbm4b:s17+s2] =	stream.linear.scatter [tilespmem:s15], [sflag:$0x2], $0x700, $0x38;
	[tilespmem:$0x990] =	vst v63  }
0x33: {  	_ =	swait.ge [sflag:s11], $0x700  }
0x34: {  	s19 =	smov.u32 s21;
	s17 =	sadd.s32 $0xE0, s17;
	[sflag:s11] =	ssyncset.done $0x0  }
0x35: {  	s18 =	sadd.s32 s18, s9;
	[sflag:s11] =	ssyncadd.s32 $0xFFFFF900  }
0x36: {  	[tilespmem:s2], [sflag:$0x2] =	stream.linear.gather [hbm4b:s18+s2], $0x70, $0x38;
	[tilespmem:$0x990] =	vst v63  }
0x37: {  	_ =	swait.ge [sflag:s11], $0x70  }
0x38: {  	[sflag:s11] =	ssyncset.done $0x0  }
0x39: {  	[sflag:s11] =	ssyncadd.s32 $0xFFFFFF90  }
0x3a: {  	[tilespmem:s15], [sflag:$0x1] =	stream.indirect.gather [hbm4b:s4+s15], $0x10, s2, s15, $0xb8;
	[tilespmem:$0x990] =	vst v63  }
0x3b: {  	s16 =	sadd.s32 $0x1, s16;
	_ =	swait.ge [sflag:s14], $0x700  }
0x3c: {  	p0 =	sne.s32 s16, s7;
	[sflag:s14] =	ssyncset.done $0x0  }
.Ltmp1:
0x3d: {  	[sflag:s14] =	ssyncadd.s32 $0xFFFFF900;
	(pc) =	sbr.rel @p0 .LBB2_1-.Ltmp1, $4  }
0x3e: {  	[hbm4b:s17+s2] =	stream.linear.scatter [tilespmem:s15], [sflag:$0x2], $0x700, $0x38;
	[tilespmem:$0x990] =	vst v63  }
0x3f: {  	_ =	swait.ge [sflag:s11], $0x700  }
0x40: {  	[sflag:s11] =	ssyncset.done $0x0  }
0x41: {  	[sflag:s11] =	ssyncadd.s32 $0xFFFFF900  }
0x42: {  	_ =	sfence.sel $0x180000  }
0x43: {  	[bflag:$0x0] =	sbarrier.arrive $0xFFFF  }
0x44: {  	p0 =	sne.s32 s1, $0x0;
	_ =	strace $0x90000047  }
0x45: {  	s0 =	sadd.s32 @!p0 $0x100000, s0;
	[bflag:$0x2] =	sbarrier.arrive $0xFFFF  }
0x46: {  	[sflag:s0] =	ssyncadd.tile.s32 @!p0 $0x1;
	_ =	shalt  }
.Lfunc_end2:
_tile_overlayer_lowered:
.L_overlay_start_2:
0x47: {  	(tag) =	ssettag $0x2  }
0x48: {  	s0 =	rddreg [dreg:$0x0];
	s2 =	stileid.u32  }
0x49: {  	s1 =	rddreg [dreg:$0x1];
	p0 =	sne.s32 s2, $0x0  }
0x4a: {  	s3 =	rddreg [dreg:$0x2];
	[bflag:$0x3] =	sbarrier.arrive $0xFFFF;
	s2 =	simm.s32 @!p0 $0x1C02  }
0x4b: {  	[timem:s3], [sflag:s2] =	dma.local @!p0 [hbm:s0], s1  }
0x4c: {  	s0 =	simm.s32 @!p0 $0x2  }
0x4d: {  	_ =	swait.ge @!p0 [sflag:s0], s1  }
0x4e: {  	s1 =	ssub.s32 @!p0 $0x0, s1;
	[sflag:s0] =	ssyncset.done @!p0 $0x0  }
0x4f: {  	[sflag:s0] =	ssyncadd.s32 @!p0 s1  }
0x50: {  	[bflag:$0x3] =	sbarrier.arrive $0xFFFF  }
0x51: {  	_ =	shalt  }

// kernel: kernel.8.cloned.1.call-start
scs
__scs_entry_jumppad:
0x0: {  	(pc) =	sbr.rel $0x88, $3  }
0x1: {  	(tag) =	ssettag $0x0;
	lr =	simm.s32 $0x1  }
0x2: {  	[smem:$0x3F9B] =	sst lr;
	_ =	strace $0xD0000000  }
0x3: {  	_ = 	snop  }
0x4: {  	_ = 	snop  }
0x5: {  	_ = 	snop  }
0x6: {  	_ = 	snop  }
0x7: {  	_ = 	snop  }
__scs_overlays_trampoline_lowered:
0x8: {  	[smem:$0x3FAA] =	sst s0  }
0x9: {  	[smem:$0x3FAB] =	sst s1  }
0xa: {  	[smem:$0x3FAC] =	sst s2  }
0xb: {  	[smem:$0x3FAD] =	sst s3  }
0xc: {  	[smem:$0x3FAE] =	sst s4  }
0xd: {  	[smem:$0x3FAF] =	sst s5  }
0xe: {  	[smem:$0x3FB0] =	sst s6  }
0xf: {  	[smem:$0x3FB1] =	sst s7  }
0x10: {  	[smem:$0x3FB2] =	sst s8  }
0x11: {  	[smem:$0x3FB3] =	sst s9;
	s0 =	simm.s32 @!p0 $0x0  }
0x12: {  	s1 =	sld [smem:$0x3F99];
	s0 =	simm.s32 @p0 $0x1  }
0x13: {  	[smem:$0x3FB4] =	sst s0;
	s0 =	simm.s32 @!p1 $0x0  }
0x14: {  	s2 =	sld [smem:$0x3F98];
	s0 =	simm.s32 @p1 $0x1  }
0x15: {  	[smem:$0x3FB5] =	sst s0;
	s0 =	simm.s32 @!p2 $0x0  }
0x16: {  	s3 =	sld [smem:$0x3FDB];
	s0 =	simm.s32 @p2 $0x1  }
0x17: {  	s4 =	simm.s32 $0x1BF5;
	[smem:$0x3FB7] =	sst s0  }
0x18: {  	s0 =	sld [smem:$0x3F9A];
	_ =	swait.ge [sflag:s4], $0x0  }
0x19: {  	s7 =	sld [smem:$0x3F9B]  }
0x1a: {  	s8 =	sadd.s32 $0xFFFFE003, lr  }
0x1b: {  	s9 =	sadd.s32 $0xFFFFFEF7, lr;
	s5 =	simm.s32 $0xFFFFFFFF;
	p2 =	slt.u32 s8, $0xFFFFF086  }
0x1c: {  	p1 =	slt.u32 s9, $0xF7A;
	s5 =	simm.s32 @!p2 $0x0  }
0x1d: {  	s5 =	simm.s32 @p1 $0x1;
	p0 =	seq.s32 s7, s2  }
0x1e: {  	s7 =	smul.u32 @!p0 $0xF7A, s2;
	p2 =	seq.s32 @!p0 s5, $0x0  }
0x1f: {  	s9 =	smul.u32 $0xF7A, s1;
	s8 =	simm.s32 @!p0 $0x1BF5;
	p2 =	por !p2, p0  }
0x20: {  	[sflag:s8] =	ssyncset.s32 @!p0 $0xFFFFF086;
	s6 =	sadd.s32 @!p0 s3, s7;
	s7 =	simm.s32 @!p0 $0x108  }
0x21: {  	s3 =	sadd.s32 s3, s9;
	s6 =	sadd.s32 @!p0 $0x88, s6;
	s7 =	simm.s32 @p2 $0x1082  }
0x22: {  	[simem:s7], [sflag:s8] =	dma.local @!p0 [hbm:s6], $0xF7A  }
0x23: {  	s9 =	sor.u32 $0xD0000000, s2;
	s6 =	simm.s32 $0x108;
	_ =	swait.ge @!p0 [sflag:s8], $0x0  }
0x24: {  	s3 =	sadd.s32 $0x88, s3;
	s6 =	simm.s32 @!p1 $0x1082;
	[sflag:s4] =	ssyncset.s32 $0xFFFFF086  }
0x25: {  	[simem:s6], [sflag:s4] =	dma.local [hbm:s3], $0xF7A  }
0x26: {  	[smem:$0x3F9B] =	sst s1;
	(tag) =	ssettag s2;
	_ =	strace s9  }
0x27: {  	s1 =	sld [smem:$0x3FAB]  }
0x28: {  	s2 =	sld [smem:$0x3FAC]  }
0x29: {  	s4 =	sld [smem:$0x3FAE]  }
0x2a: {  	p0 =	seq.s32 s5, $0x0;
	s5 =	sld [smem:$0x3FAF]  }
0x2b: {  	s6 =	sld [smem:$0x3FB0]  }
0x2c: {  	s7 =	sld [smem:$0x3FB1]  }
0x2d: {  	s3 =	simm.s32 $0x108;
	s8 =	sld [smem:$0x3FB2]  }
0x2e: {  	s3 =	simm.s32 @!p0 $0x1082;
	s9 =	sld [smem:$0x3FB3]  }
0x2f: {  	lr =	sadd.s32 s0, s3;
	s0 =	sld [smem:$0x3FAA]  }
0x30: {  	s3 =	sld [smem:$0x3FAD]  }
0x31: {  	[smem:$0x3FB6] =	sst s10  }
0x32: {  	s10 =	sld [smem:$0x3FB4];
	_ =	sdelay $0x3  }
0x33: {  	p0 =	seq.s32 s10, $0x1;
	s10 =	sld [smem:$0x3FB6];
	_ =	sdelay $0x3  }
0x34: {  	[smem:$0x3FB6] =	sst s10  }
0x35: {  	s10 =	sld [smem:$0x3FB5];
	_ =	sdelay $0x3  }
0x36: {  	p1 =	seq.s32 s10, $0x1;
	s10 =	sld [smem:$0x3FB6];
	_ =	sdelay $0x3  }
0x37: {  	[smem:$0x3FB6] =	sst s10  }
0x38: {  	s10 =	sld [smem:$0x3FB7]  }
0x39: {  	_ = 	snop;
	(pc) =	sbr.ind lr, $3  }
0x3a: {  	_ = 	snop  }
0x3b: {  	_ = 	snop  }
0x3c: {  	p2 =	seq.s32 s10, $0x1;
	s10 =	sld [smem:$0x3FB6]  }
0x3d: {  	_ =	shalt  }
0x3e: {  	_ =	shalt  }
0x3f: {  	_ =	shalt  }
0x40: {  	_ =	shalt  }
0x41: {  	_ =	shalt  }
0x42: {  	_ =	shalt  }
0x43: {  	_ =	shalt  }
0x44: {  	_ =	shalt  }
0x45: {  	_ =	shalt  }
0x46: {  	_ =	shalt  }
0x47: {  	_ =	shalt  }
0x48: {  	_ =	shalt  }
0x49: {  	_ =	shalt  }
0x4a: {  	_ =	shalt  }
0x4b: {  	_ =	shalt  }
0x4c: {  	_ =	shalt  }
0x4d: {  	_ =	shalt  }
0x4e: {  	_ =	shalt  }
0x4f: {  	_ =	shalt  }
0x50: {  	_ =	shalt  }
0x51: {  	_ =	shalt  }
0x52: {  	_ =	shalt  }
0x53: {  	_ =	shalt  }
0x54: {  	_ =	shalt  }
0x55: {  	_ =	shalt  }
0x56: {  	_ =	shalt  }
0x57: {  	_ =	shalt  }
0x58: {  	_ =	shalt  }
0x59: {  	_ =	shalt  }
0x5a: {  	_ =	shalt  }
0x5b: {  	_ =	shalt  }
0x5c: {  	_ =	shalt  }
0x5d: {  	_ =	shalt  }
0x5e: {  	_ =	shalt  }
0x5f: {  	_ =	shalt  }
0x60: {  	_ =	shalt  }
0x61: {  	_ =	shalt  }
0x62: {  	_ =	shalt  }
0x63: {  	_ =	shalt  }
0x64: {  	_ =	shalt  }
0x65: {  	_ =	shalt  }
0x66: {  	_ =	shalt  }
0x67: {  	_ =	shalt  }
0x68: {  	_ =	shalt  }
0x69: {  	_ =	shalt  }
0x6a: {  	_ =	shalt  }
0x6b: {  	_ =	shalt  }
0x6c: {  	_ =	shalt  }
0x6d: {  	_ =	shalt  }
0x6e: {  	_ =	shalt  }
0x6f: {  	_ =	shalt  }
0x70: {  	_ =	shalt  }
0x71: {  	_ =	shalt  }
0x72: {  	_ =	shalt  }
0x73: {  	_ =	shalt  }
0x74: {  	_ =	shalt  }
0x75: {  	_ =	shalt  }
0x76: {  	_ =	shalt  }
0x77: {  	_ =	shalt  }
0x78: {  	_ =	shalt  }
0x79: {  	_ =	shalt  }
0x7a: {  	_ =	shalt  }
0x7b: {  	_ =	shalt  }
0x7c: {  	_ =	shalt  }
0x7d: {  	_ =	shalt  }
0x7e: {  	_ =	shalt  }
0x7f: {  	_ =	shalt  }
0x80: {  	_ =	shalt  }
0x81: {  	_ =	shalt  }
0x82: {  	_ =	shalt  }
0x83: {  	_ =	shalt  }
0x84: {  	_ =	shalt  }
0x85: {  	_ =	shalt  }
0x86: {  	_ =	shalt  }
0x87: {  	_ =	shalt  }
.Lfunc_end0:
.L_simem_size_0:
called_computation.1_lowered:
.L_overlay_start_0:
0x88: {  	s2 =	sld [smem:$0x3FD9]  }
0x89: {  	s3 =	sld [smem:$0x3FFE];
	_ =	sdelay $0x1  }
0x8a: {  	s1 =	srdreg.scid  }
0x8b: {  	s0 =	sand.u32 $0x1, s1  }
0x8c: {  	s14 =	sshll.u32 s0, $0xA;
	s2 =	sadd.s32 s3, s2  }
0x8d: {  	s2 =	sadd.s32 s2, s14  }
0x8e: {  	[smem:$0x3FC2] =	sst s2  }
0x8f: {  	_ = 	snop  }
0x90: {  	s2 =	sld [smem:$0x3FD0];
	_ =	sdelay $0x2  }
0x91: {  	s15 =	simm.s32 $0xA;
	s4 =	simm.s32 $0x10  }
0x92: {  	[smem:s4], [sflag:s15] =	dma.local [hbm:s2], $0x1  }
0x93: {  	_ =	swait.eq [sflag:s15], $0x1  }
0x94: {  	[sflag:s15] =	ssyncset.done $0x0  }
0x95: {  	[sflag:s15] =	ssyncadd.s32 $0xFFFFFFFF  }
0x96: {  	s16 =	sld [smem:$0x11];
	(tm) =	ssettm $0x1  }
0x97: {  	s17 =	sld [smem:$0x3FFB];
	_ =	sdelay $0x3  }
0x98: {  	_ =	strace s17  }
0x99: {  	s3 =	sld [smem:$0x3FFC];
	_ =	sdelay $0x3  }
0x9a: {  	_ =	strace s3  }
0x9b: {  	s3 =	sld [smem:$0x3FFD];
	_ =	sdelay $0x3  }
0x9c: {  	_ =	strace s3  }
0x9d: {  	_ =	strace $0x8FFFFFFF  }
0x9e: {  	s18 =	sld [smem:$0x3FDB];
	_ =	sdelay $0x1  }
0x9f: {  	s19 =	simm.s32 $_scs_section_size  }
0xa0: {  	s5 =	simm.s32 $_size__tile_overlayer_lowered;
	s6 =	simm.s32 $_tile_overlayer_lowered  }
0xa1: {  	s22 =	simm.s32 $0x1BFF;
	s21 =	sshll.u32 s6, $0x1;
	s3 =	sadd.s32 s19, s18  }
0xa2: {  	s7 =	simm.s32 $0x0;
	s20 =	sshll.u32 s5, $0x1;
	s5 =	sadd.s32 s21, s3  }
0xa3: {  	[timem:s7], [sflag:s22] =	dma.local [hbm:s5], s20  }
0xa4: {  	_ =	swait.ge [sflag:s22], s20  }
0xa5: {  	s4 =	ssub.s32 $0x0, s20;
	[sflag:s22] =	ssyncset.done $0x0  }
0xa6: {  	[sflag:s22] =	ssyncadd.s32 s4;
	_ =	sdelay $0x1  }
0xa7: {  	s23 =	simm.s32 $0x1B8B  }
0xa8: {  	_ =	swait.ge [sflag:s23], $0x1  }
0xa9: {  	[sflag:s23] =	ssyncset.done $0x0  }
0xaa: {  	s25 =	simm.s32 $0x1B8E;
	s24 =	sld [smem:$0x3FFE];
	[sflag:s23] =	ssyncadd.s32 $0xFFFFFFFF  }
0xab: {  	s26 =	simm.s32 $execute0_lowered;
	[smem:$0x3FD2] =	sst s25  }
0xac: {  	s5 =	sshll.u32 s26, $0x1;
	_ =	strace $0x80000049;
	[dreg:$0x1] =	wrdreg $0xFFFFFFFF  }
0xad: {  	s28 =	simm.s32 $_size_execute0_lowered;
	s3 =	sadd.s32 s3, s5;
	[dreg:$0x0] =	wrdreg $0x0  }
0xae: {  	s5 =	sshll.u32 s28, $0x1;
	[dreg:$0x2] =	wrdreg s3  }
0xaf: {  	[dreg:$0x3] =	wrdreg s5  }
0xb0: {  	[dreg:$0x4] =	wrdreg $0xC0  }
0xb1: {  	_ =	task [dreg:s7], $0x5FFFF  }
0xb2: {  	[dreg:$0x1] =	wrdreg $0xFFFFFFFF  }
0xb3: {  	[dreg:$0x0] =	wrdreg $0x60  }
0xb4: {  	[dreg:$0x2] =	wrdreg s24  }
0xb5: {  	[dreg:$0x3] =	wrdreg s16  }
0xb6: {  	[dreg:$0x4] =	wrdreg $0x9  }
0xb7: {  	_ =	task.clear_ibuf [dreg:s7], $0x5FFFF;
	_ =	strace $0x90000049  }
0xb8: {  	s29 =	simm.s32 $0x9;
	_ =	strace $0x8000004B  }
0xb9: {  	_ =	swait.ge [sflag:s29], $0x1  }
0xba: {  	[sflag:s29] =	ssyncadd.s32 $0xFFFFFFFF  }
0xbb: {  	_ =	strace $0x9000004B  }
0xbc: {  	_ =	sfence  }
0xbd: {  	s30 =	sld [smem:$0x0];
	_ =	sdelay $0x2  }
0xbe: {  	s31 =	sshll.u32 s1, $0xD;
	s1 =	sshrl.u32 s1, $0x2  }
0xbf: {  	s3 =	sand.u32 $0x4000, s31;
	s1 =	sadd.s32 s1, s30  }
0xc0: {  	s0 =	sor.u32 s3, s0;
	s1 =	sshll.u32 s1, $0x11  }
0xc1: {  	s0 =	sor.u32 s1, s0  }
0xc2: {  	s0 =	sadd.s32 $0x8F2B, s0  }
0xc3: {  	[sflag:s0] =	ssyncadd.remote.s32 $0x1  }
0xc4: {  	_ =	sfence.sel $0xFFFF  }
0xc5: {  	[dreg:$0x0] =	wrdreg $0xFFFFFFFF;
	(pc) =	sbr.abs _section_cstart, $3  }
0xc6: {  	[dreg:$0x1] =	wrdreg $0xFFFFFFFF  }
0xc7: {  	_ =	task.clear_ibuf [dreg:s7], $0x2FFFF;
	_ =	strace $0x9FFFFFFF  }
0xc8: {  	(tm) =	ssettm $0x7FFFFFFF  }
0xc9: {  	_ =	shalt  }
tec
execute0_lowered:
.L_overlay_start_1:
0x0: {  	(tag) =	ssettag $0x1  }
0x1: {  	v0 =	vlaneseq.u32;
	v19 =	vimm.f32 $-Inf  }
0x2: {  	vm1 =	vcmask $0xB08;
	vm2 =	vmmov $0x7;
	vm3 =	vmmov $0xf  }
0x3: {  	vm4 =	vmmov $0x1f;
	vm5 =	vmmov $0x3f;
	vm6 =	vmmov $0x7f  }
0x4: {  	vm7 =	vmmov $0xff;
	vm8 =	vmmov $0x1ff;
	vm9 =	vmmov $0x3ff  }
0x5: {  	vm10 =	vmmov $0x7ff;
	vm11 =	vmmov $0xfff;
	vm12 =	vmmov $0x1fff  }
0x6: {  	vm15 =	vmmov $0x3fff;
	vm14 =	vcmask $0x300;
	vm13 =	vmmov $0x7fff  }
0x7: {  	v2 =	vand.u32 $0x7, v0;
	v1 =	vmul.u32 $0x10, v0;
	v18 =	vor.u32 $0x1880, v0  }
0x8: {  	v20 =	vor.u32 $0x1890, v0;
	v21 =	vor.u32 $0x18A0, v0;
	v22 =	vor.u32 $0x18B0, v0  }
0x9: {  	v23 =	vor.u32 $0x18C0, v0;
	v24 =	vor.u32 $0x18D0, v0;
	v25 =	vor.u32 $0x18E0, v0  }
0xa: {  	v26 =	vor.u32 $0x18F0, v0;
	v27 =	vor.u32 $0x190, v0;
	v28 =	vor.u32 $0x1A0, v0  }
0xb: {  	v29 =	vor.u32 $0x1B0, v0;
	v30 =	vor.u32 $0x1C0, v0;
	v31 =	vor.u32 $0x1D0, v0  }
0xc: {  	v32 =	vor.u32 $0x1E0, v0;
	v33 =	vor.u32 $0x1F0, v0;
	v50 =	vor.u32 $0x10, v0  }
0xd: {  	v51 =	vor.u32 $0x80000000, v0;
	v2 =	vmul.u32 $0x10, v2;
	[tilespmem:$0x1FFE0] =	vst v18;
	v18 =	vimm.s32 $0x0  }
0xe: {  	v3 =	vor.u32 $0x1, v1;
	v4 =	vor.u32 $0x2, v1;
	v5 =	vor.u32 $0x3, v1  }
0xf: {  	v6 =	vor.u32 $0x4, v1;
	v7 =	vor.u32 $0x5, v1;
	v8 =	vor.u32 $0x6, v1  }
0x10: {  	s0 =	rddreg [dreg:$0x0];
	s2 =	simm.s32 $0x0;
	s1 =	srdreg.scid;
	v9 =	vor.u32 $0x7, v1;
	v10 =	vor.u32 $0x8, v1;
	v11 =	vor.u32 $0x9, v1  }
0x11: {  	s5 =	stileid.u32;
	s12 =	simm.s32 $0x18800;
	s13 =	simm.s32 $0x1A100;
	v12 =	vor.u32 $0xA, v1;
	v13 =	vor.u32 $0xB, v1;
	v14 =	vor.u32 $0xC, v1  }
0x12: {  	[smem:$0x7FF] =	sst s2;
	s1 =	sand.u32 $0x1, s1;
	s3 =	sadd.s32 $0xDF2200, s0;
	v15 =	vor.u32 $0xD, v1;
	v16 =	vor.u32 $0xE, v1;
	v17 =	vor.u32 $0xF, v1  }
0x13: {  	s4 =	sadd.s32 $0x5200, s0;
	s29 =	sshll.u32 s5, $0x6;
	s0 =	sadd.s32 $0x1200, s0;
	v34 =	vor.u32 $0x100, v1;
	v35 =	vor.u32 $0x101, v1;
	v36 =	vor.u32 $0x102, v1  }
0x14: {  	s26 =	ssub.s32 $0x2, s1;
	v37 =	vor.u32 $0x103, v1;
	v38 =	vor.u32 $0x104, v1;
	v39 =	vor.u32 $0x105, v1;
	_ =	strace $0x8000004A;
	[dreg:$0x3] =	wrdreg s3  }
0x15: {  	s1 =	sshll.u32 s1, $0x5;
	v40 =	vor.u32 $0x106, v1;
	v41 =	vor.u32 $0x107, v1;
	v42 =	vor.u32 $0x108, v1;
	[dreg:$0x4] =	wrdreg s4;
	s28 =	sshrl.u32 s26, $0x1  }
0x16: {  	v43 =	vor.u32 $0x109, v1;
	v44 =	vor.u32 $0x10A, v1;
	v45 =	vor.u32 $0x10B, v1;
	[dreg:$0x5] =	wrdreg s0;
	s30 =	sor.u32 s1, s29;
	s3 =	ssub.s32 s26, s28  }
0x17: {  	s5 =	simm.s32 $0x2;
	v46 =	vor.u32 $0x10C, v1;
	v47 =	vor.u32 $0x10D, v1;
	v18 =	vsel vm13, $0xFFFFFFFF, v18;
	[dreg:$0x6] =	wrdreg s30;
	s31 =	smax.u32 s3, $0x1  }
0x18: {  	v48 =	vor.u32 $0x10E, v1;
	v49 =	vor.u32 $0x10F, v1;
	s1 =	simm.s32 $0x0;
	v2 =	vor.u32 $0xFFFFFF80, v2;
	s26 =	simm.s32 $0x1A300;
	[tilespmem:$0x1FFF0] =	vst v18;
	[dreg:$0x7] =	wrdreg s31  }
.LBB2_1:
0x19: {  	[dreg:$0x8] =	wrdreg s1;
	s1 =	simm.s32 $0x0  }
.LBB2_2:
0x1a: {  	s0 =	rddreg [dreg:$0x6]  }
0x1b: {  	s0 =	sadd.s32 s0, s1  }
0x1c: {  	s3 =	sshrl.u32 s0, $0x3  }
0x1d: {  	[dreg:$0x9] =	wrdreg s1;
	s28 =	sshll.u32 s1, $0x7;
	s29 =	smul.u32 $0xC4000, s3  }
0x1e: {  	s30 =	rddreg [dreg:$0x3];
	s0 =	sand.u32 $0x380, s28  }
0x1f: {  	[dreg:$0xb] =	wrdreg s0;
	s0 =	sor.u32 s0, s29  }
0x20: {  	s31 =	simm.s32 $0x80;
	s1 =	sshrl.u32 s0, $0x3;
	s0 =	simm.s32 $0x0  }
0x21: {  	s4 =	simm.s32 $0x400;
	[dreg:$0xa] =	wrdreg s3;
	s1 =	sadd.s32 s30, s1;
	v52 =	vor.u32 s0, v1;
	v53 =	vor.u32 s0, v3  }
0x22: {  	[tilespmem:s0], [sflag:$0x2] =	stream.strided.gather [hbm4b:s1+s31], $0x18800, s4, s31, $0x38;
	v52 =	vand.u32 v2, v52;
	[tilespmem:$0x1A500] =	vst v63  }
0x23: {  	v54 =	vor.u32 s0, v4;
	_ =	swait.ge [sflag:s5], $0x18800  }
0x24: {  	v55 =	vor.u32 s0, v5;
	[sflag:s5] =	ssyncset.done $0x0  }
0x25: {  	v56 =	vor.u32 s0, v6;
	[sflag:s5] =	ssyncadd.s32 $0xFFFE7800  }
0x26: {  	v57 =	vor.u32 s0, v7;
	v53 =	vld.idx.msk [tilespmem:v53+s2+$0x0], $0xffff  }
0x27: {  	v58 =	vor.u32 s0, v8;
	v52 =	vld.idx.msk [tilespmem:v52+s2+$0x0], $0xffff  }
0x28: {  	v59 =	vor.u32 s0, v9;
	v54 =	vld.idx.msk [tilespmem:v54+s2+$0x0], $0xffff  }
0x29: {  	v60 =	vor.u32 s0, v10;
	v55 =	vld.idx.msk [tilespmem:v55+s2+$0x0], $0xffff  }
0x2a: {  	v61 =	vor.u32 s0, v11;
	v56 =	vld.idx.msk [tilespmem:v56+s2+$0x0], $0xffff  }
0x2b: {  	v57 =	vld.idx.msk [tilespmem:v57+s2+$0x0], $0xffff  }
0x2c: {  	v62 =	vor.u32 s0, v12;
	v58 =	vld.idx.msk [tilespmem:v58+s2+$0x0], $0xffff;
	v52 =	vmax.f32 v52, v53  }
0x2d: {  	v63 =	vor.u32 s0, v13;
	v53 =	vld.idx.msk [tilespmem:v59+s2+$0x0], $0xffff;
	v52 =	vmax.f32 v52, v54  }
0x2e: {  	v59 =	vor.u32 s0, v14;
	v54 =	vld.idx.msk [tilespmem:v60+s2+$0x0], $0xffff;
	v52 =	vmax.f32 v52, v55  }
0x2f: {  	v55 =	vld.idx.msk [tilespmem:v61+s2+$0x0], $0xffff;
	v52 =	vmax.f32 v52, v56;
	v56 =	vor.u32 s0, v15  }
0x30: {  	v52 =	vmax.f32 v52, v57;
	v57 =	vor.u32 s0, v16  }
0x31: {  	v60 =	vld.idx.msk [tilespmem:v62+s2+$0x0], $0xffff;
	v52 =	vmax.f32 v52, v58;
	v58 =	vor.u32 s0, v17  }
0x32: {  	v61 =	vld.idx.msk [tilespmem:v63+s2+$0x0], $0xffff;
	v52 =	vmax.f32 v52, v53  }
0x33: {  	v59 =	vld.idx.msk [tilespmem:v59+s2+$0x0], $0xffff;
	v52 =	vmax.f32 v52, v54  }
0x34: {  	v62 =	vmax.f32 v52, v55;
	v52 =	vld.idx.msk [tilespmem:v56+s2+$0x0], $0xffff  }
0x35: {  	v53 =	vld.idx.msk [tilespmem:v57+s2+$0x0], $0xffff  }
0x36: {  	v63 =	vmax.f32 v62, v60;
	v54 =	vld.idx.msk [tilespmem:v58+s2+$0x0], $0xffff  }
0x37: {  	s1 =	simm.s32 $0x100;
	v55 =	vor.u32 s0, v0;
	v60 =	vmax.f32 v63, v61  }
0x38: {  	s3 =	simm.s32 $0x200;
	v56 =	vor.u32 s1, v3;
	v57 =	vor.u32 s1, v1;
	v58 =	vmax.f32 v60, v59  }
.LBB2_3:
0x39: {  	p0 =	sne.s32 s3, $0x18700;
	v57 =	vand.u32 v2, v57;
	v52 =	vmax.f32 v58, v52  }
0x3a: {  	v58 =	vor.u32 s1, v4;
	v52 =	vmax.f32 v52, v53  }
0x3b: {  	v53 =	vor.u32 s1, v5;
	v52 =	vmax.f32 v52, v54  }
0x3c: {  	v54 =	vor.u32 s1, v6;
	[tilespmem:v55+s12+$0x0] =	vst.idx.msk $0xffff, v52  }
0x3d: {  	v55 =	vor.u32 s1, v7;
	v52 =	vld.idx.msk [tilespmem:v56+s2+$0x0], $0xffff  }
0x3e: {  	v56 =	vld.idx.msk [tilespmem:v57+s2+$0x0], $0xffff;
	v57 =	vor.u32 s1, v8  }
0x3f: {  	v59 =	vor.u32 s1, v9;
	v58 =	vld.idx.msk [tilespmem:v58+s2+$0x0], $0xffff  }
0x40: {  	v60 =	vor.u32 s1, v10;
	v53 =	vld.idx.msk [tilespmem:v53+s2+$0x0], $0xffff  }
0x41: {  	v61 =	vor.u32 s1, v11;
	v54 =	vld.idx.msk [tilespmem:v54+s2+$0x0], $0xffff  }
0x42: {  	v62 =	vor.u32 s1, v12;
	v55 =	vld.idx.msk [tilespmem:v55+s2+$0x0], $0xffff  }
0x43: {  	v63 =	vor.u32 s1, v13;
	v57 =	vld.idx.msk [tilespmem:v57+s2+$0x0], $0xffff  }
0x44: {  	v52 =	vmax.f32 v56, v52;
	v56 =	vld.idx.msk [tilespmem:v59+s2+$0x0], $0xffff;
	v59 =	vor.u32 s1, v14  }
0x45: {  	v52 =	vmax.f32 v52, v58;
	v58 =	vld.idx.msk [tilespmem:v60+s2+$0x0], $0xffff;
	v60 =	vor.u32 s1, v15  }
0x46: {  	v52 =	vmax.f32 v52, v53;
	v53 =	vor.u32 s1, v16;
	v61 =	vld.idx.msk [tilespmem:v61+s2+$0x0], $0xffff  }
0x47: {  	v52 =	vmax.f32 v52, v54;
	v54 =	vor.u32 s1, v17;
	s1 =	smov.u32 s3;
	v62 =	vld.idx.msk [tilespmem:v62+s2+$0x0], $0xffff  }
0x48: {  	v52 =	vmax.f32 v52, v55;
	v55 =	vld.idx.msk [tilespmem:v63+s2+$0x0], $0xffff  }
0x49: {  	v52 =	vmax.f32 v52, v57;
	v59 =	vld.idx.msk [tilespmem:v59+s2+$0x0], $0xffff  }
0x4a: {  	v56 =	vmax.f32 v52, v56;
	v52 =	vld.idx.msk [tilespmem:v60+s2+$0x0], $0xffff  }
.Ltmp0:
0x4b: {  	v56 =	vmax.f32 v56, v58;
	v53 =	vld.idx.msk [tilespmem:v53+s2+$0x0], $0xffff;
	(pc) =	sbr.rel @p0 .LBB2_3-.Ltmp0, $4  }
0x4c: {  	v56 =	vmax.f32 v56, v61;
	v54 =	vld.idx.msk [tilespmem:v54+s2+$0x0], $0xffff  }
0x4d: {  	s0 =	sadd.s32 $0x10, s0;
	v56 =	vmax.f32 v56, v62  }
0x4e: {  	v58 =	vmax.f32 v56, v55;
	v55 =	vor.u32 s0, v0  }
0x4f: {  	s3 =	sadd.s32 $0x100, s3;
	v57 =	vor.u32 s1, v1;
	v56 =	vor.u32 s1, v3;
	v58 =	vmax.f32 v58, v59  }
0x50: {  	_ = 	snop  }
0x51: {  	v57 =	vand.u32 v2, v57;
	v52 =	vmax.f32 v58, v52  }
0x52: {  	v61 =	vor.u32 s1, v4;
	v52 =	vmax.f32 v52, v53  }
0x53: {  	v62 =	vor.u32 s1, v5;
	v52 =	vmax.f32 v52, v54  }
0x54: {  	v18 =	vld [tilespmem:$0x1FFE0];
	v54 =	vor.u32 s1, v6;
	[tilespmem:v55+s12+$0x0] =	vst.idx.msk $0xffff, v52  }
0x55: {  	v55 =	vor.u32 s1, v7;
	v52 =	vld.idx.msk [tilespmem:v56+s2+$0x0], $0xffff  }
0x56: {  	v56 =	vld.idx.msk [tilespmem:v57+s2+$0x0], $0xffff;
	v57 =	vor.u32 s1, v8  }
0x57: {  	v59 =	vor.u32 s1, v9;
	v58 =	vld.idx.msk [tilespmem:v61+s2+$0x0], $0xffff  }
0x58: {  	v60 =	vor.u32 s1, v10;
	v53 =	vld.idx.msk [tilespmem:v62+s2+$0x0], $0xffff  }
0x59: {  	v61 =	vor.u32 s1, v11;
	v54 =	vld.idx.msk [tilespmem:v54+s2+$0x0], $0xffff  }
0x5a: {  	v62 =	vor.u32 s1, v12;
	v55 =	vld.idx.msk [tilespmem:v55+s2+$0x0], $0xffff  }
0x5b: {  	v63 =	vor.u32 s1, v13;
	v57 =	vld.idx.msk [tilespmem:v57+s2+$0x0], $0xffff;
	v52 =	vmax.f32 v56, v52  }
0x5c: {  	v56 =	vld.idx.msk [tilespmem:v59+s2+$0x0], $0xffff;
	v59 =	vor.u32 s1, v14;
	v52 =	vmax.f32 v52, v58  }
0x5d: {  	v58 =	vld.idx.msk [tilespmem:v60+s2+$0x0], $0xffff;
	v60 =	vor.u32 s1, v15;
	v52 =	vmax.f32 v52, v53  }
0x5e: {  	v53 =	vld.idx.msk [tilespmem:v61+s2+$0x0], $0xffff;
	v61 =	vor.u32 s1, v16;
	v52 =	vmax.f32 v52, v54  }
0x5f: {  	v54 =	vld.idx.msk [tilespmem:v62+s2+$0x0], $0xffff;
	v62 =	vor.u32 s1, v17;
	v52 =	vmax.f32 v52, v55  }
0x60: {  	v55 =	vld.idx.msk [tilespmem:v63+s2+$0x0], $0xffff;
	v52 =	vmax.f32 v52, v57  }
0x61: {  	v57 =	vld.idx.msk [tilespmem:v59+s2+$0x0], $0xffff;
	v52 =	vmax.f32 v52, v56  }
0x62: {  	v56 =	vld.idx.msk [tilespmem:v60+s2+$0x0], $0xffff;
	v52 =	vmax.f32 v52, v58  }
0x63: {  	v63 =	vld.idx.msk [tilespmem:v61+s2+$0x0], $0xffff;
	v52 =	vmax.f32 v52, v53  }
0x64: {  	s0 =	sadd.s32 $0x10, s0;
	v60 =	vld.idx.msk [tilespmem:v62+s2+$0x0], $0xffff;
	v52 =	vmax.f32 v52, v54  }
0x65: {  	v61 =	vor.u32 s0, v0;
	v52 =	vmax.f32 v52, v55  }
0x66: {  	v52 =	vmax.f32 v52, v57  }
0x67: {  	v52 =	vmax.f32 v52, v56  }
0x68: {  	v52 =	vmax.f32 v52, v63  }
0x69: {  	v52 =	vmax.f32 v52, v60  }
0x6a: {  	[tilespmem:v61+s12+$0x0] =	vst.idx.msk $0xffff, v52  }
0x6b: {  	[tilespmem:v18+s12+$0x0] =	vst.idx.msk $0xffff, v19  }
0x6c: {  	[tilespmem:v20+s12+$0x0] =	vst.idx.msk $0xffff, v19  }
0x6d: {  	s0 =	simm.s32 $0x0;
	[tilespmem:v21+s12+$0x0] =	vst.idx.msk $0xffff, v19  }
0x6e: {  	v62 =	vor.u32 s0, v1;
	v63 =	vor.u32 s0, v3;
	[tilespmem:v22+s12+$0x0] =	vst.idx.msk $0xffff, v19  }
0x6f: {  	v52 =	vand.u32 v2, v62;
	[tilespmem:v23+s12+$0x0] =	vst.idx.msk $0xffff, v19  }
0x70: {  	v60 =	vor.u32 s0, v4;
	[tilespmem:v24+s12+$0x0] =	vst.idx.msk $0xffff, v19  }
0x71: {  	v61 =	vor.u32 s0, v5;
	[tilespmem:v25+s12+$0x0] =	vst.idx.msk $0xffff, v19  }
0x72: {  	v56 =	vor.u32 s0, v6;
	[tilespmem:v26+s12+$0x0] =	vst.idx.msk $0xffff, v19  }
0x73: {  	v57 =	vor.u32 s0, v7;
	v53 =	vld.idx.msk [tilespmem:v63+s12+$0x0], $0xffff  }
0x74: {  	v58 =	vor.u32 s0, v8;
	v52 =	vld.idx.msk [tilespmem:v52+s12+$0x0], $0xffff  }
0x75: {  	v59 =	vor.u32 s0, v9;
	v54 =	vld.idx.msk [tilespmem:v60+s12+$0x0], $0xffff  }
0x76: {  	v55 =	vld.idx.msk [tilespmem:v61+s12+$0x0], $0xffff;
	v60 =	vor.u32 s0, v10  }
0x77: {  	v56 =	vld.idx.msk [tilespmem:v56+s12+$0x0], $0xffff;
	v61 =	vor.u32 s0, v11  }
0x78: {  	v57 =	vld.idx.msk [tilespmem:v57+s12+$0x0], $0xffff  }
0x79: {  	v62 =	vor.u32 s0, v12;
	v58 =	vld.idx.msk [tilespmem:v58+s12+$0x0], $0xffff;
	v52 =	vmax.f32 v52, v53  }
0x7a: {  	v63 =	vor.u32 s0, v13;
	v53 =	vld.idx.msk [tilespmem:v59+s12+$0x0], $0xffff;
	v52 =	vmax.f32 v52, v54  }
0x7b: {  	v59 =	vor.u32 s0, v14;
	v54 =	vld.idx.msk [tilespmem:v60+s12+$0x0], $0xffff;
	v52 =	vmax.f32 v52, v55  }
0x7c: {  	v55 =	vld.idx.msk [tilespmem:v61+s12+$0x0], $0xffff;
	v52 =	vmax.f32 v52, v56;
	v56 =	vor.u32 s0, v15  }
0x7d: {  	v52 =	vmax.f32 v52, v57;
	v57 =	vor.u32 s0, v16  }
0x7e: {  	v60 =	vld.idx.msk [tilespmem:v62+s12+$0x0], $0xffff;
	v52 =	vmax.f32 v52, v58;
	v58 =	vor.u32 s0, v17  }
0x7f: {  	v61 =	vld.idx.msk [tilespmem:v63+s12+$0x0], $0xffff;
	v52 =	vmax.f32 v52, v53  }
0x80: {  	v59 =	vld.idx.msk [tilespmem:v59+s12+$0x0], $0xffff;
	v52 =	vmax.f32 v52, v54  }
0x81: {  	v62 =	vmax.f32 v52, v55;
	v52 =	vld.idx.msk [tilespmem:v56+s12+$0x0], $0xffff  }
0x82: {  	v53 =	vld.idx.msk [tilespmem:v57+s12+$0x0], $0xffff  }
0x83: {  	v63 =	vmax.f32 v62, v60;
	v54 =	vld.idx.msk [tilespmem:v58+s12+$0x0], $0xffff  }
0x84: {  	s1 =	simm.s32 $0x100;
	v55 =	vor.u32 s0, v0;
	v60 =	vmax.f32 v63, v61  }
0x85: {  	s3 =	simm.s32 $0x200;
	v56 =	vor.u32 s1, v3;
	v57 =	vor.u32 s1, v1;
	v58 =	vmax.f32 v60, v59  }
.LBB2_5:
0x86: {  	p0 =	sne.s32 s3, $0x1800;
	v57 =	vand.u32 v2, v57;
	v52 =	vmax.f32 v58, v52  }
0x87: {  	v58 =	vor.u32 s1, v4;
	v52 =	vmax.f32 v52, v53  }
0x88: {  	v53 =	vor.u32 s1, v5;
	v52 =	vmax.f32 v52, v54  }
0x89: {  	v54 =	vor.u32 s1, v6;
	[tilespmem:v55+s13+$0x0] =	vst.idx.msk $0xffff, v52  }
0x8a: {  	v55 =	vor.u32 s1, v7;
	v52 =	vld.idx.msk [tilespmem:v56+s12+$0x0], $0xffff  }
0x8b: {  	v56 =	vld.idx.msk [tilespmem:v57+s12+$0x0], $0xffff;
	v57 =	vor.u32 s1, v8  }
0x8c: {  	v59 =	vor.u32 s1, v9;
	v58 =	vld.idx.msk [tilespmem:v58+s12+$0x0], $0xffff  }
0x8d: {  	v60 =	vor.u32 s1, v10;
	v53 =	vld.idx.msk [tilespmem:v53+s12+$0x0], $0xffff  }
0x8e: {  	v61 =	vor.u32 s1, v11;
	v54 =	vld.idx.msk [tilespmem:v54+s12+$0x0], $0xffff  }
0x8f: {  	v62 =	vor.u32 s1, v12;
	v55 =	vld.idx.msk [tilespmem:v55+s12+$0x0], $0xffff  }
0x90: {  	v63 =	vor.u32 s1, v13;
	v57 =	vld.idx.msk [tilespmem:v57+s12+$0x0], $0xffff  }
0x91: {  	v52 =	vmax.f32 v56, v52;
	v56 =	vld.idx.msk [tilespmem:v59+s12+$0x0], $0xffff;
	v59 =	vor.u32 s1, v14  }
0x92: {  	v52 =	vmax.f32 v52, v58;
	v58 =	vld.idx.msk [tilespmem:v60+s12+$0x0], $0xffff;
	v60 =	vor.u32 s1, v15  }
0x93: {  	v52 =	vmax.f32 v52, v53;
	v53 =	vor.u32 s1, v16;
	v61 =	vld.idx.msk [tilespmem:v61+s12+$0x0], $0xffff  }
0x94: {  	v52 =	vmax.f32 v52, v54;
	v54 =	vor.u32 s1, v17;
	s1 =	smov.u32 s3;
	v62 =	vld.idx.msk [tilespmem:v62+s12+$0x0], $0xffff  }
0x95: {  	v52 =	vmax.f32 v52, v55;
	v55 =	vld.idx.msk [tilespmem:v63+s12+$0x0], $0xffff  }
0x96: {  	v52 =	vmax.f32 v52, v57;
	v59 =	vld.idx.msk [tilespmem:v59+s12+$0x0], $0xffff  }
0x97: {  	v56 =	vmax.f32 v52, v56;
	v52 =	vld.idx.msk [tilespmem:v60+s12+$0x0], $0xffff  }
.Ltmp1:
0x98: {  	v56 =	vmax.f32 v56, v58;
	v53 =	vld.idx.msk [tilespmem:v53+s12+$0x0], $0xffff;
	(pc) =	sbr.rel @p0 .LBB2_5-.Ltmp1, $4  }
0x99: {  	v56 =	vmax.f32 v56, v61;
	v54 =	vld.idx.msk [tilespmem:v54+s12+$0x0], $0xffff  }
0x9a: {  	s0 =	sadd.s32 $0x10, s0;
	v56 =	vmax.f32 v56, v62  }
0x9b: {  	v58 =	vmax.f32 v56, v55;
	v55 =	vor.u32 s0, v0  }
0x9c: {  	s3 =	sadd.s32 $0x100, s3;
	v57 =	vor.u32 s1, v1;
	v56 =	vor.u32 s1, v3;
	v58 =	vmax.f32 v58, v59  }
0x9d: {  	_ = 	snop  }
0x9e: {  	v57 =	vand.u32 v2, v57;
	v52 =	vmax.f32 v58, v52  }
0x9f: {  	v62 =	vor.u32 s1, v4;
	v52 =	vmax.f32 v52, v53  }
0xa0: {  	v63 =	vor.u32 s1, v5;
	v52 =	vmax.f32 v52, v54  }
0xa1: {  	v54 =	vor.u32 s1, v6;
	[tilespmem:v55+s13+$0x0] =	vst.idx.msk $0xffff, v52  }
0xa2: {  	v55 =	vor.u32 s1, v7;
	v52 =	vld.idx.msk [tilespmem:v56+s12+$0x0], $0xffff  }
0xa3: {  	v56 =	vld.idx.msk [tilespmem:v57+s12+$0x0], $0xffff;
	v57 =	vor.u32 s1, v8  }
0xa4: {  	v59 =	vor.u32 s1, v9;
	v58 =	vld.idx.msk [tilespmem:v62+s12+$0x0], $0xffff  }
0xa5: {  	v60 =	vor.u32 s1, v10;
	v53 =	vld.idx.msk [tilespmem:v63+s12+$0x0], $0xffff  }
0xa6: {  	v61 =	vor.u32 s1, v11;
	v54 =	vld.idx.msk [tilespmem:v54+s12+$0x0], $0xffff  }
0xa7: {  	v62 =	vor.u32 s1, v12;
	v55 =	vld.idx.msk [tilespmem:v55+s12+$0x0], $0xffff  }
0xa8: {  	v63 =	vor.u32 s1, v13;
	v57 =	vld.idx.msk [tilespmem:v57+s12+$0x0], $0xffff;
	v52 =	vmax.f32 v56, v52  }
0xa9: {  	v56 =	vld.idx.msk [tilespmem:v59+s12+$0x0], $0xffff;
	v59 =	vor.u32 s1, v14;
	v52 =	vmax.f32 v52, v58  }
0xaa: {  	v58 =	vld.idx.msk [tilespmem:v60+s12+$0x0], $0xffff;
	v60 =	vor.u32 s1, v15;
	v52 =	vmax.f32 v52, v53  }
0xab: {  	v53 =	vld.idx.msk [tilespmem:v61+s12+$0x0], $0xffff;
	v61 =	vor.u32 s1, v16;
	v52 =	vmax.f32 v52, v54  }
0xac: {  	v54 =	vld.idx.msk [tilespmem:v62+s12+$0x0], $0xffff;
	v62 =	vor.u32 s1, v17;
	v52 =	vmax.f32 v52, v55  }
0xad: {  	v55 =	vld.idx.msk [tilespmem:v63+s12+$0x0], $0xffff;
	v52 =	vmax.f32 v52, v57  }
0xae: {  	v57 =	vld.idx.msk [tilespmem:v59+s12+$0x0], $0xffff;
	v52 =	vmax.f32 v52, v56  }
0xaf: {  	v60 =	vld.idx.msk [tilespmem:v60+s12+$0x0], $0xffff;
	v52 =	vmax.f32 v52, v58  }
0xb0: {  	v61 =	vld.idx.msk [tilespmem:v61+s12+$0x0], $0xffff;
	v52 =	vmax.f32 v52, v53  }
0xb1: {  	s0 =	sadd.s32 $0x10, s0;
	v63 =	vld.idx.msk [tilespmem:v62+s12+$0x0], $0xffff;
	v52 =	vmax.f32 v52, v54  }
0xb2: {  	v59 =	vor.u32 s0, v0;
	v52 =	vmax.f32 v52, v55  }
0xb3: {  	v52 =	vmax.f32 v52, v57  }
0xb4: {  	v52 =	vmax.f32 v52, v60  }
0xb5: {  	v52 =	vmax.f32 v52, v61  }
0xb6: {  	v52 =	vmax.f32 v52, v63  }
0xb7: {  	[tilespmem:v59+s13+$0x0] =	vst.idx.msk $0xffff, v52  }
0xb8: {  	[tilespmem:v27+s13+$0x0] =	vst.idx.msk $0xffff, v19  }
0xb9: {  	[tilespmem:v28+s13+$0x0] =	vst.idx.msk $0xffff, v19  }
0xba: {  	[tilespmem:v29+s13+$0x0] =	vst.idx.msk $0xffff, v19  }
0xbb: {  	[tilespmem:v30+s13+$0x0] =	vst.idx.msk $0xffff, v19  }
0xbc: {  	[tilespmem:v31+s13+$0x0] =	vst.idx.msk $0xffff, v19  }
0xbd: {  	[tilespmem:v32+s13+$0x0] =	vst.idx.msk $0xffff, v19  }
0xbe: {  	[tilespmem:v33+s13+$0x0] =	vst.idx.msk $0xffff, v19  }
0xbf: {  	v52 =	vld.idx.msk [tilespmem:v1+s13+$0x0], $0xffff  }
0xc0: {  	v60 =	vld.idx.msk [tilespmem:v3+s13+$0x0], $0xffff  }
0xc1: {  	v54 =	vld.idx.msk [tilespmem:v4+s13+$0x0], $0xffff  }
0xc2: {  	v61 =	vld.idx.msk [tilespmem:v5+s13+$0x0], $0xffff  }
0xc3: {  	v62 =	vld.idx.msk [tilespmem:v6+s13+$0x0], $0xffff  }
0xc4: {  	v63 =	vld.idx.msk [tilespmem:v7+s13+$0x0], $0xffff  }
0xc5: {  	v53 =	vld.idx.msk [tilespmem:v8+s13+$0x0], $0xffff;
	v52 =	vmax.f32 v52, v60  }
0xc6: {  	v60 =	vld.idx.msk [tilespmem:v9+s13+$0x0], $0xffff;
	v52 =	vmax.f32 v52, v54  }
0xc7: {  	v52 =	vmax.f32 v52, v61;
	v61 =	vld.idx.msk [tilespmem:v10+s13+$0x0], $0xffff  }
0xc8: {  	v52 =	vmax.f32 v52, v62;
	v62 =	vld.idx.msk [tilespmem:v11+s13+$0x0], $0xffff  }
0xc9: {  	v52 =	vmax.f32 v52, v63;
	v63 =	vld.idx.msk [tilespmem:v12+s13+$0x0], $0xffff  }
0xca: {  	v52 =	vmax.f32 v52, v53;
	v53 =	vld.idx.msk [tilespmem:v13+s13+$0x0], $0xffff  }
0xcb: {  	v52 =	vmax.f32 v52, v60;
	v60 =	vld.idx.msk [tilespmem:v14+s13+$0x0], $0xffff  }
0xcc: {  	v52 =	vmax.f32 v52, v61;
	v61 =	vld.idx.msk [tilespmem:v15+s13+$0x0], $0xffff  }
0xcd: {  	v52 =	vmax.f32 v52, v62;
	v62 =	vld.idx.msk [tilespmem:v16+s13+$0x0], $0xffff  }
0xce: {  	v52 =	vmax.f32 v52, v63;
	v63 =	vld.idx.msk [tilespmem:v17+s13+$0x0], $0xffff  }
0xcf: {  	v52 =	vmax.f32 v52, v53  }
0xd0: {  	v52 =	vmax.f32 v52, v60  }
0xd1: {  	v52 =	vmax.f32 v52, v61  }
0xd2: {  	v52 =	vmax.f32 v52, v62  }
0xd3: {  	v52 =	vmax.f32 v52, v63  }
0xd4: {  	[tilespmem:v0+s26+$0x0] =	vst.idx.msk $0xffff, v52  }
0xd5: {  	v52 =	vld.idx.msk [tilespmem:v34+s13+$0x0], $0xffff  }
0xd6: {  	v53 =	vld.idx.msk [tilespmem:v35+s13+$0x0], $0xffff  }
0xd7: {  	v60 =	vld.idx.msk [tilespmem:v36+s13+$0x0], $0xffff  }
0xd8: {  	v61 =	vld.idx.msk [tilespmem:v37+s13+$0x0], $0xffff  }
0xd9: {  	v62 =	vld.idx.msk [tilespmem:v38+s13+$0x0], $0xffff  }
0xda: {  	v63 =	vld.idx.msk [tilespmem:v39+s13+$0x0], $0xffff  }
0xdb: {  	v52 =	vmax.f32 v52, v53;
	v53 =	vld.idx.msk [tilespmem:v40+s13+$0x0], $0xffff  }
0xdc: {  	v52 =	vmax.f32 v52, v60;
	v60 =	vld.idx.msk [tilespmem:v41+s13+$0x0], $0xffff  }
0xdd: {  	v52 =	vmax.f32 v52, v61;
	v61 =	vld.idx.msk [tilespmem:v42+s13+$0x0], $0xffff  }
0xde: {  	v52 =	vmax.f32 v52, v62;
	v62 =	vld.idx.msk [tilespmem:v43+s13+$0x0], $0xffff  }
0xdf: {  	v52 =	vmax.f32 v52, v63;
	v63 =	vld.idx.msk [tilespmem:v44+s13+$0x0], $0xffff  }
0xe0: {  	v52 =	vmax.f32 v52, v53;
	v53 =	vld.idx.msk [tilespmem:v45+s13+$0x0], $0xffff  }
0xe1: {  	v52 =	vmax.f32 v52, v60;
	v60 =	vld.idx.msk [tilespmem:v46+s13+$0x0], $0xffff  }
0xe2: {  	v52 =	vmax.f32 v52, v61;
	v61 =	vld.idx.msk [tilespmem:v47+s13+$0x0], $0xffff  }
0xe3: {  	v52 =	vmax.f32 v52, v62;
	v62 =	vld.idx.msk [tilespmem:v48+s13+$0x0], $0xffff  }
0xe4: {  	v52 =	vmax.f32 v52, v63;
	v63 =	vld.idx.msk [tilespmem:v49+s13+$0x0], $0xffff  }
0xe5: {  	v52 =	vmax.f32 v52, v53  }
0xe6: {  	v52 =	vmax.f32 v52, v60  }
0xe7: {  	v52 =	vmax.f32 v52, v61  }
0xe8: {  	v52 =	vmax.f32 v52, v62  }
0xe9: {  	v52 =	vmax.f32 v52, v63  }
0xea: {  	s5 =	simm.s32 $0x0;
	[tilespmem:v50+s26+$0x0] =	vst.idx.msk $0xffff, v52  }
.LBB2_7:
0xeb: {  	v52 =	vld.idx.msk [tilespmem:v0+s26+$0x0], $0xffff  }
0xec: {  	v53 =	vld.idx.msk [tilespmem:v50+s26+$0x0], $0xffff;
	_ =	sdelay $0x3  }
0xed: {  	(xrf0) =	vmax.scan.msk.f32 $0xffff, v52  }
0xee: {  	(xrf0) =	vmax.scan.msk.f32 $0xffff, v53;
	_ =	sdelay $0x4  }
0xef: {  	v54, _, _ =	vpop (xrf0)  }
0xf0: {  	(v2sf) =	vpush v54, $0xF;
	v59, _, _ =	vpop (xrf0)  }
0xf1: {  	(v2sf) =	vpush v59, $0xF;
	_ =	sdelay $0xd  }
0xf2: {  	[dreg:$0xc] =	wrdreg s5;
	s5 =	spop (v2sf)  }
0xf3: {  	s0 =	spop (v2sf)  }
0xf4: {  	p0 =	sgt.f32 s0, s5;
	_ =	sdelay $0x1  }
0xf5: {  	s5 =	smov.u32 @p0 s0;
	v52 =	vpsel p0, v53, v52  }
0xf6: {  	vm13 =	veq.f32 v52, s5  }
0xf7: {  	v60 =	vnsel vm13, $0x80000063, v51  }
0xf8: {  	(xrf0) =	vmin.scan.msk.u32 $0xffff, v60;
	_ =	sdelay $0x5  }
0xf9: {  	v53, _, _ =	vpop (xrf0)  }
0xfa: {  	(v2sf) =	vpush v53, $0xF;
	_ =	sdelay $0xd  }
0xfb: {  	s0 =	simm.s32 $0x10  }
0xfc: {  	s0 =	simm.s32 @!p0 $0x0;
	s1 =	spop (v2sf)  }
0xfd: {  	s3 =	sadd.s32 s0, s1  }
0xfe: {  	s3 =	sshll.u32 s3, $0x4  }
0xff: {  	v53 =	vor.u32 s3, v0;
	_ =	sdelay $0x4  }
0x100: {  	v54 =	vld.idx.msk [tilespmem:v53+s13+$0x0], $0xffff;
	_ =	sdelay $0x4  }
0x101: {  	vm13 =	veq.f32 v54, s5  }
0x102: {  	v55 =	vnsel vm13, $0x80000063, v51  }
0x103: {  	(xrf0) =	vmin.scan.msk.u32 $0xffff, v55;
	_ =	sdelay $0x5  }
0x104: {  	v55, _, _ =	vpop (xrf0)  }
0x105: {  	(v2sf) =	vpush v55, $0xF;
	_ =	sdelay $0xe  }
0x106: {  	s4 =	spop (v2sf)  }
0x107: {  	s3 =	sadd.s32 s4, s3  }
0x108: {  	s3 =	sshll.u32 s3, $0x4  }
0x109: {  	v55 =	vor.u32 s3, v0;
	_ =	sdelay $0x4  }
0x10a: {  	v56 =	vld.idx.msk [tilespmem:v55+s12+$0x0], $0xffff;
	_ =	sdelay $0x4  }
0x10b: {  	vm13 =	veq.f32 v56, s5  }
0x10c: {  	v57 =	vnsel vm13, $0x80000063, v51  }
0x10d: {  	(xrf0) =	vmin.scan.msk.u32 $0xffff, v57;
	_ =	sdelay $0x5  }
0x10e: {  	v57, _, _ =	vpop (xrf0)  }
0x10f: {  	(v2sf) =	vpush v57, $0xF;
	_ =	sdelay $0xe  }
0x110: {  	s9 =	spop (v2sf)  }
0x111: {  	s3 =	sadd.s32 s9, s3  }
0x112: {  	s3 =	sshll.u32 s3, $0x4  }
0x113: {  	v57 =	vor.u32 s3, v0;
	_ =	sdelay $0x4  }
0x114: {  	v58 =	vld.idx.msk [tilespmem:v57+s2+$0x0], $0xffff;
	_ =	sdelay $0x3  }
0x115: {  	s6 =	smov.u32 s5  }
0x116: {  	vm13 =	veq.f32 v58, s6  }
0x117: {  	v59 =	vnsel vm13, $0x80000063, v51  }
0x118: {  	(xrf0) =	vmin.scan.msk.u32 $0xffff, v59;
	_ =	sdelay $0x5  }
0x119: {  	v59, _, _ =	vpop (xrf0)  }
0x11a: {  	(v2sf) =	vpush v59, $0xF;
	_ =	sdelay $0xe  }
0x11b: {  	s10 =	spop (v2sf)  }
0x11c: {  	[dreg:$0xd] =	wrdreg s3;
	s3 =	sxor.u32 $0x80000000, s10  }
0x11d: {  	v61 =	vmov s3  }
0x11e: {  	vm13 =	veq.s32 v61, v0  }
0x11f: {  	v58 =	vsel vm13, $0xFF800000, v58  }
0x120: {  	(xrf0) =	vmax.scan.msk.f32 $0xffff, v58;
	_ =	sdelay $0x5  }
0x121: {  	s11 =	sxor.u32 $0x80000000, s9;
	v59, _, _ =	vpop (xrf0)  }
0x122: {  	v60 =	vmov s11;
	v59 =	vbroadcast v59, $0xF  }
0x123: {  	vm13 =	veq.s32 v60, v0  }
0x124: {  	v56 =	vsel vm13, v59, v56  }
0x125: {  	(xrf0) =	vmax.scan.msk.f32 $0xffff, v56;
	_ =	sdelay $0x5  }
0x126: {  	s14 =	sxor.u32 $0x80000000, s4;
	v59, _, _ =	vpop (xrf0)  }
0x127: {  	v60 =	vmov s14;
	v59 =	vbroadcast v59, $0xF  }
0x128: {  	vm13 =	veq.s32 v60, v0  }
0x129: {  	v54 =	vsel vm13, v59, v54  }
0x12a: {  	(xrf0) =	vmax.scan.msk.f32 $0xffff, v54;
	_ =	sdelay $0x4  }
0x12b: {  	v59 =	vor.u32 s0, v0  }
0x12c: {  	s15 =	sxor.u32 $0x80000000, s1;
	v60, _, _ =	vpop (xrf0)  }
0x12d: {  	v62 =	vmov s15;
	[tilespmem:v57+s2+$0x0] =	vst.idx.msk $0xffff, v58;
	v63 =	vbroadcast v60, $0xF  }
0x12e: {  	[tilespmem:v55+s12+$0x0] =	vst.idx.msk $0xffff, v56;
	vm13 =	veq.s32 v62, v0  }
0x12f: {  	[tilespmem:v53+s13+$0x0] =	vst.idx.msk $0xffff, v54;
	v52 =	vsel vm13, v63, v52  }
0x130: {  	[tilespmem:v59+s26+$0x0] =	vst.idx.msk $0xffff, v52  }
0x131: {  	v52 =	vld.idx.msk [tilespmem:v0+s26+$0x0], $0xffff  }
0x132: {  	v53 =	vld.idx.msk [tilespmem:v50+s26+$0x0], $0xffff;
	_ =	sdelay $0x3  }
0x133: {  	(xrf0) =	vmax.scan.msk.f32 $0xffff, v52  }
0x134: {  	(xrf0) =	vmax.scan.msk.f32 $0xffff, v53;
	_ =	sdelay $0x4  }
0x135: {  	v58, _, _ =	vpop (xrf0)  }
0x136: {  	(v2sf) =	vpush v58, $0xF;
	v59, _, _ =	vpop (xrf0)  }
0x137: {  	(v2sf) =	vpush v59, $0xF;
	_ =	sdelay $0xd  }
0x138: {  	s1 =	spop (v2sf)  }
0x139: {  	s0 =	spop (v2sf)  }
0x13a: {  	p0 =	sgt.f32 s0, s1;
	_ =	sdelay $0x1  }
0x13b: {  	s1 =	smov.u32 @p0 s0;
	v52 =	vpsel p0, v53, v52  }
0x13c: {  	vm13 =	veq.f32 v52, s1  }
0x13d: {  	v60 =	vnsel vm13, $0x80000063, v51  }
0x13e: {  	(xrf0) =	vmin.scan.msk.u32 $0xffff, v60;
	_ =	sdelay $0x5  }
0x13f: {  	v53, _, _ =	vpop (xrf0)  }
0x140: {  	(v2sf) =	vpush v53, $0xF;
	_ =	sdelay $0xd  }
0x141: {  	s0 =	simm.s32 $0x10  }
0x142: {  	s0 =	simm.s32 @!p0 $0x0;
	s17 =	spop (v2sf)  }
0x143: {  	s18 =	sadd.s32 s0, s17  }
0x144: {  	[dreg:$0xf] =	wrdreg s3;
	s3 =	sshll.u32 s18, $0x4  }
0x145: {  	v53 =	vor.u32 s3, v0;
	_ =	sdelay $0x4  }
0x146: {  	v54 =	vld.idx.msk [tilespmem:v53+s13+$0x0], $0xffff;
	_ =	sdelay $0x3  }
0x147: {  	s16 =	smov.u32 s1  }
0x148: {  	vm13 =	veq.f32 v54, s16  }
0x149: {  	v61 =	vnsel vm13, $0x80000063, v51  }
0x14a: {  	(xrf0) =	vmin.scan.msk.u32 $0xffff, v61;
	_ =	sdelay $0x5  }
0x14b: {  	v55, _, _ =	vpop (xrf0)  }
0x14c: {  	(v2sf) =	vpush v55, $0xF;
	_ =	sdelay $0xe  }
0x14d: {  	s19 =	spop (v2sf)  }
0x14e: {  	s3 =	sadd.s32 s19, s3  }
0x14f: {  	s3 =	sshll.u32 s3, $0x4  }
0x150: {  	v55 =	vor.u32 s3, v0;
	_ =	sdelay $0x4  }
0x151: {  	v56 =	vld.idx.msk [tilespmem:v55+s12+$0x0], $0xffff;
	_ =	sdelay $0x4  }
0x152: {  	vm13 =	veq.f32 v56, s16  }
0x153: {  	v62 =	vnsel vm13, $0x80000063, v51  }
0x154: {  	(xrf0) =	vmin.scan.msk.u32 $0xffff, v62;
	_ =	sdelay $0x5  }
0x155: {  	v57, _, _ =	vpop (xrf0)  }
0x156: {  	(v2sf) =	vpush v57, $0xF;
	_ =	sdelay $0xe  }
0x157: {  	s20 =	spop (v2sf)  }
0x158: {  	s3 =	sadd.s32 s20, s3  }
0x159: {  	s3 =	sshll.u32 s3, $0x4  }
0x15a: {  	v57 =	vor.u32 s3, v0;
	_ =	sdelay $0x4  }
0x15b: {  	v63 =	vld.idx.msk [tilespmem:v57+s2+$0x0], $0xffff;
	_ =	sdelay $0x4  }
0x15c: {  	vm13 =	veq.f32 v63, s16  }
0x15d: {  	v60 =	vnsel vm13, $0x80000063, v51  }
0x15e: {  	(xrf0) =	vmin.scan.msk.u32 $0xffff, v60;
	_ =	sdelay $0x5  }
0x15f: {  	v59, _, _ =	vpop (xrf0)  }
0x160: {  	(v2sf) =	vpush v59, $0xF;
	_ =	sdelay $0xe  }
0x161: {  	s21 =	spop (v2sf)  }
0x162: {  	[dreg:$0x10] =	wrdreg s3;
	s3 =	sxor.u32 $0x80000000, s21  }
0x163: {  	v61 =	vmov s3  }
0x164: {  	vm13 =	veq.s32 v61, v0  }
0x165: {  	v58 =	vsel vm13, $0xFF800000, v63  }
0x166: {  	(xrf0) =	vmax.scan.msk.f32 $0xffff, v58;
	_ =	sdelay $0x5  }
0x167: {  	s22 =	sxor.u32 $0x80000000, s20;
	v59, _, _ =	vpop (xrf0)  }
0x168: {  	v60 =	vmov s22;
	v59 =	vbroadcast v59, $0xF  }
0x169: {  	vm13 =	veq.s32 v60, v0  }
0x16a: {  	v56 =	vsel vm13, v59, v56  }
0x16b: {  	(xrf0) =	vmax.scan.msk.f32 $0xffff, v56;
	_ =	sdelay $0x5  }
0x16c: {  	s23 =	sxor.u32 $0x80000000, s19;
	v59, _, _ =	vpop (xrf0)  }
0x16d: {  	v60 =	vmov s23;
	v59 =	vbroadcast v59, $0xF  }
0x16e: {  	vm13 =	veq.s32 v60, v0  }
0x16f: {  	v54 =	vsel vm13, v59, v54  }
0x170: {  	(xrf0) =	vmax.scan.msk.f32 $0xffff, v54;
	_ =	sdelay $0x4  }
0x171: {  	v59 =	vor.u32 s0, v0  }
0x172: {  	s24 =	sxor.u32 $0x80000000, s17;
	v60, _, _ =	vpop (xrf0)  }
0x173: {  	v62 =	vmov s24;
	[tilespmem:v57+s2+$0x0] =	vst.idx.msk $0xffff, v58;
	v63 =	vbroadcast v60, $0xF  }
0x174: {  	[tilespmem:v55+s12+$0x0] =	vst.idx.msk $0xffff, v56;
	vm13 =	veq.s32 v62, v0  }
0x175: {  	[tilespmem:v53+s13+$0x0] =	vst.idx.msk $0xffff, v54;
	v52 =	vsel vm13, v63, v52  }
0x176: {  	[tilespmem:v59+s26+$0x0] =	vst.idx.msk $0xffff, v52  }
0x177: {  	v52 =	vld.idx.msk [tilespmem:v0+s26+$0x0], $0xffff  }
0x178: {  	v53 =	vld.idx.msk [tilespmem:v50+s26+$0x0], $0xffff;
	_ =	sdelay $0x3  }
0x179: {  	(xrf0) =	vmax.scan.msk.f32 $0xffff, v52  }
0x17a: {  	(xrf0) =	vmax.scan.msk.f32 $0xffff, v53;
	_ =	sdelay $0x4  }
0x17b: {  	v58, _, _ =	vpop (xrf0)  }
0x17c: {  	(v2sf) =	vpush v58, $0xF;
	v59, _, _ =	vpop (xrf0)  }
0x17d: {  	(v2sf) =	vpush v59, $0xF;
	_ =	sdelay $0xd  }
0x17e: {  	s17 =	spop (v2sf)  }
0x17f: {  	s0 =	spop (v2sf)  }
0x180: {  	p0 =	sgt.f32 s0, s17;
	_ =	sdelay $0x1  }
0x181: {  	s17 =	smov.u32 @p0 s0;
	v52 =	vpsel p0, v53, v52  }
0x182: {  	vm13 =	veq.f32 v52, s17  }
0x183: {  	v60 =	vnsel vm13, $0x80000063, v51  }
0x184: {  	(xrf0) =	vmin.scan.msk.u32 $0xffff, v60;
	_ =	sdelay $0x5  }
0x185: {  	v53, _, _ =	vpop (xrf0)  }
0x186: {  	(v2sf) =	vpush v53, $0xF;
	_ =	sdelay $0xd  }
0x187: {  	s0 =	simm.s32 $0x10  }
0x188: {  	s0 =	simm.s32 @!p0 $0x0;
	s25 =	spop (v2sf)  }
0x189: {  	s28 =	sadd.s32 s0, s25  }
0x18a: {  	s4 =	sshll.u32 s28, $0x4  }
0x18b: {  	v53 =	vor.u32 s4, v0;
	_ =	sdelay $0x4  }
0x18c: {  	v54 =	vld.idx.msk [tilespmem:v53+s13+$0x0], $0xffff;
	_ =	sdelay $0x4  }
0x18d: {  	vm13 =	veq.f32 v54, s17  }
0x18e: {  	v61 =	vnsel vm13, $0x80000063, v51  }
0x18f: {  	(xrf0) =	vmin.scan.msk.u32 $0xffff, v61;
	_ =	sdelay $0x5  }
0x190: {  	v55, _, _ =	vpop (xrf0)  }
0x191: {  	(v2sf) =	vpush v55, $0xF;
	_ =	sdelay $0xe  }
0x192: {  	s29 =	spop (v2sf)  }
0x193: {  	s4 =	sadd.s32 s29, s4  }
0x194: {  	s4 =	sshll.u32 s4, $0x4  }
0x195: {  	v55 =	vor.u32 s4, v0;
	_ =	sdelay $0x4  }
0x196: {  	v56 =	vld.idx.msk [tilespmem:v55+s12+$0x0], $0xffff;
	_ =	sdelay $0x4  }
0x197: {  	vm13 =	veq.f32 v56, s17  }
0x198: {  	v62 =	vnsel vm13, $0x80000063, v51  }
0x199: {  	(xrf0) =	vmin.scan.msk.u32 $0xffff, v62;
	_ =	sdelay $0x5  }
0x19a: {  	v57, _, _ =	vpop (xrf0)  }
0x19b: {  	(v2sf) =	vpush v57, $0xF;
	_ =	sdelay $0xe  }
0x19c: {  	s30 =	spop (v2sf)  }
0x19d: {  	s4 =	sadd.s32 s30, s4  }
0x19e: {  	s31 =	sshll.u32 s4, $0x4  }
0x19f: {  	v57 =	vor.u32 s31, v0;
	_ =	sdelay $0x4  }
0x1a0: {  	v63 =	vld.idx.msk [tilespmem:v57+s2+$0x0], $0xffff;
	_ =	sdelay $0x4  }
0x1a1: {  	vm13 =	veq.f32 v63, s17  }
0x1a2: {  	v60 =	vnsel vm13, $0x80000063, v51  }
0x1a3: {  	(xrf0) =	vmin.scan.msk.u32 $0xffff, v60;
	_ =	sdelay $0x5  }
0x1a4: {  	v59, _, _ =	vpop (xrf0)  }
0x1a5: {  	(v2sf) =	vpush v59, $0xF;
	_ =	sdelay $0xe  }
0x1a6: {  	s1 =	spop (v2sf)  }
0x1a7: {  	s7 =	sxor.u32 $0x80000000, s1  }
0x1a8: {  	v61 =	vmov s7  }
0x1a9: {  	vm13 =	veq.s32 v61, v0  }
0x1aa: {  	v58 =	vsel vm13, $0xFF800000, v63  }
0x1ab: {  	(xrf0) =	vmax.scan.msk.f32 $0xffff, v58;
	_ =	sdelay $0x5  }
0x1ac: {  	s8 =	sxor.u32 $0x80000000, s30;
	v59, _, _ =	vpop (xrf0)  }
0x1ad: {  	v60 =	vmov s8;
	v59 =	vbroadcast v59, $0xF  }
0x1ae: {  	vm13 =	veq.s32 v60, v0  }
0x1af: {  	v56 =	vsel vm13, v59, v56  }
0x1b0: {  	(xrf0) =	vmax.scan.msk.f32 $0xffff, v56;
	_ =	sdelay $0x5  }
0x1b1: {  	s9 =	sxor.u32 $0x80000000, s29;
	v59, _, _ =	vpop (xrf0)  }
0x1b2: {  	v60 =	vmov s9;
	v59 =	vbroadcast v59, $0xF  }
0x1b3: {  	vm13 =	veq.s32 v60, v0  }
0x1b4: {  	v54 =	vsel vm13, v59, v54  }
0x1b5: {  	(xrf0) =	vmax.scan.msk.f32 $0xffff, v54;
	_ =	sdelay $0x4  }
0x1b6: {  	v59 =	vor.u32 s0, v0  }
0x1b7: {  	s10 =	sxor.u32 $0x80000000, s25;
	v60, _, _ =	vpop (xrf0)  }
0x1b8: {  	v62 =	vmov s10;
	[tilespmem:v57+s2+$0x0] =	vst.idx.msk $0xffff, v58;
	v63 =	vbroadcast v60, $0xF  }
0x1b9: {  	[tilespmem:v55+s12+$0x0] =	vst.idx.msk $0xffff, v56;
	vm13 =	veq.s32 v62, v0  }
0x1ba: {  	[tilespmem:v53+s13+$0x0] =	vst.idx.msk $0xffff, v54;
	v52 =	vsel vm13, v63, v52  }
0x1bb: {  	[tilespmem:v59+s26+$0x0] =	vst.idx.msk $0xffff, v52  }
0x1bc: {  	v52 =	vld.idx.msk [tilespmem:v0+s26+$0x0], $0xffff  }
0x1bd: {  	v53 =	vld.idx.msk [tilespmem:v50+s26+$0x0], $0xffff;
	_ =	sdelay $0x3  }
0x1be: {  	(xrf0) =	vmax.scan.msk.f32 $0xffff, v52  }
0x1bf: {  	(xrf0) =	vmax.scan.msk.f32 $0xffff, v53;
	_ =	sdelay $0x4  }
0x1c0: {  	v58, _, _ =	vpop (xrf0)  }
0x1c1: {  	(v2sf) =	vpush v58, $0xF;
	v59, _, _ =	vpop (xrf0)  }
0x1c2: {  	(v2sf) =	vpush v59, $0xF;
	_ =	sdelay $0xd  }
0x1c3: {  	s20 =	spop (v2sf)  }
0x1c4: {  	s0 =	spop (v2sf)  }
0x1c5: {  	p0 =	sgt.f32 s0, s20;
	_ =	sdelay $0x1  }
0x1c6: {  	s20 =	smov.u32 @p0 s0;
	v52 =	vpsel p0, v53, v52  }
0x1c7: {  	vm13 =	veq.f32 v52, s20  }
0x1c8: {  	v60 =	vnsel vm13, $0x80000063, v51  }
0x1c9: {  	(xrf0) =	vmin.scan.msk.u32 $0xffff, v60;
	_ =	sdelay $0x5  }
0x1ca: {  	v53, _, _ =	vpop (xrf0)  }
0x1cb: {  	(v2sf) =	vpush v53, $0xF;
	_ =	sdelay $0xd  }
0x1cc: {  	s0 =	simm.s32 $0x10  }
0x1cd: {  	s0 =	simm.s32 @!p0 $0x0;
	s11 =	spop (v2sf)  }
0x1ce: {  	s14 =	sadd.s32 s0, s11  }
0x1cf: {  	s4 =	sshll.u32 s14, $0x4  }
0x1d0: {  	v53 =	vor.u32 s4, v0;
	_ =	sdelay $0x4  }
0x1d1: {  	v54 =	vld.idx.msk [tilespmem:v53+s13+$0x0], $0xffff;
	_ =	sdelay $0x4  }
0x1d2: {  	vm13 =	veq.f32 v54, s20  }
0x1d3: {  	v61 =	vnsel vm13, $0x80000063, v51  }
0x1d4: {  	(xrf0) =	vmin.scan.msk.u32 $0xffff, v61;
	_ =	sdelay $0x5  }
0x1d5: {  	v55, _, _ =	vpop (xrf0)  }
0x1d6: {  	(v2sf) =	vpush v55, $0xF;
	_ =	sdelay $0xe  }
0x1d7: {  	s15 =	spop (v2sf)  }
0x1d8: {  	s4 =	sadd.s32 s15, s4  }
0x1d9: {  	s4 =	sshll.u32 s4, $0x4  }
0x1da: {  	v55 =	vor.u32 s4, v0;
	_ =	sdelay $0x4  }
0x1db: {  	v56 =	vld.idx.msk [tilespmem:v55+s12+$0x0], $0xffff;
	_ =	sdelay $0x4  }
0x1dc: {  	vm13 =	veq.f32 v56, s20  }
0x1dd: {  	v62 =	vnsel vm13, $0x80000063, v51  }
0x1de: {  	(xrf0) =	vmin.scan.msk.u32 $0xffff, v62;
	_ =	sdelay $0x5  }
0x1df: {  	v57, _, _ =	vpop (xrf0)  }
0x1e0: {  	(v2sf) =	vpush v57, $0xF;
	_ =	sdelay $0xe  }
0x1e1: {  	[dreg:$0x11] =	wrdreg s16;
	s16 =	spop (v2sf)  }
0x1e2: {  	s4 =	sadd.s32 s16, s4  }
0x1e3: {  	s18 =	sshll.u32 s4, $0x4  }
0x1e4: {  	v57 =	vor.u32 s18, v0;
	_ =	sdelay $0x4  }
0x1e5: {  	v63 =	vld.idx.msk [tilespmem:v57+s2+$0x0], $0xffff;
	_ =	sdelay $0x4  }
0x1e6: {  	vm13 =	veq.f32 v63, s20  }
0x1e7: {  	v60 =	vnsel vm13, $0x80000063, v51  }
0x1e8: {  	(xrf0) =	vmin.scan.msk.u32 $0xffff, v60;
	_ =	sdelay $0x5  }
0x1e9: {  	v59, _, _ =	vpop (xrf0)  }
0x1ea: {  	(v2sf) =	vpush v59, $0xF;
	_ =	sdelay $0xe  }
0x1eb: {  	s19 =	spop (v2sf)  }
0x1ec: {  	s21 =	sxor.u32 $0x80000000, s19  }
0x1ed: {  	v61 =	vmov s21  }
0x1ee: {  	vm13 =	veq.s32 v61, v0  }
0x1ef: {  	v58 =	vsel vm13, $0xFF800000, v63  }
0x1f0: {  	(xrf0) =	vmax.scan.msk.f32 $0xffff, v58;
	_ =	sdelay $0x5  }
0x1f1: {  	s22 =	sxor.u32 $0x80000000, s16;
	v59, _, _ =	vpop (xrf0)  }
0x1f2: {  	v60 =	vmov s22;
	v59 =	vbroadcast v59, $0xF  }
0x1f3: {  	vm13 =	veq.s32 v60, v0  }
0x1f4: {  	v56 =	vsel vm13, v59, v56  }
0x1f5: {  	(xrf0) =	vmax.scan.msk.f32 $0xffff, v56;
	_ =	sdelay $0x5  }
0x1f6: {  	s23 =	sxor.u32 $0x80000000, s15;
	v59, _, _ =	vpop (xrf0)  }
0x1f7: {  	v60 =	vmov s23;
	v59 =	vbroadcast v59, $0xF  }
0x1f8: {  	vm13 =	veq.s32 v60, v0  }
0x1f9: {  	v54 =	vsel vm13, v59, v54  }
0x1fa: {  	(xrf0) =	vmax.scan.msk.f32 $0xffff, v54;
	_ =	sdelay $0x4  }
0x1fb: {  	v59 =	vor.u32 s0, v0  }
0x1fc: {  	s24 =	sxor.u32 $0x80000000, s11;
	v60, _, _ =	vpop (xrf0)  }
0x1fd: {  	v62 =	vmov s24;
	[tilespmem:v57+s2+$0x0] =	vst.idx.msk $0xffff, v58;
	v63 =	vbroadcast v60, $0xF  }
0x1fe: {  	[tilespmem:v55+s12+$0x0] =	vst.idx.msk $0xffff, v56;
	vm13 =	veq.s32 v62, v0  }
0x1ff: {  	[tilespmem:v53+s13+$0x0] =	vst.idx.msk $0xffff, v54;
	v52 =	vsel vm13, v63, v52  }
0x200: {  	[tilespmem:v59+s26+$0x0] =	vst.idx.msk $0xffff, v52  }
0x201: {  	v52 =	vld.idx.msk [tilespmem:v0+s26+$0x0], $0xffff  }
0x202: {  	v53 =	vld.idx.msk [tilespmem:v50+s26+$0x0], $0xffff;
	_ =	sdelay $0x3  }
0x203: {  	(xrf0) =	vmax.scan.msk.f32 $0xffff, v52  }
0x204: {  	(xrf0) =	vmax.scan.msk.f32 $0xffff, v53;
	_ =	sdelay $0x4  }
0x205: {  	v58, _, _ =	vpop (xrf0)  }
0x206: {  	(v2sf) =	vpush v58, $0xF;
	v59, _, _ =	vpop (xrf0)  }
0x207: {  	(v2sf) =	vpush v59, $0xF;
	_ =	sdelay $0xd  }
0x208: {  	s10 =	spop (v2sf)  }
0x209: {  	s0 =	spop (v2sf)  }
0x20a: {  	p0 =	sgt.f32 s0, s10;
	_ =	sdelay $0x1  }
0x20b: {  	s10 =	smov.u32 @p0 s0;
	v52 =	vpsel p0, v53, v52  }
0x20c: {  	vm13 =	veq.f32 v52, s10  }
0x20d: {  	v60 =	vnsel vm13, $0x80000063, v51  }
0x20e: {  	(xrf0) =	vmin.scan.msk.u32 $0xffff, v60  }
0x20f: {  	[dreg:$0xe] =	wrdreg s6  }
0x210: {  	[dreg:$0x12] =	wrdreg s3  }
0x211: {  	[dreg:$0x13] =	wrdreg s31  }
0x212: {  	[dreg:$0x14] =	wrdreg s7  }
0x213: {  	[dreg:$0x15] =	wrdreg s18  }
0x214: {  	[dreg:$0x16] =	wrdreg s21;
	v53, _, _ =	vpop (xrf0)  }
0x215: {  	(v2sf) =	vpush v53, $0xF;
	_ =	sdelay $0xd  }
0x216: {  	s0 =	simm.s32 $0x10  }
0x217: {  	s0 =	simm.s32 @!p0 $0x0;
	s25 =	spop (v2sf)  }
0x218: {  	s28 =	sadd.s32 s0, s25  }
0x219: {  	s4 =	sshll.u32 s28, $0x4  }
0x21a: {  	v53 =	vor.u32 s4, v0;
	_ =	sdelay $0x4  }
0x21b: {  	v54 =	vld.idx.msk [tilespmem:v53+s13+$0x0], $0xffff;
	_ =	sdelay $0x4  }
0x21c: {  	vm13 =	veq.f32 v54, s10  }
0x21d: {  	v61 =	vnsel vm13, $0x80000063, v51  }
0x21e: {  	(xrf0) =	vmin.scan.msk.u32 $0xffff, v61;
	_ =	sdelay $0x5  }
0x21f: {  	v55, _, _ =	vpop (xrf0)  }
0x220: {  	(v2sf) =	vpush v55, $0xF;
	_ =	sdelay $0xe  }
0x221: {  	s29 =	spop (v2sf)  }
0x222: {  	s4 =	sadd.s32 s29, s4  }
0x223: {  	s4 =	sshll.u32 s4, $0x4  }
0x224: {  	v55 =	vor.u32 s4, v0;
	_ =	sdelay $0x4  }
0x225: {  	v56 =	vld.idx.msk [tilespmem:v55+s12+$0x0], $0xffff;
	_ =	sdelay $0x4  }
0x226: {  	vm13 =	veq.f32 v56, s10  }
0x227: {  	v62 =	vnsel vm13, $0x80000063, v51  }
0x228: {  	(xrf0) =	vmin.scan.msk.u32 $0xffff, v62;
	_ =	sdelay $0x5  }
0x229: {  	v57, _, _ =	vpop (xrf0)  }
0x22a: {  	(v2sf) =	vpush v57, $0xF;
	_ =	sdelay $0xe  }
0x22b: {  	s30 =	spop (v2sf)  }
0x22c: {  	s4 =	sadd.s32 s30, s4  }
0x22d: {  	s31 =	sshll.u32 s4, $0x4  }
0x22e: {  	v57 =	vor.u32 s31, v0;
	_ =	sdelay $0x4  }
0x22f: {  	v63 =	vld.idx.msk [tilespmem:v57+s2+$0x0], $0xffff;
	_ =	sdelay $0x4  }
0x230: {  	vm13 =	veq.f32 v63, s10  }
0x231: {  	v60 =	vnsel vm13, $0x80000063, v51  }
0x232: {  	(xrf0) =	vmin.scan.msk.u32 $0xffff, v60;
	_ =	sdelay $0x5  }
0x233: {  	v59, _, _ =	vpop (xrf0)  }
0x234: {  	(v2sf) =	vpush v59, $0xF;
	_ =	sdelay $0xe  }
0x235: {  	s1 =	spop (v2sf)  }
0x236: {  	s4 =	sxor.u32 $0x80000000, s1  }
0x237: {  	v61 =	vmov s4  }
0x238: {  	vm13 =	veq.s32 v61, v0  }
0x239: {  	v58 =	vsel vm13, $0xFF800000, v63  }
0x23a: {  	(xrf0) =	vmax.scan.msk.f32 $0xffff, v58;
	_ =	sdelay $0x5  }
0x23b: {  	s6 =	sxor.u32 $0x80000000, s30;
	v59, _, _ =	vpop (xrf0)  }
0x23c: {  	v60 =	vmov s6;
	v59 =	vbroadcast v59, $0xF  }
0x23d: {  	vm13 =	veq.s32 v60, v0  }
0x23e: {  	v56 =	vsel vm13, v59, v56  }
0x23f: {  	(xrf0) =	vmax.scan.msk.f32 $0xffff, v56;
	_ =	sdelay $0x5  }
0x240: {  	s7 =	sxor.u32 $0x80000000, s29;
	v59, _, _ =	vpop (xrf0)  }
0x241: {  	v60 =	vmov s7;
	v59 =	vbroadcast v59, $0xF  }
0x242: {  	vm13 =	veq.s32 v60, v0  }
0x243: {  	v54 =	vsel vm13, v59, v54  }
0x244: {  	(xrf0) =	vmax.scan.msk.f32 $0xffff, v54;
	_ =	sdelay $0x4  }
0x245: {  	v59 =	vor.u32 s0, v0  }
0x246: {  	s8 =	sxor.u32 $0x80000000, s25;
	v60, _, _ =	vpop (xrf0)  }
0x247: {  	v62 =	vmov s8;
	[tilespmem:v57+s2+$0x0] =	vst.idx.msk $0xffff, v58;
	v63 =	vbroadcast v60, $0xF  }
0x248: {  	[tilespmem:v55+s12+$0x0] =	vst.idx.msk $0xffff, v56;
	vm13 =	veq.s32 v62, v0  }
0x249: {  	[tilespmem:v53+s13+$0x0] =	vst.idx.msk $0xffff, v54;
	v52 =	vsel vm13, v63, v52  }
0x24a: {  	[tilespmem:v59+s26+$0x0] =	vst.idx.msk $0xffff, v52  }
0x24b: {  	v52 =	vld.idx.msk [tilespmem:v0+s26+$0x0], $0xffff  }
0x24c: {  	v53 =	vld.idx.msk [tilespmem:v50+s26+$0x0], $0xffff;
	_ =	sdelay $0x3  }
0x24d: {  	(xrf0) =	vmax.scan.msk.f32 $0xffff, v52  }
0x24e: {  	(xrf0) =	vmax.scan.msk.f32 $0xffff, v53;
	_ =	sdelay $0x4  }
0x24f: {  	v58, _, _ =	vpop (xrf0)  }
0x250: {  	(v2sf) =	vpush v58, $0xF;
	v59, _, _ =	vpop (xrf0)  }
0x251: {  	(v2sf) =	vpush v59, $0xF;
	_ =	sdelay $0xd  }
0x252: {  	s5 =	spop (v2sf)  }
0x253: {  	s0 =	spop (v2sf)  }
0x254: {  	p0 =	sgt.f32 s0, s5;
	_ =	sdelay $0x1  }
0x255: {  	s5 =	smov.u32 @p0 s0;
	v52 =	vpsel p0, v53, v52  }
0x256: {  	vm13 =	veq.f32 v52, s5  }
0x257: {  	v60 =	vnsel vm13, $0x80000063, v51  }
0x258: {  	(xrf0) =	vmin.scan.msk.u32 $0xffff, v60;
	_ =	sdelay $0x5  }
0x259: {  	v53, _, _ =	vpop (xrf0)  }
0x25a: {  	(v2sf) =	vpush v53, $0xF;
	_ =	sdelay $0xd  }
0x25b: {  	s0 =	simm.s32 $0x10  }
0x25c: {  	s0 =	simm.s32 @!p0 $0x0;
	s9 =	spop (v2sf)  }
0x25d: {  	s11 =	sadd.s32 s0, s9  }
0x25e: {  	[dreg:$0x18] =	wrdreg s4;
	s4 =	sshll.u32 s11, $0x4  }
0x25f: {  	v53 =	vor.u32 s4, v0;
	_ =	sdelay $0x4  }
0x260: {  	v54 =	vld.idx.msk [tilespmem:v53+s13+$0x0], $0xffff;
	_ =	sdelay $0x4  }
0x261: {  	vm13 =	veq.f32 v54, s5  }
0x262: {  	v61 =	vnsel vm13, $0x80000063, v51  }
0x263: {  	(xrf0) =	vmin.scan.msk.u32 $0xffff, v61;
	_ =	sdelay $0x5  }
0x264: {  	v55, _, _ =	vpop (xrf0)  }
0x265: {  	(v2sf) =	vpush v55, $0xF;
	_ =	sdelay $0xe  }
0x266: {  	s14 =	spop (v2sf)  }
0x267: {  	s4 =	sadd.s32 s14, s4  }
0x268: {  	s4 =	sshll.u32 s4, $0x4  }
0x269: {  	v55 =	vor.u32 s4, v0;
	_ =	sdelay $0x4  }
0x26a: {  	v56 =	vld.idx.msk [tilespmem:v55+s12+$0x0], $0xffff;
	_ =	sdelay $0x4  }
0x26b: {  	vm13 =	veq.f32 v56, s5  }
0x26c: {  	v62 =	vnsel vm13, $0x80000063, v51  }
0x26d: {  	(xrf0) =	vmin.scan.msk.u32 $0xffff, v62;
	_ =	sdelay $0x5  }
0x26e: {  	v57, _, _ =	vpop (xrf0)  }
0x26f: {  	(v2sf) =	vpush v57, $0xF;
	_ =	sdelay $0xe  }
0x270: {  	s7 =	spop (v2sf)  }
0x271: {  	s4 =	sadd.s32 s7, s4  }
0x272: {  	s15 =	sshll.u32 s4, $0x4  }
0x273: {  	v57 =	vor.u32 s15, v0;
	_ =	sdelay $0x4  }
0x274: {  	v63 =	vld.idx.msk [tilespmem:v57+s2+$0x0], $0xffff;
	_ =	sdelay $0x4  }
0x275: {  	vm13 =	veq.f32 v63, s5  }
0x276: {  	v60 =	vnsel vm13, $0x80000063, v51  }
0x277: {  	(xrf0) =	vmin.scan.msk.u32 $0xffff, v60;
	_ =	sdelay $0x5  }
0x278: {  	v59, _, _ =	vpop (xrf0)  }
0x279: {  	(v2sf) =	vpush v59, $0xF;
	_ =	sdelay $0xe  }
0x27a: {  	s16 =	spop (v2sf)  }
0x27b: {  	s18 =	sxor.u32 $0x80000000, s16  }
0x27c: {  	v61 =	vmov s18  }
0x27d: {  	vm13 =	veq.s32 v61, v0  }
0x27e: {  	v58 =	vsel vm13, $0xFF800000, v63  }
0x27f: {  	(xrf0) =	vmax.scan.msk.f32 $0xffff, v58;
	_ =	sdelay $0x5  }
0x280: {  	s19 =	sxor.u32 $0x80000000, s7;
	v59, _, _ =	vpop (xrf0)  }
0x281: {  	v60 =	vmov s19;
	v59 =	vbroadcast v59, $0xF  }
0x282: {  	vm13 =	veq.s32 v60, v0  }
0x283: {  	v56 =	vsel vm13, v59, v56  }
0x284: {  	(xrf0) =	vmax.scan.msk.f32 $0xffff, v56;
	_ =	sdelay $0x5  }
0x285: {  	s21 =	sxor.u32 $0x80000000, s14;
	v59, _, _ =	vpop (xrf0)  }
0x286: {  	v60 =	vmov s21;
	v59 =	vbroadcast v59, $0xF  }
0x287: {  	vm13 =	veq.s32 v60, v0  }
0x288: {  	v54 =	vsel vm13, v59, v54  }
0x289: {  	(xrf0) =	vmax.scan.msk.f32 $0xffff, v54;
	_ =	sdelay $0x4  }
0x28a: {  	v59 =	vor.u32 s0, v0  }
0x28b: {  	s22 =	sxor.u32 $0x80000000, s9;
	v60, _, _ =	vpop (xrf0)  }
0x28c: {  	v62 =	vmov s22;
	[tilespmem:v57+s2+$0x0] =	vst.idx.msk $0xffff, v58;
	v63 =	vbroadcast v60, $0xF  }
0x28d: {  	[tilespmem:v55+s12+$0x0] =	vst.idx.msk $0xffff, v56;
	vm13 =	veq.s32 v62, v0  }
0x28e: {  	[tilespmem:v53+s13+$0x0] =	vst.idx.msk $0xffff, v54;
	v52 =	vsel vm13, v63, v52  }
0x28f: {  	[tilespmem:v59+s26+$0x0] =	vst.idx.msk $0xffff, v52  }
0x290: {  	v52 =	vld.idx.msk [tilespmem:v0+s26+$0x0], $0xffff  }
0x291: {  	v53 =	vld.idx.msk [tilespmem:v50+s26+$0x0], $0xffff;
	_ =	sdelay $0x3  }
0x292: {  	(xrf0) =	vmax.scan.msk.f32 $0xffff, v52  }
0x293: {  	(xrf0) =	vmax.scan.msk.f32 $0xffff, v53;
	_ =	sdelay $0x4  }
0x294: {  	v58, _, _ =	vpop (xrf0)  }
0x295: {  	(v2sf) =	vpush v58, $0xF;
	v59, _, _ =	vpop (xrf0)  }
0x296: {  	(v2sf) =	vpush v59, $0xF;
	_ =	sdelay $0xd  }
0x297: {  	[dreg:$0x1a] =	wrdreg s18;
	s18 =	spop (v2sf)  }
0x298: {  	s0 =	spop (v2sf)  }
0x299: {  	p0 =	sgt.f32 s0, s18;
	_ =	sdelay $0x1  }
0x29a: {  	s18 =	smov.u32 @p0 s0;
	v52 =	vpsel p0, v53, v52  }
0x29b: {  	vm13 =	veq.f32 v52, s18  }
0x29c: {  	v60 =	vnsel vm13, $0x80000063, v51  }
0x29d: {  	(xrf0) =	vmin.scan.msk.u32 $0xffff, v60;
	_ =	sdelay $0x5  }
0x29e: {  	v53, _, _ =	vpop (xrf0)  }
0x29f: {  	(v2sf) =	vpush v53, $0xF;
	_ =	sdelay $0xd  }
0x2a0: {  	s0 =	simm.s32 $0x10  }
0x2a1: {  	s0 =	simm.s32 @!p0 $0x0;
	s23 =	spop (v2sf)  }
0x2a2: {  	s24 =	sadd.s32 s0, s23  }
0x2a3: {  	s4 =	sshll.u32 s24, $0x4  }
0x2a4: {  	v53 =	vor.u32 s4, v0;
	_ =	sdelay $0x4  }
0x2a5: {  	v54 =	vld.idx.msk [tilespmem:v53+s13+$0x0], $0xffff;
	_ =	sdelay $0x4  }
0x2a6: {  	vm13 =	veq.f32 v54, s18  }
0x2a7: {  	v61 =	vnsel vm13, $0x80000063, v51  }
0x2a8: {  	(xrf0) =	vmin.scan.msk.u32 $0xffff, v61;
	_ =	sdelay $0x5  }
0x2a9: {  	v55, _, _ =	vpop (xrf0)  }
0x2aa: {  	(v2sf) =	vpush v55, $0xF;
	_ =	sdelay $0xe  }
0x2ab: {  	s25 =	spop (v2sf)  }
0x2ac: {  	s4 =	sadd.s32 s25, s4  }
0x2ad: {  	s4 =	sshll.u32 s4, $0x4  }
0x2ae: {  	v55 =	vor.u32 s4, v0;
	_ =	sdelay $0x4  }
0x2af: {  	v56 =	vld.idx.msk [tilespmem:v55+s12+$0x0], $0xffff;
	_ =	sdelay $0x4  }
0x2b0: {  	vm13 =	veq.f32 v56, s18  }
0x2b1: {  	v62 =	vnsel vm13, $0x80000063, v51  }
0x2b2: {  	(xrf0) =	vmin.scan.msk.u32 $0xffff, v62;
	_ =	sdelay $0x5  }
0x2b3: {  	v57, _, _ =	vpop (xrf0)  }
0x2b4: {  	(v2sf) =	vpush v57, $0xF;
	_ =	sdelay $0xe  }
0x2b5: {  	s28 =	spop (v2sf)  }
0x2b6: {  	s4 =	sadd.s32 s28, s4  }
0x2b7: {  	s29 =	sshll.u32 s4, $0x4  }
0x2b8: {  	v57 =	vor.u32 s29, v0;
	_ =	sdelay $0x4  }
0x2b9: {  	v63 =	vld.idx.msk [tilespmem:v57+s2+$0x0], $0xffff;
	_ =	sdelay $0x4  }
0x2ba: {  	vm13 =	veq.f32 v63, s18  }
0x2bb: {  	v60 =	vnsel vm13, $0x80000063, v51  }
0x2bc: {  	(xrf0) =	vmin.scan.msk.u32 $0xffff, v60;
	_ =	sdelay $0x5  }
0x2bd: {  	v59, _, _ =	vpop (xrf0)  }
0x2be: {  	(v2sf) =	vpush v59, $0xF;
	_ =	sdelay $0xe  }
0x2bf: {  	s30 =	spop (v2sf)  }
0x2c0: {  	[dreg:$0x17] =	wrdreg s31;
	s31 =	sxor.u32 $0x80000000, s30  }
0x2c1: {  	v61 =	vmov s31  }
0x2c2: {  	vm13 =	veq.s32 v61, v0  }
0x2c3: {  	v58 =	vsel vm13, $0xFF800000, v63  }
0x2c4: {  	(xrf0) =	vmax.scan.msk.f32 $0xffff, v58;
	_ =	sdelay $0x5  }
0x2c5: {  	s1 =	sxor.u32 $0x80000000, s28;
	v59, _, _ =	vpop (xrf0)  }
0x2c6: {  	v60 =	vmov s1;
	v59 =	vbroadcast v59, $0xF  }
0x2c7: {  	vm13 =	veq.s32 v60, v0  }
0x2c8: {  	v56 =	vsel vm13, v59, v56  }
0x2c9: {  	(xrf0) =	vmax.scan.msk.f32 $0xffff, v56;
	_ =	sdelay $0x5  }
0x2ca: {  	s7 =	sxor.u32 $0x80000000, s25;
	v59, _, _ =	vpop (xrf0)  }
0x2cb: {  	v60 =	vmov s7;
	v59 =	vbroadcast v59, $0xF  }
0x2cc: {  	vm13 =	veq.s32 v60, v0  }
0x2cd: {  	v54 =	vsel vm13, v59, v54  }
0x2ce: {  	(xrf0) =	vmax.scan.msk.f32 $0xffff, v54;
	_ =	sdelay $0x4  }
0x2cf: {  	v59 =	vor.u32 s0, v0  }
0x2d0: {  	s8 =	sxor.u32 $0x80000000, s23;
	v60, _, _ =	vpop (xrf0)  }
0x2d1: {  	v62 =	vmov s8;
	[tilespmem:v57+s2+$0x0] =	vst.idx.msk $0xffff, v58;
	v63 =	vbroadcast v60, $0xF  }
0x2d2: {  	[tilespmem:v55+s12+$0x0] =	vst.idx.msk $0xffff, v56;
	vm13 =	veq.s32 v62, v0  }
0x2d3: {  	[tilespmem:v53+s13+$0x0] =	vst.idx.msk $0xffff, v54;
	v52 =	vsel vm13, v63, v52  }
0x2d4: {  	[tilespmem:v59+s26+$0x0] =	vst.idx.msk $0xffff, v52  }
0x2d5: {  	v52 =	vld.idx.msk [tilespmem:v0+s26+$0x0], $0xffff  }
0x2d6: {  	v53 =	vld.idx.msk [tilespmem:v50+s26+$0x0], $0xffff;
	_ =	sdelay $0x3  }
0x2d7: {  	(xrf0) =	vmax.scan.msk.f32 $0xffff, v52  }
0x2d8: {  	(xrf0) =	vmax.scan.msk.f32 $0xffff, v53;
	_ =	sdelay $0x4  }
0x2d9: {  	v58, _, _ =	vpop (xrf0)  }
0x2da: {  	(v2sf) =	vpush v58, $0xF;
	v59, _, _ =	vpop (xrf0)  }
0x2db: {  	(v2sf) =	vpush v59, $0xF;
	_ =	sdelay $0xd  }
0x2dc: {  	s23 =	spop (v2sf)  }
0x2dd: {  	s0 =	spop (v2sf)  }
0x2de: {  	p0 =	sgt.f32 s0, s23;
	_ =	sdelay $0x1  }
0x2df: {  	s23 =	smov.u32 @p0 s0;
	v52 =	vpsel p0, v53, v52  }
0x2e0: {  	vm13 =	veq.f32 v52, s23  }
0x2e1: {  	v60 =	vnsel vm13, $0x80000063, v51  }
0x2e2: {  	(xrf0) =	vmin.scan.msk.u32 $0xffff, v60;
	_ =	sdelay $0x5  }
0x2e3: {  	v53, _, _ =	vpop (xrf0)  }
0x2e4: {  	(v2sf) =	vpush v53, $0xF;
	_ =	sdelay $0xd  }
0x2e5: {  	s0 =	simm.s32 $0x10  }
0x2e6: {  	s0 =	simm.s32 @!p0 $0x0;
	s9 =	spop (v2sf)  }
0x2e7: {  	s11 =	sadd.s32 s0, s9  }
0x2e8: {  	s4 =	sshll.u32 s11, $0x4  }
0x2e9: {  	v53 =	vor.u32 s4, v0;
	_ =	sdelay $0x4  }
0x2ea: {  	v54 =	vld.idx.msk [tilespmem:v53+s13+$0x0], $0xffff;
	_ =	sdelay $0x4  }
0x2eb: {  	vm13 =	veq.f32 v54, s23  }
0x2ec: {  	v61 =	vnsel vm13, $0x80000063, v51  }
0x2ed: {  	(xrf0) =	vmin.scan.msk.u32 $0xffff, v61;
	_ =	sdelay $0x5  }
0x2ee: {  	v55, _, _ =	vpop (xrf0)  }
0x2ef: {  	(v2sf) =	vpush v55, $0xF;
	_ =	sdelay $0xe  }
0x2f0: {  	s14 =	spop (v2sf)  }
0x2f1: {  	s4 =	sadd.s32 s14, s4  }
0x2f2: {  	s4 =	sshll.u32 s4, $0x4  }
0x2f3: {  	v55 =	vor.u32 s4, v0;
	_ =	sdelay $0x4  }
0x2f4: {  	v56 =	vld.idx.msk [tilespmem:v55+s12+$0x0], $0xffff;
	_ =	sdelay $0x4  }
0x2f5: {  	vm13 =	veq.f32 v56, s23  }
0x2f6: {  	v62 =	vnsel vm13, $0x80000063, v51  }
0x2f7: {  	(xrf0) =	vmin.scan.msk.u32 $0xffff, v62;
	_ =	sdelay $0x5  }
0x2f8: {  	v57, _, _ =	vpop (xrf0)  }
0x2f9: {  	(v2sf) =	vpush v57, $0xF;
	_ =	sdelay $0xe  }
0x2fa: {  	[dreg:$0x19] =	wrdreg s15;
	s15 =	spop (v2sf)  }
0x2fb: {  	s4 =	sadd.s32 s15, s4  }
0x2fc: {  	s16 =	sshll.u32 s4, $0x4  }
0x2fd: {  	v57 =	vor.u32 s16, v0;
	_ =	sdelay $0x4  }
0x2fe: {  	v63 =	vld.idx.msk [tilespmem:v57+s2+$0x0], $0xffff;
	_ =	sdelay $0x4  }
0x2ff: {  	vm13 =	veq.f32 v63, s23  }
0x300: {  	v60 =	vnsel vm13, $0x80000063, v51  }
0x301: {  	(xrf0) =	vmin.scan.msk.u32 $0xffff, v60;
	_ =	sdelay $0x5  }
0x302: {  	v59, _, _ =	vpop (xrf0)  }
0x303: {  	(v2sf) =	vpush v59, $0xF;
	_ =	sdelay $0xe  }
0x304: {  	s19 =	spop (v2sf)  }
0x305: {  	s21 =	sxor.u32 $0x80000000, s19  }
0x306: {  	v61 =	vmov s21  }
0x307: {  	vm13 =	veq.s32 v61, v0  }
0x308: {  	v58 =	vsel vm13, $0xFF800000, v63  }
0x309: {  	(xrf0) =	vmax.scan.msk.f32 $0xffff, v58;
	_ =	sdelay $0x5  }
0x30a: {  	s22 =	sxor.u32 $0x80000000, s15;
	v59, _, _ =	vpop (xrf0)  }
0x30b: {  	v60 =	vmov s22;
	v59 =	vbroadcast v59, $0xF  }
0x30c: {  	vm13 =	veq.s32 v60, v0  }
0x30d: {  	v56 =	vsel vm13, v59, v56  }
0x30e: {  	(xrf0) =	vmax.scan.msk.f32 $0xffff, v56;
	_ =	sdelay $0x5  }
0x30f: {  	s24 =	sxor.u32 $0x80000000, s14;
	v59, _, _ =	vpop (xrf0)  }
0x310: {  	v60 =	vmov s24;
	v59 =	vbroadcast v59, $0xF  }
0x311: {  	vm13 =	veq.s32 v60, v0  }
0x312: {  	v54 =	vsel vm13, v59, v54  }
0x313: {  	(xrf0) =	vmax.scan.msk.f32 $0xffff, v54;
	_ =	sdelay $0x4  }
0x314: {  	v59 =	vor.u32 s0, v0  }
0x315: {  	s25 =	sxor.u32 $0x80000000, s9;
	v60, _, _ =	vpop (xrf0)  }
0x316: {  	v62 =	vmov s25;
	[tilespmem:v57+s2+$0x0] =	vst.idx.msk $0xffff, v58;
	v63 =	vbroadcast v60, $0xF  }
0x317: {  	[tilespmem:v55+s12+$0x0] =	vst.idx.msk $0xffff, v56;
	vm13 =	veq.s32 v62, v0  }
0x318: {  	[tilespmem:v53+s13+$0x0] =	vst.idx.msk $0xffff, v54;
	v52 =	vsel vm13, v63, v52  }
0x319: {  	[tilespmem:v59+s26+$0x0] =	vst.idx.msk $0xffff, v52  }
0x31a: {  	v52 =	vld.idx.msk [tilespmem:v0+s26+$0x0], $0xffff  }
0x31b: {  	v53 =	vld.idx.msk [tilespmem:v50+s26+$0x0], $0xffff;
	_ =	sdelay $0x3  }
0x31c: {  	(xrf0) =	vmax.scan.msk.f32 $0xffff, v52  }
0x31d: {  	(xrf0) =	vmax.scan.msk.f32 $0xffff, v53;
	_ =	sdelay $0x4  }
0x31e: {  	v59, _, _ =	vpop (xrf0)  }
0x31f: {  	(v2sf) =	vpush v59, $0xF;
	v60, _, _ =	vpop (xrf0)  }
0x320: {  	(v2sf) =	vpush v60, $0xF;
	_ =	sdelay $0xd  }
0x321: {  	s15 =	spop (v2sf)  }
0x322: {  	s0 =	spop (v2sf)  }
0x323: {  	p0 =	sgt.f32 s0, s15;
	_ =	sdelay $0x1  }
0x324: {  	s15 =	smov.u32 @p0 s0;
	v52 =	vpsel p0, v53, v52  }
0x325: {  	vm13 =	veq.f32 v52, s15  }
0x326: {  	v61 =	vnsel vm13, $0x80000063, v51  }
0x327: {  	(xrf0) =	vmin.scan.msk.u32 $0xffff, v61;
	_ =	sdelay $0x5  }
0x328: {  	v53, _, _ =	vpop (xrf0)  }
0x329: {  	(v2sf) =	vpush v53, $0xF;
	_ =	sdelay $0xd  }
0x32a: {  	s0 =	simm.s32 $0x10  }
0x32b: {  	s0 =	simm.s32 @!p0 $0x0;
	s28 =	spop (v2sf)  }
0x32c: {  	[dreg:$0x1b] =	wrdreg s29;
	s29 =	sadd.s32 s0, s28  }
0x32d: {  	s4 =	sshll.u32 s29, $0x4  }
0x32e: {  	v53 =	vor.u32 s4, v0;
	_ =	sdelay $0x4  }
0x32f: {  	v54 =	vld.idx.msk [tilespmem:v53+s13+$0x0], $0xffff;
	_ =	sdelay $0x4  }
0x330: {  	vm13 =	veq.f32 v54, s15  }
0x331: {  	v62 =	vnsel vm13, $0x80000063, v51  }
0x332: {  	(xrf0) =	vmin.scan.msk.u32 $0xffff, v62;
	_ =	sdelay $0x5  }
0x333: {  	v55, _, _ =	vpop (xrf0)  }
0x334: {  	(v2sf) =	vpush v55, $0xF;
	_ =	sdelay $0xe  }
0x335: {  	s30 =	spop (v2sf)  }
0x336: {  	s4 =	sadd.s32 s30, s4  }
0x337: {  	s4 =	sshll.u32 s4, $0x4  }
0x338: {  	v55 =	vor.u32 s4, v0;
	_ =	sdelay $0x4  }
0x339: {  	v56 =	vld.idx.msk [tilespmem:v55+s12+$0x0], $0xffff;
	_ =	sdelay $0x4  }
0x33a: {  	vm13 =	veq.f32 v56, s15  }
0x33b: {  	v63 =	vnsel vm13, $0x80000063, v51  }
0x33c: {  	(xrf0) =	vmin.scan.msk.u32 $0xffff, v63;
	_ =	sdelay $0x5  }
0x33d: {  	v57, _, _ =	vpop (xrf0)  }
0x33e: {  	(v2sf) =	vpush v57, $0xF;
	_ =	sdelay $0xe  }
0x33f: {  	[dreg:$0x1c] =	wrdreg s31;
	s31 =	spop (v2sf)  }
0x340: {  	s4 =	sadd.s32 s31, s4  }
0x341: {  	s8 =	sshll.u32 s4, $0x4  }
0x342: {  	v57 =	vor.u32 s8, v0;
	_ =	sdelay $0x4  }
0x343: {  	v60 =	vld.idx.msk [tilespmem:v57+s2+$0x0], $0xffff;
	_ =	sdelay $0x4  }
0x344: {  	vm13 =	veq.f32 v60, s15  }
0x345: {  	v61 =	vnsel vm13, $0x80000063, v51  }
0x346: {  	(xrf0) =	vmin.scan.msk.u32 $0xffff, v61;
	_ =	sdelay $0x5  }
0x347: {  	v59, _, _ =	vpop (xrf0)  }
0x348: {  	(v2sf) =	vpush v59, $0xF;
	_ =	sdelay $0xe  }
0x349: {  	s9 =	spop (v2sf)  }
0x34a: {  	s11 =	sxor.u32 $0x80000000, s9  }
0x34b: {  	v62 =	vmov s11  }
0x34c: {  	vm13 =	veq.s32 v62, v0  }
0x34d: {  	v58 =	vsel vm13, $0xFF800000, v60  }
0x34e: {  	(xrf0) =	vmax.scan.msk.f32 $0xffff, v58;
	_ =	sdelay $0x5  }
0x34f: {  	s14 =	sxor.u32 $0x80000000, s31;
	v59, _, _ =	vpop (xrf0)  }
0x350: {  	v60 =	vmov s14;
	v59 =	vbroadcast v59, $0xF  }
0x351: {  	vm13 =	veq.s32 v60, v0  }
0x352: {  	v56 =	vsel vm13, v59, v56  }
0x353: {  	(xrf0) =	vmax.scan.msk.f32 $0xffff, v56;
	_ =	sdelay $0x5  }
0x354: {  	[dreg:$0x1d] =	wrdreg s16;
	s16 =	sxor.u32 $0x80000000, s30;
	v59, _, _ =	vpop (xrf0)  }
0x355: {  	v60 =	vmov s16;
	v59 =	vbroadcast v59, $0xF  }
0x356: {  	vm13 =	veq.s32 v60, v0  }
0x357: {  	v54 =	vsel vm13, v59, v54  }
0x358: {  	(xrf0) =	vmax.scan.msk.f32 $0xffff, v54;
	_ =	sdelay $0x4  }
0x359: {  	v59 =	vor.u32 s0, v0  }
0x35a: {  	s19 =	sxor.u32 $0x80000000, s28;
	v60, _, _ =	vpop (xrf0)  }
0x35b: {  	v61 =	vmov s19;
	[tilespmem:v57+s2+$0x0] =	vst.idx.msk $0xffff, v58;
	v63 =	vbroadcast v60, $0xF  }
0x35c: {  	[tilespmem:v55+s12+$0x0] =	vst.idx.msk $0xffff, v56;
	vm13 =	veq.s32 v61, v0  }
0x35d: {  	[tilespmem:v53+s13+$0x0] =	vst.idx.msk $0xffff, v54;
	v52 =	vsel vm13, v63, v52  }
0x35e: {  	[tilespmem:v59+s26+$0x0] =	vst.idx.msk $0xffff, v52  }
0x35f: {  	v52 =	vld.idx.msk [tilespmem:v0+s26+$0x0], $0xffff  }
0x360: {  	v53 =	vld.idx.msk [tilespmem:v50+s26+$0x0], $0xffff;
	_ =	sdelay $0x3  }
0x361: {  	(xrf0) =	vmax.scan.msk.f32 $0xffff, v52  }
0x362: {  	(xrf0) =	vmax.scan.msk.f32 $0xffff, v53;
	_ =	sdelay $0x4  }
0x363: {  	v59, _, _ =	vpop (xrf0)  }
0x364: {  	(v2sf) =	vpush v59, $0xF;
	v60, _, _ =	vpop (xrf0)  }
0x365: {  	(v2sf) =	vpush v60, $0xF;
	_ =	sdelay $0xd  }
0x366: {  	s24 =	spop (v2sf)  }
0x367: {  	s0 =	spop (v2sf)  }
0x368: {  	p0 =	sgt.f32 s0, s24;
	_ =	sdelay $0x1  }
0x369: {  	s24 =	smov.u32 @p0 s0;
	v52 =	vpsel p0, v53, v52  }
0x36a: {  	vm13 =	veq.f32 v52, s24  }
0x36b: {  	v61 =	vnsel vm13, $0x80000063, v51  }
0x36c: {  	(xrf0) =	vmin.scan.msk.u32 $0xffff, v61;
	_ =	sdelay $0x5  }
0x36d: {  	v53, _, _ =	vpop (xrf0)  }
0x36e: {  	(v2sf) =	vpush v53, $0xF;
	_ =	sdelay $0xd  }
0x36f: {  	s0 =	simm.s32 $0x10  }
0x370: {  	[dreg:$0x1e] =	wrdreg s21;
	s0 =	simm.s32 @!p0 $0x0;
	s21 =	spop (v2sf)  }
0x371: {  	s22 =	sadd.s32 s0, s21  }
0x372: {  	s4 =	sshll.u32 s22, $0x4  }
0x373: {  	v53 =	vor.u32 s4, v0;
	_ =	sdelay $0x4  }
0x374: {  	v54 =	vld.idx.msk [tilespmem:v53+s13+$0x0], $0xffff;
	_ =	sdelay $0x4  }
0x375: {  	vm13 =	veq.f32 v54, s24  }
0x376: {  	v62 =	vnsel vm13, $0x80000063, v51  }
0x377: {  	(xrf0) =	vmin.scan.msk.u32 $0xffff, v62;
	_ =	sdelay $0x5  }
0x378: {  	v55, _, _ =	vpop (xrf0)  }
0x379: {  	(v2sf) =	vpush v55, $0xF;
	_ =	sdelay $0xe  }
0x37a: {  	s25 =	spop (v2sf)  }
0x37b: {  	s4 =	sadd.s32 s25, s4  }
0x37c: {  	s4 =	sshll.u32 s4, $0x4  }
0x37d: {  	v55 =	vor.u32 s4, v0;
	_ =	sdelay $0x4  }
0x37e: {  	v56 =	vld.idx.msk [tilespmem:v55+s12+$0x0], $0xffff;
	_ =	sdelay $0x4  }
0x37f: {  	vm13 =	veq.f32 v56, s24  }
0x380: {  	v63 =	vnsel vm13, $0x80000063, v51  }
0x381: {  	(xrf0) =	vmin.scan.msk.u32 $0xffff, v63;
	_ =	sdelay $0x5  }
0x382: {  	v57, _, _ =	vpop (xrf0)  }
0x383: {  	(v2sf) =	vpush v57, $0xF;
	_ =	sdelay $0xe  }
0x384: {  	s28 =	spop (v2sf)  }
0x385: {  	s4 =	sadd.s32 s28, s4  }
0x386: {  	s29 =	sshll.u32 s4, $0x4  }
0x387: {  	v57 =	vor.u32 s29, v0;
	_ =	sdelay $0x4  }
0x388: {  	v58 =	vld.idx.msk [tilespmem:v57+s2+$0x0], $0xffff;
	_ =	sdelay $0x4  }
0x389: {  	vm13 =	veq.f32 v58, s24  }
0x38a: {  	v60 =	vnsel vm13, $0x80000063, v51  }
0x38b: {  	(xrf0) =	vmin.scan.msk.u32 $0xffff, v60;
	_ =	sdelay $0x5  }
0x38c: {  	v59, _, _ =	vpop (xrf0)  }
0x38d: {  	(v2sf) =	vpush v59, $0xF;
	_ =	sdelay $0xe  }
0x38e: {  	s30 =	spop (v2sf)  }
0x38f: {  	s31 =	sxor.u32 $0x80000000, s30  }
0x390: {  	v61 =	vmov s31  }
0x391: {  	vm13 =	veq.s32 v61, v0  }
0x392: {  	v58 =	vsel vm13, $0xFF800000, v58  }
0x393: {  	(xrf0) =	vmax.scan.msk.f32 $0xffff, v58;
	_ =	sdelay $0x5  }
0x394: {  	s1 =	sxor.u32 $0x80000000, s28;
	v59, _, _ =	vpop (xrf0)  }
0x395: {  	v60 =	vmov s1;
	v59 =	vbroadcast v59, $0xF  }
0x396: {  	vm13 =	veq.s32 v60, v0  }
0x397: {  	v56 =	vsel vm13, v59, v56  }
0x398: {  	(xrf0) =	vmax.scan.msk.f32 $0xffff, v56;
	_ =	sdelay $0x5  }
0x399: {  	s7 =	sxor.u32 $0x80000000, s25;
	v59, _, _ =	vpop (xrf0)  }
0x39a: {  	v60 =	vmov s7;
	v59 =	vbroadcast v59, $0xF  }
0x39b: {  	vm13 =	veq.s32 v60, v0  }
0x39c: {  	v54 =	vsel vm13, v59, v54  }
0x39d: {  	(xrf0) =	vmax.scan.msk.f32 $0xffff, v54;
	_ =	sdelay $0x4  }
0x39e: {  	v59 =	vor.u32 s0, v0  }
0x39f: {  	[dreg:$0x1f] =	wrdreg s8;
	s8 =	sxor.u32 $0x80000000, s21;
	v60, _, _ =	vpop (xrf0)  }
0x3a0: {  	v61 =	vmov s8;
	[tilespmem:v57+s2+$0x0] =	vst.idx.msk $0xffff, v58;
	v62 =	vbroadcast v60, $0xF  }
0x3a1: {  	[tilespmem:v55+s12+$0x0] =	vst.idx.msk $0xffff, v56;
	vm13 =	veq.s32 v61, v0  }
0x3a2: {  	[tilespmem:v53+s13+$0x0] =	vst.idx.msk $0xffff, v54;
	v52 =	vsel vm13, v62, v52  }
0x3a3: {  	[tilespmem:v59+s26+$0x0] =	vst.idx.msk $0xffff, v52  }
0x3a4: {  	v52 =	vld.idx.msk [tilespmem:v0+s26+$0x0], $0xffff  }
0x3a5: {  	v53 =	vld.idx.msk [tilespmem:v50+s26+$0x0], $0xffff;
	_ =	sdelay $0x3  }
0x3a6: {  	(xrf0) =	vmax.scan.msk.f32 $0xffff, v52  }
0x3a7: {  	(xrf0) =	vmax.scan.msk.f32 $0xffff, v53;
	_ =	sdelay $0x4  }
0x3a8: {  	v63, _, _ =	vpop (xrf0)  }
0x3a9: {  	(v2sf) =	vpush v63, $0xF;
	v57, _, _ =	vpop (xrf0)  }
0x3aa: {  	(v2sf) =	vpush v57, $0xF;
	_ =	sdelay $0xd  }
0x3ab: {  	s28 =	spop (v2sf)  }
0x3ac: {  	s0 =	spop (v2sf)  }
0x3ad: {  	p0 =	sgt.f32 s0, s28;
	_ =	sdelay $0x1  }
0x3ae: {  	s28 =	smov.u32 @p0 s0;
	v52 =	vpsel p0, v53, v52  }
0x3af: {  	vm13 =	veq.f32 v52, s28  }
0x3b0: {  	v58 =	vnsel vm13, $0x80000063, v51  }
0x3b1: {  	(xrf0) =	vmin.scan.msk.u32 $0xffff, v58;
	_ =	sdelay $0x5  }
0x3b2: {  	v53, _, _ =	vpop (xrf0)  }
0x3b3: {  	(v2sf) =	vpush v53, $0xF;
	_ =	sdelay $0xd  }
0x3b4: {  	s0 =	simm.s32 $0x10  }
0x3b5: {  	s0 =	simm.s32 @!p0 $0x0;
	s9 =	spop (v2sf)  }
0x3b6: {  	[smem:$0x7F8] =	sst s11;
	s11 =	sadd.s32 s0, s9  }
0x3b7: {  	s4 =	sshll.u32 s11, $0x4  }
0x3b8: {  	v53 =	vor.u32 s4, v0;
	_ =	sdelay $0x4  }
0x3b9: {  	v54 =	vld.idx.msk [tilespmem:v53+s13+$0x0], $0xffff;
	_ =	sdelay $0x4  }
0x3ba: {  	vm13 =	veq.f32 v54, s28  }
0x3bb: {  	v59 =	vnsel vm13, $0x80000063, v51  }
0x3bc: {  	(xrf0) =	vmin.scan.msk.u32 $0xffff, v59;
	_ =	sdelay $0x5  }
0x3bd: {  	v55, _, _ =	vpop (xrf0)  }
0x3be: {  	(v2sf) =	vpush v55, $0xF;
	_ =	sdelay $0xe  }
0x3bf: {  	s14 =	spop (v2sf)  }
0x3c0: {  	s4 =	sadd.s32 s14, s4  }
0x3c1: {  	s4 =	sshll.u32 s4, $0x4  }
0x3c2: {  	v55 =	vor.u32 s4, v0;
	_ =	sdelay $0x4  }
0x3c3: {  	v56 =	vld.idx.msk [tilespmem:v55+s12+$0x0], $0xffff;
	_ =	sdelay $0x4  }
0x3c4: {  	vm13 =	veq.f32 v56, s28  }
0x3c5: {  	v60 =	vnsel vm13, $0x80000063, v51  }
0x3c6: {  	(xrf0) =	vmin.scan.msk.u32 $0xffff, v60;
	_ =	sdelay $0x5  }
0x3c7: {  	v57, _, _ =	vpop (xrf0)  }
0x3c8: {  	(v2sf) =	vpush v57, $0xF;
	_ =	sdelay $0xe  }
0x3c9: {  	s16 =	spop (v2sf)  }
0x3ca: {  	s4 =	sadd.s32 s16, s4  }
0x3cb: {  	s19 =	sshll.u32 s4, $0x4  }
0x3cc: {  	v57 =	vor.u32 s19, v0;
	_ =	sdelay $0x4  }
0x3cd: {  	v58 =	vld.idx.msk [tilespmem:v57+s2+$0x0], $0xffff;
	_ =	sdelay $0x4  }
0x3ce: {  	vm13 =	veq.f32 v58, s28  }
0x3cf: {  	v61 =	vnsel vm13, $0x80000063, v51  }
0x3d0: {  	(xrf0) =	vmin.scan.msk.u32 $0xffff, v61;
	_ =	sdelay $0x5  }
0x3d1: {  	v59, _, _ =	vpop (xrf0)  }
0x3d2: {  	(v2sf) =	vpush v59, $0xF;
	_ =	sdelay $0xe  }
0x3d3: {  	s21 =	spop (v2sf)  }
0x3d4: {  	s22 =	sxor.u32 $0x80000000, s21  }
0x3d5: {  	v62 =	vmov s22  }
0x3d6: {  	vm13 =	veq.s32 v62, v0  }
0x3d7: {  	v58 =	vsel vm13, $0xFF800000, v58  }
0x3d8: {  	(xrf0) =	vmax.scan.msk.f32 $0xffff, v58;
	_ =	sdelay $0x5  }
0x3d9: {  	s25 =	sxor.u32 $0x80000000, s16;
	v59, _, _ =	vpop (xrf0)  }
0x3da: {  	v60 =	vmov s25;
	v59 =	vbroadcast v59, $0xF  }
0x3db: {  	vm13 =	veq.s32 v60, v0  }
0x3dc: {  	v56 =	vsel vm13, v59, v56  }
0x3dd: {  	(xrf0) =	vmax.scan.msk.f32 $0xffff, v56;
	_ =	sdelay $0x5  }
0x3de: {  	[smem:$0x7F9] =	sst s29;
	s29 =	sxor.u32 $0x80000000, s14;
	v59, _, _ =	vpop (xrf0)  }
0x3df: {  	v60 =	vmov s29;
	v59 =	vbroadcast v59, $0xF  }
0x3e0: {  	vm13 =	veq.s32 v60, v0  }
0x3e1: {  	v54 =	vsel vm13, v59, v54  }
0x3e2: {  	(xrf0) =	vmax.scan.msk.f32 $0xffff, v54;
	_ =	sdelay $0x4  }
0x3e3: {  	v59 =	vor.u32 s0, v0  }
0x3e4: {  	s30 =	sxor.u32 $0x80000000, s9;
	v60, _, _ =	vpop (xrf0)  }
0x3e5: {  	v61 =	vmov s30;
	[tilespmem:v57+s2+$0x0] =	vst.idx.msk $0xffff, v58;
	v63 =	vbroadcast v60, $0xF  }
0x3e6: {  	[tilespmem:v55+s12+$0x0] =	vst.idx.msk $0xffff, v56;
	vm13 =	veq.s32 v61, v0  }
0x3e7: {  	[tilespmem:v53+s13+$0x0] =	vst.idx.msk $0xffff, v54;
	v52 =	vsel vm13, v63, v52  }
0x3e8: {  	[tilespmem:v59+s26+$0x0] =	vst.idx.msk $0xffff, v52  }
0x3e9: {  	v52 =	vld.idx.msk [tilespmem:v0+s26+$0x0], $0xffff  }
0x3ea: {  	v53 =	vld.idx.msk [tilespmem:v50+s26+$0x0], $0xffff;
	_ =	sdelay $0x3  }
0x3eb: {  	(xrf0) =	vmax.scan.msk.f32 $0xffff, v52  }
0x3ec: {  	(xrf0) =	vmax.scan.msk.f32 $0xffff, v53;
	_ =	sdelay $0x4  }
0x3ed: {  	v59, _, _ =	vpop (xrf0)  }
0x3ee: {  	(v2sf) =	vpush v59, $0xF;
	v60, _, _ =	vpop (xrf0)  }
0x3ef: {  	(v2sf) =	vpush v60, $0xF;
	_ =	sdelay $0xd  }
0x3f0: {  	s30 =	spop (v2sf)  }
0x3f1: {  	s0 =	spop (v2sf)  }
0x3f2: {  	p0 =	sgt.f32 s0, s30;
	_ =	sdelay $0x1  }
0x3f3: {  	s30 =	smov.u32 @p0 s0;
	v52 =	vpsel p0, v53, v52  }
0x3f4: {  	vm13 =	veq.f32 v52, s30  }
0x3f5: {  	v61 =	vnsel vm13, $0x80000063, v51  }
0x3f6: {  	(xrf0) =	vmin.scan.msk.u32 $0xffff, v61;
	_ =	sdelay $0x5  }
0x3f7: {  	v53, _, _ =	vpop (xrf0)  }
0x3f8: {  	(v2sf) =	vpush v53, $0xF;
	_ =	sdelay $0xd  }
0x3f9: {  	s0 =	simm.s32 $0x10  }
0x3fa: {  	[smem:$0x7FA] =	sst s31;
	s0 =	simm.s32 @!p0 $0x0;
	s31 =	spop (v2sf)  }
0x3fb: {  	s8 =	sadd.s32 s0, s31  }
0x3fc: {  	s4 =	sshll.u32 s8, $0x4  }
0x3fd: {  	v53 =	vor.u32 s4, v0;
	_ =	sdelay $0x4  }
0x3fe: {  	v54 =	vld.idx.msk [tilespmem:v53+s13+$0x0], $0xffff;
	_ =	sdelay $0x4  }
0x3ff: {  	vm13 =	veq.f32 v54, s30  }
0x400: {  	v62 =	vnsel vm13, $0x80000063, v51  }
0x401: {  	(xrf0) =	vmin.scan.msk.u32 $0xffff, v62;
	_ =	sdelay $0x5  }
0x402: {  	v55, _, _ =	vpop (xrf0)  }
0x403: {  	(v2sf) =	vpush v55, $0xF;
	_ =	sdelay $0xe  }
0x404: {  	s9 =	spop (v2sf)  }
0x405: {  	s4 =	sadd.s32 s9, s4  }
0x406: {  	s4 =	sshll.u32 s4, $0x4  }
0x407: {  	v55 =	vor.u32 s4, v0;
	_ =	sdelay $0x4  }
0x408: {  	v56 =	vld.idx.msk [tilespmem:v55+s12+$0x0], $0xffff;
	_ =	sdelay $0x4  }
0x409: {  	vm13 =	veq.f32 v56, s30  }
0x40a: {  	v63 =	vnsel vm13, $0x80000063, v51  }
0x40b: {  	(xrf0) =	vmin.scan.msk.u32 $0xffff, v63;
	_ =	sdelay $0x5  }
0x40c: {  	v57, _, _ =	vpop (xrf0)  }
0x40d: {  	(v2sf) =	vpush v57, $0xF;
	_ =	sdelay $0xe  }
0x40e: {  	s11 =	spop (v2sf)  }
0x40f: {  	s4 =	sadd.s32 s11, s4  }
0x410: {  	s14 =	sshll.u32 s4, $0x4  }
0x411: {  	v57 =	vor.u32 s14, v0;
	_ =	sdelay $0x4  }
0x412: {  	v58 =	vld.idx.msk [tilespmem:v57+s2+$0x0], $0xffff;
	_ =	sdelay $0x4  }
0x413: {  	vm13 =	veq.f32 v58, s30  }
0x414: {  	v60 =	vnsel vm13, $0x80000063, v51  }
0x415: {  	(xrf0) =	vmin.scan.msk.u32 $0xffff, v60;
	_ =	sdelay $0x5  }
0x416: {  	v59, _, _ =	vpop (xrf0)  }
0x417: {  	(v2sf) =	vpush v59, $0xF;
	_ =	sdelay $0xe  }
0x418: {  	s16 =	spop (v2sf)  }
0x419: {  	s25 =	sxor.u32 $0x80000000, s16  }
0x41a: {  	v61 =	vmov s25  }
0x41b: {  	vm13 =	veq.s32 v61, v0  }
0x41c: {  	v58 =	vsel vm13, $0xFF800000, v58  }
0x41d: {  	(xrf0) =	vmax.scan.msk.f32 $0xffff, v58;
	_ =	sdelay $0x5  }
0x41e: {  	[smem:$0x7FB] =	sst s19;
	s19 =	sxor.u32 $0x80000000, s11;
	v59, _, _ =	vpop (xrf0)  }
0x41f: {  	v60 =	vmov s19;
	v59 =	vbroadcast v59, $0xF  }
0x420: {  	vm13 =	veq.s32 v60, v0  }
0x421: {  	v56 =	vsel vm13, v59, v56  }
0x422: {  	(xrf0) =	vmax.scan.msk.f32 $0xffff, v56;
	_ =	sdelay $0x5  }
0x423: {  	s21 =	sxor.u32 $0x80000000, s9;
	v59, _, _ =	vpop (xrf0)  }
0x424: {  	v60 =	vmov s21;
	v59 =	vbroadcast v59, $0xF  }
0x425: {  	vm13 =	veq.s32 v60, v0  }
0x426: {  	v54 =	vsel vm13, v59, v54  }
0x427: {  	(xrf0) =	vmax.scan.msk.f32 $0xffff, v54;
	_ =	sdelay $0x4  }
0x428: {  	v59 =	vor.u32 s0, v0  }
0x429: {  	[smem:$0x7FC] =	sst s22;
	s22 =	sxor.u32 $0x80000000, s31;
	v60, _, _ =	vpop (xrf0)  }
0x42a: {  	v61 =	vmov s22;
	[tilespmem:v57+s2+$0x0] =	vst.idx.msk $0xffff, v58;
	v62 =	vbroadcast v60, $0xF  }
0x42b: {  	[tilespmem:v55+s12+$0x0] =	vst.idx.msk $0xffff, v56;
	vm13 =	veq.s32 v61, v0  }
0x42c: {  	[tilespmem:v53+s13+$0x0] =	vst.idx.msk $0xffff, v54;
	v52 =	vsel vm13, v62, v52  }
0x42d: {  	[tilespmem:v59+s26+$0x0] =	vst.idx.msk $0xffff, v52  }
0x42e: {  	v52 =	vld.idx.msk [tilespmem:v0+s26+$0x0], $0xffff  }
0x42f: {  	v53 =	vld.idx.msk [tilespmem:v50+s26+$0x0], $0xffff;
	_ =	sdelay $0x3  }
0x430: {  	(xrf0) =	vmax.scan.msk.f32 $0xffff, v52  }
0x431: {  	(xrf0) =	vmax.scan.msk.f32 $0xffff, v53;
	_ =	sdelay $0x4  }
0x432: {  	v63, _, _ =	vpop (xrf0)  }
0x433: {  	(v2sf) =	vpush v63, $0xF;
	v57, _, _ =	vpop (xrf0)  }
0x434: {  	(v2sf) =	vpush v57, $0xF;
	_ =	sdelay $0xd  }
0x435: {  	s9 =	spop (v2sf)  }
0x436: {  	s0 =	spop (v2sf)  }
0x437: {  	p0 =	sgt.f32 s0, s9;
	_ =	sdelay $0x1  }
0x438: {  	s9 =	smov.u32 @p0 s0;
	v52 =	vpsel p0, v53, v52  }
0x439: {  	vm13 =	veq.f32 v52, s9  }
0x43a: {  	v58 =	vnsel vm13, $0x80000063, v51  }
0x43b: {  	(xrf0) =	vmin.scan.msk.u32 $0xffff, v58;
	_ =	sdelay $0x5  }
0x43c: {  	v53, _, _ =	vpop (xrf0)  }
0x43d: {  	(v2sf) =	vpush v53, $0xF;
	_ =	sdelay $0xd  }
0x43e: {  	s0 =	simm.s32 $0x10  }
0x43f: {  	s0 =	simm.s32 @!p0 $0x0;
	s29 =	spop (v2sf)  }
0x440: {  	s31 =	sadd.s32 s0, s29  }
0x441: {  	s4 =	sshll.u32 s31, $0x4  }
0x442: {  	v53 =	vor.u32 s4, v0;
	_ =	sdelay $0x4  }
0x443: {  	v54 =	vld.idx.msk [tilespmem:v53+s13+$0x0], $0xffff;
	_ =	sdelay $0x4  }
0x444: {  	vm13 =	veq.f32 v54, s9  }
0x445: {  	v59 =	vnsel vm13, $0x80000063, v51  }
0x446: {  	(xrf0) =	vmin.scan.msk.u32 $0xffff, v59;
	_ =	sdelay $0x5  }
0x447: {  	v55, _, _ =	vpop (xrf0)  }
0x448: {  	(v2sf) =	vpush v55, $0xF;
	_ =	sdelay $0xe  }
0x449: {  	s1 =	spop (v2sf)  }
0x44a: {  	s4 =	sadd.s32 s1, s4  }
0x44b: {  	s4 =	sshll.u32 s4, $0x4  }
0x44c: {  	v55 =	vor.u32 s4, v0;
	_ =	sdelay $0x4  }
0x44d: {  	v56 =	vld.idx.msk [tilespmem:v55+s12+$0x0], $0xffff;
	_ =	sdelay $0x4  }
0x44e: {  	vm13 =	veq.f32 v56, s9  }
0x44f: {  	v60 =	vnsel vm13, $0x80000063, v51  }
0x450: {  	(xrf0) =	vmin.scan.msk.u32 $0xffff, v60;
	_ =	sdelay $0x5  }
0x451: {  	v57, _, _ =	vpop (xrf0)  }
0x452: {  	(v2sf) =	vpush v57, $0xF;
	_ =	sdelay $0xe  }
0x453: {  	s11 =	spop (v2sf)  }
0x454: {  	s4 =	sadd.s32 s11, s4  }
0x455: {  	s8 =	sshll.u32 s4, $0x4  }
0x456: {  	v57 =	vor.u32 s8, v0;
	_ =	sdelay $0x4  }
0x457: {  	v58 =	vld.idx.msk [tilespmem:v57+s2+$0x0], $0xffff;
	_ =	sdelay $0x4  }
0x458: {  	vm13 =	veq.f32 v58, s9  }
0x459: {  	v61 =	vnsel vm13, $0x80000063, v51  }
0x45a: {  	(xrf0) =	vmin.scan.msk.u32 $0xffff, v61;
	_ =	sdelay $0x5  }
0x45b: {  	v59, _, _ =	vpop (xrf0)  }
0x45c: {  	(v2sf) =	vpush v59, $0xF;
	_ =	sdelay $0xe  }
0x45d: {  	s7 =	spop (v2sf)  }
0x45e: {  	s7 =	sxor.u32 $0x80000000, s7  }
0x45f: {  	v62 =	vmov s7  }
0x460: {  	vm13 =	veq.s32 v62, v0  }
0x461: {  	v58 =	vsel vm13, $0xFF800000, v58  }
0x462: {  	(xrf0) =	vmax.scan.msk.f32 $0xffff, v58;
	_ =	sdelay $0x5  }
0x463: {  	[smem:$0x7FD] =	sst s14;
	s14 =	sxor.u32 $0x80000000, s11;
	v59, _, _ =	vpop (xrf0)  }
0x464: {  	v60 =	vmov s14;
	v59 =	vbroadcast v59, $0xF  }
0x465: {  	vm13 =	veq.s32 v60, v0  }
0x466: {  	v56 =	vsel vm13, v59, v56  }
0x467: {  	(xrf0) =	vmax.scan.msk.f32 $0xffff, v56;
	_ =	sdelay $0x5  }
0x468: {  	s16 =	sxor.u32 $0x80000000, s1;
	v59, _, _ =	vpop (xrf0)  }
0x469: {  	v60 =	vmov s16;
	v59 =	vbroadcast v59, $0xF  }
0x46a: {  	vm13 =	veq.s32 v60, v0  }
0x46b: {  	v54 =	vsel vm13, v59, v54  }
0x46c: {  	(xrf0) =	vmax.scan.msk.f32 $0xffff, v54;
	_ =	sdelay $0x4  }
0x46d: {  	v59 =	vor.u32 s0, v0  }
0x46e: {  	s19 =	sxor.u32 $0x80000000, s29;
	v60, _, _ =	vpop (xrf0)  }
0x46f: {  	v61 =	vmov s19;
	[tilespmem:v57+s2+$0x0] =	vst.idx.msk $0xffff, v58;
	v63 =	vbroadcast v60, $0xF  }
0x470: {  	[tilespmem:v55+s12+$0x0] =	vst.idx.msk $0xffff, v56;
	vm13 =	veq.s32 v61, v0  }
0x471: {  	[tilespmem:v53+s13+$0x0] =	vst.idx.msk $0xffff, v54;
	v52 =	vsel vm13, v63, v52  }
0x472: {  	[tilespmem:v59+s26+$0x0] =	vst.idx.msk $0xffff, v52  }
0x473: {  	v52 =	vld.idx.msk [tilespmem:v0+s26+$0x0], $0xffff  }
0x474: {  	v53 =	vld.idx.msk [tilespmem:v50+s26+$0x0], $0xffff;
	_ =	sdelay $0x3  }
0x475: {  	(xrf0) =	vmax.scan.msk.f32 $0xffff, v52  }
0x476: {  	(xrf0) =	vmax.scan.msk.f32 $0xffff, v53;
	_ =	sdelay $0x4  }
0x477: {  	v59, _, _ =	vpop (xrf0)  }
0x478: {  	(v2sf) =	vpush v59, $0xF;
	v60, _, _ =	vpop (xrf0)  }
0x479: {  	(v2sf) =	vpush v60, $0xF;
	_ =	sdelay $0xd  }
0x47a: {  	s19 =	spop (v2sf)  }
0x47b: {  	s0 =	spop (v2sf)  }
0x47c: {  	p0 =	sgt.f32 s0, s19;
	_ =	sdelay $0x1  }
0x47d: {  	s19 =	smov.u32 @p0 s0;
	v52 =	vpsel p0, v53, v52  }
0x47e: {  	vm13 =	veq.f32 v52, s19  }
0x47f: {  	v61 =	vnsel vm13, $0x80000063, v51  }
0x480: {  	(xrf0) =	vmin.scan.msk.u32 $0xffff, v61;
	_ =	sdelay $0x5  }
0x481: {  	v53, _, _ =	vpop (xrf0)  }
0x482: {  	(v2sf) =	vpush v53, $0xF;
	_ =	sdelay $0xd  }
0x483: {  	s0 =	simm.s32 $0x10  }
0x484: {  	s0 =	simm.s32 @!p0 $0x0;
	s21 =	spop (v2sf)  }
0x485: {  	s22 =	sadd.s32 s0, s21  }
0x486: {  	s4 =	sshll.u32 s22, $0x4  }
0x487: {  	v53 =	vor.u32 s4, v0;
	_ =	sdelay $0x4  }
0x488: {  	v54 =	vld.idx.msk [tilespmem:v53+s13+$0x0], $0xffff;
	_ =	sdelay $0x4  }
0x489: {  	vm13 =	veq.f32 v54, s19  }
0x48a: {  	v62 =	vnsel vm13, $0x80000063, v51  }
0x48b: {  	(xrf0) =	vmin.scan.msk.u32 $0xffff, v62;
	_ =	sdelay $0x5  }
0x48c: {  	v55, _, _ =	vpop (xrf0)  }
0x48d: {  	(v2sf) =	vpush v55, $0xF;
	_ =	sdelay $0xe  }
0x48e: {  	s29 =	spop (v2sf)  }
0x48f: {  	s4 =	sadd.s32 s29, s4  }
0x490: {  	s4 =	sshll.u32 s4, $0x4  }
0x491: {  	v55 =	vor.u32 s4, v0;
	_ =	sdelay $0x4  }
0x492: {  	v56 =	vld.idx.msk [tilespmem:v55+s12+$0x0], $0xffff;
	_ =	sdelay $0x4  }
0x493: {  	vm13 =	veq.f32 v56, s19  }
0x494: {  	v63 =	vnsel vm13, $0x80000063, v51  }
0x495: {  	(xrf0) =	vmin.scan.msk.u32 $0xffff, v63;
	_ =	sdelay $0x5  }
0x496: {  	v57, _, _ =	vpop (xrf0)  }
0x497: {  	(v2sf) =	vpush v57, $0xF;
	_ =	sdelay $0xe  }
0x498: {  	s16 =	spop (v2sf)  }
0x499: {  	s4 =	sadd.s32 s16, s4  }
0x49a: {  	s22 =	sshll.u32 s4, $0x4  }
0x49b: {  	v57 =	vor.u32 s22, v0;
	_ =	sdelay $0x4  }
0x49c: {  	v58 =	vld.idx.msk [tilespmem:v57+s2+$0x0], $0xffff;
	_ =	sdelay $0x4  }
0x49d: {  	vm13 =	veq.f32 v58, s19  }
0x49e: {  	v60 =	vnsel vm13, $0x80000063, v51  }
0x49f: {  	(xrf0) =	vmin.scan.msk.u32 $0xffff, v60;
	_ =	sdelay $0x5  }
0x4a0: {  	v59, _, _ =	vpop (xrf0)  }
0x4a1: {  	(v2sf) =	vpush v59, $0xF;
	_ =	sdelay $0xe  }
0x4a2: {  	s31 =	spop (v2sf)  }
0x4a3: {  	s11 =	sxor.u32 $0x80000000, s31  }
0x4a4: {  	v61 =	vmov s11  }
0x4a5: {  	vm13 =	veq.s32 v61, v0  }
0x4a6: {  	v58 =	vsel vm13, $0xFF800000, v58  }
0x4a7: {  	(xrf0) =	vmax.scan.msk.f32 $0xffff, v58;
	_ =	sdelay $0x5  }
0x4a8: {  	s1 =	sxor.u32 $0x80000000, s16;
	v59, _, _ =	vpop (xrf0)  }
0x4a9: {  	v60 =	vmov s1;
	v59 =	vbroadcast v59, $0xF  }
0x4aa: {  	vm13 =	veq.s32 v60, v0  }
0x4ab: {  	v56 =	vsel vm13, v59, v56  }
0x4ac: {  	(xrf0) =	vmax.scan.msk.f32 $0xffff, v56;
	_ =	sdelay $0x5  }
0x4ad: {  	s6 =	sxor.u32 $0x80000000, s29;
	v59, _, _ =	vpop (xrf0)  }
0x4ae: {  	v60 =	vmov s6;
	v59 =	vbroadcast v59, $0xF  }
0x4af: {  	vm13 =	veq.s32 v60, v0  }
0x4b0: {  	v54 =	vsel vm13, v59, v54  }
0x4b1: {  	(xrf0) =	vmax.scan.msk.f32 $0xffff, v54;
	_ =	sdelay $0x4  }
0x4b2: {  	v59 =	vor.u32 s0, v0  }
0x4b3: {  	s14 =	sxor.u32 $0x80000000, s21;
	v60, _, _ =	vpop (xrf0)  }
0x4b4: {  	v61 =	vmov s14;
	[tilespmem:v57+s2+$0x0] =	vst.idx.msk $0xffff, v58;
	v62 =	vbroadcast v60, $0xF  }
0x4b5: {  	[tilespmem:v55+s12+$0x0] =	vst.idx.msk $0xffff, v56;
	vm13 =	veq.s32 v61, v0  }
0x4b6: {  	[tilespmem:v53+s13+$0x0] =	vst.idx.msk $0xffff, v54;
	v52 =	vsel vm13, v62, v52  }
0x4b7: {  	[tilespmem:v59+s26+$0x0] =	vst.idx.msk $0xffff, v52  }
0x4b8: {  	v52 =	vld.idx.msk [tilespmem:v0+s26+$0x0], $0xffff  }
0x4b9: {  	v53 =	vld.idx.msk [tilespmem:v50+s26+$0x0], $0xffff;
	_ =	sdelay $0x3  }
0x4ba: {  	(xrf0) =	vmax.scan.msk.f32 $0xffff, v52  }
0x4bb: {  	(xrf0) =	vmax.scan.msk.f32 $0xffff, v53;
	_ =	sdelay $0x4  }
0x4bc: {  	v63, _, _ =	vpop (xrf0)  }
0x4bd: {  	(v2sf) =	vpush v63, $0xF;
	v57, _, _ =	vpop (xrf0)  }
0x4be: {  	(v2sf) =	vpush v57, $0xF;
	_ =	sdelay $0xd  }
0x4bf: {  	s21 =	spop (v2sf)  }
0x4c0: {  	s0 =	spop (v2sf)  }
0x4c1: {  	p0 =	sgt.f32 s0, s21;
	_ =	sdelay $0x1  }
0x4c2: {  	s21 =	smov.u32 @p0 s0;
	v52 =	vpsel p0, v53, v52  }
0x4c3: {  	vm13 =	veq.f32 v52, s21  }
0x4c4: {  	v58 =	vnsel vm13, $0x80000063, v51  }
0x4c5: {  	(xrf0) =	vmin.scan.msk.u32 $0xffff, v58;
	_ =	sdelay $0x5  }
0x4c6: {  	v53, _, _ =	vpop (xrf0)  }
0x4c7: {  	(v2sf) =	vpush v53, $0xF;
	_ =	sdelay $0xd  }
0x4c8: {  	s0 =	simm.s32 $0x10  }
0x4c9: {  	s0 =	simm.s32 @!p0 $0x0;
	s3 =	spop (v2sf)  }
0x4ca: {  	s16 =	sadd.s32 s0, s3  }
0x4cb: {  	s4 =	sshll.u32 s16, $0x4  }
0x4cc: {  	v53 =	vor.u32 s4, v0;
	_ =	sdelay $0x4  }
0x4cd: {  	v54 =	vld.idx.msk [tilespmem:v53+s13+$0x0], $0xffff;
	_ =	sdelay $0x4  }
0x4ce: {  	vm13 =	veq.f32 v54, s21  }
0x4cf: {  	v59 =	vnsel vm13, $0x80000063, v51  }
0x4d0: {  	(xrf0) =	vmin.scan.msk.u32 $0xffff, v59;
	_ =	sdelay $0x5  }
0x4d1: {  	v55, _, _ =	vpop (xrf0)  }
0x4d2: {  	(v2sf) =	vpush v55, $0xF;
	_ =	sdelay $0xe  }
0x4d3: {  	s1 =	spop (v2sf)  }
0x4d4: {  	s4 =	sadd.s32 s1, s4  }
0x4d5: {  	s4 =	sshll.u32 s4, $0x4  }
0x4d6: {  	v55 =	vor.u32 s4, v0;
	_ =	sdelay $0x4  }
0x4d7: {  	v56 =	vld.idx.msk [tilespmem:v55+s12+$0x0], $0xffff;
	_ =	sdelay $0x4  }
0x4d8: {  	vm13 =	veq.f32 v56, s21  }
0x4d9: {  	v60 =	vnsel vm13, $0x80000063, v51  }
0x4da: {  	(xrf0) =	vmin.scan.msk.u32 $0xffff, v60;
	_ =	sdelay $0x5  }
0x4db: {  	v57, _, _ =	vpop (xrf0)  }
0x4dc: {  	(v2sf) =	vpush v57, $0xF;
	_ =	sdelay $0xe  }
0x4dd: {  	s14 =	spop (v2sf)  }
0x4de: {  	s4 =	sadd.s32 s14, s4  }
0x4df: {  	s16 =	sshll.u32 s4, $0x4  }
0x4e0: {  	v57 =	vor.u32 s16, v0;
	_ =	sdelay $0x4  }
0x4e1: {  	v58 =	vld.idx.msk [tilespmem:v57+s2+$0x0], $0xffff;
	_ =	sdelay $0x4  }
0x4e2: {  	vm13 =	veq.f32 v58, s21  }
0x4e3: {  	v61 =	vnsel vm13, $0x80000063, v51  }
0x4e4: {  	(xrf0) =	vmin.scan.msk.u32 $0xffff, v61;
	_ =	sdelay $0x5  }
0x4e5: {  	v59, _, _ =	vpop (xrf0)  }
0x4e6: {  	(v2sf) =	vpush v59, $0xF;
	_ =	sdelay $0xe  }
0x4e7: {  	s29 =	spop (v2sf)  }
0x4e8: {  	s6 =	sxor.u32 $0x80000000, s29  }
0x4e9: {  	v62 =	vmov s6  }
0x4ea: {  	vm13 =	veq.s32 v62, v0  }
0x4eb: {  	v58 =	vsel vm13, $0xFF800000, v58  }
0x4ec: {  	(xrf0) =	vmax.scan.msk.f32 $0xffff, v58;
	_ =	sdelay $0x5  }
0x4ed: {  	s31 =	sxor.u32 $0x80000000, s14;
	v59, _, _ =	vpop (xrf0)  }
0x4ee: {  	v60 =	vmov s31;
	v59 =	vbroadcast v59, $0xF  }
0x4ef: {  	vm13 =	veq.s32 v60, v0  }
0x4f0: {  	v56 =	vsel vm13, v59, v56  }
0x4f1: {  	(xrf0) =	vmax.scan.msk.f32 $0xffff, v56;
	_ =	sdelay $0x5  }
0x4f2: {  	s1 =	sxor.u32 $0x80000000, s1;
	v59, _, _ =	vpop (xrf0)  }
0x4f3: {  	v60 =	vmov s1;
	v59 =	vbroadcast v59, $0xF  }
0x4f4: {  	vm13 =	veq.s32 v60, v0  }
0x4f5: {  	v54 =	vsel vm13, v59, v54  }
0x4f6: {  	(xrf0) =	vmax.scan.msk.f32 $0xffff, v54;
	_ =	sdelay $0x4  }
0x4f7: {  	v59 =	vor.u32 s0, v0  }
0x4f8: {  	s14 =	sxor.u32 $0x80000000, s3;
	v60, _, _ =	vpop (xrf0)  }
0x4f9: {  	v61 =	vmov s14;
	[tilespmem:v57+s2+$0x0] =	vst.idx.msk $0xffff, v58;
	v63 =	vbroadcast v60, $0xF  }
0x4fa: {  	[tilespmem:v55+s12+$0x0] =	vst.idx.msk $0xffff, v56;
	vm13 =	veq.s32 v61, v0  }
0x4fb: {  	[tilespmem:v53+s13+$0x0] =	vst.idx.msk $0xffff, v54;
	v52 =	vsel vm13, v63, v52  }
0x4fc: {  	[tilespmem:v59+s26+$0x0] =	vst.idx.msk $0xffff, v52  }
0x4fd: {  	v52 =	vld.idx.msk [tilespmem:v0+s26+$0x0], $0xffff  }
0x4fe: {  	v53 =	vld.idx.msk [tilespmem:v50+s26+$0x0], $0xffff;
	_ =	sdelay $0x3  }
0x4ff: {  	(xrf0) =	vmax.scan.msk.f32 $0xffff, v52  }
0x500: {  	(xrf0) =	vmax.scan.msk.f32 $0xffff, v53;
	_ =	sdelay $0x4  }
0x501: {  	v58, _, _ =	vpop (xrf0)  }
0x502: {  	(v2sf) =	vpush v58, $0xF;
	v59, _, _ =	vpop (xrf0)  }
0x503: {  	(v2sf) =	vpush v59, $0xF;
	_ =	sdelay $0xd  }
0x504: {  	s4 =	spop (v2sf)  }
0x505: {  	s0 =	spop (v2sf)  }
0x506: {  	p0 =	sgt.f32 s0, s4;
	_ =	sdelay $0x1  }
0x507: {  	s4 =	smov.u32 @p0 s0;
	v52 =	vpsel p0, v53, v52  }
0x508: {  	vm13 =	veq.f32 v52, s4  }
0x509: {  	v60 =	vnsel vm13, $0x80000063, v51  }
0x50a: {  	(xrf0) =	vmin.scan.msk.u32 $0xffff, v60;
	_ =	sdelay $0x5  }
0x50b: {  	v53, _, _ =	vpop (xrf0)  }
0x50c: {  	(v2sf) =	vpush v53, $0xF;
	_ =	sdelay $0xd  }
0x50d: {  	s0 =	simm.s32 $0x10  }
0x50e: {  	s0 =	simm.s32 @!p0 $0x0;
	s3 =	spop (v2sf)  }
0x50f: {  	s29 =	sadd.s32 s0, s3  }
0x510: {  	s1 =	sshll.u32 s29, $0x4  }
0x511: {  	v53 =	vor.u32 s1, v0;
	_ =	sdelay $0x4  }
0x512: {  	v54 =	vld.idx.msk [tilespmem:v53+s13+$0x0], $0xffff;
	_ =	sdelay $0x4  }
0x513: {  	vm13 =	veq.f32 v54, s4  }
0x514: {  	v61 =	vnsel vm13, $0x80000063, v51  }
0x515: {  	(xrf0) =	vmin.scan.msk.u32 $0xffff, v61;
	_ =	sdelay $0x5  }
0x516: {  	v55, _, _ =	vpop (xrf0)  }
0x517: {  	(v2sf) =	vpush v55, $0xF;
	_ =	sdelay $0xe  }
0x518: {  	s14 =	spop (v2sf)  }
0x519: {  	s1 =	sadd.s32 s14, s1  }
0x51a: {  	s1 =	sshll.u32 s1, $0x4  }
0x51b: {  	v55 =	vor.u32 s1, v0;
	_ =	sdelay $0x4  }
0x51c: {  	v56 =	vld.idx.msk [tilespmem:v55+s12+$0x0], $0xffff;
	_ =	sdelay $0x4  }
0x51d: {  	vm13 =	veq.f32 v56, s4  }
0x51e: {  	v62 =	vnsel vm13, $0x80000063, v51  }
0x51f: {  	(xrf0) =	vmin.scan.msk.u32 $0xffff, v62;
	_ =	sdelay $0x5  }
0x520: {  	v57, _, _ =	vpop (xrf0)  }
0x521: {  	(v2sf) =	vpush v57, $0xF;
	_ =	sdelay $0xe  }
0x522: {  	s31 =	spop (v2sf)  }
0x523: {  	s1 =	sadd.s32 s31, s1  }
0x524: {  	s1 =	sshll.u32 s1, $0x4  }
0x525: {  	v57 =	vor.u32 s1, v0;
	_ =	sdelay $0x4  }
0x526: {  	v58 =	vld.idx.msk [tilespmem:v57+s2+$0x0], $0xffff;
	_ =	sdelay $0x4  }
0x527: {  	vm13 =	veq.f32 v58, s4  }
0x528: {  	v63 =	vnsel vm13, $0x80000063, v51  }
0x529: {  	(xrf0) =	vmin.scan.msk.u32 $0xffff, v63;
	_ =	sdelay $0x5  }
0x52a: {  	v59, _, _ =	vpop (xrf0)  }
0x52b: {  	(v2sf) =	vpush v59, $0xF;
	_ =	sdelay $0xe  }
0x52c: {  	s29 =	spop (v2sf)  }
0x52d: {  	s29 =	sxor.u32 $0x80000000, s29  }
0x52e: {  	v60 =	vmov s29  }
0x52f: {  	vm13 =	veq.s32 v60, v0  }
0x530: {  	v58 =	vsel vm13, $0xFF800000, v58  }
0x531: {  	(xrf0) =	vmax.scan.msk.f32 $0xffff, v58;
	_ =	sdelay $0x3  }
0x532: {  	s31 =	sxor.u32 $0x80000000, s31;
	s1 =	sadd.s32 s29, s1;
	s29 =	rddreg [dreg:$0xd]  }
0x533: {  	v60 =	vmov s31;
	s31 =	rddreg [dreg:$0x11]  }
0x534: {  	v61 =	vmov s31;
	s31 =	rddreg [dreg:$0xf];
	v59, _, _ =	vpop (xrf0)  }
0x535: {  	vm13 =	veq.s32 v60, v0;
	v60 =	vmov s1;
	s1 =	rddreg [dreg:$0x10];
	v59 =	vbroadcast v59, $0xF  }
0x536: {  	s29 =	sadd.s32 s31, s29;
	s31 =	rddreg [dreg:$0xe]  }
0x537: {  	v60 =	vsel vm14, s29, v60;
	s29 =	rddreg [dreg:$0x15];
	v56 =	vsel vm13, v59, v56;
	vm13 =	veq.s32 v0, $0x0  }
0x538: {  	v59 =	vsel vm13, s31, v61;
	s31 =	rddreg [dreg:$0x12]  }
0x539: {  	v59 =	vsel vm1, s17, v59;
	s17 =	rddreg [dreg:$0x13]  }
0x53a: {  	s1 =	sadd.s32 s31, s1;
	s31 =	rddreg [dreg:$0x14]  }
0x53b: {  	vm0 =	vcmask $0x704;
	s17 =	sadd.s32 s31, s17;
	s31 =	rddreg [dreg:$0x16]  }
0x53c: {  	v60 =	vsel vm0, s1, v60;
	v59 =	vnsel vm2, s20, v59;
	s20 =	rddreg [dreg:$0x18]  }
0x53d: {  	(xrf0) =	vmax.scan.msk.f32 $0xffff, v56;
	v60 =	vsel vm1, s17, v60;
	s17 =	rddreg [dreg:$0x17]  }
0x53e: {  	s1 =	sadd.s32 s31, s29;
	s29 =	rddreg [dreg:$0x19]  }
0x53f: {  	s31 =	rddreg [dreg:$0x1a]  }
0x540: {  	s14 =	sxor.u32 $0x80000000, s14;
	v59 =	vnsel vm3, s10, v59;
	s10 =	rddreg [dreg:$0x1f]  }
0x541: {  	v62 =	vmov s14;
	s14 =	sadd.s32 s20, s17;
	s17 =	rddreg [dreg:$0x1b]  }
0x542: {  	vm13 =	vcmask $0xF0C;
	s20 =	rddreg [dreg:$0x1c]  }
0x543: {  	v60 =	vsel vm13, s1, v60;
	s1 =	sadd.s32 s31, s29;
	s29 =	rddreg [dreg:$0x1d];
	v61, _, _ =	vpop (xrf0)  }
0x544: {  	s31 =	rddreg [dreg:$0x1e];
	v61 =	vbroadcast v61, $0xF  }
0x545: {  	vm0 =	veq.s32 v62, v0;
	v59 =	vnsel vm4, s5, v59;
	s5 =	sadd.s32 s20, s17;
	s17 =	sld [smem:$0x7F9]  }
0x546: {  	v59 =	vnsel vm5, s18, v59;
	s18 =	sld [smem:$0x7FA];
	v54 =	vsel vm0, v61, v54;
	vm0 =	vcmask $0x1310  }
0x547: {  	v60 =	vsel vm0, s14, v60;
	vm0 =	vcmask $0x1714;
	s14 =	sld [smem:$0x7F8]  }
0x548: {  	s20 =	sld [smem:$0x7FB];
	v59 =	vnsel vm6, s23, v59;
	(xrf0) =	vmax.scan.msk.f32 $0xffff, v54;
	v60 =	vsel vm0, s1, v60;
	vm0 =	vcmask $0x1B18  }
0x549: {  	s23 =	sld [smem:$0x7FC];
	v59 =	vnsel vm7, s15, v59;
	s1 =	sadd.s32 s31, s29;
	v60 =	vsel vm0, s5, v60;
	vm0 =	vcmask $0x1F1C  }
0x54a: {  	v59 =	vnsel vm8, s24, v59;
	s24 =	sld [smem:$0x7FD];
	s5 =	sadd.s32 s14, s10;
	v60 =	vsel vm0, s1, v60;
	vm0 =	vcmask $0x2320  }
0x54b: {  	s1 =	sadd.s32 s18, s17;
	v60 =	vsel vm0, s5, v60;
	vm0 =	vcmask $0x2724  }
0x54c: {  	v59 =	vnsel vm9, s28, v59;
	s5 =	sadd.s32 s23, s20;
	v60 =	vsel vm0, s1, v60;
	vm0 =	vcmask $0x2B28  }
0x54d: {  	v61 =	vor.u32 s0, v0;
	s0 =	sadd.s32 s25, s24;
	v60 =	vsel vm0, s5, v60;
	vm0 =	vcmask $0x2F2C  }
0x54e: {  	v59 =	vnsel vm10, s30, v59;
	s29 =	sadd.s32 s7, s8;
	v62, _, _ =	vpop (xrf0);
	v60 =	vsel vm0, s0, v60;
	vm0 =	vcmask $0x3330  }
0x54f: {  	[tilespmem:v57+s2+$0x0] =	vst.idx.msk $0xffff, v58;
	s30 =	sadd.s32 s11, s22;
	v57 =	vbroadcast v62, $0xF;
	v62 =	vsel vm0, s29, v60;
	vm0 =	vcmask $0x3734  }
0x550: {  	s25 =	rddreg [dreg:$0xc];
	v58 =	vnsel vm11, s9, v59;
	v59 =	vsel vm0, s30, v62;
	v62 =	vld [tilespmem:$0x1FFF0]  }
0x551: {  	s28 =	sxor.u32 $0x80000000, s3;
	v63 =	vor.u32 s25, v0  }
0x552: {  	v18 =	vmov s28;
	p0 =	sne.s32 s25, $0x60  }
.Ltmp2:
0x553: {  	[tilespmem:v55+s12+$0x0] =	vst.idx.msk $0xffff, v56;
	vm13 =	veq.s32 v18, v0;
	(pc) =	sbr.rel @p0 .LBB2_7-.Ltmp2, $4  }
0x554: {  	[tilespmem:v53+s13+$0x0] =	vst.idx.msk $0xffff, v54;
	s31 =	sadd.s32 s6, s16;
	v18 =	vnsel vm12, s19, v58;
	v52 =	vsel vm13, v57, v52;
	vm0 =	vcmask $0x3B38  }
0x555: {  	s3 =	simm.s32 $0x1A380;
	v18 =	vnsel vm15, s21, v18;
	v60 =	vsel vm0, s31, v59;
	[tilespmem:v61+s26+$0x0] =	vst.idx.msk $0xffff, v52;
	vm0 =	vnez.u8 v62  }
0x556: {  	s6 =	simm.s32 $0x1A400;
	[tilespmem:v63+s3+$0x0] =	vst.idx.msk $0xffff, v60;
	v18 =	vnsel vm0, s4, v18  }
0x557: {  	s5 =	sadd.s32 $0x10, s25;
	[tilespmem:v63+s6+$0x0] =	vst.idx.msk $0xffff, v18  }
0x558: {  	s0 =	rddreg [dreg:$0x1]  }
0x559: {  	s1 =	simm.s32 $0x70;
	s4 =	simm.s32 $0x1A480;
	s25 =	simm.s32 $0x1  }
0x55a: {  	[tilespmem:s4], [sflag:$0x1] =	stream.indirect.gather [hbm4b:s0+s1], $0x1, s3, s1, $0xb8;
	[tilespmem:$0x1A500] =	vst v63  }
0x55b: {  	s24 =	rddreg [dreg:$0xa];
	_ =	swait.ge [sflag:s25], $0x70  }
0x55c: {  	s0 =	sshll.u32 s24, $0xA;
	s28 =	rddreg [dreg:$0xb]  }
0x55d: {  	s0 =	sor.u32 s28, s0  }
0x55e: {  	[sflag:s25] =	ssyncset.done $0x0;
	s29 =	rddreg [dreg:$0x4];
	s0 =	sshrl.u32 s0, $0x3  }
0x55f: {  	s5 =	simm.s32 $0x2;
	[sflag:s25] =	ssyncadd.s32 $0xFFFFFF90;
	s1 =	sadd.s32 s29, s0  }
0x560: {  	[hbm4b:s1+s2] =	stream.linear.scatter [tilespmem:s4], [sflag:$0x2], $0x80, $0x38;
	[tilespmem:$0x1A500] =	vst v63  }
0x561: {  	_ =	swait.ge [sflag:s5], $0x80  }
0x562: {  	[sflag:s5] =	ssyncset.done $0x0;
	s30 =	rddreg [dreg:$0x5]  }
0x563: {  	[sflag:s5] =	ssyncadd.s32 $0xFFFFFF80;
	s0 =	sadd.s32 s30, s0  }
0x564: {  	[hbm4b:s0+s2] =	stream.linear.scatter [tilespmem:s6], [sflag:$0x2], $0x80, $0x38;
	[tilespmem:$0x1A500] =	vst v63  }
0x565: {  	_ =	swait.ge [sflag:s5], $0x80  }
0x566: {  	s31 =	rddreg [dreg:$0x9]  }
0x567: {  	s1 =	sadd.s32 $0x1, s31  }
0x568: {  	p0 =	sne.s32 s1, $0x20  }
.Ltmp3:
0x569: {  	_ = 	snop;
	(pc) =	sbr.rel @p0 .LBB2_2-.Ltmp3, $3  }
0x56a: {  	_ =	sdelay $0x1  }
0x56b: {  	[sflag:s5] =	ssyncset.done $0x0  }
0x56c: {  	[sflag:s5] =	ssyncadd.s32 $0xFFFFFF80  }
0x56d: {  	s1 =	rddreg [dreg:$0x8]  }
0x56e: {  	s0 =	rddreg [dreg:$0x7];
	s1 =	sadd.s32 $0x1, s1  }
0x56f: {  	p0 =	sne.s32 s1, s0  }
.Ltmp4:
0x570: {  	_ = 	snop;
	(pc) =	sbr.rel @p0 .LBB2_1-.Ltmp4, $1  }
0x571: {  	_ =	sdelay $0x3  }
0x572: {  	_ =	sfence.sel $0x180000  }
0x573: {  	[bflag:$0x0] =	sbarrier.arrive $0xFFFF  }
0x574: {  	_ =	strace $0x9000004A  }
0x575: {  	s0 =	stileid.u32;
	[bflag:$0x2] =	sbarrier.arrive $0xFFFF  }
0x576: {  	p0 =	sne.s32 s0, $0x0;
	s0 =	rddreg [dreg:$0x2]  }
0x577: {  	s0 =	sadd.s32 @!p0 $0x100000, s0  }
0x578: {  	[sflag:s0] =	ssyncadd.tile.s32 @!p0 $0x1;
	_ =	shalt  }
.Lfunc_end2:
_tile_overlayer_lowered:
.L_overlay_start_2:
0x579: {  	(tag) =	ssettag $0x2  }
0x57a: {  	s0 =	rddreg [dreg:$0x0];
	s2 =	stileid.u32  }
0x57b: {  	s1 =	rddreg [dreg:$0x1];
	p0 =	sne.s32 s2, $0x0  }
0x57c: {  	s3 =	rddreg [dreg:$0x2];
	[bflag:$0x3] =	sbarrier.arrive $0xFFFF;
	s2 =	simm.s32 @!p0 $0x1C02  }
0x57d: {  	[timem:s3], [sflag:s2] =	dma.local @!p0 [hbm:s0], s1  }
0x57e: {  	s0 =	simm.s32 @!p0 $0x2  }
0x57f: {  	_ =	swait.ge @!p0 [sflag:s0], s1  }
0x580: {  	s1 =	ssub.s32 @!p0 $0x0, s1;
	[sflag:s0] =	ssyncset.done @!p0 $0x0  }
0x581: {  	[sflag:s0] =	ssyncadd.s32 @!p0 s1  }
0x582: {  	[bflag:$0x3] =	sbarrier.arrive $0xFFFF  }
0x583: {  	_ =	shalt  }

</sc_bundles>
